<compile_context>
chip_gen: v7x
topology: tpu7x:2x2x1
jax: 0.10.2.dev20260603
libtpu: 0.0.44.dev20260713+nightly
codegen_flags: <defaults>
</compile_context>

<pallas_src>
import functools

import jax
import jax.numpy as jnp
from jax import lax
from jax.experimental import pallas as pl
from jax.experimental.pallas import tpu as pltpu
from jax.experimental.pallas import tpu_sc as plsc

_B, _T, _N, _D = 4, 8, 1024, 128
_C, _L = 2, 2
_E = 32768
_P = 4


def _build_adjacency(edge_bwd, edge_fwd):
    info = plsc.get_sparse_core_info()
    n_sub = info.num_subcores
    lanes = info.num_lanes
    e_per_tile = _E // n_sub
    rows_per_tile = (_N * _N) // n_sub

    n_per_tile = _N // n_sub

    zeros_hbm = jnp.zeros((rows_per_tile,), jnp.float32)
    ones_hbm = jnp.ones((2 * e_per_tile,), jnp.float32)

    mesh = plsc.VectorSubcoreMesh(core_axis_name="c", subcore_axis_name="s")

    @functools.partial(
        pl.kernel,
        mesh=mesh,
        out_type=[
            jax.ShapeDtypeStruct((2, _N, _N), jnp.float32),
            jax.ShapeDtypeStruct((2, _N), jnp.float32),
        ],
        scratch_types=[
            pltpu.VMEM((e_per_tile,), jnp.int32),
            pltpu.VMEM((e_per_tile,), jnp.int32),
            pltpu.VMEM((2 * e_per_tile,), jnp.int32),
            pltpu.VMEM((2 * e_per_tile,), jnp.float32),
            pltpu.VMEM_SHARED((_N * _N + _N,), jnp.float32),
            pltpu.SemaphoreType.DMA,
            pltpu.SemaphoreType.DMA,
        ],
    )
    def build(e_bwd, e_fwd, zeros_in, ones_in, a_out, deg_out, src_v, dst_v,
              idx_v, ones_v, a_sh, zsem, wsem):
        cid = lax.axis_index("c")
        sid = lax.axis_index("s")
        row0 = sid * rows_per_tile
        ebase = sid * e_per_tile

        zcopy = pltpu.async_copy(zeros_in, a_sh.at[pl.ds(row0, rows_per_tile)],
                                 zsem)
        pltpu.sync_copy(ones_in, ones_v)

        @pl.when(sid == 0)
        def _():
            pltpu.sync_copy(zeros_in.at[pl.ds(0, _N)],
                            a_sh.at[pl.ds(_N * _N, _N)])

        def scatter_edges(e_ref):
            pltpu.sync_copy(e_ref.at[0, pl.ds(ebase, e_per_tile)], src_v)
            pltpu.sync_copy(e_ref.at[1, pl.ds(ebase, e_per_tile)], dst_v)

            def body(i, _):
                sl = pl.ds(i * lanes, lanes)
                idx_v[sl] = dst_v[sl] * _N + src_v[sl]
                idx_v[pl.ds(e_per_tile + i * lanes, lanes)] = (
                    dst_v[sl] + (_N * _N))
                return ()

            lax.fori_loop(0, e_per_tile // lanes, body, ())
            zcopy.wait()
            plsc.subcore_barrier()
            pltpu.sync_copy(ones_v, a_sh.at[idx_v], add=True)
            plsc.subcore_barrier()

        def write_out(half):
            handles = [
                pltpu.async_copy(a_sh.at[pl.ds(row0 + r * _N, _N)],
                                 a_out.at[half, sid * n_per_tile + r, :], wsem)
                for r in range(n_per_tile)
            ]
            for hdl in handles:
                hdl.wait()

            @pl.when(sid == 0)
            def _():
                pltpu.sync_copy(a_sh.at[pl.ds(_N * _N, _N)], deg_out.at[half])

        @pl.when(cid == 0)
        def _():
            scatter_edges(e_bwd)
            write_out(0)

        @pl.when(cid == 1)
        def _():
            scatter_edges(e_fwd)
            write_out(1)

    return build(edge_bwd, edge_fwd, zeros_hbm, ones_hbm)


_BD = _B * _D


def _bf(x):
    return x.astype(jnp.bfloat16)


def _tc_body(x_ref, a_ref, deg_ref, wg0_ref, bg0_ref, wg1_ref, bg1_ref,
             wc_ref, wl_ref, ob_ref, out_ref, abar_ref, xs_ref, g0_ref,
             h1_ref, g1_ref, z_ref):
    p = pl.program_id(0)

    @pl.when(p == 0)
    def _():
        for hh in range(2):
            inv = 1.0 / jnp.maximum(deg_ref[hh], 1.0)
            abar_ref[hh] = _bf(a_ref[hh] * inv)

    yt = None
    for hh in range(2):
        ab = abar_ref[hh]
        for b in range(_B):
            xs_ref[:, b * _D:(b + 1) * _D] = _bf(x_ref[b, hh])
        m0 = jnp.dot(ab, xs_ref[...], preferred_element_type=jnp.float32)
        for b in range(_B):
            sl = pl.ds(b * _D, _D)
            g0_ref[:, sl] = _bf(m0[:, b * _D:(b + 1) * _D] + x_ref[b, hh])

        for b in range(_B):
            gb = g0_ref[:, b * _D:(b + 1) * _D]
            h1_ref[:, b * 2 * _D:(b + 1) * 2 * _D] = _bf(jnp.maximum(
                jnp.dot(gb, wg0_ref[hh],
                        preferred_element_type=jnp.float32)
                + bg0_ref[hh], 0.0))

        m1 = jnp.dot(ab, h1_ref[...], preferred_element_type=jnp.float32)
        g1_ref[...] = _bf(m1) + h1_ref[...]

        for b in range(_B):
            zb = None
            for c in range(_C):
                gcb = g1_ref[:, (2 * b + c) * _D:(2 * b + c + 1) * _D]
                h2 = _bf(jnp.maximum(
                    jnp.dot(gcb, wg1_ref[c, hh],
                            preferred_element_type=jnp.float32)
                    + bg1_ref[c, hh], 0.0))
                zc = jnp.dot(h2, wl_ref[c],
                             preferred_element_type=jnp.float32)
                zb = zc if zb is None else zb + zc
            z_ref[:, b * _D:(b + 1) * _D] = _bf(zb)

        y = jnp.dot(wc_ref[:, hh * _N:(hh + 1) * _N], z_ref[...],
                    preferred_element_type=jnp.float32)
        yt = y if yt is None else yt + y
    for b in range(_B):
        out_ref[b, 0] = yt[:, b * _D:(b + 1) * _D] + ob_ref[...]


def kernel(inputs, edge_index_bwd, edge_index_fwd, W_gcn, b_gcn, W_conv,
           b_conv, W_lin, b_lin):
    a2, deg2 = _build_adjacency(edge_index_bwd, edge_index_fwd)
    deg2 = deg2.reshape(2, _N, 1)

    wg = W_gcn.astype(jnp.bfloat16)
    wg0 = jnp.concatenate([wg[0, :, 0], wg[1, :, 0]], axis=-1)
    bg0 = jnp.concatenate([b_gcn[0, :, 0], b_gcn[1, :, 0]], axis=-1)[:, None, :]
    wg1 = wg[:, :, 1]
    bg1 = b_gcn[:, :, 1][:, :, None, :]
    wc = W_conv.astype(jnp.bfloat16)
    wl = W_lin.reshape(_C, _D, _D).astype(jnp.bfloat16)
    ob = b_conv[:, None] * jnp.sum(W_lin, axis=0)[None, :] + b_lin[None, :]

    out = pl.pallas_call(
        _tc_body,
        grid=(_P,),
        in_specs=[
            pl.BlockSpec((_B, 2, _N, _D), lambda p: (0, p, 0, 0)),
            pl.BlockSpec((2, _N, _N), lambda p: (0, 0, 0)),
            pl.BlockSpec((2, _N, 1), lambda p: (0, 0, 0)),
            pl.BlockSpec((2, _D, 2 * _D), lambda p: (0, 0, 0)),
            pl.BlockSpec((2, 1, 2 * _D), lambda p: (0, 0, 0)),
            pl.BlockSpec((_C, 2, _D, _D), lambda p: (0, 0, 0, 0)),
            pl.BlockSpec((_C, 2, 1, _D), lambda p: (0, 0, 0, 0)),
            pl.BlockSpec((_N, 2 * _N), lambda p: (0, 0)),
            pl.BlockSpec((_C, _D, _D), lambda p: (0, 0, 0)),
            pl.BlockSpec((_N, _D), lambda p: (0, 0)),
        ],
        out_specs=pl.BlockSpec((_B, 1, _N, _D), lambda p: (0, p, 0, 0)),
        out_shape=jax.ShapeDtypeStruct((_B, _P, _N, _D), jnp.float32),
        scratch_shapes=[
            pltpu.VMEM((2, _N, _N), jnp.bfloat16),
            pltpu.VMEM((_N, _BD), jnp.bfloat16),
            pltpu.VMEM((_N, _BD), jnp.bfloat16),
            pltpu.VMEM((_N, 2 * _BD), jnp.bfloat16),
            pltpu.VMEM((_N, 2 * _BD), jnp.bfloat16),
            pltpu.VMEM((_N, _BD), jnp.bfloat16),
        ],
        compiler_params=pltpu.CompilerParams(
            dimension_semantics=("arbitrary",),
            vmem_limit_bytes=120 * 1024 * 1024,
        ),
    )(inputs, a2, deg2, wg0, bg0, wg1, bg1, wc, wl, ob)
    return out

# --- scband reference (transcript-rebuilt; emitter-appended) ---
"""Pipeline reference for scband-stsmpn-16612933501120 (READ-ONLY COPY).

The authoritative reference and input builder live on the scoring server;
editing this copy changes nothing except your own understanding.
"""

import jax, jax.numpy as jnp
import numpy as np

B, T, N, D = 4, 8, 1024, 128
C, L = 2, 2
E = 32768
CKPS = [(0, 1), (2, 3), (4, 5), (6, 7)]
P = len(CKPS)


def setup_inputs(seed: int = 0) -> dict:
    key = jax.random.key(seed)
    ks = jax.random.split(key, 8)
    inputs = jax.random.normal(ks[0], (B, T, N, D), dtype=jnp.float32)
    edge_index_bwd = jax.random.randint(ks[1], (2, E), 0, N, dtype=jnp.int32)
    edge_index_fwd = jax.random.randint(ks[2], (2, E), 0, N, dtype=jnp.int32)
    # learned parameters: GCN weights per (channel, support, layer)
    W_gcn = jax.random.normal(ks[3], (C, 2, L, D, D), dtype=jnp.float32) * 0.05
    b_gcn = jnp.zeros((C, 2, L, D), dtype=jnp.float32)
    # out_conv: Conv2d(2N -> N, kernel 1x1)
    W_conv = jax.random.normal(ks[4], (N, 2 * N), dtype=jnp.float32) * 0.02
    b_conv = jnp.zeros((N,), dtype=jnp.float32)
    # out_linear: Linear(C*D -> D)
    W_lin = jax.random.normal(ks[5], (C * D, D), dtype=jnp.float32) * 0.05
    b_lin = jnp.zeros((D,), dtype=jnp.float32)
    return {
        'inputs': inputs,
        'edge_index_bwd': edge_index_bwd,
        'edge_index_fwd': edge_index_fwd,
        'W_gcn': W_gcn,
        'b_gcn': b_gcn,
        'W_conv': W_conv,
        'b_conv': b_conv,
        'W_lin': W_lin,
        'b_lin': b_lin,
    }


def _gcn_half(h, src, dst, W, b):
    # h: [B, P, N, D]; mean-aggregation GCN with residual self term per layer
    deg = jnp.zeros((h.shape[2],), h.dtype).at[dst].add(1.0)
    deg = jnp.clip(deg, 1.0, None)
    for l in range(L):
        msgs = h[:, :, src, :]                                   # gather  [B,P,E,D]
        agg = jnp.zeros_like(h).at[:, :, dst, :].add(msgs)       # scatter-add [B,P,N,D]
        agg = agg / deg[None, None, :, None]
        h = jax.nn.relu(jnp.einsum('bpnd,de->bpne', agg + h, W[l]) + b[l])
    return h


def reference(inputs, edge_index_bwd, edge_index_fwd, W_gcn, b_gcn, W_conv, b_conv, W_lin, b_lin):
    # build per-group features: cat the two timesteps of each ckp group along node dim
    feats = jnp.stack(
        [jnp.concatenate([inputs[:, g0], inputs[:, g1]], axis=1) for (g0, g1) in CKPS],
        axis=1,
    )  # [B, P, 2N, D]
    half0 = feats[:, :, :N, :]
    half1 = feats[:, :, N:, :]
    channel_outs = []
    for c in range(C):
        h0 = _gcn_half(half0, edge_index_bwd[0], edge_index_bwd[1], W_gcn[c, 0], b_gcn[c, 0])
        h1 = _gcn_half(half1, edge_index_fwd[0], edge_index_fwd[1], W_gcn[c, 1], b_gcn[c, 1])
        channel_outs.append(jnp.concatenate([h0, h1], axis=2))  # [B, P, 2N, D]
    conv_res = jnp.concatenate(channel_outs, axis=-1)            # [B, P, 2N, C*D]
    x = jnp.transpose(conv_res, (0, 2, 1, 3))                    # [B, 2N, P, C*D]
    x = jnp.einsum('om,bmpf->bopf', W_conv, x) + b_conv[None, :, None, None]  # 1x1 conv2d
    x = jnp.transpose(x, (0, 2, 1, 3))                           # [B, P, N, C*D]
    out = jnp.einsum('bpnf,fd->bpnd', x, W_lin) + b_lin          # [B, P, N, D]
    return out

if __name__ == "__main__":
    import jax
    _d = setup_inputs()
    print(jax.jit(kernel)(*tuple(_d.values())))

</pallas_src>

<mosaic_0001>
#map = affine_map<(d0, d1) -> (0, 0)>
#map1 = affine_map<(d0, d1) -> (0)>
#map2 = affine_map<(d0, d1) -> (0, 0, 0)>
module attributes {stable_mosaic.version = 14 : i64} {
  func.func @build(%arg0: i32, %arg1: i32, %arg2: memref<2x32768xi32, #tpu.memory_space<hbm>>, %arg3: memref<2x32768xi32, #tpu.memory_space<hbm>>, %arg4: memref<65536xf32, #tpu.memory_space<hbm>>, %arg5: memref<4096xf32, #tpu.memory_space<hbm>>, %arg6: memref<2x1024x1024xf32, #tpu.memory_space<hbm>>, %arg7: memref<2x1024xf32, #tpu.memory_space<hbm>>, %arg8: memref<2048xi32, #tpu.memory_space<vmem>>, %arg9: memref<2048xi32, #tpu.memory_space<vmem>>, %arg10: memref<4096xi32, #tpu.memory_space<vmem>>, %arg11: memref<4096xf32, #tpu.memory_space<vmem>>, %arg12: memref<1049600xf32, #tpu.memory_space<vmem_shared>>, %arg13: memref<!tpu.dma_semaphore, #tpu.memory_space<semaphore_mem>>, %arg14: memref<!tpu.dma_semaphore, #tpu.memory_space<semaphore_mem>>) attributes {dimension_semantics = [#tpu.dimension_semantics<core_parallel>, #tpu.dimension_semantics<subcore_parallel>], iteration_bounds = array<i64: 2, 16>, scalar_prefetch = 0 : i64, scratch_operands = 7 : i64, tpu.core_type = #tpu.core_type<sc_vector_subcore>, window_params = [{transform_indices = #map}, {transform_indices = #map}, {transform_indices = #map1}, {transform_indices = #map1}, {transform_indices = #map2}, {transform_indices = #map}]} {
    %mul3A = arith.constant 65536 : i32
    %mul3A_0 = arith.muli %arg1, %mul3A : i32
    %mul3A_1 = arith.constant 2048 : i32
    %mul3A_2 = arith.muli %arg1, %mul3A_1 : i32
    %dma_start3A = tpu.memref_slice %arg12[%mul3A_0] : memref<1049600xf32, #tpu.memory_space<vmem_shared>> -> memref<65536xf32, #tpu.memory_space<vmem_shared>>
    tpu.enqueue_dma source(%arg4 : memref<65536xf32, #tpu.memory_space<hbm>>) target(%dma_start3A : memref<65536xf32, #tpu.memory_space<vmem_shared>>) target_semaphore(%arg13 : memref<!tpu.dma_semaphore, #tpu.memory_space<semaphore_mem>>)
    "tpu.region"() ({
      %run_scoped3A = tpu.sem_alloc : memref<!tpu.dma_semaphore, #tpu.memory_space<semaphore_mem>>
      tpu.enqueue_dma source(%arg5 : memref<4096xf32, #tpu.memory_space<hbm>>) target(%arg11 : memref<4096xf32, #tpu.memory_space<vmem>>) target_semaphore(%run_scoped3A : memref<!tpu.dma_semaphore, #tpu.memory_space<semaphore_mem>>)
      tpu.wait_dma2 semaphore(%run_scoped3A : memref<!tpu.dma_semaphore, #tpu.memory_space<semaphore_mem>>) src(%arg5 : memref<4096xf32, #tpu.memory_space<hbm>>) dst(%arg11 : memref<4096xf32, #tpu.memory_space<vmem>>)
      tpu.yield
    }) : () -> ()
    %eq3A = arith.constant 0 : i32
    %eq3A_3 = arith.cmpi eq, %arg1, %eq3A : i32
    %convert_element_type3A = arith.extui %eq3A_3 : i1 to i32
    %cond3A = arith.constant 0 : i32
    %cond3A_4 = arith.cmpi ne, %convert_element_type3A, %cond3A : i32
    scf.if %cond3A_4 {
      "tpu.region"() ({
        %run_scoped3A = tpu.sem_alloc : memref<!tpu.dma_semaphore, #tpu.memory_space<semaphore_mem>>
        %dma_start3A_15 = arith.constant 1048576 : i32
        %dma_start3A_16 = tpu.memref_slice %arg12[%dma_start3A_15] : memref<1049600xf32, #tpu.memory_space<vmem_shared>> -> memref<1024xf32, #tpu.memory_space<vmem_shared>>
        %dma_start3A_17 = arith.constant 0 : i32
        %dma_start3A_18 = tpu.memref_slice %arg4[%dma_start3A_17] : memref<65536xf32, #tpu.memory_space<hbm>> -> memref<1024xf32, #tpu.memory_space<hbm>>
        tpu.enqueue_dma source(%dma_start3A_18 : memref<1024xf32, #tpu.memory_space<hbm>>) target(%dma_start3A_16 : memref<1024xf32, #tpu.memory_space<vmem_shared>>) target_semaphore(%run_scoped3A : memref<!tpu.dma_semaphore, #tpu.memory_space<semaphore_mem>>)
        %dma_wait3A = arith.constant 1048576 : i32
        %dma_wait3A_19 = tpu.memref_slice %arg12[%dma_wait3A] : memref<1049600xf32, #tpu.memory_space<vmem_shared>> -> memref<1024xf32, #tpu.memory_space<vmem_shared>>
        %dma_wait3A_20 = arith.constant 0 : i32
        %dma_wait3A_21 = tpu.memref_slice %arg4[%dma_wait3A_20] : memref<65536xf32, #tpu.memory_space<hbm>> -> memref<1024xf32, #tpu.memory_space<hbm>>
        tpu.wait_dma2 semaphore(%run_scoped3A : memref<!tpu.dma_semaphore, #tpu.memory_space<semaphore_mem>>) src(%dma_wait3A_21 : memref<1024xf32, #tpu.memory_space<hbm>>) dst(%dma_wait3A_19 : memref<1024xf32, #tpu.memory_space<vmem_shared>>)
        tpu.yield
      }) : () -> ()
    } else {
    }
    %eq3A_5 = arith.constant 0 : i32
    %eq3A_6 = arith.cmpi eq, %arg0, %eq3A_5 : i32
    %convert_element_type3A_7 = arith.extui %eq3A_6 : i1 to i32
    %cond3A_8 = arith.constant 0 : i32
    %cond3A_9 = arith.cmpi ne, %convert_element_type3A_7, %cond3A_8 : i32
    scf.if %cond3A_9 {
      %run_scoped3A = arith.constant 0 : i32
      "tpu.region"() ({
        %run_scoped3A_1049 = tpu.sem_alloc : memref<!tpu.dma_semaphore, #tpu.memory_space<semaphore_mem>>
        %dma_start3A_1050 = tpu.memref_slice %arg2[%run_scoped3A, %mul3A_2] : memref<2x32768xi32, #tpu.memory_space<hbm>> -> memref<1x2048xi32, #tpu.memory_space<hbm>>
        %dma_start3A_1051 = tpu.memref_squeeze %dma_start3A_1050 : memref<1x2048xi32, #tpu.memory_space<hbm>> -> memref<2048xi32, #tpu.memory_space<hbm>>
        %dma_start3A_1052 = tpu.memref_slice %arg2[%run_scoped3A, %mul3A_2] : memref<2x32768xi32, #tpu.memory_space<hbm>> -> memref<1x2048xi32, #tpu.memory_space<hbm>>
        %dma_start3A_1053 = tpu.memref_squeeze %dma_start3A_1052 : memref<1x2048xi32, #tpu.memory_space<hbm>> -> memref<2048xi32, #tpu.memory_space<hbm>>
        tpu.enqueue_dma source(%dma_start3A_1053 : memref<2048xi32, #tpu.memory_space<hbm>>) target(%arg8 : memref<2048xi32, #tpu.memory_space<vmem>>) target_semaphore(%run_scoped3A_1049 : memref<!tpu.dma_semaphore, #tpu.memory_space<semaphore_mem>>)
        %dma_wait3A_1054 = tpu.memref_slice %arg2[%run_scoped3A, %mul3A_2] : memref<2x32768xi32, #tpu.memory_space<hbm>> -> memref<1x2048xi32, #tpu.memory_space<hbm>>
        %dma_wait3A_1055 = tpu.memref_squeeze %dma_wait3A_1054 : memref<1x2048xi32, #tpu.memory_space<hbm>> -> memref<2048xi32, #tpu.memory_space<hbm>>
        %dma_wait3A_1056 = tpu.memref_slice %arg2[%run_scoped3A, %mul3A_2] : memref<2x32768xi32, #tpu.memory_space<hbm>> -> memref<1x2048xi32, #tpu.memory_space<hbm>>
        %dma_wait3A_1057 = tpu.memref_squeeze %dma_wait3A_1056 : memref<1x2048xi32, #tpu.memory_space<hbm>> -> memref<2048xi32, #tpu.memory_space<hbm>>
        tpu.wait_dma2 semaphore(%run_scoped3A_1049 : memref<!tpu.dma_semaphore, #tpu.memory_space<semaphore_mem>>) src(%dma_wait3A_1057 : memref<2048xi32, #tpu.memory_space<hbm>>) dst(%arg8 : memref<2048xi32, #tpu.memory_space<vmem>>)
        tpu.yield
      }) : () -> ()
      %run_scoped3A_15 = arith.constant 1 : i32
      "tpu.region"() ({
        %run_scoped3A_1049 = tpu.sem_alloc : memref<!tpu.dma_semaphore, #tpu.memory_space<semaphore_mem>>
        %dma_start3A_1050 = tpu.memref_slice %arg2[%run_scoped3A_15, %mul3A_2] : memref<2x32768xi32, #tpu.memory_space<hbm>> -> memref<1x2048xi32, #tpu.memory_space<hbm>>
        %dma_start3A_1051 = tpu.memref_squeeze %dma_start3A_1050 : memref<1x2048xi32, #tpu.memory_space<hbm>> -> memref<2048xi32, #tpu.memory_space<hbm>>
        %dma_start3A_1052 = tpu.memref_slice %arg2[%run_scoped3A_15, %mul3A_2] : memref<2x32768xi32, #tpu.memory_space<hbm>> -> memref<1x2048xi32, #tpu.memory_space<hbm>>
        %dma_start3A_1053 = tpu.memref_squeeze %dma_start3A_1052 : memref<1x2048xi32, #tpu.memory_space<hbm>> -> memref<2048xi32, #tpu.memory_space<hbm>>
        tpu.enqueue_dma source(%dma_start3A_1053 : memref<2048xi32, #tpu.memory_space<hbm>>) target(%arg9 : memref<2048xi32, #tpu.memory_space<vmem>>) target_semaphore(%run_scoped3A_1049 : memref<!tpu.dma_semaphore, #tpu.memory_space<semaphore_mem>>)
        %dma_wait3A_1054 = tpu.memref_slice %arg2[%run_scoped3A_15, %mul3A_2] : memref<2x32768xi32, #tpu.memory_space<hbm>> -> memref<1x2048xi32, #tpu.memory_space<hbm>>
        %dma_wait3A_1055 = tpu.memref_squeeze %dma_wait3A_1054 : memref<1x2048xi32, #tpu.memory_space<hbm>> -> memref<2048xi32, #tpu.memory_space<hbm>>
        %dma_wait3A_1056 = tpu.memref_slice %arg2[%run_scoped3A_15, %mul3A_2] : memref<2x32768xi32, #tpu.memory_space<hbm>> -> memref<1x2048xi32, #tpu.memory_space<hbm>>
        %dma_wait3A_1057 = tpu.memref_squeeze %dma_wait3A_1056 : memref<1x2048xi32, #tpu.memory_space<hbm>> -> memref<2048xi32, #tpu.memory_space<hbm>>
        tpu.wait_dma2 semaphore(%run_scoped3A_1049 : memref<!tpu.dma_semaphore, #tpu.memory_space<semaphore_mem>>) src(%dma_wait3A_1057 : memref<2048xi32, #tpu.memory_space<hbm>>) dst(%arg9 : memref<2048xi32, #tpu.memory_space<vmem>>)
        tpu.yield
      }) : () -> ()
      %scan3A = arith.constant 0 : i32
      %scan3A_16 = arith.constant 128 : i32
      %scan3A_17 = arith.addi %scan3A, %scan3A_16 : i32
      %scan3A_18 = arith.constant 1 : i32
      scf.for %scan3A_1049 = %scan3A to %scan3A_17 step %scan3A_18  : i32 {
        %mul3A_1050 = arith.constant 16 : i32
        %mul3A_1051 = arith.muli %scan3A_1049, %mul3A_1050 : i32
        %get3A = arith.index_cast %mul3A_1051 : i32 to index
        %get3A_1052 = tpu.vector_load %arg9[%get3A] {strides = array<i32>} : memref<2048xi32, #tpu.memory_space<vmem>>, vector<16xi32>,
        %get3A_1053 = vector.shape_cast %get3A_1052 : vector<16xi32> to vector<16xi32>
        %mul3A_1054 = arith.constant 1024 : i32
        %mul3A_1055 = vector.broadcast %mul3A_1054 : i32 to vector<16xi32>
        %mul3A_1056 = arith.muli %get3A_1053, %mul3A_1055 : vector<16xi32>
        %get3A_1057 = arith.index_cast %mul3A_1051 : i32 to index
        %get3A_1058 = tpu.vector_load %arg8[%get3A_1057] {strides = array<i32>} : memref<2048xi32, #tpu.memory_space<vmem>>, vector<16xi32>,
        %get3A_1059 = vector.shape_cast %get3A_1058 : vector<16xi32> to vector<16xi32>
        %add3A_1060 = arith.addi %mul3A_1056, %get3A_1059 : vector<16xi32>
        %swap3A = arith.index_cast %mul3A_1051 : i32 to index
        %swap3A_1061 = tpu.vector_load %arg10[%swap3A] {strides = array<i32>} : memref<4096xi32, #tpu.memory_space<vmem>>, vector<16xi32>,
        %swap3A_1062 = vector.shape_cast %swap3A_1061 : vector<16xi32> to vector<16xi32>
        %swap3A_1063 = vector.shape_cast %add3A_1060 : vector<16xi32> to vector<16xi32>
        tpu.vector_store %arg10[%swap3A], %swap3A_1063 {strides = array<i32>} : memref<4096xi32, #tpu.memory_space<vmem>>, vector<16xi32>,
        %get3A_1064 = arith.index_cast %mul3A_1051 : i32 to index
        %get3A_1065 = tpu.vector_load %arg9[%get3A_1064] {strides = array<i32>} : memref<2048xi32, #tpu.memory_space<vmem>>, vector<16xi32>,
        %get3A_1066 = vector.shape_cast %get3A_1065 : vector<16xi32> to vector<16xi32>
        %add3A_1067 = arith.constant 1048576 : i32
        %add3A_1068 = vector.broadcast %add3A_1067 : i32 to vector<16xi32>
        %add3A_1069 = arith.addi %get3A_1066, %add3A_1068 : vector<16xi32>
        %mul3A_1070 = arith.constant 16 : i32
        %mul3A_1071 = arith.muli %scan3A_1049, %mul3A_1070 : i32
        %add3A_1072 = arith.constant 2048 : i32
        %add3A_1073 = arith.addi %add3A_1072, %mul3A_1071 : i32
        %swap3A_1074 = arith.index_cast %add3A_1073 : i32 to index
        %swap3A_1075 = tpu.vector_load %arg10[%swap3A_1074] {strides = array<i32>} : memref<4096xi32, #tpu.memory_space<vmem>>, vector<16xi32>,
        %swap3A_1076 = vector.shape_cast %swap3A_1075 : vector<16xi32> to vector<16xi32>
        %swap3A_1077 = vector.shape_cast %add3A_1069 : vector<16xi32> to vector<16xi32>
        tpu.vector_store %arg10[%swap3A_1074], %swap3A_1077 {strides = array<i32>} : memref<4096xi32, #tpu.memory_space<vmem>>, vector<16xi32>,
      }
      %scan3A_19 = arith.constant 128 : i32
      %dma_wait3A = tpu.memref_slice %arg12[%mul3A_0] : memref<1049600xf32, #tpu.memory_space<vmem_shared>> -> memref<65536xf32, #tpu.memory_space<vmem_shared>>
      tpu.wait_dma2 semaphore(%arg13 : memref<!tpu.dma_semaphore, #tpu.memory_space<semaphore_mem>>) src(%arg4 : memref<65536xf32, #tpu.memory_space<hbm>>) dst(%dma_wait3A : memref<65536xf32, #tpu.memory_space<vmem_shared>>)
      %barrier3A = arith.constant 0 : index
      tpu.barrier barrier_id(%barrier3A)
      "tpu.region"() ({
        %run_scoped3A_1049 = tpu.sem_alloc : memref<!tpu.dma_semaphore, #tpu.memory_space<semaphore_mem>>
        %dma_start3A_1050 = arith.constant 0 : i32
        %dma_start3A_1051 = tpu.memref_slice %arg12[%dma_start3A_1050] : memref<1049600xf32, #tpu.memory_space<vmem_shared>> -> memref<1049600xf32, #tpu.memory_space<vmem_shared>>
        tpu.enqueue_indirect_dma source(%arg11 : memref<4096xf32, #tpu.memory_space<vmem>>) target(%dma_start3A_1051 : memref<1049600xf32, #tpu.memory_space<vmem_shared>>) offsets(%arg10 : memref<4096xi32, #tpu.memory_space<vmem>>) semaphore(%run_scoped3A_1049 : memref<!tpu.dma_semaphore, #tpu.memory_space<semaphore_mem>>) {add = true}
        %dma_wait3A_1052 = arith.constant 0 : i32
        %dma_wait3A_1053 = tpu.memref_slice %arg12[%dma_wait3A_1052] : memref<1049600xf32, #tpu.memory_space<vmem_shared>> -> memref<1049600xf32, #tpu.memory_space<vmem_shared>>
        tpu.wait_indirect_dma semaphore(%run_scoped3A_1049 : memref<!tpu.dma_semaphore, #tpu.memory_space<semaphore_mem>>) src(%arg11 : memref<4096xf32, #tpu.memory_space<vmem>>) dst(%dma_wait3A_1053 : memref<1049600xf32, #tpu.memory_space<vmem_shared>>)
        tpu.yield
      }) : () -> ()
      %barrier3A_20 = arith.constant 0 : index
      tpu.barrier barrier_id(%barrier3A_20)
      %add3A = arith.constant 0 : i32
      %add3A_21 = arith.addi %mul3A_0, %add3A : i32
      %mul3A_22 = arith.constant 64 : i32
      %mul3A_23 = arith.muli %arg1, %mul3A_22 : i32
      %add3A_24 = arith.constant 0 : i32
      %add3A_25 = arith.addi %mul3A_23, %add3A_24 : i32
      %dma_start3A_26 = arith.constant 0 : i32
      %dma_start3A_27 = arith.constant 0 : i32
      %dma_start3A_28 = tpu.memref_slice %arg6[%dma_start3A_26, %add3A_25, %dma_start3A_27] : memref<2x1024x1024xf32, #tpu.memory_space<hbm>> -> memref<1x1x1024xf32, #tpu.memory_space<hbm>>
      %dma_start3A_29 = tpu.memref_squeeze %dma_start3A_28 : memref<1x1x1024xf32, #tpu.memory_space<hbm>> -> memref<1024xf32, #tpu.memory_space<hbm>>
      %dma_start3A_30 = tpu.memref_slice %arg12[%add3A_21] : memref<1049600xf32, #tpu.memory_space<vmem_shared>> -> memref<1024xf32, #tpu.memory_space<vmem_shared>>
      tpu.enqueue_dma source(%dma_start3A_30 : memref<1024xf32, #tpu.memory_space<vmem_shared>>) target(%dma_start3A_29 : memref<1024xf32, #tpu.memory_space<hbm>>) target_semaphore(%arg14 : memref<!tpu.dma_semaphore, #tpu.memory_space<semaphore_mem>>)
      %add3A_31 = arith.constant 1024 : i32
      %add3A_32 = arith.addi %mul3A_0, %add3A_31 : i32
      %mul3A_33 = arith.constant 64 : i32
      %mul3A_34 = arith.muli %arg1, %mul3A_33 : i32
      %add3A_35 = arith.constant 1 : i32
      %add3A_36 = arith.addi %mul3A_34, %add3A_35 : i32
      %dma_start3A_37 = arith.constant 0 : i32
      %dma_start3A_38 = arith.constant 0 : i32
      %dma_start3A_39 = tpu.memref_slice %arg6[%dma_start3A_37, %add3A_36, %dma_start3A_38] : memref<2x1024x1024xf32, #tpu.memory_space<hbm>> -> memref<1x1x1024xf32, #tpu.memory_space<hbm>>
      %dma_start3A_40 = tpu.memref_squeeze %dma_start3A_39 : memref<1x1x1024xf32, #tpu.memory_space<hbm>> -> memref<1024xf32, #tpu.memory_space<hbm>>
      %dma_start3A_41 = tpu.memref_slice %arg12[%add3A_32] : memref<1049600xf32, #tpu.memory_space<vmem_shared>> -> memref<1024xf32, #tpu.memory_space<vmem_shared>>
      tpu.enqueue_dma source(%dma_start3A_41 : memref<1024xf32, #tpu.memory_space<vmem_shared>>) target(%dma_start3A_40 : memref<1024xf32, #tpu.memory_space<hbm>>) target_semaphore(%arg14 : memref<!tpu.dma_semaphore, #tpu.memory_space<semaphore_mem>>)
      %add3A_42 = arith.constant 2048 : i32
      %add3A_43 = arith.addi %mul3A_0, %add3A_42 : i32
      %mul3A_44 = arith.constant 64 : i32
      %mul3A_45 = arith.muli %arg1, %mul3A_44 : i32
      %add3A_46 = arith.constant 2 : i32
      %add3A_47 = arith.addi %mul3A_45, %add3A_46 : i32
      %dma_start3A_48 = arith.constant 0 : i32
      %dma_start3A_49 = arith.constant 0 : i32
      %dma_start3A_50 = tpu.memref_slice %arg6[%dma_start3A_48, %add3A_47, %dma_start3A_49] : memref<2x1024x1024xf32, #tpu.memory_space<hbm>> -> memref<1x1x1024xf32, #tpu.memory_space<hbm>>
      %dma_start3A_51 = tpu.memref_squeeze %dma_start3A_50 : memref<1x1x1024xf32, #tpu.memory_space<hbm>> -> memref<1024xf32, #tpu.memory_space<hbm>>
      %dma_start3A_52 = tpu.memref_slice %arg12[%add3A_43] : memref<1049600xf32, #tpu.memory_space<vmem_shared>> -> memref<1024xf32, #tpu.memory_space<vmem_shared>>
      tpu.enqueue_dma source(%dma_start3A_52 : memref<1024xf32, #tpu.memory_space<vmem_shared>>) target(%dma_start3A_51 : memref<1024xf32, #tpu.memory_space<hbm>>) target_semaphore(%arg14 : memref<!tpu.dma_semaphore, #tpu.memory_space<semaphore_mem>>)
      %add3A_53 = arith.constant 3072 : i32
      %add3A_54 = arith.addi %mul3A_0, %add3A_53 : i32
      %mul3A_55 = arith.constant 64 : i32
      %mul3A_56 = arith.muli %arg1, %mul3A_55 : i32
      %add3A_57 = arith.constant 3 : i32
      %add3A_58 = arith.addi %mul3A_56, %add3A_57 : i32
      %dma_start3A_59 = arith.constant 0 : i32
      %dma_start3A_60 = arith.constant 0 : i32
      %dma_start3A_61 = tpu.memref_slice %arg6[%dma_start3A_59, %add3A_58, %dma_start3A_60] : memref<2x1024x1024xf32, #tpu.memory_space<hbm>> -> memref<1x1x1024xf32, #tpu.memory_space<hbm>>
      %dma_start3A_62 = tpu.memref_squeeze %dma_start3A_61 : memref<1x1x1024xf32, #tpu.memory_space<hbm>> -> memref<1024xf32, #tpu.memory_space<hbm>>
      %dma_start3A_63 = tpu.memref_slice %arg12[%add3A_54] : memref<1049600xf32, #tpu.memory_space<vmem_shared>> -> memref<1024xf32, #tpu.memory_space<vmem_shared>>
      tpu.enqueue_dma source(%dma_start3A_63 : memref<1024xf32, #tpu.memory_space<vmem_shared>>) target(%dma_start3A_62 : memref<1024xf32, #tpu.memory_space<hbm>>) target_semaphore(%arg14 : memref<!tpu.dma_semaphore, #tpu.memory_space<semaphore_mem>>)
      %add3A_64 = arith.constant 4096 : i32
      %add3A_65 = arith.addi %mul3A_0, %add3A_64 : i32
      %mul3A_66 = arith.constant 64 : i32
      %mul3A_67 = arith.muli %arg1, %mul3A_66 : i32
      %add3A_68 = arith.constant 4 : i32
      %add3A_69 = arith.addi %mul3A_67, %add3A_68 : i32
      %dma_start3A_70 = arith.constant 0 : i32
      %dma_start3A_71 = arith.constant 0 : i32
      %dma_start3A_72 = tpu.memref_slice %arg6[%dma_start3A_70, %add3A_69, %dma_start3A_71] : memref<2x1024x1024xf32, #tpu.memory_space<hbm>> -> memref<1x1x1024xf32, #tpu.memory_space<hbm>>
      %dma_start3A_73 = tpu.memref_squeeze %dma_start3A_72 : memref<1x1x1024xf32, #tpu.memory_space<hbm>> -> memref<1024xf32, #tpu.memory_space<hbm>>
      %dma_start3A_74 = tpu.memref_slice %arg12[%add3A_65] : memref<1049600xf32, #tpu.memory_space<vmem_shared>> -> memref<1024xf32, #tpu.memory_space<vmem_shared>>
      tpu.enqueue_dma source(%dma_start3A_74 : memref<1024xf32, #tpu.memory_space<vmem_shared>>) target(%dma_start3A_73 : memref<1024xf32, #tpu.memory_space<hbm>>) target_semaphore(%arg14 : memref<!tpu.dma_semaphore, #tpu.memory_space<semaphore_mem>>)
      %add3A_75 = arith.constant 5120 : i32
      %add3A_76 = arith.addi %mul3A_0, %add3A_75 : i32
      %mul3A_77 = arith.constant 64 : i32
      %mul3A_78 = arith.muli %arg1, %mul3A_77 : i32
      %add3A_79 = arith.constant 5 : i32
      %add3A_80 = arith.addi %mul3A_78, %add3A_79 : i32
      %dma_start3A_81 = arith.constant 0 : i32
      %dma_start3A_82 = arith.constant 0 : i32
      %dma_start3A_83 = tpu.memref_slice %arg6[%dma_start3A_81, %add3A_80, %dma_start3A_82] : memref<2x1024x1024xf32, #tpu.memory_space<hbm>> -> memref<1x1x1024xf32, #tpu.memory_space<hbm>>
      %dma_start3A_84 = tpu.memref_squeeze %dma_start3A_83 : memref<1x1x1024xf32, #tpu.memory_space<hbm>> -> memref<1024xf32, #tpu.memory_space<hbm>>
      %dma_start3A_85 = tpu.memref_slice %arg12[%add3A_76] : memref<1049600xf32, #tpu.memory_space<vmem_shared>> -> memref<1024xf32, #tpu.memory_space<vmem_shared>>
      tpu.enqueue_dma source(%dma_start3A_85 : memref<1024xf32, #tpu.memory_space<vmem_shared>>) target(%dma_start3A_84 : memref<1024xf32, #tpu.memory_space<hbm>>) target_semaphore(%arg14 : memref<!tpu.dma_semaphore, #tpu.memory_space<semaphore_mem>>)
      %add3A_86 = arith.constant 6144 : i32
      %add3A_87 = arith.addi %mul3A_0, %add3A_86 : i32
      %mul3A_88 = arith.constant 64 : i32
      %mul3A_89 = arith.muli %arg1, %mul3A_88 : i32
      %add3A_90 = arith.constant 6 : i32
      %add3A_91 = arith.addi %mul3A_89, %add3A_90 : i32
      %dma_start3A_92 = arith.constant 0 : i32
      %dma_start3A_93 = arith.constant 0 : i32
      %dma_start3A_94 = tpu.memref_slice %arg6[%dma_start3A_92, %add3A_91, %dma_start3A_93] : memref<2x1024x1024xf32, #tpu.memory_space<hbm>> -> memref<1x1x1024xf32, #tpu.memory_space<hbm>>
      %dma_start3A_95 = tpu.memref_squeeze %dma_start3A_94 : memref<1x1x1024xf32, #tpu.memory_space<hbm>> -> memref<1024xf32, #tpu.memory_space<hbm>>
      %dma_start3A_96 = tpu.memref_slice %arg12[%add3A_87] : memref<1049600xf32, #tpu.memory_space<vmem_shared>> -> memref<1024xf32, #tpu.memory_space<vmem_shared>>
      tpu.enqueue_dma source(%dma_start3A_96 : memref<1024xf32, #tpu.memory_space<vmem_shared>>) target(%dma_start3A_95 : memref<1024xf32, #tpu.memory_space<hbm>>) target_semaphore(%arg14 : memref<!tpu.dma_semaphore, #tpu.memory_space<semaphore_mem>>)
      %add3A_97 = arith.constant 7168 : i32
      %add3A_98 = arith.addi %mul3A_0, %add3A_97 : i32
      %mul3A_99 = arith.constant 64 : i32
      %mul3A_100 = arith.muli %arg1, %mul3A_99 : i32
      %add3A_101 = arith.constant 7 : i32
      %add3A_102 = arith.addi %mul3A_100, %add3A_101 : i32
      %dma_start3A_103 = arith.constant 0 : i32
      %dma_start3A_104 = arith.constant 0 : i32
      %dma_start3A_105 = tpu.memref_slice %arg6[%dma_start3A_103, %add3A_102, %dma_start3A_104] : memref<2x1024x1024xf32, #tpu.memory_space<hbm>> -> memref<1x1x1024xf32, #tpu.memory_space<hbm>>
      %dma_start3A_106 = tpu.memref_squeeze %dma_start3A_105 : memref<1x1x1024xf32, #tpu.memory_space<hbm>> -> memref<1024xf32, #tpu.memory_space<hbm>>
      %dma_start3A_107 = tpu.memref_slice %arg12[%add3A_98] : memref<1049600xf32, #tpu.memory_space<vmem_shared>> -> memref<1024xf32, #tpu.memory_space<vmem_shared>>
      tpu.enqueue_dma source(%dma_start3A_107 : memref<1024xf32, #tpu.memory_space<vmem_shared>>) target(%dma_start3A_106 : memref<1024xf32, #tpu.memory_space<hbm>>) target_semaphore(%arg14 : memref<!tpu.dma_semaphore, #tpu.memory_space<semaphore_mem>>)
      %add3A_108 = arith.constant 8192 : i32
      %add3A_109 = arith.addi %mul3A_0, %add3A_108 : i32
      %mul3A_110 = arith.constant 64 : i32
      %mul3A_111 = arith.muli %arg1, %mul3A_110 : i32
      %add3A_112 = arith.constant 8 : i32
      %add3A_113 = arith.addi %mul3A_111, %add3A_112 : i32
      %dma_start3A_114 = arith.constant 0 : i32
      %dma_start3A_115 = arith.constant 0 : i32
      %dma_start3A_116 = tpu.memref_slice %arg6[%dma_start3A_114, %add3A_113, %dma_start3A_115] : memref<2x1024x1024xf32, #tpu.memory_space<hbm>> -> memref<1x1x1024xf32, #tpu.memory_space<hbm>>
      %dma_start3A_117 = tpu.memref_squeeze %dma_start3A_116 : memref<1x1x1024xf32, #tpu.memory_space<hbm>> -> memref<1024xf32, #tpu.memory_space<hbm>>
      %dma_start3A_118 = tpu.memref_slice %arg12[%add3A_109] : memref<1049600xf32, #tpu.memory_space<vmem_shared>> -> memref<1024xf32, #tpu.memory_space<vmem_shared>>
      tpu.enqueue_dma source(%dma_start3A_118 : memref<1024xf32, #tpu.memory_space<vmem_shared>>) target(%dma_start3A_117 : memref<1024xf32, #tpu.memory_space<hbm>>) target_semaphore(%arg14 : memref<!tpu.dma_semaphore, #tpu.memory_space<semaphore_mem>>)
      %add3A_119 = arith.constant 9216 : i32
      %add3A_120 = arith.addi %mul3A_0, %add3A_119 : i32
      %mul3A_121 = arith.constant 64 : i32
      %mul3A_122 = arith.muli %arg1, %mul3A_121 : i32
      %add3A_123 = arith.constant 9 : i32
      %add3A_124 = arith.addi %mul3A_122, %add3A_123 : i32
      %dma_start3A_125 = arith.constant 0 : i32
      %dma_start3A_126 = arith.constant 0 : i32
      %dma_start3A_127 = tpu.memref_slice %arg6[%dma_start3A_125, %add3A_124, %dma_start3A_126] : memref<2x1024x1024xf32, #tpu.memory_space<hbm>> -> memref<1x1x1024xf32, #tpu.memory_space<hbm>>
      %dma_start3A_128 = tpu.memref_squeeze %dma_start3A_127 : memref<1x1x1024xf32, #tpu.memory_space<hbm>> -> memref<1024xf32, #tpu.memory_space<hbm>>
      %dma_start3A_129 = tpu.memref_slice %arg12[%add3A_120] : memref<1049600xf32, #tpu.memory_space<vmem_shared>> -> memref<1024xf32, #tpu.memory_space<vmem_shared>>
      tpu.enqueue_dma source(%dma_start3A_129 : memref<1024xf32, #tpu.memory_space<vmem_shared>>) target(%dma_start3A_128 : memref<1024xf32, #tpu.memory_space<hbm>>) target_semaphore(%arg14 : memref<!tpu.dma_semaphore, #tpu.memory_space<semaphore_mem>>)
      %add3A_130 = arith.constant 10240 : i32
      %add3A_131 = arith.addi %mul3A_0, %add3A_130 : i32
      %mul3A_132 = arith.constant 64 : i32
      %mul3A_133 = arith.muli %arg1, %mul3A_132 : i32
      %add3A_134 = arith.constant 10 : i32
      %add3A_135 = arith.addi %mul3A_133, %add3A_134 : i32
      %dma_start3A_136 = arith.constant 0 : i32
      %dma_start3A_137 = arith.constant 0 : i32
      %dma_start3A_138 = tpu.memref_slice %arg6[%dma_start3A_136, %add3A_135, %dma_start3A_137] : memref<2x1024x1024xf32, #tpu.memory_space<hbm>> -> memref<1x1x1024xf32, #tpu.memory_space<hbm>>
      %dma_start3A_139 = tpu.memref_squeeze %dma_start3A_138 : memref<1x1x1024xf32, #tpu.memory_space<hbm>> -> memref<1024xf32, #tpu.memory_space<hbm>>
      %dma_start3A_140 = tpu.memref_slice %arg12[%add3A_131] : memref<1049600xf32, #tpu.memory_space<vmem_shared>> -> memref<1024xf32, #tpu.memory_space<vmem_shared>>
      tpu.enqueue_dma source(%dma_start3A_140 : memref<1024xf32, #tpu.memory_space<vmem_shared>>) target(%dma_start3A_139 : memref<1024xf32, #tpu.memory_space<hbm>>) target_semaphore(%arg14 : memref<!tpu.dma_semaphore, #tpu.memory_space<semaphore_mem>>)
      %add3A_141 = arith.constant 11264 : i32
      %add3A_142 = arith.addi %mul3A_0, %add3A_141 : i32
      %mul3A_143 = arith.constant 64 : i32
      %mul3A_144 = arith.muli %arg1, %mul3A_143 : i32
      %add3A_145 = arith.constant 11 : i32
      %add3A_146 = arith.addi %mul3A_144, %add3A_145 : i32
      %dma_start3A_147 = arith.constant 0 : i32
      %dma_start3A_148 = arith.constant 0 : i32
      %dma_start3A_149 = tpu.memref_slice %arg6[%dma_start3A_147, %add3A_146, %dma_start3A_148] : memref<2x1024x1024xf32, #tpu.memory_space<hbm>> -> memref<1x1x1024xf32, #tpu.memory_space<hbm>>
      %dma_start3A_150 = tpu.memref_squeeze %dma_start3A_149 : memref<1x1x1024xf32, #tpu.memory_space<hbm>> -> memref<1024xf32, #tpu.memory_space<hbm>>
      %dma_start3A_151 = tpu.memref_slice %arg12[%add3A_142] : memref<1049600xf32, #tpu.memory_space<vmem_shared>> -> memref<1024xf32, #tpu.memory_space<vmem_shared>>
      tpu.enqueue_dma source(%dma_start3A_151 : memref<1024xf32, #tpu.memory_space<vmem_shared>>) target(%dma_start3A_150 : memref<1024xf32, #tpu.memory_space<hbm>>) target_semaphore(%arg14 : memref<!tpu.dma_semaphore, #tpu.memory_space<semaphore_mem>>)
      %add3A_152 = arith.constant 12288 : i32
      %add3A_153 = arith.addi %mul3A_0, %add3A_152 : i32
      %mul3A_154 = arith.constant 64 : i32
      %mul3A_155 = arith.muli %arg1, %mul3A_154 : i32
      %add3A_156 = arith.constant 12 : i32
      %add3A_157 = arith.addi %mul3A_155, %add3A_156 : i32
      %dma_start3A_158 = arith.constant 0 : i32
      %dma_start3A_159 = arith.constant 0 : i32
      %dma_start3A_160 = tpu.memref_slice %arg6[%dma_start3A_158, %add3A_157, %dma_start3A_159] : memref<2x1024x1024xf32, #tpu.memory_space<hbm>> -> memref<1x1x1024xf32, #tpu.memory_space<hbm>>
      %dma_start3A_161 = tpu.memref_squeeze %dma_start3A_160 : memref<1x1x1024xf32, #tpu.memory_space<hbm>> -> memref<1024xf32, #tpu.memory_space<hbm>>
      %dma_start3A_162 = tpu.memref_slice %arg12[%add3A_153] : memref<1049600xf32, #tpu.memory_space<vmem_shared>> -> memref<1024xf32, #tpu.memory_space<vmem_shared>>
      tpu.enqueue_dma source(%dma_start3A_162 : memref<1024xf32, #tpu.memory_space<vmem_shared>>) target(%dma_start3A_161 : memref<1024xf32, #tpu.memory_space<hbm>>) target_semaphore(%arg14 : memref<!tpu.dma_semaphore, #tpu.memory_space<semaphore_mem>>)
      %add3A_163 = arith.constant 13312 : i32
      %add3A_164 = arith.addi %mul3A_0, %add3A_163 : i32
      %mul3A_165 = arith.constant 64 : i32
      %mul3A_166 = arith.muli %arg1, %mul3A_165 : i32
      %add3A_167 = arith.constant 13 : i32
      %add3A_168 = arith.addi %mul3A_166, %add3A_167 : i32
      %dma_start3A_169 = arith.constant 0 : i32
      %dma_start3A_170 = arith.constant 0 : i32
      %dma_start3A_171 = tpu.memref_slice %arg6[%dma_start3A_169, %add3A_168, %dma_start3A_170] : memref<2x1024x1024xf32, #tpu.memory_space<hbm>> -> memref<1x1x1024xf32, #tpu.memory_space<hbm>>
      %dma_start3A_172 = tpu.memref_squeeze %dma_start3A_171 : memref<1x1x1024xf32, #tpu.memory_space<hbm>> -> memref<1024xf32, #tpu.memory_space<hbm>>
      %dma_start3A_173 = tpu.memref_slice %arg12[%add3A_164] : memref<1049600xf32, #tpu.memory_space<vmem_shared>> -> memref<1024xf32, #tpu.memory_space<vmem_shared>>
      tpu.enqueue_dma source(%dma_start3A_173 : memref<1024xf32, #tpu.memory_space<vmem_shared>>) target(%dma_start3A_172 : memref<1024xf32, #tpu.memory_space<hbm>>) target_semaphore(%arg14 : memref<!tpu.dma_semaphore, #tpu.memory_space<semaphore_mem>>)
      %add3A_174 = arith.constant 14336 : i32
      %add3A_175 = arith.addi %mul3A_0, %add3A_174 : i32
      %mul3A_176 = arith.constant 64 : i32
      %mul3A_177 = arith.muli %arg1, %mul3A_176 : i32
      %add3A_178 = arith.constant 14 : i32
      %add3A_179 = arith.addi %mul3A_177, %add3A_178 : i32
      %dma_start3A_180 = arith.constant 0 : i32
      %dma_start3A_181 = arith.constant 0 : i32
      %dma_start3A_182 = tpu.memref_slice %arg6[%dma_start3A_180, %add3A_179, %dma_start3A_181] : memref<2x1024x1024xf32, #tpu.memory_space<hbm>> -> memref<1x1x1024xf32, #tpu.memory_space<hbm>>
      %dma_start3A_183 = tpu.memref_squeeze %dma_start3A_182 : memref<1x1x1024xf32, #tpu.memory_space<hbm>> -> memref<1024xf32, #tpu.memory_space<hbm>>
      %dma_start3A_184 = tpu.memref_slice %arg12[%add3A_175] : memref<1049600xf32, #tpu.memory_space<vmem_shared>> -> memref<1024xf32, #tpu.memory_space<vmem_shared>>
      tpu.enqueue_dma source(%dma_start3A_184 : memref<1024xf32, #tpu.memory_space<vmem_shared>>) target(%dma_start3A_183 : memref<1024xf32, #tpu.memory_space<hbm>>) target_semaphore(%arg14 : memref<!tpu.dma_semaphore, #tpu.memory_space<semaphore_mem>>)
      %add3A_185 = arith.constant 15360 : i32
      %add3A_186 = arith.addi %mul3A_0, %add3A_185 : i32
      %mul3A_187 = arith.constant 64 : i32
      %mul3A_188 = arith.muli %arg1, %mul3A_187 : i32
      %add3A_189 = arith.constant 15 : i32
      %add3A_190 = arith.addi %mul3A_188, %add3A_189 : i32
      %dma_start3A_191 = arith.constant 0 : i32
      %dma_start3A_192 = arith.constant 0 : i32
      %dma_start3A_193 = tpu.memref_slice %arg6[%dma_start3A_191, %add3A_190, %dma_start3A_192] : memref<2x1024x1024xf32, #tpu.memory_space<hbm>> -> memref<1x1x1024xf32, #tpu.memory_space<hbm>>
      %dma_start3A_194 = tpu.memref_squeeze %dma_start3A_193 : memref<1x1x1024xf32, #tpu.memory_space<hbm>> -> memref<1024xf32, #tpu.memory_space<hbm>>
      %dma_start3A_195 = tpu.memref_slice %arg12[%add3A_186] : memref<1049600xf32, #tpu.memory_space<vmem_shared>> -> memref<1024xf32, #tpu.memory_space<vmem_shared>>
      tpu.enqueue_dma source(%dma_start3A_195 : memref<1024xf32, #tpu.memory_space<vmem_shared>>) target(%dma_start3A_194 : memref<1024xf32, #tpu.memory_space<hbm>>) target_semaphore(%arg14 : memref<!tpu.dma_semaphore, #tpu.memory_space<semaphore_mem>>)
      %add3A_196 = arith.constant 16384 : i32
      %add3A_197 = arith.addi %mul3A_0, %add3A_196 : i32
      %mul3A_198 = arith.constant 64 : i32
      %mul3A_199 = arith.muli %arg1, %mul3A_198 : i32
      %add3A_200 = arith.constant 16 : i32
      %add3A_201 = arith.addi %mul3A_199, %add3A_200 : i32
      %dma_start3A_202 = arith.constant 0 : i32
      %dma_start3A_203 = arith.constant 0 : i32
      %dma_start3A_204 = tpu.memref_slice %arg6[%dma_start3A_202, %add3A_201, %dma_start3A_203] : memref<2x1024x1024xf32, #tpu.memory_space<hbm>> -> memref<1x1x1024xf32, #tpu.memory_space<hbm>>
      %dma_start3A_205 = tpu.memref_squeeze %dma_start3A_204 : memref<1x1x1024xf32, #tpu.memory_space<hbm>> -> memref<1024xf32, #tpu.memory_space<hbm>>
      %dma_start3A_206 = tpu.memref_slice %arg12[%add3A_197] : memref<1049600xf32, #tpu.memory_space<vmem_shared>> -> memref<1024xf32, #tpu.memory_space<vmem_shared>>
      tpu.enqueue_dma source(%dma_start3A_206 : memref<1024xf32, #tpu.memory_space<vmem_shared>>) target(%dma_start3A_205 : memref<1024xf32, #tpu.memory_space<hbm>>) target_semaphore(%arg14 : memref<!tpu.dma_semaphore, #tpu.memory_space<semaphore_mem>>)
      %add3A_207 = arith.constant 17408 : i32
      %add3A_208 = arith.addi %mul3A_0, %add3A_207 : i32
      %mul3A_209 = arith.constant 64 : i32
      %mul3A_210 = arith.muli %arg1, %mul3A_209 : i32
      %add3A_211 = arith.constant 17 : i32
      %add3A_212 = arith.addi %mul3A_210, %add3A_211 : i32
      %dma_start3A_213 = arith.constant 0 : i32
      %dma_start3A_214 = arith.constant 0 : i32
      %dma_start3A_215 = tpu.memref_slice %arg6[%dma_start3A_213, %add3A_212, %dma_start3A_214] : memref<2x1024x1024xf32, #tpu.memory_space<hbm>> -> memref<1x1x1024xf32, #tpu.memory_space<hbm>>
      %dma_start3A_216 = tpu.memref_squeeze %dma_start3A_215 : memref<1x1x1024xf32, #tpu.memory_space<hbm>> -> memref<1024xf32, #tpu.memory_space<hbm>>
      %dma_start3A_217 = tpu.memref_slice %arg12[%add3A_208] : memref<1049600xf32, #tpu.memory_space<vmem_shared>> -> memref<1024xf32, #tpu.memory_space<vmem_shared>>
      tpu.enqueue_dma source(%dma_start3A_217 : memref<1024xf32, #tpu.memory_space<vmem_shared>>) target(%dma_start3A_216 : memref<1024xf32, #tpu.memory_space<hbm>>) target_semaphore(%arg14 : memref<!tpu.dma_semaphore, #tpu.memory_space<semaphore_mem>>)
      %add3A_218 = arith.constant 18432 : i32
      %add3A_219 = arith.addi %mul3A_0, %add3A_218 : i32
      %mul3A_220 = arith.constant 64 : i32
      %mul3A_221 = arith.muli %arg1, %mul3A_220 : i32
      %add3A_222 = arith.constant 18 : i32
      %add3A_223 = arith.addi %mul3A_221, %add3A_222 : i32
      %dma_start3A_224 = arith.constant 0 : i32
      %dma_start3A_225 = arith.constant 0 : i32
      %dma_start3A_226 = tpu.memref_slice %arg6[%dma_start3A_224, %add3A_223, %dma_start3A_225] : memref<2x1024x1024xf32, #tpu.memory_space<hbm>> -> memref<1x1x1024xf32, #tpu.memory_space<hbm>>
      %dma_start3A_227 = tpu.memref_squeeze %dma_start3A_226 : memref<1x1x1024xf32, #tpu.memory_space<hbm>> -> memref<1024xf32, #tpu.memory_space<hbm>>
      %dma_start3A_228 = tpu.memref_slice %arg12[%add3A_219] : memref<1049600xf32, #tpu.memory_space<vmem_shared>> -> memref<1024xf32, #tpu.memory_space<vmem_shared>>
      tpu.enqueue_dma source(%dma_start3A_228 : memref<1024xf32, #tpu.memory_space<vmem_shared>>) target(%dma_start3A_227 : memref<1024xf32, #tpu.memory_space<hbm>>) target_semaphore(%arg14 : memref<!tpu.dma_semaphore, #tpu.memory_space<semaphore_mem>>)
      %add3A_229 = arith.constant 19456 : i32
      %add3A_230 = arith.addi %mul3A_0, %add3A_229 : i32
      %mul3A_231 = arith.constant 64 : i32
      %mul3A_232 = arith.muli %arg1, %mul3A_231 : i32
      %add3A_233 = arith.constant 19 : i32
      %add3A_234 = arith.addi %mul3A_232, %add3A_233 : i32
      %dma_start3A_235 = arith.constant 0 : i32
      %dma_start3A_236 = arith.constant 0 : i32
      %dma_start3A_237 = tpu.memref_slice %arg6[%dma_start3A_235, %add3A_234, %dma_start3A_236] : memref<2x1024x1024xf32, #tpu.memory_space<hbm>> -> memref<1x1x1024xf32, #tpu.memory_space<hbm>>
      %dma_start3A_238 = tpu.memref_squeeze %dma_start3A_237 : memref<1x1x1024xf32, #tpu.memory_space<hbm>> -> memref<1024xf32, #tpu.memory_space<hbm>>
      %dma_start3A_239 = tpu.memref_slice %arg12[%add3A_230] : memref<1049600xf32, #tpu.memory_space<vmem_shared>> -> memref<1024xf32, #tpu.memory_space<vmem_shared>>
      tpu.enqueue_dma source(%dma_start3A_239 : memref<1024xf32, #tpu.memory_space<vmem_shared>>) target(%dma_start3A_238 : memref<1024xf32, #tpu.memory_space<hbm>>) target_semaphore(%arg14 : memref<!tpu.dma_semaphore, #tpu.memory_space<semaphore_mem>>)
      %add3A_240 = arith.constant 20480 : i32
      %add3A_241 = arith.addi %mul3A_0, %add3A_240 : i32
      %mul3A_242 = arith.constant 64 : i32
      %mul3A_243 = arith.muli %arg1, %mul3A_242 : i32
      %add3A_244 = arith.constant 20 : i32
      %add3A_245 = arith.addi %mul3A_243, %add3A_244 : i32
      %dma_start3A_246 = arith.constant 0 : i32
      %dma_start3A_247 = arith.constant 0 : i32
      %dma_start3A_248 = tpu.memref_slice %arg6[%dma_start3A_246, %add3A_245, %dma_start3A_247] : memref<2x1024x1024xf32, #tpu.memory_space<hbm>> -> memref<1x1x1024xf32, #tpu.memory_space<hbm>>
      %dma_start3A_249 = tpu.memref_squeeze %dma_start3A_248 : memref<1x1x1024xf32, #tpu.memory_space<hbm>> -> memref<1024xf32, #tpu.memory_space<hbm>>
      %dma_start3A_250 = tpu.memref_slice %arg12[%add3A_241] : memref<1049600xf32, #tpu.memory_space<vmem_shared>> -> memref<1024xf32, #tpu.memory_space<vmem_shared>>
      tpu.enqueue_dma source(%dma_start3A_250 : memref<1024xf32, #tpu.memory_space<vmem_shared>>) target(%dma_start3A_249 : memref<1024xf32, #tpu.memory_space<hbm>>) target_semaphore(%arg14 : memref<!tpu.dma_semaphore, #tpu.memory_space<semaphore_mem>>)
      %add3A_251 = arith.constant 21504 : i32
      %add3A_252 = arith.addi %mul3A_0, %add3A_251 : i32
      %mul3A_253 = arith.constant 64 : i32
      %mul3A_254 = arith.muli %arg1, %mul3A_253 : i32
      %add3A_255 = arith.constant 21 : i32
      %add3A_256 = arith.addi %mul3A_254, %add3A_255 : i32
      %dma_start3A_257 = arith.constant 0 : i32
      %dma_start3A_258 = arith.constant 0 : i32
      %dma_start3A_259 = tpu.memref_slice %arg6[%dma_start3A_257, %add3A_256, %dma_start3A_258] : memref<2x1024x1024xf32, #tpu.memory_space<hbm>> -> memref<1x1x1024xf32, #tpu.memory_space<hbm>>
      %dma_start3A_260 = tpu.memref_squeeze %dma_start3A_259 : memref<1x1x1024xf32, #tpu.memory_space<hbm>> -> memref<1024xf32, #tpu.memory_space<hbm>>
      %dma_start3A_261 = tpu.memref_slice %arg12[%add3A_252] : memref<1049600xf32, #tpu.memory_space<vmem_shared>> -> memref<1024xf32, #tpu.memory_space<vmem_shared>>
      tpu.enqueue_dma source(%dma_start3A_261 : memref<1024xf32, #tpu.memory_space<vmem_shared>>) target(%dma_start3A_260 : memref<1024xf32, #tpu.memory_space<hbm>>) target_semaphore(%arg14 : memref<!tpu.dma_semaphore, #tpu.memory_space<semaphore_mem>>)
      %add3A_262 = arith.constant 22528 : i32
      %add3A_263 = arith.addi %mul3A_0, %add3A_262 : i32
      %mul3A_264 = arith.constant 64 : i32
      %mul3A_265 = arith.muli %arg1, %mul3A_264 : i32
      %add3A_266 = arith.constant 22 : i32
      %add3A_267 = arith.addi %mul3A_265, %add3A_266 : i32
      %dma_start3A_268 = arith.constant 0 : i32
      %dma_start3A_269 = arith.constant 0 : i32
      %dma_start3A_270 = tpu.memref_slice %arg6[%dma_start3A_268, %add3A_267, %dma_start3A_269] : memref<2x1024x1024xf32, #tpu.memory_space<hbm>> -> memref<1x1x1024xf32, #tpu.memory_space<hbm>>
      %dma_start3A_271 = tpu.memref_squeeze %dma_start3A_270 : memref<1x1x1024xf32, #tpu.memory_space<hbm>> -> memref<1024xf32, #tpu.memory_space<hbm>>
      %dma_start3A_272 = tpu.memref_slice %arg12[%add3A_263] : memref<1049600xf32, #tpu.memory_space<vmem_shared>> -> memref<1024xf32, #tpu.memory_space<vmem_shared>>
      tpu.enqueue_dma source(%dma_start3A_272 : memref<1024xf32, #tpu.memory_space<vmem_shared>>) target(%dma_start3A_271 : memref<1024xf32, #tpu.memory_space<hbm>>) target_semaphore(%arg14 : memref<!tpu.dma_semaphore, #tpu.memory_space<semaphore_mem>>)
      %add3A_273 = arith.constant 23552 : i32
      %add3A_274 = arith.addi %mul3A_0, %add3A_273 : i32
      %mul3A_275 = arith.constant 64 : i32
      %mul3A_276 = arith.muli %arg1, %mul3A_275 : i32
      %add3A_277 = arith.constant 23 : i32
      %add3A_278 = arith.addi %mul3A_276, %add3A_277 : i32
      %dma_start3A_279 = arith.constant 0 : i32
      %dma_start3A_280 = arith.constant 0 : i32
      %dma_start3A_281 = tpu.memref_slice %arg6[%dma_start3A_279, %add3A_278, %dma_start3A_280] : memref<2x1024x1024xf32, #tpu.memory_space<hbm>> -> memref<1x1x1024xf32, #tpu.memory_space<hbm>>
      %dma_start3A_282 = tpu.memref_squeeze %dma_start3A_281 : memref<1x1x1024xf32, #tpu.memory_space<hbm>> -> memref<1024xf32, #tpu.memory_space<hbm>>
      %dma_start3A_283 = tpu.memref_slice %arg12[%add3A_274] : memref<1049600xf32, #tpu.memory_space<vmem_shared>> -> memref<1024xf32, #tpu.memory_space<vmem_shared>>
      tpu.enqueue_dma source(%dma_start3A_283 : memref<1024xf32, #tpu.memory_space<vmem_shared>>) target(%dma_start3A_282 : memref<1024xf32, #tpu.memory_space<hbm>>) target_semaphore(%arg14 : memref<!tpu.dma_semaphore, #tpu.memory_space<semaphore_mem>>)
      %add3A_284 = arith.constant 24576 : i32
      %add3A_285 = arith.addi %mul3A_0, %add3A_284 : i32
      %mul3A_286 = arith.constant 64 : i32
      %mul3A_287 = arith.muli %arg1, %mul3A_286 : i32
      %add3A_288 = arith.constant 24 : i32
      %add3A_289 = arith.addi %mul3A_287, %add3A_288 : i32
      %dma_start3A_290 = arith.constant 0 : i32
      %dma_start3A_291 = arith.constant 0 : i32
      %dma_start3A_292 = tpu.memref_slice %arg6[%dma_start3A_290, %add3A_289, %dma_start3A_291] : memref<2x1024x1024xf32, #tpu.memory_space<hbm>> -> memref<1x1x1024xf32, #tpu.memory_space<hbm>>
      %dma_start3A_293 = tpu.memref_squeeze %dma_start3A_292 : memref<1x1x1024xf32, #tpu.memory_space<hbm>> -> memref<1024xf32, #tpu.memory_space<hbm>>
      %dma_start3A_294 = tpu.memref_slice %arg12[%add3A_285] : memref<1049600xf32, #tpu.memory_space<vmem_shared>> -> memref<1024xf32, #tpu.memory_space<vmem_shared>>
      tpu.enqueue_dma source(%dma_start3A_294 : memref<1024xf32, #tpu.memory_space<vmem_shared>>) target(%dma_start3A_293 : memref<1024xf32, #tpu.memory_space<hbm>>) target_semaphore(%arg14 : memref<!tpu.dma_semaphore, #tpu.memory_space<semaphore_mem>>)
      %add3A_295 = arith.constant 25600 : i32
      %add3A_296 = arith.addi %mul3A_0, %add3A_295 : i32
      %mul3A_297 = arith.constant 64 : i32
      %mul3A_298 = arith.muli %arg1, %mul3A_297 : i32
      %add3A_299 = arith.constant 25 : i32
      %add3A_300 = arith.addi %mul3A_298, %add3A_299 : i32
      %dma_start3A_301 = arith.constant 0 : i32
      %dma_start3A_302 = arith.constant 0 : i32
      %dma_start3A_303 = tpu.memref_slice %arg6[%dma_start3A_301, %add3A_300, %dma_start3A_302] : memref<2x1024x1024xf32, #tpu.memory_space<hbm>> -> memref<1x1x1024xf32, #tpu.memory_space<hbm>>
      %dma_start3A_304 = tpu.memref_squeeze %dma_start3A_303 : memref<1x1x1024xf32, #tpu.memory_space<hbm>> -> memref<1024xf32, #tpu.memory_space<hbm>>
      %dma_start3A_305 = tpu.memref_slice %arg12[%add3A_296] : memref<1049600xf32, #tpu.memory_space<vmem_shared>> -> memref<1024xf32, #tpu.memory_space<vmem_shared>>
      tpu.enqueue_dma source(%dma_start3A_305 : memref<1024xf32, #tpu.memory_space<vmem_shared>>) target(%dma_start3A_304 : memref<1024xf32, #tpu.memory_space<hbm>>) target_semaphore(%arg14 : memref<!tpu.dma_semaphore, #tpu.memory_space<semaphore_mem>>)
      %add3A_306 = arith.constant 26624 : i32
      %add3A_307 = arith.addi %mul3A_0, %add3A_306 : i32
      %mul3A_308 = arith.constant 64 : i32
      %mul3A_309 = arith.muli %arg1, %mul3A_308 : i32
      %add3A_310 = arith.constant 26 : i32
      %add3A_311 = arith.addi %mul3A_309, %add3A_310 : i32
      %dma_start3A_312 = arith.constant 0 : i32
      %dma_start3A_313 = arith.constant 0 : i32
      %dma_start3A_314 = tpu.memref_slice %arg6[%dma_start3A_312, %add3A_311, %dma_start3A_313] : memref<2x1024x1024xf32, #tpu.memory_space<hbm>> -> memref<1x1x1024xf32, #tpu.memory_space<hbm>>
      %dma_start3A_315 = tpu.memref_squeeze %dma_start3A_314 : memref<1x1x1024xf32, #tpu.memory_space<hbm>> -> memref<1024xf32, #tpu.memory_space<hbm>>
      %dma_start3A_316 = tpu.memref_slice %arg12[%add3A_307] : memref<1049600xf32, #tpu.memory_space<vmem_shared>> -> memref<1024xf32, #tpu.memory_space<vmem_shared>>
      tpu.enqueue_dma source(%dma_start3A_316 : memref<1024xf32, #tpu.memory_space<vmem_shared>>) target(%dma_start3A_315 : memref<1024xf32, #tpu.memory_space<hbm>>) target_semaphore(%arg14 : memref<!tpu.dma_semaphore, #tpu.memory_space<semaphore_mem>>)
      %add3A_317 = arith.constant 27648 : i32
      %add3A_318 = arith.addi %mul3A_0, %add3A_317 : i32
      %mul3A_319 = arith.constant 64 : i32
      %mul3A_320 = arith.muli %arg1, %mul3A_319 : i32
      %add3A_321 = arith.constant 27 : i32
      %add3A_322 = arith.addi %mul3A_320, %add3A_321 : i32
      %dma_start3A_323 = arith.constant 0 : i32
      %dma_start3A_324 = arith.constant 0 : i32
      %dma_start3A_325 = tpu.memref_slice %arg6[%dma_start3A_323, %add3A_322, %dma_start3A_324] : memref<2x1024x1024xf32, #tpu.memory_space<hbm>> -> memref<1x1x1024xf32, #tpu.memory_space<hbm>>
      %dma_start3A_326 = tpu.memref_squeeze %dma_start3A_325 : memref<1x1x1024xf32, #tpu.memory_space<hbm>> -> memref<1024xf32, #tpu.memory_space<hbm>>
      %dma_start3A_327 = tpu.memref_slice %arg12[%add3A_318] : memref<1049600xf32, #tpu.memory_space<vmem_shared>> -> memref<1024xf32, #tpu.memory_space<vmem_shared>>
      tpu.enqueue_dma source(%dma_start3A_327 : memref<1024xf32, #tpu.memory_space<vmem_shared>>) target(%dma_start3A_326 : memref<1024xf32, #tpu.memory_space<hbm>>) target_semaphore(%arg14 : memref<!tpu.dma_semaphore, #tpu.memory_space<semaphore_mem>>)
      %add3A_328 = arith.constant 28672 : i32
      %add3A_329 = arith.addi %mul3A_0, %add3A_328 : i32
      %mul3A_330 = arith.constant 64 : i32
      %mul3A_331 = arith.muli %arg1, %mul3A_330 : i32
      %add3A_332 = arith.constant 28 : i32
      %add3A_333 = arith.addi %mul3A_331, %add3A_332 : i32
      %dma_start3A_334 = arith.constant 0 : i32
      %dma_start3A_335 = arith.constant 0 : i32
      %dma_start3A_336 = tpu.memref_slice %arg6[%dma_start3A_334, %add3A_333, %dma_start3A_335] : memref<2x1024x1024xf32, #tpu.memory_space<hbm>> -> memref<1x1x1024xf32, #tpu.memory_space<hbm>>
      %dma_start3A_337 = tpu.memref_squeeze %dma_start3A_336 : memref<1x1x1024xf32, #tpu.memory_space<hbm>> -> memref<1024xf32, #tpu.memory_space<hbm>>
      %dma_start3A_338 = tpu.memref_slice %arg12[%add3A_329] : memref<1049600xf32, #tpu.memory_space<vmem_shared>> -> memref<1024xf32, #tpu.memory_space<vmem_shared>>
      tpu.enqueue_dma source(%dma_start3A_338 : memref<1024xf32, #tpu.memory_space<vmem_shared>>) target(%dma_start3A_337 : memref<1024xf32, #tpu.memory_space<hbm>>) target_semaphore(%arg14 : memref<!tpu.dma_semaphore, #tpu.memory_space<semaphore_mem>>)
      %add3A_339 = arith.constant 29696 : i32
      %add3A_340 = arith.addi %mul3A_0, %add3A_339 : i32
      %mul3A_341 = arith.constant 64 : i32
      %mul3A_342 = arith.muli %arg1, %mul3A_341 : i32
      %add3A_343 = arith.constant 29 : i32
      %add3A_344 = arith.addi %mul3A_342, %add3A_343 : i32
      %dma_start3A_345 = arith.constant 0 : i32
      %dma_start3A_346 = arith.constant 0 : i32
      %dma_start3A_347 = tpu.memref_slice %arg6[%dma_start3A_345, %add3A_344, %dma_start3A_346] : memref<2x1024x1024xf32, #tpu.memory_space<hbm>> -> memref<1x1x1024xf32, #tpu.memory_space<hbm>>
      %dma_start3A_348 = tpu.memref_squeeze %dma_start3A_347 : memref<1x1x1024xf32, #tpu.memory_space<hbm>> -> memref<1024xf32, #tpu.memory_space<hbm>>
      %dma_start3A_349 = tpu.memref_slice %arg12[%add3A_340] : memref<1049600xf32, #tpu.memory_space<vmem_shared>> -> memref<1024xf32, #tpu.memory_space<vmem_shared>>
      tpu.enqueue_dma source(%dma_start3A_349 : memref<1024xf32, #tpu.memory_space<vmem_shared>>) target(%dma_start3A_348 : memref<1024xf32, #tpu.memory_space<hbm>>) target_semaphore(%arg14 : memref<!tpu.dma_semaphore, #tpu.memory_space<semaphore_mem>>)
      %add3A_350 = arith.constant 30720 : i32
      %add3A_351 = arith.addi %mul3A_0, %add3A_350 : i32
      %mul3A_352 = arith.constant 64 : i32
      %mul3A_353 = arith.muli %arg1, %mul3A_352 : i32
      %add3A_354 = arith.constant 30 : i32
      %add3A_355 = arith.addi %mul3A_353, %add3A_354 : i32
      %dma_start3A_356 = arith.constant 0 : i32
      %dma_start3A_357 = arith.constant 0 : i32
      %dma_start3A_358 = tpu.memref_slice %arg6[%dma_start3A_356, %add3A_355, %dma_start3A_357] : memref<2x1024x1024xf32, #tpu.memory_space<hbm>> -> memref<1x1x1024xf32, #tpu.memory_space<hbm>>
      %dma_start3A_359 = tpu.memref_squeeze %dma_start3A_358 : memref<1x1x1024xf32, #tpu.memory_space<hbm>> -> memref<1024xf32, #tpu.memory_space<hbm>>
      %dma_start3A_360 = tpu.memref_slice %arg12[%add3A_351] : memref<1049600xf32, #tpu.memory_space<vmem_shared>> -> memref<1024xf32, #tpu.memory_space<vmem_shared>>
      tpu.enqueue_dma source(%dma_start3A_360 : memref<1024xf32, #tpu.memory_space<vmem_shared>>) target(%dma_start3A_359 : memref<1024xf32, #tpu.memory_space<hbm>>) target_semaphore(%arg14 : memref<!tpu.dma_semaphore, #tpu.memory_space<semaphore_mem>>)
      %add3A_361 = arith.constant 31744 : i32
      %add3A_362 = arith.addi %mul3A_0, %add3A_361 : i32
      %mul3A_363 = arith.constant 64 : i32
      %mul3A_364 = arith.muli %arg1, %mul3A_363 : i32
      %add3A_365 = arith.constant 31 : i32
      %add3A_366 = arith.addi %mul3A_364, %add3A_365 : i32
      %dma_start3A_367 = arith.constant 0 : i32
      %dma_start3A_368 = arith.constant 0 : i32
      %dma_start3A_369 = tpu.memref_slice %arg6[%dma_start3A_367, %add3A_366, %dma_start3A_368] : memref<2x1024x1024xf32, #tpu.memory_space<hbm>> -> memref<1x1x1024xf32, #tpu.memory_space<hbm>>
      %dma_start3A_370 = tpu.memref_squeeze %dma_start3A_369 : memref<1x1x1024xf32, #tpu.memory_space<hbm>> -> memref<1024xf32, #tpu.memory_space<hbm>>
      %dma_start3A_371 = tpu.memref_slice %arg12[%add3A_362] : memref<1049600xf32, #tpu.memory_space<vmem_shared>> -> memref<1024xf32, #tpu.memory_space<vmem_shared>>
      tpu.enqueue_dma source(%dma_start3A_371 : memref<1024xf32, #tpu.memory_space<vmem_shared>>) target(%dma_start3A_370 : memref<1024xf32, #tpu.memory_space<hbm>>) target_semaphore(%arg14 : memref<!tpu.dma_semaphore, #tpu.memory_space<semaphore_mem>>)
      %add3A_372 = arith.constant 32768 : i32
      %add3A_373 = arith.addi %mul3A_0, %add3A_372 : i32
      %mul3A_374 = arith.constant 64 : i32
      %mul3A_375 = arith.muli %arg1, %mul3A_374 : i32
      %add3A_376 = arith.constant 32 : i32
      %add3A_377 = arith.addi %mul3A_375, %add3A_376 : i32
      %dma_start3A_378 = arith.constant 0 : i32
      %dma_start3A_379 = arith.constant 0 : i32
      %dma_start3A_380 = tpu.memref_slice %arg6[%dma_start3A_378, %add3A_377, %dma_start3A_379] : memref<2x1024x1024xf32, #tpu.memory_space<hbm>> -> memref<1x1x1024xf32, #tpu.memory_space<hbm>>
      %dma_start3A_381 = tpu.memref_squeeze %dma_start3A_380 : memref<1x1x1024xf32, #tpu.memory_space<hbm>> -> memref<1024xf32, #tpu.memory_space<hbm>>
      %dma_start3A_382 = tpu.memref_slice %arg12[%add3A_373] : memref<1049600xf32, #tpu.memory_space<vmem_shared>> -> memref<1024xf32, #tpu.memory_space<vmem_shared>>
      tpu.enqueue_dma source(%dma_start3A_382 : memref<1024xf32, #tpu.memory_space<vmem_shared>>) target(%dma_start3A_381 : memref<1024xf32, #tpu.memory_space<hbm>>) target_semaphore(%arg14 : memref<!tpu.dma_semaphore, #tpu.memory_space<semaphore_mem>>)
      %add3A_383 = arith.constant 33792 : i32
      %add3A_384 = arith.addi %mul3A_0, %add3A_383 : i32
      %mul3A_385 = arith.constant 64 : i32
      %mul3A_386 = arith.muli %arg1, %mul3A_385 : i32
      %add3A_387 = arith.constant 33 : i32
      %add3A_388 = arith.addi %mul3A_386, %add3A_387 : i32
      %dma_start3A_389 = arith.constant 0 : i32
      %dma_start3A_390 = arith.constant 0 : i32
      %dma_start3A_391 = tpu.memref_slice %arg6[%dma_start3A_389, %add3A_388, %dma_start3A_390] : memref<2x1024x1024xf32, #tpu.memory_space<hbm>> -> memref<1x1x1024xf32, #tpu.memory_space<hbm>>
      %dma_start3A_392 = tpu.memref_squeeze %dma_start3A_391 : memref<1x1x1024xf32, #tpu.memory_space<hbm>> -> memref<1024xf32, #tpu.memory_space<hbm>>
      %dma_start3A_393 = tpu.memref_slice %arg12[%add3A_384] : memref<1049600xf32, #tpu.memory_space<vmem_shared>> -> memref<1024xf32, #tpu.memory_space<vmem_shared>>
      tpu.enqueue_dma source(%dma_start3A_393 : memref<1024xf32, #tpu.memory_space<vmem_shared>>) target(%dma_start3A_392 : memref<1024xf32, #tpu.memory_space<hbm>>) target_semaphore(%arg14 : memref<!tpu.dma_semaphore, #tpu.memory_space<semaphore_mem>>)
      %add3A_394 = arith.constant 34816 : i32
      %add3A_395 = arith.addi %mul3A_0, %add3A_394 : i32
      %mul3A_396 = arith.constant 64 : i32
      %mul3A_397 = arith.muli %arg1, %mul3A_396 : i32
      %add3A_398 = arith.constant 34 : i32
      %add3A_399 = arith.addi %mul3A_397, %add3A_398 : i32
      %dma_start3A_400 = arith.constant 0 : i32
      %dma_start3A_401 = arith.constant 0 : i32
      %dma_start3A_402 = tpu.memref_slice %arg6[%dma_start3A_400, %add3A_399, %dma_start3A_401] : memref<2x1024x1024xf32, #tpu.memory_space<hbm>> -> memref<1x1x1024xf32, #tpu.memory_space<hbm>>
      %dma_start3A_403 = tpu.memref_squeeze %dma_start3A_402 : memref<1x1x1024xf32, #tpu.memory_space<hbm>> -> memref<1024xf32, #tpu.memory_space<hbm>>
      %dma_start3A_404 = tpu.memref_slice %arg12[%add3A_395] : memref<1049600xf32, #tpu.memory_space<vmem_shared>> -> memref<1024xf32, #tpu.memory_space<vmem_shared>>
      tpu.enqueue_dma source(%dma_start3A_404 : memref<1024xf32, #tpu.memory_space<vmem_shared>>) target(%dma_start3A_403 : memref<1024xf32, #tpu.memory_space<hbm>>) target_semaphore(%arg14 : memref<!tpu.dma_semaphore, #tpu.memory_space<semaphore_mem>>)
      %add3A_405 = arith.constant 35840 : i32
      %add3A_406 = arith.addi %mul3A_0, %add3A_405 : i32
      %mul3A_407 = arith.constant 64 : i32
      %mul3A_408 = arith.muli %arg1, %mul3A_407 : i32
      %add3A_409 = arith.constant 35 : i32
      %add3A_410 = arith.addi %mul3A_408, %add3A_409 : i32
      %dma_start3A_411 = arith.constant 0 : i32
      %dma_start3A_412 = arith.constant 0 : i32
      %dma_start3A_413 = tpu.memref_slice %arg6[%dma_start3A_411, %add3A_410, %dma_start3A_412] : memref<2x1024x1024xf32, #tpu.memory_space<hbm>> -> memref<1x1x1024xf32, #tpu.memory_space<hbm>>
      %dma_start3A_414 = tpu.memref_squeeze %dma_start3A_413 : memref<1x1x1024xf32, #tpu.memory_space<hbm>> -> memref<1024xf32, #tpu.memory_space<hbm>>
      %dma_start3A_415 = tpu.memref_slice %arg12[%add3A_406] : memref<1049600xf32, #tpu.memory_space<vmem_shared>> -> memref<1024xf32, #tpu.memory_space<vmem_shared>>
      tpu.enqueue_dma source(%dma_start3A_415 : memref<1024xf32, #tpu.memory_space<vmem_shared>>) target(%dma_start3A_414 : memref<1024xf32, #tpu.memory_space<hbm>>) target_semaphore(%arg14 : memref<!tpu.dma_semaphore, #tpu.memory_space<semaphore_mem>>)
      %add3A_416 = arith.constant 36864 : i32
      %add3A_417 = arith.addi %mul3A_0, %add3A_416 : i32
      %mul3A_418 = arith.constant 64 : i32
      %mul3A_419 = arith.muli %arg1, %mul3A_418 : i32
      %add3A_420 = arith.constant 36 : i32
      %add3A_421 = arith.addi %mul3A_419, %add3A_420 : i32
      %dma_start3A_422 = arith.constant 0 : i32
      %dma_start3A_423 = arith.constant 0 : i32
      %dma_start3A_424 = tpu.memref_slice %arg6[%dma_start3A_422, %add3A_421, %dma_start3A_423] : memref<2x1024x1024xf32, #tpu.memory_space<hbm>> -> memref<1x1x1024xf32, #tpu.memory_space<hbm>>
      %dma_start3A_425 = tpu.memref_squeeze %dma_start3A_424 : memref<1x1x1024xf32, #tpu.memory_space<hbm>> -> memref<1024xf32, #tpu.memory_space<hbm>>
      %dma_start3A_426 = tpu.memref_slice %arg12[%add3A_417] : memref<1049600xf32, #tpu.memory_space<vmem_shared>> -> memref<1024xf32, #tpu.memory_space<vmem_shared>>
      tpu.enqueue_dma source(%dma_start3A_426 : memref<1024xf32, #tpu.memory_space<vmem_shared>>) target(%dma_start3A_425 : memref<1024xf32, #tpu.memory_space<hbm>>) target_semaphore(%arg14 : memref<!tpu.dma_semaphore, #tpu.memory_space<semaphore_mem>>)
      %add3A_427 = arith.constant 37888 : i32
      %add3A_428 = arith.addi %mul3A_0, %add3A_427 : i32
      %mul3A_429 = arith.constant 64 : i32
      %mul3A_430 = arith.muli %arg1, %mul3A_429 : i32
      %add3A_431 = arith.constant 37 : i32
      %add3A_432 = arith.addi %mul3A_430, %add3A_431 : i32
      %dma_start3A_433 = arith.constant 0 : i32
      %dma_start3A_434 = arith.constant 0 : i32
      %dma_start3A_435 = tpu.memref_slice %arg6[%dma_start3A_433, %add3A_432, %dma_start3A_434] : memref<2x1024x1024xf32, #tpu.memory_space<hbm>> -> memref<1x1x1024xf32, #tpu.memory_space<hbm>>
      %dma_start3A_436 = tpu.memref_squeeze %dma_start3A_435 : memref<1x1x1024xf32, #tpu.memory_space<hbm>> -> memref<1024xf32, #tpu.memory_space<hbm>>
      %dma_start3A_437 = tpu.memref_slice %arg12[%add3A_428] : memref<1049600xf32, #tpu.memory_space<vmem_shared>> -> memref<1024xf32, #tpu.memory_space<vmem_shared>>
      tpu.enqueue_dma source(%dma_start3A_437 : memref<1024xf32, #tpu.memory_space<vmem_shared>>) target(%dma_start3A_436 : memref<1024xf32, #tpu.memory_space<hbm>>) target_semaphore(%arg14 : memref<!tpu.dma_semaphore, #tpu.memory_space<semaphore_mem>>)
      %add3A_438 = arith.constant 38912 : i32
      %add3A_439 = arith.addi %mul3A_0, %add3A_438 : i32
      %mul3A_440 = arith.constant 64 : i32
      %mul3A_441 = arith.muli %arg1, %mul3A_440 : i32
      %add3A_442 = arith.constant 38 : i32
      %add3A_443 = arith.addi %mul3A_441, %add3A_442 : i32
      %dma_start3A_444 = arith.constant 0 : i32
      %dma_start3A_445 = arith.constant 0 : i32
      %dma_start3A_446 = tpu.memref_slice %arg6[%dma_start3A_444, %add3A_443, %dma_start3A_445] : memref<2x1024x1024xf32, #tpu.memory_space<hbm>> -> memref<1x1x1024xf32, #tpu.memory_space<hbm>>
      %dma_start3A_447 = tpu.memref_squeeze %dma_start3A_446 : memref<1x1x1024xf32, #tpu.memory_space<hbm>> -> memref<1024xf32, #tpu.memory_space<hbm>>
      %dma_start3A_448 = tpu.memref_slice %arg12[%add3A_439] : memref<1049600xf32, #tpu.memory_space<vmem_shared>> -> memref<1024xf32, #tpu.memory_space<vmem_shared>>
      tpu.enqueue_dma source(%dma_start3A_448 : memref<1024xf32, #tpu.memory_space<vmem_shared>>) target(%dma_start3A_447 : memref<1024xf32, #tpu.memory_space<hbm>>) target_semaphore(%arg14 : memref<!tpu.dma_semaphore, #tpu.memory_space<semaphore_mem>>)
      %add3A_449 = arith.constant 39936 : i32
      %add3A_450 = arith.addi %mul3A_0, %add3A_449 : i32
      %mul3A_451 = arith.constant 64 : i32
      %mul3A_452 = arith.muli %arg1, %mul3A_451 : i32
      %add3A_453 = arith.constant 39 : i32
      %add3A_454 = arith.addi %mul3A_452, %add3A_453 : i32
      %dma_start3A_455 = arith.constant 0 : i32
      %dma_start3A_456 = arith.constant 0 : i32
      %dma_start3A_457 = tpu.memref_slice %arg6[%dma_start3A_455, %add3A_454, %dma_start3A_456] : memref<2x1024x1024xf32, #tpu.memory_space<hbm>> -> memref<1x1x1024xf32, #tpu.memory_space<hbm>>
      %dma_start3A_458 = tpu.memref_squeeze %dma_start3A_457 : memref<1x1x1024xf32, #tpu.memory_space<hbm>> -> memref<1024xf32, #tpu.memory_space<hbm>>
      %dma_start3A_459 = tpu.memref_slice %arg12[%add3A_450] : memref<1049600xf32, #tpu.memory_space<vmem_shared>> -> memref<1024xf32, #tpu.memory_space<vmem_shared>>
      tpu.enqueue_dma source(%dma_start3A_459 : memref<1024xf32, #tpu.memory_space<vmem_shared>>) target(%dma_start3A_458 : memref<1024xf32, #tpu.memory_space<hbm>>) target_semaphore(%arg14 : memref<!tpu.dma_semaphore, #tpu.memory_space<semaphore_mem>>)
      %add3A_460 = arith.constant 40960 : i32
      %add3A_461 = arith.addi %mul3A_0, %add3A_460 : i32
      %mul3A_462 = arith.constant 64 : i32
      %mul3A_463 = arith.muli %arg1, %mul3A_462 : i32
      %add3A_464 = arith.constant 40 : i32
      %add3A_465 = arith.addi %mul3A_463, %add3A_464 : i32
      %dma_start3A_466 = arith.constant 0 : i32
      %dma_start3A_467 = arith.constant 0 : i32
      %dma_start3A_468 = tpu.memref_slice %arg6[%dma_start3A_466, %add3A_465, %dma_start3A_467] : memref<2x1024x1024xf32, #tpu.memory_space<hbm>> -> memref<1x1x1024xf32, #tpu.memory_space<hbm>>
      %dma_start3A_469 = tpu.memref_squeeze %dma_start3A_468 : memref<1x1x1024xf32, #tpu.memory_space<hbm>> -> memref<1024xf32, #tpu.memory_space<hbm>>
      %dma_start3A_470 = tpu.memref_slice %arg12[%add3A_461] : memref<1049600xf32, #tpu.memory_space<vmem_shared>> -> memref<1024xf32, #tpu.memory_space<vmem_shared>>
      tpu.enqueue_dma source(%dma_start3A_470 : memref<1024xf32, #tpu.memory_space<vmem_shared>>) target(%dma_start3A_469 : memref<1024xf32, #tpu.memory_space<hbm>>) target_semaphore(%arg14 : memref<!tpu.dma_semaphore, #tpu.memory_space<semaphore_mem>>)
      %add3A_471 = arith.constant 41984 : i32
      %add3A_472 = arith.addi %mul3A_0, %add3A_471 : i32
      %mul3A_473 = arith.constant 64 : i32
      %mul3A_474 = arith.muli %arg1, %mul3A_473 : i32
      %add3A_475 = arith.constant 41 : i32
      %add3A_476 = arith.addi %mul3A_474, %add3A_475 : i32
      %dma_start3A_477 = arith.constant 0 : i32
      %dma_start3A_478 = arith.constant 0 : i32
      %dma_start3A_479 = tpu.memref_slice %arg6[%dma_start3A_477, %add3A_476, %dma_start3A_478] : memref<2x1024x1024xf32, #tpu.memory_space<hbm>> -> memref<1x1x1024xf32, #tpu.memory_space<hbm>>
      %dma_start3A_480 = tpu.memref_squeeze %dma_start3A_479 : memref<1x1x1024xf32, #tpu.memory_space<hbm>> -> memref<1024xf32, #tpu.memory_space<hbm>>
      %dma_start3A_481 = tpu.memref_slice %arg12[%add3A_472] : memref<1049600xf32, #tpu.memory_space<vmem_shared>> -> memref<1024xf32, #tpu.memory_space<vmem_shared>>
      tpu.enqueue_dma source(%dma_start3A_481 : memref<1024xf32, #tpu.memory_space<vmem_shared>>) target(%dma_start3A_480 : memref<1024xf32, #tpu.memory_space<hbm>>) target_semaphore(%arg14 : memref<!tpu.dma_semaphore, #tpu.memory_space<semaphore_mem>>)
      %add3A_482 = arith.constant 43008 : i32
      %add3A_483 = arith.addi %mul3A_0, %add3A_482 : i32
      %mul3A_484 = arith.constant 64 : i32
      %mul3A_485 = arith.muli %arg1, %mul3A_484 : i32
      %add3A_486 = arith.constant 42 : i32
      %add3A_487 = arith.addi %mul3A_485, %add3A_486 : i32
      %dma_start3A_488 = arith.constant 0 : i32
      %dma_start3A_489 = arith.constant 0 : i32
      %dma_start3A_490 = tpu.memref_slice %arg6[%dma_start3A_488, %add3A_487, %dma_start3A_489] : memref<2x1024x1024xf32, #tpu.memory_space<hbm>> -> memref<1x1x1024xf32, #tpu.memory_space<hbm>>
      %dma_start3A_491 = tpu.memref_squeeze %dma_start3A_490 : memref<1x1x1024xf32, #tpu.memory_space<hbm>> -> memref<1024xf32, #tpu.memory_space<hbm>>
      %dma_start3A_492 = tpu.memref_slice %arg12[%add3A_483] : memref<1049600xf32, #tpu.memory_space<vmem_shared>> -> memref<1024xf32, #tpu.memory_space<vmem_shared>>
      tpu.enqueue_dma source(%dma_start3A_492 : memref<1024xf32, #tpu.memory_space<vmem_shared>>) target(%dma_start3A_491 : memref<1024xf32, #tpu.memory_space<hbm>>) target_semaphore(%arg14 : memref<!tpu.dma_semaphore, #tpu.memory_space<semaphore_mem>>)
      %add3A_493 = arith.constant 44032 : i32
      %add3A_494 = arith.addi %mul3A_0, %add3A_493 : i32
      %mul3A_495 = arith.constant 64 : i32
      %mul3A_496 = arith.muli %arg1, %mul3A_495 : i32
      %add3A_497 = arith.constant 43 : i32
      %add3A_498 = arith.addi %mul3A_496, %add3A_497 : i32
      %dma_start3A_499 = arith.constant 0 : i32
      %dma_start3A_500 = arith.constant 0 : i32
      %dma_start3A_501 = tpu.memref_slice %arg6[%dma_start3A_499, %add3A_498, %dma_start3A_500] : memref<2x1024x1024xf32, #tpu.memory_space<hbm>> -> memref<1x1x1024xf32, #tpu.memory_space<hbm>>
      %dma_start3A_502 = tpu.memref_squeeze %dma_start3A_501 : memref<1x1x1024xf32, #tpu.memory_space<hbm>> -> memref<1024xf32, #tpu.memory_space<hbm>>
      %dma_start3A_503 = tpu.memref_slice %arg12[%add3A_494] : memref<1049600xf32, #tpu.memory_space<vmem_shared>> -> memref<1024xf32, #tpu.memory_space<vmem_shared>>
      tpu.enqueue_dma source(%dma_start3A_503 : memref<1024xf32, #tpu.memory_space<vmem_shared>>) target(%dma_start3A_502 : memref<1024xf32, #tpu.memory_space<hbm>>) target_semaphore(%arg14 : memref<!tpu.dma_semaphore, #tpu.memory_space<semaphore_mem>>)
      %add3A_504 = arith.constant 45056 : i32
      %add3A_505 = arith.addi %mul3A_0, %add3A_504 : i32
      %mul3A_506 = arith.constant 64 : i32
      %mul3A_507 = arith.muli %arg1, %mul3A_506 : i32
      %add3A_508 = arith.constant 44 : i32
      %add3A_509 = arith.addi %mul3A_507, %add3A_508 : i32
      %dma_start3A_510 = arith.constant 0 : i32
      %dma_start3A_511 = arith.constant 0 : i32
      %dma_start3A_512 = tpu.memref_slice %arg6[%dma_start3A_510, %add3A_509, %dma_start3A_511] : memref<2x1024x1024xf32, #tpu.memory_space<hbm>> -> memref<1x1x1024xf32, #tpu.memory_space<hbm>>
      %dma_start3A_513 = tpu.memref_squeeze %dma_start3A_512 : memref<1x1x1024xf32, #tpu.memory_space<hbm>> -> memref<1024xf32, #tpu.memory_space<hbm>>
      %dma_start3A_514 = tpu.memref_slice %arg12[%add3A_505] : memref<1049600xf32, #tpu.memory_space<vmem_shared>> -> memref<1024xf32, #tpu.memory_space<vmem_shared>>
      tpu.enqueue_dma source(%dma_start3A_514 : memref<1024xf32, #tpu.memory_space<vmem_shared>>) target(%dma_start3A_513 : memref<1024xf32, #tpu.memory_space<hbm>>) target_semaphore(%arg14 : memref<!tpu.dma_semaphore, #tpu.memory_space<semaphore_mem>>)
      %add3A_515 = arith.constant 46080 : i32
      %add3A_516 = arith.addi %mul3A_0, %add3A_515 : i32
      %mul3A_517 = arith.constant 64 : i32
      %mul3A_518 = arith.muli %arg1, %mul3A_517 : i32
      %add3A_519 = arith.constant 45 : i32
      %add3A_520 = arith.addi %mul3A_518, %add3A_519 : i32
      %dma_start3A_521 = arith.constant 0 : i32
      %dma_start3A_522 = arith.constant 0 : i32
      %dma_start3A_523 = tpu.memref_slice %arg6[%dma_start3A_521, %add3A_520, %dma_start3A_522] : memref<2x1024x1024xf32, #tpu.memory_space<hbm>> -> memref<1x1x1024xf32, #tpu.memory_space<hbm>>
      %dma_start3A_524 = tpu.memref_squeeze %dma_start3A_523 : memref<1x1x1024xf32, #tpu.memory_space<hbm>> -> memref<1024xf32, #tpu.memory_space<hbm>>
      %dma_start3A_525 = tpu.memref_slice %arg12[%add3A_516] : memref<1049600xf32, #tpu.memory_space<vmem_shared>> -> memref<1024xf32, #tpu.memory_space<vmem_shared>>
      tpu.enqueue_dma source(%dma_start3A_525 : memref<1024xf32, #tpu.memory_space<vmem_shared>>) target(%dma_start3A_524 : memref<1024xf32, #tpu.memory_space<hbm>>) target_semaphore(%arg14 : memref<!tpu.dma_semaphore, #tpu.memory_space<semaphore_mem>>)
      %add3A_526 = arith.constant 47104 : i32
      %add3A_527 = arith.addi %mul3A_0, %add3A_526 : i32
      %mul3A_528 = arith.constant 64 : i32
      %mul3A_529 = arith.muli %arg1, %mul3A_528 : i32
      %add3A_530 = arith.constant 46 : i32
      %add3A_531 = arith.addi %mul3A_529, %add3A_530 : i32
      %dma_start3A_532 = arith.constant 0 : i32
      %dma_start3A_533 = arith.constant 0 : i32
      %dma_start3A_534 = tpu.memref_slice %arg6[%dma_start3A_532, %add3A_531, %dma_start3A_533] : memref<2x1024x1024xf32, #tpu.memory_space<hbm>> -> memref<1x1x1024xf32, #tpu.memory_space<hbm>>
      %dma_start3A_535 = tpu.memref_squeeze %dma_start3A_534 : memref<1x1x1024xf32, #tpu.memory_space<hbm>> -> memref<1024xf32, #tpu.memory_space<hbm>>
      %dma_start3A_536 = tpu.memref_slice %arg12[%add3A_527] : memref<1049600xf32, #tpu.memory_space<vmem_shared>> -> memref<1024xf32, #tpu.memory_space<vmem_shared>>
      tpu.enqueue_dma source(%dma_start3A_536 : memref<1024xf32, #tpu.memory_space<vmem_shared>>) target(%dma_start3A_535 : memref<1024xf32, #tpu.memory_space<hbm>>) target_semaphore(%arg14 : memref<!tpu.dma_semaphore, #tpu.memory_space<semaphore_mem>>)
      %add3A_537 = arith.constant 48128 : i32
      %add3A_538 = arith.addi %mul3A_0, %add3A_537 : i32
      %mul3A_539 = arith.constant 64 : i32
      %mul3A_540 = arith.muli %arg1, %mul3A_539 : i32
      %add3A_541 = arith.constant 47 : i32
      %add3A_542 = arith.addi %mul3A_540, %add3A_541 : i32
      %dma_start3A_543 = arith.constant 0 : i32
      %dma_start3A_544 = arith.constant 0 : i32
      %dma_start3A_545 = tpu.memref_slice %arg6[%dma_start3A_543, %add3A_542, %dma_start3A_544] : memref<2x1024x1024xf32, #tpu.memory_space<hbm>> -> memref<1x1x1024xf32, #tpu.memory_space<hbm>>
      %dma_start3A_546 = tpu.memref_squeeze %dma_start3A_545 : memref<1x1x1024xf32, #tpu.memory_space<hbm>> -> memref<1024xf32, #tpu.memory_space<hbm>>
      %dma_start3A_547 = tpu.memref_slice %arg12[%add3A_538] : memref<1049600xf32, #tpu.memory_space<vmem_shared>> -> memref<1024xf32, #tpu.memory_space<vmem_shared>>
      tpu.enqueue_dma source(%dma_start3A_547 : memref<1024xf32, #tpu.memory_space<vmem_shared>>) target(%dma_start3A_546 : memref<1024xf32, #tpu.memory_space<hbm>>) target_semaphore(%arg14 : memref<!tpu.dma_semaphore, #tpu.memory_space<semaphore_mem>>)
      %add3A_548 = arith.constant 49152 : i32
      %add3A_549 = arith.addi %mul3A_0, %add3A_548 : i32
      %mul3A_550 = arith.constant 64 : i32
      %mul3A_551 = arith.muli %arg1, %mul3A_550 : i32
      %add3A_552 = arith.constant 48 : i32
      %add3A_553 = arith.addi %mul3A_551, %add3A_552 : i32
      %dma_start3A_554 = arith.constant 0 : i32
      %dma_start3A_555 = arith.constant 0 : i32
      %dma_start3A_556 = tpu.memref_slice %arg6[%dma_start3A_554, %add3A_553, %dma_start3A_555] : memref<2x1024x1024xf32, #tpu.memory_space<hbm>> -> memref<1x1x1024xf32, #tpu.memory_space<hbm>>
      %dma_start3A_557 = tpu.memref_squeeze %dma_start3A_556 : memref<1x1x1024xf32, #tpu.memory_space<hbm>> -> memref<1024xf32, #tpu.memory_space<hbm>>
      %dma_start3A_558 = tpu.memref_slice %arg12[%add3A_549] : memref<1049600xf32, #tpu.memory_space<vmem_shared>> -> memref<1024xf32, #tpu.memory_space<vmem_shared>>
      tpu.enqueue_dma source(%dma_start3A_558 : memref<1024xf32, #tpu.memory_space<vmem_shared>>) target(%dma_start3A_557 : memref<1024xf32, #tpu.memory_space<hbm>>) target_semaphore(%arg14 : memref<!tpu.dma_semaphore, #tpu.memory_space<semaphore_mem>>)
      %add3A_559 = arith.constant 50176 : i32
      %add3A_560 = arith.addi %mul3A_0, %add3A_559 : i32
      %mul3A_561 = arith.constant 64 : i32
      %mul3A_562 = arith.muli %arg1, %mul3A_561 : i32
      %add3A_563 = arith.constant 49 : i32
      %add3A_564 = arith.addi %mul3A_562, %add3A_563 : i32
      %dma_start3A_565 = arith.constant 0 : i32
      %dma_start3A_566 = arith.constant 0 : i32
      %dma_start3A_567 = tpu.memref_slice %arg6[%dma_start3A_565, %add3A_564, %dma_start3A_566] : memref<2x1024x1024xf32, #tpu.memory_space<hbm>> -> memref<1x1x1024xf32, #tpu.memory_space<hbm>>
      %dma_start3A_568 = tpu.memref_squeeze %dma_start3A_567 : memref<1x1x1024xf32, #tpu.memory_space<hbm>> -> memref<1024xf32, #tpu.memory_space<hbm>>
      %dma_start3A_569 = tpu.memref_slice %arg12[%add3A_560] : memref<1049600xf32, #tpu.memory_space<vmem_shared>> -> memref<1024xf32, #tpu.memory_space<vmem_shared>>
      tpu.enqueue_dma source(%dma_start3A_569 : memref<1024xf32, #tpu.memory_space<vmem_shared>>) target(%dma_start3A_568 : memref<1024xf32, #tpu.memory_space<hbm>>) target_semaphore(%arg14 : memref<!tpu.dma_semaphore, #tpu.memory_space<semaphore_mem>>)
      %add3A_570 = arith.constant 51200 : i32
      %add3A_571 = arith.addi %mul3A_0, %add3A_570 : i32
      %mul3A_572 = arith.constant 64 : i32
      %mul3A_573 = arith.muli %arg1, %mul3A_572 : i32
      %add3A_574 = arith.constant 50 : i32
      %add3A_575 = arith.addi %mul3A_573, %add3A_574 : i32
      %dma_start3A_576 = arith.constant 0 : i32
      %dma_start3A_577 = arith.constant 0 : i32
      %dma_start3A_578 = tpu.memref_slice %arg6[%dma_start3A_576, %add3A_575, %dma_start3A_577] : memref<2x1024x1024xf32, #tpu.memory_space<hbm>> -> memref<1x1x1024xf32, #tpu.memory_space<hbm>>
      %dma_start3A_579 = tpu.memref_squeeze %dma_start3A_578 : memref<1x1x1024xf32, #tpu.memory_space<hbm>> -> memref<1024xf32, #tpu.memory_space<hbm>>
      %dma_start3A_580 = tpu.memref_slice %arg12[%add3A_571] : memref<1049600xf32, #tpu.memory_space<vmem_shared>> -> memref<1024xf32, #tpu.memory_space<vmem_shared>>
      tpu.enqueue_dma source(%dma_start3A_580 : memref<1024xf32, #tpu.memory_space<vmem_shared>>) target(%dma_start3A_579 : memref<1024xf32, #tpu.memory_space<hbm>>) target_semaphore(%arg14 : memref<!tpu.dma_semaphore, #tpu.memory_space<semaphore_mem>>)
      %add3A_581 = arith.constant 52224 : i32
      %add3A_582 = arith.addi %mul3A_0, %add3A_581 : i32
      %mul3A_583 = arith.constant 64 : i32
      %mul3A_584 = arith.muli %arg1, %mul3A_583 : i32
      %add3A_585 = arith.constant 51 : i32
      %add3A_586 = arith.addi %mul3A_584, %add3A_585 : i32
      %dma_start3A_587 = arith.constant 0 : i32
      %dma_start3A_588 = arith.constant 0 : i32
      %dma_start3A_589 = tpu.memref_slice %arg6[%dma_start3A_587, %add3A_586, %dma_start3A_588] : memref<2x1024x1024xf32, #tpu.memory_space<hbm>> -> memref<1x1x1024xf32, #tpu.memory_space<hbm>>
      %dma_start3A_590 = tpu.memref_squeeze %dma_start3A_589 : memref<1x1x1024xf32, #tpu.memory_space<hbm>> -> memref<1024xf32, #tpu.memory_space<hbm>>
      %dma_start3A_591 = tpu.memref_slice %arg12[%add3A_582] : memref<1049600xf32, #tpu.memory_space<vmem_shared>> -> memref<1024xf32, #tpu.memory_space<vmem_shared>>
      tpu.enqueue_dma source(%dma_start3A_591 : memref<1024xf32, #tpu.memory_space<vmem_shared>>) target(%dma_start3A_590 : memref<1024xf32, #tpu.memory_space<hbm>>) target_semaphore(%arg14 : memref<!tpu.dma_semaphore, #tpu.memory_space<semaphore_mem>>)
      %add3A_592 = arith.constant 53248 : i32
      %add3A_593 = arith.addi %mul3A_0, %add3A_592 : i32
      %mul3A_594 = arith.constant 64 : i32
      %mul3A_595 = arith.muli %arg1, %mul3A_594 : i32
      %add3A_596 = arith.constant 52 : i32
      %add3A_597 = arith.addi %mul3A_595, %add3A_596 : i32
      %dma_start3A_598 = arith.constant 0 : i32
      %dma_start3A_599 = arith.constant 0 : i32
      %dma_start3A_600 = tpu.memref_slice %arg6[%dma_start3A_598, %add3A_597, %dma_start3A_599] : memref<2x1024x1024xf32, #tpu.memory_space<hbm>> -> memref<1x1x1024xf32, #tpu.memory_space<hbm>>
      %dma_start3A_601 = tpu.memref_squeeze %dma_start3A_600 : memref<1x1x1024xf32, #tpu.memory_space<hbm>> -> memref<1024xf32, #tpu.memory_space<hbm>>
      %dma_start3A_602 = tpu.memref_slice %arg12[%add3A_593] : memref<1049600xf32, #tpu.memory_space<vmem_shared>> -> memref<1024xf32, #tpu.memory_space<vmem_shared>>
      tpu.enqueue_dma source(%dma_start3A_602 : memref<1024xf32, #tpu.memory_space<vmem_shared>>) target(%dma_start3A_601 : memref<1024xf32, #tpu.memory_space<hbm>>) target_semaphore(%arg14 : memref<!tpu.dma_semaphore, #tpu.memory_space<semaphore_mem>>)
      %add3A_603 = arith.constant 54272 : i32
      %add3A_604 = arith.addi %mul3A_0, %add3A_603 : i32
      %mul3A_605 = arith.constant 64 : i32
      %mul3A_606 = arith.muli %arg1, %mul3A_605 : i32
      %add3A_607 = arith.constant 53 : i32
      %add3A_608 = arith.addi %mul3A_606, %add3A_607 : i32
      %dma_start3A_609 = arith.constant 0 : i32
      %dma_start3A_610 = arith.constant 0 : i32
      %dma_start3A_611 = tpu.memref_slice %arg6[%dma_start3A_609, %add3A_608, %dma_start3A_610] : memref<2x1024x1024xf32, #tpu.memory_space<hbm>> -> memref<1x1x1024xf32, #tpu.memory_space<hbm>>
      %dma_start3A_612 = tpu.memref_squeeze %dma_start3A_611 : memref<1x1x1024xf32, #tpu.memory_space<hbm>> -> memref<1024xf32, #tpu.memory_space<hbm>>
      %dma_start3A_613 = tpu.memref_slice %arg12[%add3A_604] : memref<1049600xf32, #tpu.memory_space<vmem_shared>> -> memref<1024xf32, #tpu.memory_space<vmem_shared>>
      tpu.enqueue_dma source(%dma_start3A_613 : memref<1024xf32, #tpu.memory_space<vmem_shared>>) target(%dma_start3A_612 : memref<1024xf32, #tpu.memory_space<hbm>>) target_semaphore(%arg14 : memref<!tpu.dma_semaphore, #tpu.memory_space<semaphore_mem>>)
      %add3A_614 = arith.constant 55296 : i32
      %add3A_615 = arith.addi %mul3A_0, %add3A_614 : i32
      %mul3A_616 = arith.constant 64 : i32
      %mul3A_617 = arith.muli %arg1, %mul3A_616 : i32
      %add3A_618 = arith.constant 54 : i32
      %add3A_619 = arith.addi %mul3A_617, %add3A_618 : i32
      %dma_start3A_620 = arith.constant 0 : i32
      %dma_start3A_621 = arith.constant 0 : i32
      %dma_start3A_622 = tpu.memref_slice %arg6[%dma_start3A_620, %add3A_619, %dma_start3A_621] : memref<2x1024x1024xf32, #tpu.memory_space<hbm>> -> memref<1x1x1024xf32, #tpu.memory_space<hbm>>
      %dma_start3A_623 = tpu.memref_squeeze %dma_start3A_622 : memref<1x1x1024xf32, #tpu.memory_space<hbm>> -> memref<1024xf32, #tpu.memory_space<hbm>>
      %dma_start3A_624 = tpu.memref_slice %arg12[%add3A_615] : memref<1049600xf32, #tpu.memory_space<vmem_shared>> -> memref<1024xf32, #tpu.memory_space<vmem_shared>>
      tpu.enqueue_dma source(%dma_start3A_624 : memref<1024xf32, #tpu.memory_space<vmem_shared>>) target(%dma_start3A_623 : memref<1024xf32, #tpu.memory_space<hbm>>) target_semaphore(%arg14 : memref<!tpu.dma_semaphore, #tpu.memory_space<semaphore_mem>>)
      %add3A_625 = arith.constant 56320 : i32
      %add3A_626 = arith.addi %mul3A_0, %add3A_625 : i32
      %mul3A_627 = arith.constant 64 : i32
      %mul3A_628 = arith.muli %arg1, %mul3A_627 : i32
      %add3A_629 = arith.constant 55 : i32
      %add3A_630 = arith.addi %mul3A_628, %add3A_629 : i32
      %dma_start3A_631 = arith.constant 0 : i32
      %dma_start3A_632 = arith.constant 0 : i32
      %dma_start3A_633 = tpu.memref_slice %arg6[%dma_start3A_631, %add3A_630, %dma_start3A_632] : memref<2x1024x1024xf32, #tpu.memory_space<hbm>> -> memref<1x1x1024xf32, #tpu.memory_space<hbm>>
      %dma_start3A_634 = tpu.memref_squeeze %dma_start3A_633 : memref<1x1x1024xf32, #tpu.memory_space<hbm>> -> memref<1024xf32, #tpu.memory_space<hbm>>
      %dma_start3A_635 = tpu.memref_slice %arg12[%add3A_626] : memref<1049600xf32, #tpu.memory_space<vmem_shared>> -> memref<1024xf32, #tpu.memory_space<vmem_shared>>
      tpu.enqueue_dma source(%dma_start3A_635 : memref<1024xf32, #tpu.memory_space<vmem_shared>>) target(%dma_start3A_634 : memref<1024xf32, #tpu.memory_space<hbm>>) target_semaphore(%arg14 : memref<!tpu.dma_semaphore, #tpu.memory_space<semaphore_mem>>)
      %add3A_636 = arith.constant 57344 : i32
      %add3A_637 = arith.addi %mul3A_0, %add3A_636 : i32
      %mul3A_638 = arith.constant 64 : i32
      %mul3A_639 = arith.muli %arg1, %mul3A_638 : i32
      %add3A_640 = arith.constant 56 : i32
      %add3A_641 = arith.addi %mul3A_639, %add3A_640 : i32
      %dma_start3A_642 = arith.constant 0 : i32
      %dma_start3A_643 = arith.constant 0 : i32
      %dma_start3A_644 = tpu.memref_slice %arg6[%dma_start3A_642, %add3A_641, %dma_start3A_643] : memref<2x1024x1024xf32, #tpu.memory_space<hbm>> -> memref<1x1x1024xf32, #tpu.memory_space<hbm>>
      %dma_start3A_645 = tpu.memref_squeeze %dma_start3A_644 : memref<1x1x1024xf32, #tpu.memory_space<hbm>> -> memref<1024xf32, #tpu.memory_space<hbm>>
      %dma_start3A_646 = tpu.memref_slice %arg12[%add3A_637] : memref<1049600xf32, #tpu.memory_space<vmem_shared>> -> memref<1024xf32, #tpu.memory_space<vmem_shared>>
      tpu.enqueue_dma source(%dma_start3A_646 : memref<1024xf32, #tpu.memory_space<vmem_shared>>) target(%dma_start3A_645 : memref<1024xf32, #tpu.memory_space<hbm>>) target_semaphore(%arg14 : memref<!tpu.dma_semaphore, #tpu.memory_space<semaphore_mem>>)
      %add3A_647 = arith.constant 58368 : i32
      %add3A_648 = arith.addi %mul3A_0, %add3A_647 : i32
      %mul3A_649 = arith.constant 64 : i32
      %mul3A_650 = arith.muli %arg1, %mul3A_649 : i32
      %add3A_651 = arith.constant 57 : i32
      %add3A_652 = arith.addi %mul3A_650, %add3A_651 : i32
      %dma_start3A_653 = arith.constant 0 : i32
      %dma_start3A_654 = arith.constant 0 : i32
      %dma_start3A_655 = tpu.memref_slice %arg6[%dma_start3A_653, %add3A_652, %dma_start3A_654] : memref<2x1024x1024xf32, #tpu.memory_space<hbm>> -> memref<1x1x1024xf32, #tpu.memory_space<hbm>>
      %dma_start3A_656 = tpu.memref_squeeze %dma_start3A_655 : memref<1x1x1024xf32, #tpu.memory_space<hbm>> -> memref<1024xf32, #tpu.memory_space<hbm>>
      %dma_start3A_657 = tpu.memref_slice %arg12[%add3A_648] : memref<1049600xf32, #tpu.memory_space<vmem_shared>> -> memref<1024xf32, #tpu.memory_space<vmem_shared>>
      tpu.enqueue_dma source(%dma_start3A_657 : memref<1024xf32, #tpu.memory_space<vmem_shared>>) target(%dma_start3A_656 : memref<1024xf32, #tpu.memory_space<hbm>>) target_semaphore(%arg14 : memref<!tpu.dma_semaphore, #tpu.memory_space<semaphore_mem>>)
      %add3A_658 = arith.constant 59392 : i32
      %add3A_659 = arith.addi %mul3A_0, %add3A_658 : i32
      %mul3A_660 = arith.constant 64 : i32
      %mul3A_661 = arith.muli %arg1, %mul3A_660 : i32
      %add3A_662 = arith.constant 58 : i32
      %add3A_663 = arith.addi %mul3A_661, %add3A_662 : i32
      %dma_start3A_664 = arith.constant 0 : i32
      %dma_start3A_665 = arith.constant 0 : i32
      %dma_start3A_666 = tpu.memref_slice %arg6[%dma_start3A_664, %add3A_663, %dma_start3A_665] : memref<2x1024x1024xf32, #tpu.memory_space<hbm>> -> memref<1x1x1024xf32, #tpu.memory_space<hbm>>
      %dma_start3A_667 = tpu.memref_squeeze %dma_start3A_666 : memref<1x1x1024xf32, #tpu.memory_space<hbm>> -> memref<1024xf32, #tpu.memory_space<hbm>>
      %dma_start3A_668 = tpu.memref_slice %arg12[%add3A_659] : memref<1049600xf32, #tpu.memory_space<vmem_shared>> -> memref<1024xf32, #tpu.memory_space<vmem_shared>>
      tpu.enqueue_dma source(%dma_start3A_668 : memref<1024xf32, #tpu.memory_space<vmem_shared>>) target(%dma_start3A_667 : memref<1024xf32, #tpu.memory_space<hbm>>) target_semaphore(%arg14 : memref<!tpu.dma_semaphore, #tpu.memory_space<semaphore_mem>>)
      %add3A_669 = arith.constant 60416 : i32
      %add3A_670 = arith.addi %mul3A_0, %add3A_669 : i32
      %mul3A_671 = arith.constant 64 : i32
      %mul3A_672 = arith.muli %arg1, %mul3A_671 : i32
      %add3A_673 = arith.constant 59 : i32
      %add3A_674 = arith.addi %mul3A_672, %add3A_673 : i32
      %dma_start3A_675 = arith.constant 0 : i32
      %dma_start3A_676 = arith.constant 0 : i32
      %dma_start3A_677 = tpu.memref_slice %arg6[%dma_start3A_675, %add3A_674, %dma_start3A_676] : memref<2x1024x1024xf32, #tpu.memory_space<hbm>> -> memref<1x1x1024xf32, #tpu.memory_space<hbm>>
      %dma_start3A_678 = tpu.memref_squeeze %dma_start3A_677 : memref<1x1x1024xf32, #tpu.memory_space<hbm>> -> memref<1024xf32, #tpu.memory_space<hbm>>
      %dma_start3A_679 = tpu.memref_slice %arg12[%add3A_670] : memref<1049600xf32, #tpu.memory_space<vmem_shared>> -> memref<1024xf32, #tpu.memory_space<vmem_shared>>
      tpu.enqueue_dma source(%dma_start3A_679 : memref<1024xf32, #tpu.memory_space<vmem_shared>>) target(%dma_start3A_678 : memref<1024xf32, #tpu.memory_space<hbm>>) target_semaphore(%arg14 : memref<!tpu.dma_semaphore, #tpu.memory_space<semaphore_mem>>)
      %add3A_680 = arith.constant 61440 : i32
      %add3A_681 = arith.addi %mul3A_0, %add3A_680 : i32
      %mul3A_682 = arith.constant 64 : i32
      %mul3A_683 = arith.muli %arg1, %mul3A_682 : i32
      %add3A_684 = arith.constant 60 : i32
      %add3A_685 = arith.addi %mul3A_683, %add3A_684 : i32
      %dma_start3A_686 = arith.constant 0 : i32
      %dma_start3A_687 = arith.constant 0 : i32
      %dma_start3A_688 = tpu.memref_slice %arg6[%dma_start3A_686, %add3A_685, %dma_start3A_687] : memref<2x1024x1024xf32, #tpu.memory_space<hbm>> -> memref<1x1x1024xf32, #tpu.memory_space<hbm>>
      %dma_start3A_689 = tpu.memref_squeeze %dma_start3A_688 : memref<1x1x1024xf32, #tpu.memory_space<hbm>> -> memref<1024xf32, #tpu.memory_space<hbm>>
      %dma_start3A_690 = tpu.memref_slice %arg12[%add3A_681] : memref<1049600xf32, #tpu.memory_space<vmem_shared>> -> memref<1024xf32, #tpu.memory_space<vmem_shared>>
      tpu.enqueue_dma source(%dma_start3A_690 : memref<1024xf32, #tpu.memory_space<vmem_shared>>) target(%dma_start3A_689 : memref<1024xf32, #tpu.memory_space<hbm>>) target_semaphore(%arg14 : memref<!tpu.dma_semaphore, #tpu.memory_space<semaphore_mem>>)
      %add3A_691 = arith.constant 62464 : i32
      %add3A_692 = arith.addi %mul3A_0, %add3A_691 : i32
      %mul3A_693 = arith.constant 64 : i32
      %mul3A_694 = arith.muli %arg1, %mul3A_693 : i32
      %add3A_695 = arith.constant 61 : i32
      %add3A_696 = arith.addi %mul3A_694, %add3A_695 : i32
      %dma_start3A_697 = arith.constant 0 : i32
      %dma_start3A_698 = arith.constant 0 : i32
      %dma_start3A_699 = tpu.memref_slice %arg6[%dma_start3A_697, %add3A_696, %dma_start3A_698] : memref<2x1024x1024xf32, #tpu.memory_space<hbm>> -> memref<1x1x1024xf32, #tpu.memory_space<hbm>>
      %dma_start3A_700 = tpu.memref_squeeze %dma_start3A_699 : memref<1x1x1024xf32, #tpu.memory_space<hbm>> -> memref<1024xf32, #tpu.memory_space<hbm>>
      %dma_start3A_701 = tpu.memref_slice %arg12[%add3A_692] : memref<1049600xf32, #tpu.memory_space<vmem_shared>> -> memref<1024xf32, #tpu.memory_space<vmem_shared>>
      tpu.enqueue_dma source(%dma_start3A_701 : memref<1024xf32, #tpu.memory_space<vmem_shared>>) target(%dma_start3A_700 : memref<1024xf32, #tpu.memory_space<hbm>>) target_semaphore(%arg14 : memref<!tpu.dma_semaphore, #tpu.memory_space<semaphore_mem>>)
      %add3A_702 = arith.constant 63488 : i32
      %add3A_703 = arith.addi %mul3A_0, %add3A_702 : i32
      %mul3A_704 = arith.constant 64 : i32
      %mul3A_705 = arith.muli %arg1, %mul3A_704 : i32
      %add3A_706 = arith.constant 62 : i32
      %add3A_707 = arith.addi %mul3A_705, %add3A_706 : i32
      %dma_start3A_708 = arith.constant 0 : i32
      %dma_start3A_709 = arith.constant 0 : i32
      %dma_start3A_710 = tpu.memref_slice %arg6[%dma_start3A_708, %add3A_707, %dma_start3A_709] : memref<2x1024x1024xf32, #tpu.memory_space<hbm>> -> memref<1x1x1024xf32, #tpu.memory_space<hbm>>
      %dma_start3A_711 = tpu.memref_squeeze %dma_start3A_710 : memref<1x1x1024xf32, #tpu.memory_space<hbm>> -> memref<1024xf32, #tpu.memory_space<hbm>>
      %dma_start3A_712 = tpu.memref_slice %arg12[%add3A_703] : memref<1049600xf32, #tpu.memory_space<vmem_shared>> -> memref<1024xf32, #tpu.memory_space<vmem_shared>>
      tpu.enqueue_dma source(%dma_start3A_712 : memref<1024xf32, #tpu.memory_space<vmem_shared>>) target(%dma_start3A_711 : memref<1024xf32, #tpu.memory_space<hbm>>) target_semaphore(%arg14 : memref<!tpu.dma_semaphore, #tpu.memory_space<semaphore_mem>>)
      %add3A_713 = arith.constant 64512 : i32
      %add3A_714 = arith.addi %mul3A_0, %add3A_713 : i32
      %mul3A_715 = arith.constant 64 : i32
      %mul3A_716 = arith.muli %arg1, %mul3A_715 : i32
      %add3A_717 = arith.constant 63 : i32
      %add3A_718 = arith.addi %mul3A_716, %add3A_717 : i32
      %dma_start3A_719 = arith.constant 0 : i32
      %dma_start3A_720 = arith.constant 0 : i32
      %dma_start3A_721 = tpu.memref_slice %arg6[%dma_start3A_719, %add3A_718, %dma_start3A_720] : memref<2x1024x1024xf32, #tpu.memory_space<hbm>> -> memref<1x1x1024xf32, #tpu.memory_space<hbm>>
      %dma_start3A_722 = tpu.memref_squeeze %dma_start3A_721 : memref<1x1x1024xf32, #tpu.memory_space<hbm>> -> memref<1024xf32, #tpu.memory_space<hbm>>
      %dma_start3A_723 = tpu.memref_slice %arg12[%add3A_714] : memref<1049600xf32, #tpu.memory_space<vmem_shared>> -> memref<1024xf32, #tpu.memory_space<vmem_shared>>
      tpu.enqueue_dma source(%dma_start3A_723 : memref<1024xf32, #tpu.memory_space<vmem_shared>>) target(%dma_start3A_722 : memref<1024xf32, #tpu.memory_space<hbm>>) target_semaphore(%arg14 : memref<!tpu.dma_semaphore, #tpu.memory_space<semaphore_mem>>)
      %dma_wait3A_724 = arith.constant 0 : i32
      %dma_wait3A_725 = arith.constant 0 : i32
      %dma_wait3A_726 = tpu.memref_slice %arg6[%dma_wait3A_724, %add3A_25, %dma_wait3A_725] : memref<2x1024x1024xf32, #tpu.memory_space<hbm>> -> memref<1x1x1024xf32, #tpu.memory_space<hbm>>
      %dma_wait3A_727 = tpu.memref_squeeze %dma_wait3A_726 : memref<1x1x1024xf32, #tpu.memory_space<hbm>> -> memref<1024xf32, #tpu.memory_space<hbm>>
      %dma_wait3A_728 = tpu.memref_slice %arg12[%add3A_21] : memref<1049600xf32, #tpu.memory_space<vmem_shared>> -> memref<1024xf32, #tpu.memory_space<vmem_shared>>
      tpu.wait_dma2 semaphore(%arg14 : memref<!tpu.dma_semaphore, #tpu.memory_space<semaphore_mem>>) src(%dma_wait3A_728 : memref<1024xf32, #tpu.memory_space<vmem_shared>>) dst(%dma_wait3A_727 : memref<1024xf32, #tpu.memory_space<hbm>>)
      %dma_wait3A_729 = arith.constant 0 : i32
      %dma_wait3A_730 = arith.constant 0 : i32
      %dma_wait3A_731 = tpu.memref_slice %arg6[%dma_wait3A_729, %add3A_36, %dma_wait3A_730] : memref<2x1024x1024xf32, #tpu.memory_space<hbm>> -> memref<1x1x1024xf32, #tpu.memory_space<hbm>>
      %dma_wait3A_732 = tpu.memref_squeeze %dma_wait3A_731 : memref<1x1x1024xf32, #tpu.memory_space<hbm>> -> memref<1024xf32, #tpu.memory_space<hbm>>
      %dma_wait3A_733 = tpu.memref_slice %arg12[%add3A_32] : memref<1049600xf32, #tpu.memory_space<vmem_shared>> -> memref<1024xf32, #tpu.memory_space<vmem_shared>>
      tpu.wait_dma2 semaphore(%arg14 : memref<!tpu.dma_semaphore, #tpu.memory_space<semaphore_mem>>) src(%dma_wait3A_733 : memref<1024xf32, #tpu.memory_space<vmem_shared>>) dst(%dma_wait3A_732 : memref<1024xf32, #tpu.memory_space<hbm>>)
      %dma_wait3A_734 = arith.constant 0 : i32
      %dma_wait3A_735 = arith.constant 0 : i32
      %dma_wait3A_736 = tpu.memref_slice %arg6[%dma_wait3A_734, %add3A_47, %dma_wait3A_735] : memref<2x1024x1024xf32, #tpu.memory_space<hbm>> -> memref<1x1x1024xf32, #tpu.memory_space<hbm>>
      %dma_wait3A_737 = tpu.memref_squeeze %dma_wait3A_736 : memref<1x1x1024xf32, #tpu.memory_space<hbm>> -> memref<1024xf32, #tpu.memory_space<hbm>>
      %dma_wait3A_738 = tpu.memref_slice %arg12[%add3A_43] : memref<1049600xf32, #tpu.memory_space<vmem_shared>> -> memref<1024xf32, #tpu.memory_space<vmem_shared>>
      tpu.wait_dma2 semaphore(%arg14 : memref<!tpu.dma_semaphore, #tpu.memory_space<semaphore_mem>>) src(%dma_wait3A_738 : memref<1024xf32, #tpu.memory_space<vmem_shared>>) dst(%dma_wait3A_737 : memref<1024xf32, #tpu.memory_space<hbm>>)
      %dma_wait3A_739 = arith.constant 0 : i32
      %dma_wait3A_740 = arith.constant 0 : i32
      %dma_wait3A_741 = tpu.memref_slice %arg6[%dma_wait3A_739, %add3A_58, %dma_wait3A_740] : memref<2x1024x1024xf32, #tpu.memory_space<hbm>> -> memref<1x1x1024xf32, #tpu.memory_space<hbm>>
      %dma_wait3A_742 = tpu.memref_squeeze %dma_wait3A_741 : memref<1x1x1024xf32, #tpu.memory_space<hbm>> -> memref<1024xf32, #tpu.memory_space<hbm>>
      %dma_wait3A_743 = tpu.memref_slice %arg12[%add3A_54] : memref<1049600xf32, #tpu.memory_space<vmem_shared>> -> memref<1024xf32, #tpu.memory_space<vmem_shared>>
      tpu.wait_dma2 semaphore(%arg14 : memref<!tpu.dma_semaphore, #tpu.memory_space<semaphore_mem>>) src(%dma_wait3A_743 : memref<1024xf32, #tpu.memory_space<vmem_shared>>) dst(%dma_wait3A_742 : memref<1024xf32, #tpu.memory_space<hbm>>)
      %dma_wait3A_744 = arith.constant 0 : i32
      %dma_wait3A_745 = arith.constant 0 : i32
      %dma_wait3A_746 = tpu.memref_slice %arg6[%dma_wait3A_744, %add3A_69, %dma_wait3A_745] : memref<2x1024x1024xf32, #tpu.memory_space<hbm>> -> memref<1x1x1024xf32, #tpu.memory_space<hbm>>
      %dma_wait3A_747 = tpu.memref_squeeze %dma_wait3A_746 : memref<1x1x1024xf32, #tpu.memory_space<hbm>> -> memref<1024xf32, #tpu.memory_space<hbm>>
      %dma_wait3A_748 = tpu.memref_slice %arg12[%add3A_65] : memref<1049600xf32, #tpu.memory_space<vmem_shared>> -> memref<1024xf32, #tpu.memory_space<vmem_shared>>
      tpu.wait_dma2 semaphore(%arg14 : memref<!tpu.dma_semaphore, #tpu.memory_space<semaphore_mem>>) src(%dma_wait3A_748 : memref<1024xf32, #tpu.memory_space<vmem_shared>>) dst(%dma_wait3A_747 : memref<1024xf32, #tpu.memory_space<hbm>>)
      %dma_wait3A_749 = arith.constant 0 : i32
      %dma_wait3A_750 = arith.constant 0 : i32
      %dma_wait3A_751 = tpu.memref_slice %arg6[%dma_wait3A_749, %add3A_80, %dma_wait3A_750] : memref<2x1024x1024xf32, #tpu.memory_space<hbm>> -> memref<1x1x1024xf32, #tpu.memory_space<hbm>>
      %dma_wait3A_752 = tpu.memref_squeeze %dma_wait3A_751 : memref<1x1x1024xf32, #tpu.memory_space<hbm>> -> memref<1024xf32, #tpu.memory_space<hbm>>
      %dma_wait3A_753 = tpu.memref_slice %arg12[%add3A_76] : memref<1049600xf32, #tpu.memory_space<vmem_shared>> -> memref<1024xf32, #tpu.memory_space<vmem_shared>>
      tpu.wait_dma2 semaphore(%arg14 : memref<!tpu.dma_semaphore, #tpu.memory_space<semaphore_mem>>) src(%dma_wait3A_753 : memref<1024xf32, #tpu.memory_space<vmem_shared>>) dst(%dma_wait3A_752 : memref<1024xf32, #tpu.memory_space<hbm>>)
      %dma_wait3A_754 = arith.constant 0 : i32
      %dma_wait3A_755 = arith.constant 0 : i32
      %dma_wait3A_756 = tpu.memref_slice %arg6[%dma_wait3A_754, %add3A_91, %dma_wait3A_755] : memref<2x1024x1024xf32, #tpu.memory_space<hbm>> -> memref<1x1x1024xf32, #tpu.memory_space<hbm>>
      %dma_wait3A_757 = tpu.memref_squeeze %dma_wait3A_756 : memref<1x1x1024xf32, #tpu.memory_space<hbm>> -> memref<1024xf32, #tpu.memory_space<hbm>>
      %dma_wait3A_758 = tpu.memref_slice %arg12[%add3A_87] : memref<1049600xf32, #tpu.memory_space<vmem_shared>> -> memref<1024xf32, #tpu.memory_space<vmem_shared>>
      tpu.wait_dma2 semaphore(%arg14 : memref<!tpu.dma_semaphore, #tpu.memory_space<semaphore_mem>>) src(%dma_wait3A_758 : memref<1024xf32, #tpu.memory_space<vmem_shared>>) dst(%dma_wait3A_757 : memref<1024xf32, #tpu.memory_space<hbm>>)
      %dma_wait3A_759 = arith.constant 0 : i32
      %dma_wait3A_760 = arith.constant 0 : i32
      %dma_wait3A_761 = tpu.memref_slice %arg6[%dma_wait3A_759, %add3A_102, %dma_wait3A_760] : memref<2x1024x1024xf32, #tpu.memory_space<hbm>> -> memref<1x1x1024xf32, #tpu.memory_space<hbm>>
      %dma_wait3A_762 = tpu.memref_squeeze %dma_wait3A_761 : memref<1x1x1024xf32, #tpu.memory_space<hbm>> -> memref<1024xf32, #tpu.memory_space<hbm>>
      %dma_wait3A_763 = tpu.memref_slice %arg12[%add3A_98] : memref<1049600xf32, #tpu.memory_space<vmem_shared>> -> memref<1024xf32, #tpu.memory_space<vmem_shared>>
      tpu.wait_dma2 semaphore(%arg14 : memref<!tpu.dma_semaphore, #tpu.memory_space<semaphore_mem>>) src(%dma_wait3A_763 : memref<1024xf32, #tpu.memory_space<vmem_shared>>) dst(%dma_wait3A_762 : memref<1024xf32, #tpu.memory_space<hbm>>)
      %dma_wait3A_764 = arith.constant 0 : i32
      %dma_wait3A_765 = arith.constant 0 : i32
      %dma_wait3A_766 = tpu.memref_slice %arg6[%dma_wait3A_764, %add3A_113, %dma_wait3A_765] : memref<2x1024x1024xf32, #tpu.memory_space<hbm>> -> memref<1x1x1024xf32, #tpu.memory_space<hbm>>
      %dma_wait3A_767 = tpu.memref_squeeze %dma_wait3A_766 : memref<1x1x1024xf32, #tpu.memory_space<hbm>> -> memref<1024xf32, #tpu.memory_space<hbm>>
      %dma_wait3A_768 = tpu.memref_slice %arg12[%add3A_109] : memref<1049600xf32, #tpu.memory_space<vmem_shared>> -> memref<1024xf32, #tpu.memory_space<vmem_shared>>
      tpu.wait_dma2 semaphore(%arg14 : memref<!tpu.dma_semaphore, #tpu.memory_space<semaphore_mem>>) src(%dma_wait3A_768 : memref<1024xf32, #tpu.memory_space<vmem_shared>>) dst(%dma_wait3A_767 : memref<1024xf32, #tpu.memory_space<hbm>>)
      %dma_wait3A_769 = arith.constant 0 : i32
      %dma_wait3A_770 = arith.constant 0 : i32
      %dma_wait3A_771 = tpu.memref_slice %arg6[%dma_wait3A_769, %add3A_124, %dma_wait3A_770] : memref<2x1024x1024xf32, #tpu.memory_space<hbm>> -> memref<1x1x1024xf32, #tpu.memory_space<hbm>>
      %dma_wait3A_772 = tpu.memref_squeeze %dma_wait3A_771 : memref<1x1x1024xf32, #tpu.memory_space<hbm>> -> memref<1024xf32, #tpu.memory_space<hbm>>
      %dma_wait3A_773 = tpu.memref_slice %arg12[%add3A_120] : memref<1049600xf32, #tpu.memory_space<vmem_shared>> -> memref<1024xf32, #tpu.memory_space<vmem_shared>>
      tpu.wait_dma2 semaphore(%arg14 : memref<!tpu.dma_semaphore, #tpu.memory_space<semaphore_mem>>) src(%dma_wait3A_773 : memref<1024xf32, #tpu.memory_space<vmem_shared>>) dst(%dma_wait3A_772 : memref<1024xf32, #tpu.memory_space<hbm>>)
      %dma_wait3A_774 = arith.constant 0 : i32
      %dma_wait3A_775 = arith.constant 0 : i32
      %dma_wait3A_776 = tpu.memref_slice %arg6[%dma_wait3A_774, %add3A_135, %dma_wait3A_775] : memref<2x1024x1024xf32, #tpu.memory_space<hbm>> -> memref<1x1x1024xf32, #tpu.memory_space<hbm>>
      %dma_wait3A_777 = tpu.memref_squeeze %dma_wait3A_776 : memref<1x1x1024xf32, #tpu.memory_space<hbm>> -> memref<1024xf32, #tpu.memory_space<hbm>>
      %dma_wait3A_778 = tpu.memref_slice %arg12[%add3A_131] : memref<1049600xf32, #tpu.memory_space<vmem_shared>> -> memref<1024xf32, #tpu.memory_space<vmem_shared>>
      tpu.wait_dma2 semaphore(%arg14 : memref<!tpu.dma_semaphore, #tpu.memory_space<semaphore_mem>>) src(%dma_wait3A_778 : memref<1024xf32, #tpu.memory_space<vmem_shared>>) dst(%dma_wait3A_777 : memref<1024xf32, #tpu.memory_space<hbm>>)
      %dma_wait3A_779 = arith.constant 0 : i32
      %dma_wait3A_780 = arith.constant 0 : i32
      %dma_wait3A_781 = tpu.memref_slice %arg6[%dma_wait3A_779, %add3A_146, %dma_wait3A_780] : memref<2x1024x1024xf32, #tpu.memory_space<hbm>> -> memref<1x1x1024xf32, #tpu.memory_space<hbm>>
      %dma_wait3A_782 = tpu.memref_squeeze %dma_wait3A_781 : memref<1x1x1024xf32, #tpu.memory_space<hbm>> -> memref<1024xf32, #tpu.memory_space<hbm>>
      %dma_wait3A_783 = tpu.memref_slice %arg12[%add3A_142] : memref<1049600xf32, #tpu.memory_space<vmem_shared>> -> memref<1024xf32, #tpu.memory_space<vmem_shared>>
      tpu.wait_dma2 semaphore(%arg14 : memref<!tpu.dma_semaphore, #tpu.memory_space<semaphore_mem>>) src(%dma_wait3A_783 : memref<1024xf32, #tpu.memory_space<vmem_shared>>) dst(%dma_wait3A_782 : memref<1024xf32, #tpu.memory_space<hbm>>)
      %dma_wait3A_784 = arith.constant 0 : i32
      %dma_wait3A_785 = arith.constant 0 : i32
      %dma_wait3A_786 = tpu.memref_slice %arg6[%dma_wait3A_784, %add3A_157, %dma_wait3A_785] : memref<2x1024x1024xf32, #tpu.memory_space<hbm>> -> memref<1x1x1024xf32, #tpu.memory_space<hbm>>
      %dma_wait3A_787 = tpu.memref_squeeze %dma_wait3A_786 : memref<1x1x1024xf32, #tpu.memory_space<hbm>> -> memref<1024xf32, #tpu.memory_space<hbm>>
      %dma_wait3A_788 = tpu.memref_slice %arg12[%add3A_153] : memref<1049600xf32, #tpu.memory_space<vmem_shared>> -> memref<1024xf32, #tpu.memory_space<vmem_shared>>
      tpu.wait_dma2 semaphore(%arg14 : memref<!tpu.dma_semaphore, #tpu.memory_space<semaphore_mem>>) src(%dma_wait3A_788 : memref<1024xf32, #tpu.memory_space<vmem_shared>>) dst(%dma_wait3A_787 : memref<1024xf32, #tpu.memory_space<hbm>>)
      %dma_wait3A_789 = arith.constant 0 : i32
      %dma_wait3A_790 = arith.constant 0 : i32
      %dma_wait3A_791 = tpu.memref_slice %arg6[%dma_wait3A_789, %add3A_168, %dma_wait3A_790] : memref<2x1024x1024xf32, #tpu.memory_space<hbm>> -> memref<1x1x1024xf32, #tpu.memory_space<hbm>>
      %dma_wait3A_792 = tpu.memref_squeeze %dma_wait3A_791 : memref<1x1x1024xf32, #tpu.memory_space<hbm>> -> memref<1024xf32, #tpu.memory_space<hbm>>
      %dma_wait3A_793 = tpu.memref_slice %arg12[%add3A_164] : memref<1049600xf32, #tpu.memory_space<vmem_shared>> -> memref<1024xf32, #tpu.memory_space<vmem_shared>>
      tpu.wait_dma2 semaphore(%arg14 : memref<!tpu.dma_semaphore, #tpu.memory_space<semaphore_mem>>) src(%dma_wait3A_793 : memref<1024xf32, #tpu.memory_space<vmem_shared>>) dst(%dma_wait3A_792 : memref<1024xf32, #tpu.memory_space<hbm>>)
      %dma_wait3A_794 = arith.constant 0 : i32
      %dma_wait3A_795 = arith.constant 0 : i32
      %dma_wait3A_796 = tpu.memref_slice %arg6[%dma_wait3A_794, %add3A_179, %dma_wait3A_795] : memref<2x1024x1024xf32, #tpu.memory_space<hbm>> -> memref<1x1x1024xf32, #tpu.memory_space<hbm>>
      %dma_wait3A_797 = tpu.memref_squeeze %dma_wait3A_796 : memref<1x1x1024xf32, #tpu.memory_space<hbm>> -> memref<1024xf32, #tpu.memory_space<hbm>>
      %dma_wait3A_798 = tpu.memref_slice %arg12[%add3A_175] : memref<1049600xf32, #tpu.memory_space<vmem_shared>> -> memref<1024xf32, #tpu.memory_space<vmem_shared>>
      tpu.wait_dma2 semaphore(%arg14 : memref<!tpu.dma_semaphore, #tpu.memory_space<semaphore_mem>>) src(%dma_wait3A_798 : memref<1024xf32, #tpu.memory_space<vmem_shared>>) dst(%dma_wait3A_797 : memref<1024xf32, #tpu.memory_space<hbm>>)
      %dma_wait3A_799 = arith.constant 0 : i32
      %dma_wait3A_800 = arith.constant 0 : i32
      %dma_wait3A_801 = tpu.memref_slice %arg6[%dma_wait3A_799, %add3A_190, %dma_wait3A_800] : memref<2x1024x1024xf32, #tpu.memory_space<hbm>> -> memref<1x1x1024xf32, #tpu.memory_space<hbm>>
      %dma_wait3A_802 = tpu.memref_squeeze %dma_wait3A_801 : memref<1x1x1024xf32, #tpu.memory_space<hbm>> -> memref<1024xf32, #tpu.memory_space<hbm>>
      %dma_wait3A_803 = tpu.memref_slice %arg12[%add3A_186] : memref<1049600xf32, #tpu.memory_space<vmem_shared>> -> memref<1024xf32, #tpu.memory_space<vmem_shared>>
      tpu.wait_dma2 semaphore(%arg14 : memref<!tpu.dma_semaphore, #tpu.memory_space<semaphore_mem>>) src(%dma_wait3A_803 : memref<1024xf32, #tpu.memory_space<vmem_shared>>) dst(%dma_wait3A_802 : memref<1024xf32, #tpu.memory_space<hbm>>)
      %dma_wait3A_804 = arith.constant 0 : i32
      %dma_wait3A_805 = arith.constant 0 : i32
      %dma_wait3A_806 = tpu.memref_slice %arg6[%dma_wait3A_804, %add3A_201, %dma_wait3A_805] : memref<2x1024x1024xf32, #tpu.memory_space<hbm>> -> memref<1x1x1024xf32, #tpu.memory_space<hbm>>
      %dma_wait3A_807 = tpu.memref_squeeze %dma_wait3A_806 : memref<1x1x1024xf32, #tpu.memory_space<hbm>> -> memref<1024xf32, #tpu.memory_space<hbm>>
      %dma_wait3A_808 = tpu.memref_slice %arg12[%add3A_197] : memref<1049600xf32, #tpu.memory_space<vmem_shared>> -> memref<1024xf32, #tpu.memory_space<vmem_shared>>
      tpu.wait_dma2 semaphore(%arg14 : memref<!tpu.dma_semaphore, #tpu.memory_space<semaphore_mem>>) src(%dma_wait3A_808 : memref<1024xf32, #tpu.memory_space<vmem_shared>>) dst(%dma_wait3A_807 : memref<1024xf32, #tpu.memory_space<hbm>>)
      %dma_wait3A_809 = arith.constant 0 : i32
      %dma_wait3A_810 = arith.constant 0 : i32
      %dma_wait3A_811 = tpu.memref_slice %arg6[%dma_wait3A_809, %add3A_212, %dma_wait3A_810] : memref<2x1024x1024xf32, #tpu.memory_space<hbm>> -> memref<1x1x1024xf32, #tpu.memory_space<hbm>>
      %dma_wait3A_812 = tpu.memref_squeeze %dma_wait3A_811 : memref<1x1x1024xf32, #tpu.memory_space<hbm>> -> memref<1024xf32, #tpu.memory_space<hbm>>
      %dma_wait3A_813 = tpu.memref_slice %arg12[%add3A_208] : memref<1049600xf32, #tpu.memory_space<vmem_shared>> -> memref<1024xf32, #tpu.memory_space<vmem_shared>>
      tpu.wait_dma2 semaphore(%arg14 : memref<!tpu.dma_semaphore, #tpu.memory_space<semaphore_mem>>) src(%dma_wait3A_813 : memref<1024xf32, #tpu.memory_space<vmem_shared>>) dst(%dma_wait3A_812 : memref<1024xf32, #tpu.memory_space<hbm>>)
      %dma_wait3A_814 = arith.constant 0 : i32
      %dma_wait3A_815 = arith.constant 0 : i32
      %dma_wait3A_816 = tpu.memref_slice %arg6[%dma_wait3A_814, %add3A_223, %dma_wait3A_815] : memref<2x1024x1024xf32, #tpu.memory_space<hbm>> -> memref<1x1x1024xf32, #tpu.memory_space<hbm>>
      %dma_wait3A_817 = tpu.memref_squeeze %dma_wait3A_816 : memref<1x1x1024xf32, #tpu.memory_space<hbm>> -> memref<1024xf32, #tpu.memory_space<hbm>>
      %dma_wait3A_818 = tpu.memref_slice %arg12[%add3A_219] : memref<1049600xf32, #tpu.memory_space<vmem_shared>> -> memref<1024xf32, #tpu.memory_space<vmem_shared>>
      tpu.wait_dma2 semaphore(%arg14 : memref<!tpu.dma_semaphore, #tpu.memory_space<semaphore_mem>>) src(%dma_wait3A_818 : memref<1024xf32, #tpu.memory_space<vmem_shared>>) dst(%dma_wait3A_817 : memref<1024xf32, #tpu.memory_space<hbm>>)
      %dma_wait3A_819 = arith.constant 0 : i32
      %dma_wait3A_820 = arith.constant 0 : i32
      %dma_wait3A_821 = tpu.memref_slice %arg6[%dma_wait3A_819, %add3A_234, %dma_wait3A_820] : memref<2x1024x1024xf32, #tpu.memory_space<hbm>> -> memref<1x1x1024xf32, #tpu.memory_space<hbm>>
      %dma_wait3A_822 = tpu.memref_squeeze %dma_wait3A_821 : memref<1x1x1024xf32, #tpu.memory_space<hbm>> -> memref<1024xf32, #tpu.memory_space<hbm>>
      %dma_wait3A_823 = tpu.memref_slice %arg12[%add3A_230] : memref<1049600xf32, #tpu.memory_space<vmem_shared>> -> memref<1024xf32, #tpu.memory_space<vmem_shared>>
      tpu.wait_dma2 semaphore(%arg14 : memref<!tpu.dma_semaphore, #tpu.memory_space<semaphore_mem>>) src(%dma_wait3A_823 : memref<1024xf32, #tpu.memory_space<vmem_shared>>) dst(%dma_wait3A_822 : memref<1024xf32, #tpu.memory_space<hbm>>)
      %dma_wait3A_824 = arith.constant 0 : i32
      %dma_wait3A_825 = arith.constant 0 : i32
      %dma_wait3A_826 = tpu.memref_slice %arg6[%dma_wait3A_824, %add3A_245, %dma_wait3A_825] : memref<2x1024x1024xf32, #tpu.memory_space<hbm>> -> memref<1x1x1024xf32, #tpu.memory_space<hbm>>
      %dma_wait3A_827 = tpu.memref_squeeze %dma_wait3A_826 : memref<1x1x1024xf32, #tpu.memory_space<hbm>> -> memref<1024xf32, #tpu.memory_space<hbm>>
      %dma_wait3A_828 = tpu.memref_slice %arg12[%add3A_241] : memref<1049600xf32, #tpu.memory_space<vmem_shared>> -> memref<1024xf32, #tpu.memory_space<vmem_shared>>
      tpu.wait_dma2 semaphore(%arg14 : memref<!tpu.dma_semaphore, #tpu.memory_space<semaphore_mem>>) src(%dma_wait3A_828 : memref<1024xf32, #tpu.memory_space<vmem_shared>>) dst(%dma_wait3A_827 : memref<1024xf32, #tpu.memory_space<hbm>>)
      %dma_wait3A_829 = arith.constant 0 : i32
      %dma_wait3A_830 = arith.constant 0 : i32
      %dma_wait3A_831 = tpu.memref_slice %arg6[%dma_wait3A_829, %add3A_256, %dma_wait3A_830] : memref<2x1024x1024xf32, #tpu.memory_space<hbm>> -> memref<1x1x1024xf32, #tpu.memory_space<hbm>>
      %dma_wait3A_832 = tpu.memref_squeeze %dma_wait3A_831 : memref<1x1x1024xf32, #tpu.memory_space<hbm>> -> memref<1024xf32, #tpu.memory_space<hbm>>
      %dma_wait3A_833 = tpu.memref_slice %arg12[%add3A_252] : memref<1049600xf32, #tpu.memory_space<vmem_shared>> -> memref<1024xf32, #tpu.memory_space<vmem_shared>>
      tpu.wait_dma2 semaphore(%arg14 : memref<!tpu.dma_semaphore, #tpu.memory_space<semaphore_mem>>) src(%dma_wait3A_833 : memref<1024xf32, #tpu.memory_space<vmem_shared>>) dst(%dma_wait3A_832 : memref<1024xf32, #tpu.memory_space<hbm>>)
      %dma_wait3A_834 = arith.constant 0 : i32
      %dma_wait3A_835 = arith.constant 0 : i32
      %dma_wait3A_836 = tpu.memref_slice %arg6[%dma_wait3A_834, %add3A_267, %dma_wait3A_835] : memref<2x1024x1024xf32, #tpu.memory_space<hbm>> -> memref<1x1x1024xf32, #tpu.memory_space<hbm>>
      %dma_wait3A_837 = tpu.memref_squeeze %dma_wait3A_836 : memref<1x1x1024xf32, #tpu.memory_space<hbm>> -> memref<1024xf32, #tpu.memory_space<hbm>>
      %dma_wait3A_838 = tpu.memref_slice %arg12[%add3A_263] : memref<1049600xf32, #tpu.memory_space<vmem_shared>> -> memref<1024xf32, #tpu.memory_space<vmem_shared>>
      tpu.wait_dma2 semaphore(%arg14 : memref<!tpu.dma_semaphore, #tpu.memory_space<semaphore_mem>>) src(%dma_wait3A_838 : memref<1024xf32, #tpu.memory_space<vmem_shared>>) dst(%dma_wait3A_837 : memref<1024xf32, #tpu.memory_space<hbm>>)
      %dma_wait3A_839 = arith.constant 0 : i32
      %dma_wait3A_840 = arith.constant 0 : i32
      %dma_wait3A_841 = tpu.memref_slice %arg6[%dma_wait3A_839, %add3A_278, %dma_wait3A_840] : memref<2x1024x1024xf32, #tpu.memory_space<hbm>> -> memref<1x1x1024xf32, #tpu.memory_space<hbm>>
      %dma_wait3A_842 = tpu.memref_squeeze %dma_wait3A_841 : memref<1x1x1024xf32, #tpu.memory_space<hbm>> -> memref<1024xf32, #tpu.memory_space<hbm>>
      %dma_wait3A_843 = tpu.memref_slice %arg12[%add3A_274] : memref<1049600xf32, #tpu.memory_space<vmem_shared>> -> memref<1024xf32, #tpu.memory_space<vmem_shared>>
      tpu.wait_dma2 semaphore(%arg14 : memref<!tpu.dma_semaphore, #tpu.memory_space<semaphore_mem>>) src(%dma_wait3A_843 : memref<1024xf32, #tpu.memory_space<vmem_shared>>) dst(%dma_wait3A_842 : memref<1024xf32, #tpu.memory_space<hbm>>)
      %dma_wait3A_844 = arith.constant 0 : i32
      %dma_wait3A_845 = arith.constant 0 : i32
      %dma_wait3A_846 = tpu.memref_slice %arg6[%dma_wait3A_844, %add3A_289, %dma_wait3A_845] : memref<2x1024x1024xf32, #tpu.memory_space<hbm>> -> memref<1x1x1024xf32, #tpu.memory_space<hbm>>
      %dma_wait3A_847 = tpu.memref_squeeze %dma_wait3A_846 : memref<1x1x1024xf32, #tpu.memory_space<hbm>> -> memref<1024xf32, #tpu.memory_space<hbm>>
      %dma_wait3A_848 = tpu.memref_slice %arg12[%add3A_285] : memref<1049600xf32, #tpu.memory_space<vmem_shared>> -> memref<1024xf32, #tpu.memory_space<vmem_shared>>
      tpu.wait_dma2 semaphore(%arg14 : memref<!tpu.dma_semaphore, #tpu.memory_space<semaphore_mem>>) src(%dma_wait3A_848 : memref<1024xf32, #tpu.memory_space<vmem_shared>>) dst(%dma_wait3A_847 : memref<1024xf32, #tpu.memory_space<hbm>>)
      %dma_wait3A_849 = arith.constant 0 : i32
      %dma_wait3A_850 = arith.constant 0 : i32
      %dma_wait3A_851 = tpu.memref_slice %arg6[%dma_wait3A_849, %add3A_300, %dma_wait3A_850] : memref<2x1024x1024xf32, #tpu.memory_space<hbm>> -> memref<1x1x1024xf32, #tpu.memory_space<hbm>>
      %dma_wait3A_852 = tpu.memref_squeeze %dma_wait3A_851 : memref<1x1x1024xf32, #tpu.memory_space<hbm>> -> memref<1024xf32, #tpu.memory_space<hbm>>
      %dma_wait3A_853 = tpu.memref_slice %arg12[%add3A_296] : memref<1049600xf32, #tpu.memory_space<vmem_shared>> -> memref<1024xf32, #tpu.memory_space<vmem_shared>>
      tpu.wait_dma2 semaphore(%arg14 : memref<!tpu.dma_semaphore, #tpu.memory_space<semaphore_mem>>) src(%dma_wait3A_853 : memref<1024xf32, #tpu.memory_space<vmem_shared>>) dst(%dma_wait3A_852 : memref<1024xf32, #tpu.memory_space<hbm>>)
      %dma_wait3A_854 = arith.constant 0 : i32
      %dma_wait3A_855 = arith.constant 0 : i32
      %dma_wait3A_856 = tpu.memref_slice %arg6[%dma_wait3A_854, %add3A_311, %dma_wait3A_855] : memref<2x1024x1024xf32, #tpu.memory_space<hbm>> -> memref<1x1x1024xf32, #tpu.memory_space<hbm>>
      %dma_wait3A_857 = tpu.memref_squeeze %dma_wait3A_856 : memref<1x1x1024xf32, #tpu.memory_space<hbm>> -> memref<1024xf32, #tpu.memory_space<hbm>>
      %dma_wait3A_858 = tpu.memref_slice %arg12[%add3A_307] : memref<1049600xf32, #tpu.memory_space<vmem_shared>> -> memref<1024xf32, #tpu.memory_space<vmem_shared>>
      tpu.wait_dma2 semaphore(%arg14 : memref<!tpu.dma_semaphore, #tpu.memory_space<semaphore_mem>>) src(%dma_wait3A_858 : memref<1024xf32, #tpu.memory_space<vmem_shared>>) dst(%dma_wait3A_857 : memref<1024xf32, #tpu.memory_space<hbm>>)
      %dma_wait3A_859 = arith.constant 0 : i32
      %dma_wait3A_860 = arith.constant 0 : i32
      %dma_wait3A_861 = tpu.memref_slice %arg6[%dma_wait3A_859, %add3A_322, %dma_wait3A_860] : memref<2x1024x1024xf32, #tpu.memory_space<hbm>> -> memref<1x1x1024xf32, #tpu.memory_space<hbm>>
      %dma_wait3A_862 = tpu.memref_squeeze %dma_wait3A_861 : memref<1x1x1024xf32, #tpu.memory_space<hbm>> -> memref<1024xf32, #tpu.memory_space<hbm>>
      %dma_wait3A_863 = tpu.memref_slice %arg12[%add3A_318] : memref<1049600xf32, #tpu.memory_space<vmem_shared>> -> memref<1024xf32, #tpu.memory_space<vmem_shared>>
      tpu.wait_dma2 semaphore(%arg14 : memref<!tpu.dma_semaphore, #tpu.memory_space<semaphore_mem>>) src(%dma_wait3A_863 : memref<1024xf32, #tpu.memory_space<vmem_shared>>) dst(%dma_wait3A_862 : memref<1024xf32, #tpu.memory_space<hbm>>)
      %dma_wait3A_864 = arith.constant 0 : i32
      %dma_wait3A_865 = arith.constant 0 : i32
      %dma_wait3A_866 = tpu.memref_slice %arg6[%dma_wait3A_864, %add3A_333, %dma_wait3A_865] : memref<2x1024x1024xf32, #tpu.memory_space<hbm>> -> memref<1x1x1024xf32, #tpu.memory_space<hbm>>
      %dma_wait3A_867 = tpu.memref_squeeze %dma_wait3A_866 : memref<1x1x1024xf32, #tpu.memory_space<hbm>> -> memref<1024xf32, #tpu.memory_space<hbm>>
      %dma_wait3A_868 = tpu.memref_slice %arg12[%add3A_329] : memref<1049600xf32, #tpu.memory_space<vmem_shared>> -> memref<1024xf32, #tpu.memory_space<vmem_shared>>
      tpu.wait_dma2 semaphore(%arg14 : memref<!tpu.dma_semaphore, #tpu.memory_space<semaphore_mem>>) src(%dma_wait3A_868 : memref<1024xf32, #tpu.memory_space<vmem_shared>>) dst(%dma_wait3A_867 : memref<1024xf32, #tpu.memory_space<hbm>>)
      %dma_wait3A_869 = arith.constant 0 : i32
      %dma_wait3A_870 = arith.constant 0 : i32
      %dma_wait3A_871 = tpu.memref_slice %arg6[%dma_wait3A_869, %add3A_344, %dma_wait3A_870] : memref<2x1024x1024xf32, #tpu.memory_space<hbm>> -> memref<1x1x1024xf32, #tpu.memory_space<hbm>>
      %dma_wait3A_872 = tpu.memref_squeeze %dma_wait3A_871 : memref<1x1x1024xf32, #tpu.memory_space<hbm>> -> memref<1024xf32, #tpu.memory_space<hbm>>
      %dma_wait3A_873 = tpu.memref_slice %arg12[%add3A_340] : memref<1049600xf32, #tpu.memory_space<vmem_shared>> -> memref<1024xf32, #tpu.memory_space<vmem_shared>>
      tpu.wait_dma2 semaphore(%arg14 : memref<!tpu.dma_semaphore, #tpu.memory_space<semaphore_mem>>) src(%dma_wait3A_873 : memref<1024xf32, #tpu.memory_space<vmem_shared>>) dst(%dma_wait3A_872 : memref<1024xf32, #tpu.memory_space<hbm>>)
      %dma_wait3A_874 = arith.constant 0 : i32
      %dma_wait3A_875 = arith.constant 0 : i32
      %dma_wait3A_876 = tpu.memref_slice %arg6[%dma_wait3A_874, %add3A_355, %dma_wait3A_875] : memref<2x1024x1024xf32, #tpu.memory_space<hbm>> -> memref<1x1x1024xf32, #tpu.memory_space<hbm>>
      %dma_wait3A_877 = tpu.memref_squeeze %dma_wait3A_876 : memref<1x1x1024xf32, #tpu.memory_space<hbm>> -> memref<1024xf32, #tpu.memory_space<hbm>>
      %dma_wait3A_878 = tpu.memref_slice %arg12[%add3A_351] : memref<1049600xf32, #tpu.memory_space<vmem_shared>> -> memref<1024xf32, #tpu.memory_space<vmem_shared>>
      tpu.wait_dma2 semaphore(%arg14 : memref<!tpu.dma_semaphore, #tpu.memory_space<semaphore_mem>>) src(%dma_wait3A_878 : memref<1024xf32, #tpu.memory_space<vmem_shared>>) dst(%dma_wait3A_877 : memref<1024xf32, #tpu.memory_space<hbm>>)
      %dma_wait3A_879 = arith.constant 0 : i32
      %dma_wait3A_880 = arith.constant 0 : i32
      %dma_wait3A_881 = tpu.memref_slice %arg6[%dma_wait3A_879, %add3A_366, %dma_wait3A_880] : memref<2x1024x1024xf32, #tpu.memory_space<hbm>> -> memref<1x1x1024xf32, #tpu.memory_space<hbm>>
      %dma_wait3A_882 = tpu.memref_squeeze %dma_wait3A_881 : memref<1x1x1024xf32, #tpu.memory_space<hbm>> -> memref<1024xf32, #tpu.memory_space<hbm>>
      %dma_wait3A_883 = tpu.memref_slice %arg12[%add3A_362] : memref<1049600xf32, #tpu.memory_space<vmem_shared>> -> memref<1024xf32, #tpu.memory_space<vmem_shared>>
      tpu.wait_dma2 semaphore(%arg14 : memref<!tpu.dma_semaphore, #tpu.memory_space<semaphore_mem>>) src(%dma_wait3A_883 : memref<1024xf32, #tpu.memory_space<vmem_shared>>) dst(%dma_wait3A_882 : memref<1024xf32, #tpu.memory_space<hbm>>)
      %dma_wait3A_884 = arith.constant 0 : i32
      %dma_wait3A_885 = arith.constant 0 : i32
      %dma_wait3A_886 = tpu.memref_slice %arg6[%dma_wait3A_884, %add3A_377, %dma_wait3A_885] : memref<2x1024x1024xf32, #tpu.memory_space<hbm>> -> memref<1x1x1024xf32, #tpu.memory_space<hbm>>
      %dma_wait3A_887 = tpu.memref_squeeze %dma_wait3A_886 : memref<1x1x1024xf32, #tpu.memory_space<hbm>> -> memref<1024xf32, #tpu.memory_space<hbm>>
      %dma_wait3A_888 = tpu.memref_slice %arg12[%add3A_373] : memref<1049600xf32, #tpu.memory_space<vmem_shared>> -> memref<1024xf32, #tpu.memory_space<vmem_shared>>
      tpu.wait_dma2 semaphore(%arg14 : memref<!tpu.dma_semaphore, #tpu.memory_space<semaphore_mem>>) src(%dma_wait3A_888 : memref<1024xf32, #tpu.memory_space<vmem_shared>>) dst(%dma_wait3A_887 : memref<1024xf32, #tpu.memory_space<hbm>>)
      %dma_wait3A_889 = arith.constant 0 : i32
      %dma_wait3A_890 = arith.constant 0 : i32
      %dma_wait3A_891 = tpu.memref_slice %arg6[%dma_wait3A_889, %add3A_388, %dma_wait3A_890] : memref<2x1024x1024xf32, #tpu.memory_space<hbm>> -> memref<1x1x1024xf32, #tpu.memory_space<hbm>>
      %dma_wait3A_892 = tpu.memref_squeeze %dma_wait3A_891 : memref<1x1x1024xf32, #tpu.memory_space<hbm>> -> memref<1024xf32, #tpu.memory_space<hbm>>
      %dma_wait3A_893 = tpu.memref_slice %arg12[%add3A_384] : memref<1049600xf32, #tpu.memory_space<vmem_shared>> -> memref<1024xf32, #tpu.memory_space<vmem_shared>>
      tpu.wait_dma2 semaphore(%arg14 : memref<!tpu.dma_semaphore, #tpu.memory_space<semaphore_mem>>) src(%dma_wait3A_893 : memref<1024xf32, #tpu.memory_space<vmem_shared>>) dst(%dma_wait3A_892 : memref<1024xf32, #tpu.memory_space<hbm>>)
      %dma_wait3A_894 = arith.constant 0 : i32
      %dma_wait3A_895 = arith.constant 0 : i32
      %dma_wait3A_896 = tpu.memref_slice %arg6[%dma_wait3A_894, %add3A_399, %dma_wait3A_895] : memref<2x1024x1024xf32, #tpu.memory_space<hbm>> -> memref<1x1x1024xf32, #tpu.memory_space<hbm>>
      %dma_wait3A_897 = tpu.memref_squeeze %dma_wait3A_896 : memref<1x1x1024xf32, #tpu.memory_space<hbm>> -> memref<1024xf32, #tpu.memory_space<hbm>>
      %dma_wait3A_898 = tpu.memref_slice %arg12[%add3A_395] : memref<1049600xf32, #tpu.memory_space<vmem_shared>> -> memref<1024xf32, #tpu.memory_space<vmem_shared>>
      tpu.wait_dma2 semaphore(%arg14 : memref<!tpu.dma_semaphore, #tpu.memory_space<semaphore_mem>>) src(%dma_wait3A_898 : memref<1024xf32, #tpu.memory_space<vmem_shared>>) dst(%dma_wait3A_897 : memref<1024xf32, #tpu.memory_space<hbm>>)
      %dma_wait3A_899 = arith.constant 0 : i32
      %dma_wait3A_900 = arith.constant 0 : i32
      %dma_wait3A_901 = tpu.memref_slice %arg6[%dma_wait3A_899, %add3A_410, %dma_wait3A_900] : memref<2x1024x1024xf32, #tpu.memory_space<hbm>> -> memref<1x1x1024xf32, #tpu.memory_space<hbm>>
      %dma_wait3A_902 = tpu.memref_squeeze %dma_wait3A_901 : memref<1x1x1024xf32, #tpu.memory_space<hbm>> -> memref<1024xf32, #tpu.memory_space<hbm>>
      %dma_wait3A_903 = tpu.memref_slice %arg12[%add3A_406] : memref<1049600xf32, #tpu.memory_space<vmem_shared>> -> memref<1024xf32, #tpu.memory_space<vmem_shared>>
      tpu.wait_dma2 semaphore(%arg14 : memref<!tpu.dma_semaphore, #tpu.memory_space<semaphore_mem>>) src(%dma_wait3A_903 : memref<1024xf32, #tpu.memory_space<vmem_shared>>) dst(%dma_wait3A_902 : memref<1024xf32, #tpu.memory_space<hbm>>)
      %dma_wait3A_904 = arith.constant 0 : i32
      %dma_wait3A_905 = arith.constant 0 : i32
      %dma_wait3A_906 = tpu.memref_slice %arg6[%dma_wait3A_904, %add3A_421, %dma_wait3A_905] : memref<2x1024x1024xf32, #tpu.memory_space<hbm>> -> memref<1x1x1024xf32, #tpu.memory_space<hbm>>
      %dma_wait3A_907 = tpu.memref_squeeze %dma_wait3A_906 : memref<1x1x1024xf32, #tpu.memory_space<hbm>> -> memref<1024xf32, #tpu.memory_space<hbm>>
      %dma_wait3A_908 = tpu.memref_slice %arg12[%add3A_417] : memref<1049600xf32, #tpu.memory_space<vmem_shared>> -> memref<1024xf32, #tpu.memory_space<vmem_shared>>
      tpu.wait_dma2 semaphore(%arg14 : memref<!tpu.dma_semaphore, #tpu.memory_space<semaphore_mem>>) src(%dma_wait3A_908 : memref<1024xf32, #tpu.memory_space<vmem_shared>>) dst(%dma_wait3A_907 : memref<1024xf32, #tpu.memory_space<hbm>>)
      %dma_wait3A_909 = arith.constant 0 : i32
      %dma_wait3A_910 = arith.constant 0 : i32
      %dma_wait3A_911 = tpu.memref_slice %arg6[%dma_wait3A_909, %add3A_432, %dma_wait3A_910] : memref<2x1024x1024xf32, #tpu.memory_space<hbm>> -> memref<1x1x1024xf32, #tpu.memory_space<hbm>>
      %dma_wait3A_912 = tpu.memref_squeeze %dma_wait3A_911 : memref<1x1x1024xf32, #tpu.memory_space<hbm>> -> memref<1024xf32, #tpu.memory_space<hbm>>
      %dma_wait3A_913 = tpu.memref_slice %arg12[%add3A_428] : memref<1049600xf32, #tpu.memory_space<vmem_shared>> -> memref<1024xf32, #tpu.memory_space<vmem_shared>>
      tpu.wait_dma2 semaphore(%arg14 : memref<!tpu.dma_semaphore, #tpu.memory_space<semaphore_mem>>) src(%dma_wait3A_913 : memref<1024xf32, #tpu.memory_space<vmem_shared>>) dst(%dma_wait3A_912 : memref<1024xf32, #tpu.memory_space<hbm>>)
      %dma_wait3A_914 = arith.constant 0 : i32
      %dma_wait3A_915 = arith.constant 0 : i32
      %dma_wait3A_916 = tpu.memref_slice %arg6[%dma_wait3A_914, %add3A_443, %dma_wait3A_915] : memref<2x1024x1024xf32, #tpu.memory_space<hbm>> -> memref<1x1x1024xf32, #tpu.memory_space<hbm>>
      %dma_wait3A_917 = tpu.memref_squeeze %dma_wait3A_916 : memref<1x1x1024xf32, #tpu.memory_space<hbm>> -> memref<1024xf32, #tpu.memory_space<hbm>>
      %dma_wait3A_918 = tpu.memref_slice %arg12[%add3A_439] : memref<1049600xf32, #tpu.memory_space<vmem_shared>> -> memref<1024xf32, #tpu.memory_space<vmem_shared>>
      tpu.wait_dma2 semaphore(%arg14 : memref<!tpu.dma_semaphore, #tpu.memory_space<semaphore_mem>>) src(%dma_wait3A_918 : memref<1024xf32, #tpu.memory_space<vmem_shared>>) dst(%dma_wait3A_917 : memref<1024xf32, #tpu.memory_space<hbm>>)
      %dma_wait3A_919 = arith.constant 0 : i32
      %dma_wait3A_920 = arith.constant 0 : i32
      %dma_wait3A_921 = tpu.memref_slice %arg6[%dma_wait3A_919, %add3A_454, %dma_wait3A_920] : memref<2x1024x1024xf32, #tpu.memory_space<hbm>> -> memref<1x1x1024xf32, #tpu.memory_space<hbm>>
      %dma_wait3A_922 = tpu.memref_squeeze %dma_wait3A_921 : memref<1x1x1024xf32, #tpu.memory_space<hbm>> -> memref<1024xf32, #tpu.memory_space<hbm>>
      %dma_wait3A_923 = tpu.memref_slice %arg12[%add3A_450] : memref<1049600xf32, #tpu.memory_space<vmem_shared>> -> memref<1024xf32, #tpu.memory_space<vmem_shared>>
      tpu.wait_dma2 semaphore(%arg14 : memref<!tpu.dma_semaphore, #tpu.memory_space<semaphore_mem>>) src(%dma_wait3A_923 : memref<1024xf32, #tpu.memory_space<vmem_shared>>) dst(%dma_wait3A_922 : memref<1024xf32, #tpu.memory_space<hbm>>)
      %dma_wait3A_924 = arith.constant 0 : i32
      %dma_wait3A_925 = arith.constant 0 : i32
      %dma_wait3A_926 = tpu.memref_slice %arg6[%dma_wait3A_924, %add3A_465, %dma_wait3A_925] : memref<2x1024x1024xf32, #tpu.memory_space<hbm>> -> memref<1x1x1024xf32, #tpu.memory_space<hbm>>
      %dma_wait3A_927 = tpu.memref_squeeze %dma_wait3A_926 : memref<1x1x1024xf32, #tpu.memory_space<hbm>> -> memref<1024xf32, #tpu.memory_space<hbm>>
      %dma_wait3A_928 = tpu.memref_slice %arg12[%add3A_461] : memref<1049600xf32, #tpu.memory_space<vmem_shared>> -> memref<1024xf32, #tpu.memory_space<vmem_shared>>
      tpu.wait_dma2 semaphore(%arg14 : memref<!tpu.dma_semaphore, #tpu.memory_space<semaphore_mem>>) src(%dma_wait3A_928 : memref<1024xf32, #tpu.memory_space<vmem_shared>>) dst(%dma_wait3A_927 : memref<1024xf32, #tpu.memory_space<hbm>>)
      %dma_wait3A_929 = arith.constant 0 : i32
      %dma_wait3A_930 = arith.constant 0 : i32
      %dma_wait3A_931 = tpu.memref_slice %arg6[%dma_wait3A_929, %add3A_476, %dma_wait3A_930] : memref<2x1024x1024xf32, #tpu.memory_space<hbm>> -> memref<1x1x1024xf32, #tpu.memory_space<hbm>>
      %dma_wait3A_932 = tpu.memref_squeeze %dma_wait3A_931 : memref<1x1x1024xf32, #tpu.memory_space<hbm>> -> memref<1024xf32, #tpu.memory_space<hbm>>
      %dma_wait3A_933 = tpu.memref_slice %arg12[%add3A_472] : memref<1049600xf32, #tpu.memory_space<vmem_shared>> -> memref<1024xf32, #tpu.memory_space<vmem_shared>>
      tpu.wait_dma2 semaphore(%arg14 : memref<!tpu.dma_semaphore, #tpu.memory_space<semaphore_mem>>) src(%dma_wait3A_933 : memref<1024xf32, #tpu.memory_space<vmem_shared>>) dst(%dma_wait3A_932 : memref<1024xf32, #tpu.memory_space<hbm>>)
      %dma_wait3A_934 = arith.constant 0 : i32
      %dma_wait3A_935 = arith.constant 0 : i32
      %dma_wait3A_936 = tpu.memref_slice %arg6[%dma_wait3A_934, %add3A_487, %dma_wait3A_935] : memref<2x1024x1024xf32, #tpu.memory_space<hbm>> -> memref<1x1x1024xf32, #tpu.memory_space<hbm>>
      %dma_wait3A_937 = tpu.memref_squeeze %dma_wait3A_936 : memref<1x1x1024xf32, #tpu.memory_space<hbm>> -> memref<1024xf32, #tpu.memory_space<hbm>>
      %dma_wait3A_938 = tpu.memref_slice %arg12[%add3A_483] : memref<1049600xf32, #tpu.memory_space<vmem_shared>> -> memref<1024xf32, #tpu.memory_space<vmem_shared>>
      tpu.wait_dma2 semaphore(%arg14 : memref<!tpu.dma_semaphore, #tpu.memory_space<semaphore_mem>>) src(%dma_wait3A_938 : memref<1024xf32, #tpu.memory_space<vmem_shared>>) dst(%dma_wait3A_937 : memref<1024xf32, #tpu.memory_space<hbm>>)
      %dma_wait3A_939 = arith.constant 0 : i32
      %dma_wait3A_940 = arith.constant 0 : i32
      %dma_wait3A_941 = tpu.memref_slice %arg6[%dma_wait3A_939, %add3A_498, %dma_wait3A_940] : memref<2x1024x1024xf32, #tpu.memory_space<hbm>> -> memref<1x1x1024xf32, #tpu.memory_space<hbm>>
      %dma_wait3A_942 = tpu.memref_squeeze %dma_wait3A_941 : memref<1x1x1024xf32, #tpu.memory_space<hbm>> -> memref<1024xf32, #tpu.memory_space<hbm>>
      %dma_wait3A_943 = tpu.memref_slice %arg12[%add3A_494] : memref<1049600xf32, #tpu.memory_space<vmem_shared>> -> memref<1024xf32, #tpu.memory_space<vmem_shared>>
      tpu.wait_dma2 semaphore(%arg14 : memref<!tpu.dma_semaphore, #tpu.memory_space<semaphore_mem>>) src(%dma_wait3A_943 : memref<1024xf32, #tpu.memory_space<vmem_shared>>) dst(%dma_wait3A_942 : memref<1024xf32, #tpu.memory_space<hbm>>)
      %dma_wait3A_944 = arith.constant 0 : i32
      %dma_wait3A_945 = arith.constant 0 : i32
      %dma_wait3A_946 = tpu.memref_slice %arg6[%dma_wait3A_944, %add3A_509, %dma_wait3A_945] : memref<2x1024x1024xf32, #tpu.memory_space<hbm>> -> memref<1x1x1024xf32, #tpu.memory_space<hbm>>
      %dma_wait3A_947 = tpu.memref_squeeze %dma_wait3A_946 : memref<1x1x1024xf32, #tpu.memory_space<hbm>> -> memref<1024xf32, #tpu.memory_space<hbm>>
      %dma_wait3A_948 = tpu.memref_slice %arg12[%add3A_505] : memref<1049600xf32, #tpu.memory_space<vmem_shared>> -> memref<1024xf32, #tpu.memory_space<vmem_shared>>
      tpu.wait_dma2 semaphore(%arg14 : memref<!tpu.dma_semaphore, #tpu.memory_space<semaphore_mem>>) src(%dma_wait3A_948 : memref<1024xf32, #tpu.memory_space<vmem_shared>>) dst(%dma_wait3A_947 : memref<1024xf32, #tpu.memory_space<hbm>>)
      %dma_wait3A_949 = arith.constant 0 : i32
      %dma_wait3A_950 = arith.constant 0 : i32
      %dma_wait3A_951 = tpu.memref_slice %arg6[%dma_wait3A_949, %add3A_520, %dma_wait3A_950] : memref<2x1024x1024xf32, #tpu.memory_space<hbm>> -> memref<1x1x1024xf32, #tpu.memory_space<hbm>>
      %dma_wait3A_952 = tpu.memref_squeeze %dma_wait3A_951 : memref<1x1x1024xf32, #tpu.memory_space<hbm>> -> memref<1024xf32, #tpu.memory_space<hbm>>
      %dma_wait3A_953 = tpu.memref_slice %arg12[%add3A_516] : memref<1049600xf32, #tpu.memory_space<vmem_shared>> -> memref<1024xf32, #tpu.memory_space<vmem_shared>>
      tpu.wait_dma2 semaphore(%arg14 : memref<!tpu.dma_semaphore, #tpu.memory_space<semaphore_mem>>) src(%dma_wait3A_953 : memref<1024xf32, #tpu.memory_space<vmem_shared>>) dst(%dma_wait3A_952 : memref<1024xf32, #tpu.memory_space<hbm>>)
      %dma_wait3A_954 = arith.constant 0 : i32
      %dma_wait3A_955 = arith.constant 0 : i32
      %dma_wait3A_956 = tpu.memref_slice %arg6[%dma_wait3A_954, %add3A_531, %dma_wait3A_955] : memref<2x1024x1024xf32, #tpu.memory_space<hbm>> -> memref<1x1x1024xf32, #tpu.memory_space<hbm>>
      %dma_wait3A_957 = tpu.memref_squeeze %dma_wait3A_956 : memref<1x1x1024xf32, #tpu.memory_space<hbm>> -> memref<1024xf32, #tpu.memory_space<hbm>>
      %dma_wait3A_958 = tpu.memref_slice %arg12[%add3A_527] : memref<1049600xf32, #tpu.memory_space<vmem_shared>> -> memref<1024xf32, #tpu.memory_space<vmem_shared>>
      tpu.wait_dma2 semaphore(%arg14 : memref<!tpu.dma_semaphore, #tpu.memory_space<semaphore_mem>>) src(%dma_wait3A_958 : memref<1024xf32, #tpu.memory_space<vmem_shared>>) dst(%dma_wait3A_957 : memref<1024xf32, #tpu.memory_space<hbm>>)
      %dma_wait3A_959 = arith.constant 0 : i32
      %dma_wait3A_960 = arith.constant 0 : i32
      %dma_wait3A_961 = tpu.memref_slice %arg6[%dma_wait3A_959, %add3A_542, %dma_wait3A_960] : memref<2x1024x1024xf32, #tpu.memory_space<hbm>> -> memref<1x1x1024xf32, #tpu.memory_space<hbm>>
      %dma_wait3A_962 = tpu.memref_squeeze %dma_wait3A_961 : memref<1x1x1024xf32, #tpu.memory_space<hbm>> -> memref<1024xf32, #tpu.memory_space<hbm>>
      %dma_wait3A_963 = tpu.memref_slice %arg12[%add3A_538] : memref<1049600xf32, #tpu.memory_space<vmem_shared>> -> memref<1024xf32, #tpu.memory_space<vmem_shared>>
      tpu.wait_dma2 semaphore(%arg14 : memref<!tpu.dma_semaphore, #tpu.memory_space<semaphore_mem>>) src(%dma_wait3A_963 : memref<1024xf32, #tpu.memory_space<vmem_shared>>) dst(%dma_wait3A_962 : memref<1024xf32, #tpu.memory_space<hbm>>)
      %dma_wait3A_964 = arith.constant 0 : i32
      %dma_wait3A_965 = arith.constant 0 : i32
      %dma_wait3A_966 = tpu.memref_slice %arg6[%dma_wait3A_964, %add3A_553, %dma_wait3A_965] : memref<2x1024x1024xf32, #tpu.memory_space<hbm>> -> memref<1x1x1024xf32, #tpu.memory_space<hbm>>
      %dma_wait3A_967 = tpu.memref_squeeze %dma_wait3A_966 : memref<1x1x1024xf32, #tpu.memory_space<hbm>> -> memref<1024xf32, #tpu.memory_space<hbm>>
      %dma_wait3A_968 = tpu.memref_slice %arg12[%add3A_549] : memref<1049600xf32, #tpu.memory_space<vmem_shared>> -> memref<1024xf32, #tpu.memory_space<vmem_shared>>
      tpu.wait_dma2 semaphore(%arg14 : memref<!tpu.dma_semaphore, #tpu.memory_space<semaphore_mem>>) src(%dma_wait3A_968 : memref<1024xf32, #tpu.memory_space<vmem_shared>>) dst(%dma_wait3A_967 : memref<1024xf32, #tpu.memory_space<hbm>>)
      %dma_wait3A_969 = arith.constant 0 : i32
      %dma_wait3A_970 = arith.constant 0 : i32
      %dma_wait3A_971 = tpu.memref_slice %arg6[%dma_wait3A_969, %add3A_564, %dma_wait3A_970] : memref<2x1024x1024xf32, #tpu.memory_space<hbm>> -> memref<1x1x1024xf32, #tpu.memory_space<hbm>>
      %dma_wait3A_972 = tpu.memref_squeeze %dma_wait3A_971 : memref<1x1x1024xf32, #tpu.memory_space<hbm>> -> memref<1024xf32, #tpu.memory_space<hbm>>
      %dma_wait3A_973 = tpu.memref_slice %arg12[%add3A_560] : memref<1049600xf32, #tpu.memory_space<vmem_shared>> -> memref<1024xf32, #tpu.memory_space<vmem_shared>>
      tpu.wait_dma2 semaphore(%arg14 : memref<!tpu.dma_semaphore, #tpu.memory_space<semaphore_mem>>) src(%dma_wait3A_973 : memref<1024xf32, #tpu.memory_space<vmem_shared>>) dst(%dma_wait3A_972 : memref<1024xf32, #tpu.memory_space<hbm>>)
      %dma_wait3A_974 = arith.constant 0 : i32
      %dma_wait3A_975 = arith.constant 0 : i32
      %dma_wait3A_976 = tpu.memref_slice %arg6[%dma_wait3A_974, %add3A_575, %dma_wait3A_975] : memref<2x1024x1024xf32, #tpu.memory_space<hbm>> -> memref<1x1x1024xf32, #tpu.memory_space<hbm>>
      %dma_wait3A_977 = tpu.memref_squeeze %dma_wait3A_976 : memref<1x1x1024xf32, #tpu.memory_space<hbm>> -> memref<1024xf32, #tpu.memory_space<hbm>>
      %dma_wait3A_978 = tpu.memref_slice %arg12[%add3A_571] : memref<1049600xf32, #tpu.memory_space<vmem_shared>> -> memref<1024xf32, #tpu.memory_space<vmem_shared>>
      tpu.wait_dma2 semaphore(%arg14 : memref<!tpu.dma_semaphore, #tpu.memory_space<semaphore_mem>>) src(%dma_wait3A_978 : memref<1024xf32, #tpu.memory_space<vmem_shared>>) dst(%dma_wait3A_977 : memref<1024xf32, #tpu.memory_space<hbm>>)
      %dma_wait3A_979 = arith.constant 0 : i32
      %dma_wait3A_980 = arith.constant 0 : i32
      %dma_wait3A_981 = tpu.memref_slice %arg6[%dma_wait3A_979, %add3A_586, %dma_wait3A_980] : memref<2x1024x1024xf32, #tpu.memory_space<hbm>> -> memref<1x1x1024xf32, #tpu.memory_space<hbm>>
      %dma_wait3A_982 = tpu.memref_squeeze %dma_wait3A_981 : memref<1x1x1024xf32, #tpu.memory_space<hbm>> -> memref<1024xf32, #tpu.memory_space<hbm>>
      %dma_wait3A_983 = tpu.memref_slice %arg12[%add3A_582] : memref<1049600xf32, #tpu.memory_space<vmem_shared>> -> memref<1024xf32, #tpu.memory_space<vmem_shared>>
      tpu.wait_dma2 semaphore(%arg14 : memref<!tpu.dma_semaphore, #tpu.memory_space<semaphore_mem>>) src(%dma_wait3A_983 : memref<1024xf32, #tpu.memory_space<vmem_shared>>) dst(%dma_wait3A_982 : memref<1024xf32, #tpu.memory_space<hbm>>)
      %dma_wait3A_984 = arith.constant 0 : i32
      %dma_wait3A_985 = arith.constant 0 : i32
      %dma_wait3A_986 = tpu.memref_slice %arg6[%dma_wait3A_984, %add3A_597, %dma_wait3A_985] : memref<2x1024x1024xf32, #tpu.memory_space<hbm>> -> memref<1x1x1024xf32, #tpu.memory_space<hbm>>
      %dma_wait3A_987 = tpu.memref_squeeze %dma_wait3A_986 : memref<1x1x1024xf32, #tpu.memory_space<hbm>> -> memref<1024xf32, #tpu.memory_space<hbm>>
      %dma_wait3A_988 = tpu.memref_slice %arg12[%add3A_593] : memref<1049600xf32, #tpu.memory_space<vmem_shared>> -> memref<1024xf32, #tpu.memory_space<vmem_shared>>
      tpu.wait_dma2 semaphore(%arg14 : memref<!tpu.dma_semaphore, #tpu.memory_space<semaphore_mem>>) src(%dma_wait3A_988 : memref<1024xf32, #tpu.memory_space<vmem_shared>>) dst(%dma_wait3A_987 : memref<1024xf32, #tpu.memory_space<hbm>>)
      %dma_wait3A_989 = arith.constant 0 : i32
      %dma_wait3A_990 = arith.constant 0 : i32
      %dma_wait3A_991 = tpu.memref_slice %arg6[%dma_wait3A_989, %add3A_608, %dma_wait3A_990] : memref<2x1024x1024xf32, #tpu.memory_space<hbm>> -> memref<1x1x1024xf32, #tpu.memory_space<hbm>>
      %dma_wait3A_992 = tpu.memref_squeeze %dma_wait3A_991 : memref<1x1x1024xf32, #tpu.memory_space<hbm>> -> memref<1024xf32, #tpu.memory_space<hbm>>
      %dma_wait3A_993 = tpu.memref_slice %arg12[%add3A_604] : memref<1049600xf32, #tpu.memory_space<vmem_shared>> -> memref<1024xf32, #tpu.memory_space<vmem_shared>>
      tpu.wait_dma2 semaphore(%arg14 : memref<!tpu.dma_semaphore, #tpu.memory_space<semaphore_mem>>) src(%dma_wait3A_993 : memref<1024xf32, #tpu.memory_space<vmem_shared>>) dst(%dma_wait3A_992 : memref<1024xf32, #tpu.memory_space<hbm>>)
      %dma_wait3A_994 = arith.constant 0 : i32
      %dma_wait3A_995 = arith.constant 0 : i32
      %dma_wait3A_996 = tpu.memref_slice %arg6[%dma_wait3A_994, %add3A_619, %dma_wait3A_995] : memref<2x1024x1024xf32, #tpu.memory_space<hbm>> -> memref<1x1x1024xf32, #tpu.memory_space<hbm>>
      %dma_wait3A_997 = tpu.memref_squeeze %dma_wait3A_996 : memref<1x1x1024xf32, #tpu.memory_space<hbm>> -> memref<1024xf32, #tpu.memory_space<hbm>>
      %dma_wait3A_998 = tpu.memref_slice %arg12[%add3A_615] : memref<1049600xf32, #tpu.memory_space<vmem_shared>> -> memref<1024xf32, #tpu.memory_space<vmem_shared>>
      tpu.wait_dma2 semaphore(%arg14 : memref<!tpu.dma_semaphore, #tpu.memory_space<semaphore_mem>>) src(%dma_wait3A_998 : memref<1024xf32, #tpu.memory_space<vmem_shared>>) dst(%dma_wait3A_997 : memref<1024xf32, #tpu.memory_space<hbm>>)
      %dma_wait3A_999 = arith.constant 0 : i32
      %dma_wait3A_1000 = arith.constant 0 : i32
      %dma_wait3A_1001 = tpu.memref_slice %arg6[%dma_wait3A_999, %add3A_630, %dma_wait3A_1000] : memref<2x1024x1024xf32, #tpu.memory_space<hbm>> -> memref<1x1x1024xf32, #tpu.memory_space<hbm>>
      %dma_wait3A_1002 = tpu.memref_squeeze %dma_wait3A_1001 : memref<1x1x1024xf32, #tpu.memory_space<hbm>> -> memref<1024xf32, #tpu.memory_space<hbm>>
      %dma_wait3A_1003 = tpu.memref_slice %arg12[%add3A_626] : memref<1049600xf32, #tpu.memory_space<vmem_shared>> -> memref<1024xf32, #tpu.memory_space<vmem_shared>>
      tpu.wait_dma2 semaphore(%arg14 : memref<!tpu.dma_semaphore, #tpu.memory_space<semaphore_mem>>) src(%dma_wait3A_1003 : memref<1024xf32, #tpu.memory_space<vmem_shared>>) dst(%dma_wait3A_1002 : memref<1024xf32, #tpu.memory_space<hbm>>)
      %dma_wait3A_1004 = arith.constant 0 : i32
      %dma_wait3A_1005 = arith.constant 0 : i32
      %dma_wait3A_1006 = tpu.memref_slice %arg6[%dma_wait3A_1004, %add3A_641, %dma_wait3A_1005] : memref<2x1024x1024xf32, #tpu.memory_space<hbm>> -> memref<1x1x1024xf32, #tpu.memory_space<hbm>>
      %dma_wait3A_1007 = tpu.memref_squeeze %dma_wait3A_1006 : memref<1x1x1024xf32, #tpu.memory_space<hbm>> -> memref<1024xf32, #tpu.memory_space<hbm>>
      %dma_wait3A_1008 = tpu.memref_slice %arg12[%add3A_637] : memref<1049600xf32, #tpu.memory_space<vmem_shared>> -> memref<1024xf32, #tpu.memory_space<vmem_shared>>
      tpu.wait_dma2 semaphore(%arg14 : memref<!tpu.dma_semaphore, #tpu.memory_space<semaphore_mem>>) src(%dma_wait3A_1008 : memref<1024xf32, #tpu.memory_space<vmem_shared>>) dst(%dma_wait3A_1007 : memref<1024xf32, #tpu.memory_space<hbm>>)
      %dma_wait3A_1009 = arith.constant 0 : i32
      %dma_wait3A_1010 = arith.constant 0 : i32
      %dma_wait3A_1011 = tpu.memref_slice %arg6[%dma_wait3A_1009, %add3A_652, %dma_wait3A_1010] : memref<2x1024x1024xf32, #tpu.memory_space<hbm>> -> memref<1x1x1024xf32, #tpu.memory_space<hbm>>
      %dma_wait3A_1012 = tpu.memref_squeeze %dma_wait3A_1011 : memref<1x1x1024xf32, #tpu.memory_space<hbm>> -> memref<1024xf32, #tpu.memory_space<hbm>>
      %dma_wait3A_1013 = tpu.memref_slice %arg12[%add3A_648] : memref<1049600xf32, #tpu.memory_space<vmem_shared>> -> memref<1024xf32, #tpu.memory_space<vmem_shared>>
      tpu.wait_dma2 semaphore(%arg14 : memref<!tpu.dma_semaphore, #tpu.memory_space<semaphore_mem>>) src(%dma_wait3A_1013 : memref<1024xf32, #tpu.memory_space<vmem_shared>>) dst(%dma_wait3A_1012 : memref<1024xf32, #tpu.memory_space<hbm>>)
      %dma_wait3A_1014 = arith.constant 0 : i32
      %dma_wait3A_1015 = arith.constant 0 : i32
      %dma_wait3A_1016 = tpu.memref_slice %arg6[%dma_wait3A_1014, %add3A_663, %dma_wait3A_1015] : memref<2x1024x1024xf32, #tpu.memory_space<hbm>> -> memref<1x1x1024xf32, #tpu.memory_space<hbm>>
      %dma_wait3A_1017 = tpu.memref_squeeze %dma_wait3A_1016 : memref<1x1x1024xf32, #tpu.memory_space<hbm>> -> memref<1024xf32, #tpu.memory_space<hbm>>
      %dma_wait3A_1018 = tpu.memref_slice %arg12[%add3A_659] : memref<1049600xf32, #tpu.memory_space<vmem_shared>> -> memref<1024xf32, #tpu.memory_space<vmem_shared>>
      tpu.wait_dma2 semaphore(%arg14 : memref<!tpu.dma_semaphore, #tpu.memory_space<semaphore_mem>>) src(%dma_wait3A_1018 : memref<1024xf32, #tpu.memory_space<vmem_shared>>) dst(%dma_wait3A_1017 : memref<1024xf32, #tpu.memory_space<hbm>>)
      %dma_wait3A_1019 = arith.constant 0 : i32
      %dma_wait3A_1020 = arith.constant 0 : i32
      %dma_wait3A_1021 = tpu.memref_slice %arg6[%dma_wait3A_1019, %add3A_674, %dma_wait3A_1020] : memref<2x1024x1024xf32, #tpu.memory_space<hbm>> -> memref<1x1x1024xf32, #tpu.memory_space<hbm>>
      %dma_wait3A_1022 = tpu.memref_squeeze %dma_wait3A_1021 : memref<1x1x1024xf32, #tpu.memory_space<hbm>> -> memref<1024xf32, #tpu.memory_space<hbm>>
      %dma_wait3A_1023 = tpu.memref_slice %arg12[%add3A_670] : memref<1049600xf32, #tpu.memory_space<vmem_shared>> -> memref<1024xf32, #tpu.memory_space<vmem_shared>>
      tpu.wait_dma2 semaphore(%arg14 : memref<!tpu.dma_semaphore, #tpu.memory_space<semaphore_mem>>) src(%dma_wait3A_1023 : memref<1024xf32, #tpu.memory_space<vmem_shared>>) dst(%dma_wait3A_1022 : memref<1024xf32, #tpu.memory_space<hbm>>)
      %dma_wait3A_1024 = arith.constant 0 : i32
      %dma_wait3A_1025 = arith.constant 0 : i32
      %dma_wait3A_1026 = tpu.memref_slice %arg6[%dma_wait3A_1024, %add3A_685, %dma_wait3A_1025] : memref<2x1024x1024xf32, #tpu.memory_space<hbm>> -> memref<1x1x1024xf32, #tpu.memory_space<hbm>>
      %dma_wait3A_1027 = tpu.memref_squeeze %dma_wait3A_1026 : memref<1x1x1024xf32, #tpu.memory_space<hbm>> -> memref<1024xf32, #tpu.memory_space<hbm>>
      %dma_wait3A_1028 = tpu.memref_slice %arg12[%add3A_681] : memref<1049600xf32, #tpu.memory_space<vmem_shared>> -> memref<1024xf32, #tpu.memory_space<vmem_shared>>
      tpu.wait_dma2 semaphore(%arg14 : memref<!tpu.dma_semaphore, #tpu.memory_space<semaphore_mem>>) src(%dma_wait3A_1028 : memref<1024xf32, #tpu.memory_space<vmem_shared>>) dst(%dma_wait3A_1027 : memref<1024xf32, #tpu.memory_space<hbm>>)
      %dma_wait3A_1029 = arith.constant 0 : i32
      %dma_wait3A_1030 = arith.constant 0 : i32
      %dma_wait3A_1031 = tpu.memref_slice %arg6[%dma_wait3A_1029, %add3A_696, %dma_wait3A_1030] : memref<2x1024x1024xf32, #tpu.memory_space<hbm>> -> memref<1x1x1024xf32, #tpu.memory_space<hbm>>
      %dma_wait3A_1032 = tpu.memref_squeeze %dma_wait3A_1031 : memref<1x1x1024xf32, #tpu.memory_space<hbm>> -> memref<1024xf32, #tpu.memory_space<hbm>>
      %dma_wait3A_1033 = tpu.memref_slice %arg12[%add3A_692] : memref<1049600xf32, #tpu.memory_space<vmem_shared>> -> memref<1024xf32, #tpu.memory_space<vmem_shared>>
      tpu.wait_dma2 semaphore(%arg14 : memref<!tpu.dma_semaphore, #tpu.memory_space<semaphore_mem>>) src(%dma_wait3A_1033 : memref<1024xf32, #tpu.memory_space<vmem_shared>>) dst(%dma_wait3A_1032 : memref<1024xf32, #tpu.memory_space<hbm>>)
      %dma_wait3A_1034 = arith.constant 0 : i32
      %dma_wait3A_1035 = arith.constant 0 : i32
      %dma_wait3A_1036 = tpu.memref_slice %arg6[%dma_wait3A_1034, %add3A_707, %dma_wait3A_1035] : memref<2x1024x1024xf32, #tpu.memory_space<hbm>> -> memref<1x1x1024xf32, #tpu.memory_space<hbm>>
      %dma_wait3A_1037 = tpu.memref_squeeze %dma_wait3A_1036 : memref<1x1x1024xf32, #tpu.memory_space<hbm>> -> memref<1024xf32, #tpu.memory_space<hbm>>
      %dma_wait3A_1038 = tpu.memref_slice %arg12[%add3A_703] : memref<1049600xf32, #tpu.memory_space<vmem_shared>> -> memref<1024xf32, #tpu.memory_space<vmem_shared>>
      tpu.wait_dma2 semaphore(%arg14 : memref<!tpu.dma_semaphore, #tpu.memory_space<semaphore_mem>>) src(%dma_wait3A_1038 : memref<1024xf32, #tpu.memory_space<vmem_shared>>) dst(%dma_wait3A_1037 : memref<1024xf32, #tpu.memory_space<hbm>>)
      %dma_wait3A_1039 = arith.constant 0 : i32
      %dma_wait3A_1040 = arith.constant 0 : i32
      %dma_wait3A_1041 = tpu.memref_slice %arg6[%dma_wait3A_1039, %add3A_718, %dma_wait3A_1040] : memref<2x1024x1024xf32, #tpu.memory_space<hbm>> -> memref<1x1x1024xf32, #tpu.memory_space<hbm>>
      %dma_wait3A_1042 = tpu.memref_squeeze %dma_wait3A_1041 : memref<1x1x1024xf32, #tpu.memory_space<hbm>> -> memref<1024xf32, #tpu.memory_space<hbm>>
      %dma_wait3A_1043 = tpu.memref_slice %arg12[%add3A_714] : memref<1049600xf32, #tpu.memory_space<vmem_shared>> -> memref<1024xf32, #tpu.memory_space<vmem_shared>>
      tpu.wait_dma2 semaphore(%arg14 : memref<!tpu.dma_semaphore, #tpu.memory_space<semaphore_mem>>) src(%dma_wait3A_1043 : memref<1024xf32, #tpu.memory_space<vmem_shared>>) dst(%dma_wait3A_1042 : memref<1024xf32, #tpu.memory_space<hbm>>)
      %eq3A_1044 = arith.constant 0 : i32
      %eq3A_1045 = arith.cmpi eq, %arg1, %eq3A_1044 : i32
      %convert_element_type3A_1046 = arith.extui %eq3A_1045 : i1 to i32
      %cond3A_1047 = arith.constant 0 : i32
      %cond3A_1048 = arith.cmpi ne, %convert_element_type3A_1046, %cond3A_1047 : i32
      scf.if %cond3A_1048 {
        %run_scoped3A_1049 = arith.constant 0 : i32
        "tpu.region"() ({
          %run_scoped3A_1050 = tpu.sem_alloc : memref<!tpu.dma_semaphore, #tpu.memory_space<semaphore_mem>>
          %dma_start3A_1051 = arith.constant 0 : i32
          %dma_start3A_1052 = tpu.memref_slice %arg7[%run_scoped3A_1049, %dma_start3A_1051] : memref<2x1024xf32, #tpu.memory_space<hbm>> -> memref<1x1024xf32, #tpu.memory_space<hbm>>
          %dma_start3A_1053 = tpu.memref_squeeze %dma_start3A_1052 : memref<1x1024xf32, #tpu.memory_space<hbm>> -> memref<1024xf32, #tpu.memory_space<hbm>>
          %dma_start3A_1054 = arith.constant 1048576 : i32
          %dma_start3A_1055 = tpu.memref_slice %arg12[%dma_start3A_1054] : memref<1049600xf32, #tpu.memory_space<vmem_shared>> -> memref<1024xf32, #tpu.memory_space<vmem_shared>>
          tpu.enqueue_dma source(%dma_start3A_1055 : memref<1024xf32, #tpu.memory_space<vmem_shared>>) target(%dma_start3A_1053 : memref<1024xf32, #tpu.memory_space<hbm>>) target_semaphore(%run_scoped3A_1050 : memref<!tpu.dma_semaphore, #tpu.memory_space<semaphore_mem>>)
          %dma_wait3A_1056 = arith.constant 0 : i32
          %dma_wait3A_1057 = tpu.memref_slice %arg7[%run_scoped3A_1049, %dma_wait3A_1056] : memref<2x1024xf32, #tpu.memory_space<hbm>> -> memref<1x1024xf32, #tpu.memory_space<hbm>>
          %dma_wait3A_1058 = tpu.memref_squeeze %dma_wait3A_1057 : memref<1x1024xf32, #tpu.memory_space<hbm>> -> memref<1024xf32, #tpu.memory_space<hbm>>
          %dma_wait3A_1059 = arith.constant 1048576 : i32
          %dma_wait3A_1060 = tpu.memref_slice %arg12[%dma_wait3A_1059] : memref<1049600xf32, #tpu.memory_space<vmem_shared>> -> memref<1024xf32, #tpu.memory_space<vmem_shared>>
          tpu.wait_dma2 semaphore(%run_scoped3A_1050 : memref<!tpu.dma_semaphore, #tpu.memory_space<semaphore_mem>>) src(%dma_wait3A_1060 : memref<1024xf32, #tpu.memory_space<vmem_shared>>) dst(%dma_wait3A_1058 : memref<1024xf32, #tpu.memory_space<hbm>>)
          tpu.yield
        }) : () -> ()
      } else {
      }
    } else {
    }
    %eq3A_10 = arith.constant 1 : i32
    %eq3A_11 = arith.cmpi eq, %arg0, %eq3A_10 : i32
    %convert_element_type3A_12 = arith.extui %eq3A_11 : i1 to i32
    %cond3A_13 = arith.constant 0 : i32
    %cond3A_14 = arith.cmpi ne, %convert_element_type3A_12, %cond3A_13 : i32
    scf.if %cond3A_14 {
      %run_scoped3A = arith.constant 0 : i32
      "tpu.region"() ({
        %run_scoped3A_1049 = tpu.sem_alloc : memref<!tpu.dma_semaphore, #tpu.memory_space<semaphore_mem>>
        %dma_start3A_1050 = tpu.memref_slice %arg3[%run_scoped3A, %mul3A_2] : memref<2x32768xi32, #tpu.memory_space<hbm>> -> memref<1x2048xi32, #tpu.memory_space<hbm>>
        %dma_start3A_1051 = tpu.memref_squeeze %dma_start3A_1050 : memref<1x2048xi32, #tpu.memory_space<hbm>> -> memref<2048xi32, #tpu.memory_space<hbm>>
        %dma_start3A_1052 = tpu.memref_slice %arg3[%run_scoped3A, %mul3A_2] : memref<2x32768xi32, #tpu.memory_space<hbm>> -> memref<1x2048xi32, #tpu.memory_space<hbm>>
        %dma_start3A_1053 = tpu.memref_squeeze %dma_start3A_1052 : memref<1x2048xi32, #tpu.memory_space<hbm>> -> memref<2048xi32, #tpu.memory_space<hbm>>
        tpu.enqueue_dma source(%dma_start3A_1053 : memref<2048xi32, #tpu.memory_space<hbm>>) target(%arg8 : memref<2048xi32, #tpu.memory_space<vmem>>) target_semaphore(%run_scoped3A_1049 : memref<!tpu.dma_semaphore, #tpu.memory_space<semaphore_mem>>)
        %dma_wait3A_1054 = tpu.memref_slice %arg3[%run_scoped3A, %mul3A_2] : memref<2x32768xi32, #tpu.memory_space<hbm>> -> memref<1x2048xi32, #tpu.memory_space<hbm>>
        %dma_wait3A_1055 = tpu.memref_squeeze %dma_wait3A_1054 : memref<1x2048xi32, #tpu.memory_space<hbm>> -> memref<2048xi32, #tpu.memory_space<hbm>>
        %dma_wait3A_1056 = tpu.memref_slice %arg3[%run_scoped3A, %mul3A_2] : memref<2x32768xi32, #tpu.memory_space<hbm>> -> memref<1x2048xi32, #tpu.memory_space<hbm>>
        %dma_wait3A_1057 = tpu.memref_squeeze %dma_wait3A_1056 : memref<1x2048xi32, #tpu.memory_space<hbm>> -> memref<2048xi32, #tpu.memory_space<hbm>>
        tpu.wait_dma2 semaphore(%run_scoped3A_1049 : memref<!tpu.dma_semaphore, #tpu.memory_space<semaphore_mem>>) src(%dma_wait3A_1057 : memref<2048xi32, #tpu.memory_space<hbm>>) dst(%arg8 : memref<2048xi32, #tpu.memory_space<vmem>>)
        tpu.yield
      }) : () -> ()
      %run_scoped3A_15 = arith.constant 1 : i32
      "tpu.region"() ({
        %run_scoped3A_1049 = tpu.sem_alloc : memref<!tpu.dma_semaphore, #tpu.memory_space<semaphore_mem>>
        %dma_start3A_1050 = tpu.memref_slice %arg3[%run_scoped3A_15, %mul3A_2] : memref<2x32768xi32, #tpu.memory_space<hbm>> -> memref<1x2048xi32, #tpu.memory_space<hbm>>
        %dma_start3A_1051 = tpu.memref_squeeze %dma_start3A_1050 : memref<1x2048xi32, #tpu.memory_space<hbm>> -> memref<2048xi32, #tpu.memory_space<hbm>>
        %dma_start3A_1052 = tpu.memref_slice %arg3[%run_scoped3A_15, %mul3A_2] : memref<2x32768xi32, #tpu.memory_space<hbm>> -> memref<1x2048xi32, #tpu.memory_space<hbm>>
        %dma_start3A_1053 = tpu.memref_squeeze %dma_start3A_1052 : memref<1x2048xi32, #tpu.memory_space<hbm>> -> memref<2048xi32, #tpu.memory_space<hbm>>
        tpu.enqueue_dma source(%dma_start3A_1053 : memref<2048xi32, #tpu.memory_space<hbm>>) target(%arg9 : memref<2048xi32, #tpu.memory_space<vmem>>) target_semaphore(%run_scoped3A_1049 : memref<!tpu.dma_semaphore, #tpu.memory_space<semaphore_mem>>)
        %dma_wait3A_1054 = tpu.memref_slice %arg3[%run_scoped3A_15, %mul3A_2] : memref<2x32768xi32, #tpu.memory_space<hbm>> -> memref<1x2048xi32, #tpu.memory_space<hbm>>
        %dma_wait3A_1055 = tpu.memref_squeeze %dma_wait3A_1054 : memref<1x2048xi32, #tpu.memory_space<hbm>> -> memref<2048xi32, #tpu.memory_space<hbm>>
        %dma_wait3A_1056 = tpu.memref_slice %arg3[%run_scoped3A_15, %mul3A_2] : memref<2x32768xi32, #tpu.memory_space<hbm>> -> memref<1x2048xi32, #tpu.memory_space<hbm>>
        %dma_wait3A_1057 = tpu.memref_squeeze %dma_wait3A_1056 : memref<1x2048xi32, #tpu.memory_space<hbm>> -> memref<2048xi32, #tpu.memory_space<hbm>>
        tpu.wait_dma2 semaphore(%run_scoped3A_1049 : memref<!tpu.dma_semaphore, #tpu.memory_space<semaphore_mem>>) src(%dma_wait3A_1057 : memref<2048xi32, #tpu.memory_space<hbm>>) dst(%arg9 : memref<2048xi32, #tpu.memory_space<vmem>>)
        tpu.yield
      }) : () -> ()
      %scan3A = arith.constant 0 : i32
      %scan3A_16 = arith.constant 128 : i32
      %scan3A_17 = arith.addi %scan3A, %scan3A_16 : i32
      %scan3A_18 = arith.constant 1 : i32
      scf.for %scan3A_1049 = %scan3A to %scan3A_17 step %scan3A_18  : i32 {
        %mul3A_1050 = arith.constant 16 : i32
        %mul3A_1051 = arith.muli %scan3A_1049, %mul3A_1050 : i32
        %get3A = arith.index_cast %mul3A_1051 : i32 to index
        %get3A_1052 = tpu.vector_load %arg9[%get3A] {strides = array<i32>} : memref<2048xi32, #tpu.memory_space<vmem>>, vector<16xi32>,
        %get3A_1053 = vector.shape_cast %get3A_1052 : vector<16xi32> to vector<16xi32>
        %mul3A_1054 = arith.constant 1024 : i32
        %mul3A_1055 = vector.broadcast %mul3A_1054 : i32 to vector<16xi32>
        %mul3A_1056 = arith.muli %get3A_1053, %mul3A_1055 : vector<16xi32>
        %get3A_1057 = arith.index_cast %mul3A_1051 : i32 to index
        %get3A_1058 = tpu.vector_load %arg8[%get3A_1057] {strides = array<i32>} : memref<2048xi32, #tpu.memory_space<vmem>>, vector<16xi32>,
        %get3A_1059 = vector.shape_cast %get3A_1058 : vector<16xi32> to vector<16xi32>
        %add3A_1060 = arith.addi %mul3A_1056, %get3A_1059 : vector<16xi32>
        %swap3A = arith.index_cast %mul3A_1051 : i32 to index
        %swap3A_1061 = tpu.vector_load %arg10[%swap3A] {strides = array<i32>} : memref<4096xi32, #tpu.memory_space<vmem>>, vector<16xi32>,
        %swap3A_1062 = vector.shape_cast %swap3A_1061 : vector<16xi32> to vector<16xi32>
        %swap3A_1063 = vector.shape_cast %add3A_1060 : vector<16xi32> to vector<16xi32>
        tpu.vector_store %arg10[%swap3A], %swap3A_1063 {strides = array<i32>} : memref<4096xi32, #tpu.memory_space<vmem>>, vector<16xi32>,
        %get3A_1064 = arith.index_cast %mul3A_1051 : i32 to index
        %get3A_1065 = tpu.vector_load %arg9[%get3A_1064] {strides = array<i32>} : memref<2048xi32, #tpu.memory_space<vmem>>, vector<16xi32>,
        %get3A_1066 = vector.shape_cast %get3A_1065 : vector<16xi32> to vector<16xi32>
        %add3A_1067 = arith.constant 1048576 : i32
        %add3A_1068 = vector.broadcast %add3A_1067 : i32 to vector<16xi32>
        %add3A_1069 = arith.addi %get3A_1066, %add3A_1068 : vector<16xi32>
        %mul3A_1070 = arith.constant 16 : i32
        %mul3A_1071 = arith.muli %scan3A_1049, %mul3A_1070 : i32
        %add3A_1072 = arith.constant 2048 : i32
        %add3A_1073 = arith.addi %add3A_1072, %mul3A_1071 : i32
        %swap3A_1074 = arith.index_cast %add3A_1073 : i32 to index
        %swap3A_1075 = tpu.vector_load %arg10[%swap3A_1074] {strides = array<i32>} : memref<4096xi32, #tpu.memory_space<vmem>>, vector<16xi32>,
        %swap3A_1076 = vector.shape_cast %swap3A_1075 : vector<16xi32> to vector<16xi32>
        %swap3A_1077 = vector.shape_cast %add3A_1069 : vector<16xi32> to vector<16xi32>
        tpu.vector_store %arg10[%swap3A_1074], %swap3A_1077 {strides = array<i32>} : memref<4096xi32, #tpu.memory_space<vmem>>, vector<16xi32>,
      }
      %scan3A_19 = arith.constant 128 : i32
      %dma_wait3A = tpu.memref_slice %arg12[%mul3A_0] : memref<1049600xf32, #tpu.memory_space<vmem_shared>> -> memref<65536xf32, #tpu.memory_space<vmem_shared>>
      tpu.wait_dma2 semaphore(%arg13 : memref<!tpu.dma_semaphore, #tpu.memory_space<semaphore_mem>>) src(%arg4 : memref<65536xf32, #tpu.memory_space<hbm>>) dst(%dma_wait3A : memref<65536xf32, #tpu.memory_space<vmem_shared>>)
      %barrier3A = arith.constant 0 : index
      tpu.barrier barrier_id(%barrier3A)
      "tpu.region"() ({
        %run_scoped3A_1049 = tpu.sem_alloc : memref<!tpu.dma_semaphore, #tpu.memory_space<semaphore_mem>>
        %dma_start3A_1050 = arith.constant 0 : i32
        %dma_start3A_1051 = tpu.memref_slice %arg12[%dma_start3A_1050] : memref<1049600xf32, #tpu.memory_space<vmem_shared>> -> memref<1049600xf32, #tpu.memory_space<vmem_shared>>
        tpu.enqueue_indirect_dma source(%arg11 : memref<4096xf32, #tpu.memory_space<vmem>>) target(%dma_start3A_1051 : memref<1049600xf32, #tpu.memory_space<vmem_shared>>) offsets(%arg10 : memref<4096xi32, #tpu.memory_space<vmem>>) semaphore(%run_scoped3A_1049 : memref<!tpu.dma_semaphore, #tpu.memory_space<semaphore_mem>>) {add = true}
        %dma_wait3A_1052 = arith.constant 0 : i32
        %dma_wait3A_1053 = tpu.memref_slice %arg12[%dma_wait3A_1052] : memref<1049600xf32, #tpu.memory_space<vmem_shared>> -> memref<1049600xf32, #tpu.memory_space<vmem_shared>>
        tpu.wait_indirect_dma semaphore(%run_scoped3A_1049 : memref<!tpu.dma_semaphore, #tpu.memory_space<semaphore_mem>>) src(%arg11 : memref<4096xf32, #tpu.memory_space<vmem>>) dst(%dma_wait3A_1053 : memref<1049600xf32, #tpu.memory_space<vmem_shared>>)
        tpu.yield
      }) : () -> ()
      %barrier3A_20 = arith.constant 0 : index
      tpu.barrier barrier_id(%barrier3A_20)
      %add3A = arith.constant 0 : i32
      %add3A_21 = arith.addi %mul3A_0, %add3A : i32
      %mul3A_22 = arith.constant 64 : i32
      %mul3A_23 = arith.muli %arg1, %mul3A_22 : i32
      %add3A_24 = arith.constant 0 : i32
      %add3A_25 = arith.addi %mul3A_23, %add3A_24 : i32
      %dma_start3A_26 = arith.constant 1 : i32
      %dma_start3A_27 = arith.constant 0 : i32
      %dma_start3A_28 = tpu.memref_slice %arg6[%dma_start3A_26, %add3A_25, %dma_start3A_27] : memref<2x1024x1024xf32, #tpu.memory_space<hbm>> -> memref<1x1x1024xf32, #tpu.memory_space<hbm>>
      %dma_start3A_29 = tpu.memref_squeeze %dma_start3A_28 : memref<1x1x1024xf32, #tpu.memory_space<hbm>> -> memref<1024xf32, #tpu.memory_space<hbm>>
      %dma_start3A_30 = tpu.memref_slice %arg12[%add3A_21] : memref<1049600xf32, #tpu.memory_space<vmem_shared>> -> memref<1024xf32, #tpu.memory_space<vmem_shared>>
      tpu.enqueue_dma source(%dma_start3A_30 : memref<1024xf32, #tpu.memory_space<vmem_shared>>) target(%dma_start3A_29 : memref<1024xf32, #tpu.memory_space<hbm>>) target_semaphore(%arg14 : memref<!tpu.dma_semaphore, #tpu.memory_space<semaphore_mem>>)
      %add3A_31 = arith.constant 1024 : i32
      %add3A_32 = arith.addi %mul3A_0, %add3A_31 : i32
      %mul3A_33 = arith.constant 64 : i32
      %mul3A_34 = arith.muli %arg1, %mul3A_33 : i32
      %add3A_35 = arith.constant 1 : i32
      %add3A_36 = arith.addi %mul3A_34, %add3A_35 : i32
      %dma_start3A_37 = arith.constant 1 : i32
      %dma_start3A_38 = arith.constant 0 : i32
      %dma_start3A_39 = tpu.memref_slice %arg6[%dma_start3A_37, %add3A_36, %dma_start3A_38] : memref<2x1024x1024xf32, #tpu.memory_space<hbm>> -> memref<1x1x1024xf32, #tpu.memory_space<hbm>>
      %dma_start3A_40 = tpu.memref_squeeze %dma_start3A_39 : memref<1x1x1024xf32, #tpu.memory_space<hbm>> -> memref<1024xf32, #tpu.memory_space<hbm>>
      %dma_start3A_41 = tpu.memref_slice %arg12[%add3A_32] : memref<1049600xf32, #tpu.memory_space<vmem_shared>> -> memref<1024xf32, #tpu.memory_space<vmem_shared>>
      tpu.enqueue_dma source(%dma_start3A_41 : memref<1024xf32, #tpu.memory_space<vmem_shared>>) target(%dma_start3A_40 : memref<1024xf32, #tpu.memory_space<hbm>>) target_semaphore(%arg14 : memref<!tpu.dma_semaphore, #tpu.memory_space<semaphore_mem>>)
      %add3A_42 = arith.constant 2048 : i32
      %add3A_43 = arith.addi %mul3A_0, %add3A_42 : i32
      %mul3A_44 = arith.constant 64 : i32
      %mul3A_45 = arith.muli %arg1, %mul3A_44 : i32
      %add3A_46 = arith.constant 2 : i32
      %add3A_47 = arith.addi %mul3A_45, %add3A_46 : i32
      %dma_start3A_48 = arith.constant 1 : i32
      %dma_start3A_49 = arith.constant 0 : i32
      %dma_start3A_50 = tpu.memref_slice %arg6[%dma_start3A_48, %add3A_47, %dma_start3A_49] : memref<2x1024x1024xf32, #tpu.memory_space<hbm>> -> memref<1x1x1024xf32, #tpu.memory_space<hbm>>
      %dma_start3A_51 = tpu.memref_squeeze %dma_start3A_50 : memref<1x1x1024xf32, #tpu.memory_space<hbm>> -> memref<1024xf32, #tpu.memory_space<hbm>>
      %dma_start3A_52 = tpu.memref_slice %arg12[%add3A_43] : memref<1049600xf32, #tpu.memory_space<vmem_shared>> -> memref<1024xf32, #tpu.memory_space<vmem_shared>>
      tpu.enqueue_dma source(%dma_start3A_52 : memref<1024xf32, #tpu.memory_space<vmem_shared>>) target(%dma_start3A_51 : memref<1024xf32, #tpu.memory_space<hbm>>) target_semaphore(%arg14 : memref<!tpu.dma_semaphore, #tpu.memory_space<semaphore_mem>>)
      %add3A_53 = arith.constant 3072 : i32
      %add3A_54 = arith.addi %mul3A_0, %add3A_53 : i32
      %mul3A_55 = arith.constant 64 : i32
      %mul3A_56 = arith.muli %arg1, %mul3A_55 : i32
      %add3A_57 = arith.constant 3 : i32
      %add3A_58 = arith.addi %mul3A_56, %add3A_57 : i32
      %dma_start3A_59 = arith.constant 1 : i32
      %dma_start3A_60 = arith.constant 0 : i32
      %dma_start3A_61 = tpu.memref_slice %arg6[%dma_start3A_59, %add3A_58, %dma_start3A_60] : memref<2x1024x1024xf32, #tpu.memory_space<hbm>> -> memref<1x1x1024xf32, #tpu.memory_space<hbm>>
      %dma_start3A_62 = tpu.memref_squeeze %dma_start3A_61 : memref<1x1x1024xf32, #tpu.memory_space<hbm>> -> memref<1024xf32, #tpu.memory_space<hbm>>
      %dma_start3A_63 = tpu.memref_slice %arg12[%add3A_54] : memref<1049600xf32, #tpu.memory_space<vmem_shared>> -> memref<1024xf32, #tpu.memory_space<vmem_shared>>
      tpu.enqueue_dma source(%dma_start3A_63 : memref<1024xf32, #tpu.memory_space<vmem_shared>>) target(%dma_start3A_62 : memref<1024xf32, #tpu.memory_space<hbm>>) target_semaphore(%arg14 : memref<!tpu.dma_semaphore, #tpu.memory_space<semaphore_mem>>)
      %add3A_64 = arith.constant 4096 : i32
      %add3A_65 = arith.addi %mul3A_0, %add3A_64 : i32
      %mul3A_66 = arith.constant 64 : i32
      %mul3A_67 = arith.muli %arg1, %mul3A_66 : i32
      %add3A_68 = arith.constant 4 : i32
      %add3A_69 = arith.addi %mul3A_67, %add3A_68 : i32
      %dma_start3A_70 = arith.constant 1 : i32
      %dma_start3A_71 = arith.constant 0 : i32
      %dma_start3A_72 = tpu.memref_slice %arg6[%dma_start3A_70, %add3A_69, %dma_start3A_71] : memref<2x1024x1024xf32, #tpu.memory_space<hbm>> -> memref<1x1x1024xf32, #tpu.memory_space<hbm>>
      %dma_start3A_73 = tpu.memref_squeeze %dma_start3A_72 : memref<1x1x1024xf32, #tpu.memory_space<hbm>> -> memref<1024xf32, #tpu.memory_space<hbm>>
      %dma_start3A_74 = tpu.memref_slice %arg12[%add3A_65] : memref<1049600xf32, #tpu.memory_space<vmem_shared>> -> memref<1024xf32, #tpu.memory_space<vmem_shared>>
      tpu.enqueue_dma source(%dma_start3A_74 : memref<1024xf32, #tpu.memory_space<vmem_shared>>) target(%dma_start3A_73 : memref<1024xf32, #tpu.memory_space<hbm>>) target_semaphore(%arg14 : memref<!tpu.dma_semaphore, #tpu.memory_space<semaphore_mem>>)
      %add3A_75 = arith.constant 5120 : i32
      %add3A_76 = arith.addi %mul3A_0, %add3A_75 : i32
      %mul3A_77 = arith.constant 64 : i32
      %mul3A_78 = arith.muli %arg1, %mul3A_77 : i32
      %add3A_79 = arith.constant 5 : i32
      %add3A_80 = arith.addi %mul3A_78, %add3A_79 : i32
      %dma_start3A_81 = arith.constant 1 : i32
      %dma_start3A_82 = arith.constant 0 : i32
      %dma_start3A_83 = tpu.memref_slice %arg6[%dma_start3A_81, %add3A_80, %dma_start3A_82] : memref<2x1024x1024xf32, #tpu.memory_space<hbm>> -> memref<1x1x1024xf32, #tpu.memory_space<hbm>>
      %dma_start3A_84 = tpu.memref_squeeze %dma_start3A_83 : memref<1x1x1024xf32, #tpu.memory_space<hbm>> -> memref<1024xf32, #tpu.memory_space<hbm>>
      %dma_start3A_85 = tpu.memref_slice %arg12[%add3A_76] : memref<1049600xf32, #tpu.memory_space<vmem_shared>> -> memref<1024xf32, #tpu.memory_space<vmem_shared>>
      tpu.enqueue_dma source(%dma_start3A_85 : memref<1024xf32, #tpu.memory_space<vmem_shared>>) target(%dma_start3A_84 : memref<1024xf32, #tpu.memory_space<hbm>>) target_semaphore(%arg14 : memref<!tpu.dma_semaphore, #tpu.memory_space<semaphore_mem>>)
      %add3A_86 = arith.constant 6144 : i32
      %add3A_87 = arith.addi %mul3A_0, %add3A_86 : i32
      %mul3A_88 = arith.constant 64 : i32
      %mul3A_89 = arith.muli %arg1, %mul3A_88 : i32
      %add3A_90 = arith.constant 6 : i32
      %add3A_91 = arith.addi %mul3A_89, %add3A_90 : i32
      %dma_start3A_92 = arith.constant 1 : i32
      %dma_start3A_93 = arith.constant 0 : i32
      %dma_start3A_94 = tpu.memref_slice %arg6[%dma_start3A_92, %add3A_91, %dma_start3A_93] : memref<2x1024x1024xf32, #tpu.memory_space<hbm>> -> memref<1x1x1024xf32, #tpu.memory_space<hbm>>
      %dma_start3A_95 = tpu.memref_squeeze %dma_start3A_94 : memref<1x1x1024xf32, #tpu.memory_space<hbm>> -> memref<1024xf32, #tpu.memory_space<hbm>>
      %dma_start3A_96 = tpu.memref_slice %arg12[%add3A_87] : memref<1049600xf32, #tpu.memory_space<vmem_shared>> -> memref<1024xf32, #tpu.memory_space<vmem_shared>>
      tpu.enqueue_dma source(%dma_start3A_96 : memref<1024xf32, #tpu.memory_space<vmem_shared>>) target(%dma_start3A_95 : memref<1024xf32, #tpu.memory_space<hbm>>) target_semaphore(%arg14 : memref<!tpu.dma_semaphore, #tpu.memory_space<semaphore_mem>>)
      %add3A_97 = arith.constant 7168 : i32
      %add3A_98 = arith.addi %mul3A_0, %add3A_97 : i32
      %mul3A_99 = arith.constant 64 : i32
      %mul3A_100 = arith.muli %arg1, %mul3A_99 : i32
      %add3A_101 = arith.constant 7 : i32
      %add3A_102 = arith.addi %mul3A_100, %add3A_101 : i32
      %dma_start3A_103 = arith.constant 1 : i32
      %dma_start3A_104 = arith.constant 0 : i32
      %dma_start3A_105 = tpu.memref_slice %arg6[%dma_start3A_103, %add3A_102, %dma_start3A_104] : memref<2x1024x1024xf32, #tpu.memory_space<hbm>> -> memref<1x1x1024xf32, #tpu.memory_space<hbm>>
      %dma_start3A_106 = tpu.memref_squeeze %dma_start3A_105 : memref<1x1x1024xf32, #tpu.memory_space<hbm>> -> memref<1024xf32, #tpu.memory_space<hbm>>
      %dma_start3A_107 = tpu.memref_slice %arg12[%add3A_98] : memref<1049600xf32, #tpu.memory_space<vmem_shared>> -> memref<1024xf32, #tpu.memory_space<vmem_shared>>
      tpu.enqueue_dma source(%dma_start3A_107 : memref<1024xf32, #tpu.memory_space<vmem_shared>>) target(%dma_start3A_106 : memref<1024xf32, #tpu.memory_space<hbm>>) target_semaphore(%arg14 : memref<!tpu.dma_semaphore, #tpu.memory_space<semaphore_mem>>)
      %add3A_108 = arith.constant 8192 : i32
      %add3A_109 = arith.addi %mul3A_0, %add3A_108 : i32
      %mul3A_110 = arith.constant 64 : i32
      %mul3A_111 = arith.muli %arg1, %mul3A_110 : i32
      %add3A_112 = arith.constant 8 : i32
      %add3A_113 = arith.addi %mul3A_111, %add3A_112 : i32
      %dma_start3A_114 = arith.constant 1 : i32
      %dma_start3A_115 = arith.constant 0 : i32
      %dma_start3A_116 = tpu.memref_slice %arg6[%dma_start3A_114, %add3A_113, %dma_start3A_115] : memref<2x1024x1024xf32, #tpu.memory_space<hbm>> -> memref<1x1x1024xf32, #tpu.memory_space<hbm>>
      %dma_start3A_117 = tpu.memref_squeeze %dma_start3A_116 : memref<1x1x1024xf32, #tpu.memory_space<hbm>> -> memref<1024xf32, #tpu.memory_space<hbm>>
      %dma_start3A_118 = tpu.memref_slice %arg12[%add3A_109] : memref<1049600xf32, #tpu.memory_space<vmem_shared>> -> memref<1024xf32, #tpu.memory_space<vmem_shared>>
      tpu.enqueue_dma source(%dma_start3A_118 : memref<1024xf32, #tpu.memory_space<vmem_shared>>) target(%dma_start3A_117 : memref<1024xf32, #tpu.memory_space<hbm>>) target_semaphore(%arg14 : memref<!tpu.dma_semaphore, #tpu.memory_space<semaphore_mem>>)
      %add3A_119 = arith.constant 9216 : i32
      %add3A_120 = arith.addi %mul3A_0, %add3A_119 : i32
      %mul3A_121 = arith.constant 64 : i32
      %mul3A_122 = arith.muli %arg1, %mul3A_121 : i32
      %add3A_123 = arith.constant 9 : i32
      %add3A_124 = arith.addi %mul3A_122, %add3A_123 : i32
      %dma_start3A_125 = arith.constant 1 : i32
      %dma_start3A_126 = arith.constant 0 : i32
      %dma_start3A_127 = tpu.memref_slice %arg6[%dma_start3A_125, %add3A_124, %dma_start3A_126] : memref<2x1024x1024xf32, #tpu.memory_space<hbm>> -> memref<1x1x1024xf32, #tpu.memory_space<hbm>>
      %dma_start3A_128 = tpu.memref_squeeze %dma_start3A_127 : memref<1x1x1024xf32, #tpu.memory_space<hbm>> -> memref<1024xf32, #tpu.memory_space<hbm>>
      %dma_start3A_129 = tpu.memref_slice %arg12[%add3A_120] : memref<1049600xf32, #tpu.memory_space<vmem_shared>> -> memref<1024xf32, #tpu.memory_space<vmem_shared>>
      tpu.enqueue_dma source(%dma_start3A_129 : memref<1024xf32, #tpu.memory_space<vmem_shared>>) target(%dma_start3A_128 : memref<1024xf32, #tpu.memory_space<hbm>>) target_semaphore(%arg14 : memref<!tpu.dma_semaphore, #tpu.memory_space<semaphore_mem>>)
      %add3A_130 = arith.constant 10240 : i32
      %add3A_131 = arith.addi %mul3A_0, %add3A_130 : i32
      %mul3A_132 = arith.constant 64 : i32
      %mul3A_133 = arith.muli %arg1, %mul3A_132 : i32
      %add3A_134 = arith.constant 10 : i32
      %add3A_135 = arith.addi %mul3A_133, %add3A_134 : i32
      %dma_start3A_136 = arith.constant 1 : i32
      %dma_start3A_137 = arith.constant 0 : i32
      %dma_start3A_138 = tpu.memref_slice %arg6[%dma_start3A_136, %add3A_135, %dma_start3A_137] : memref<2x1024x1024xf32, #tpu.memory_space<hbm>> -> memref<1x1x1024xf32, #tpu.memory_space<hbm>>
      %dma_start3A_139 = tpu.memref_squeeze %dma_start3A_138 : memref<1x1x1024xf32, #tpu.memory_space<hbm>> -> memref<1024xf32, #tpu.memory_space<hbm>>
      %dma_start3A_140 = tpu.memref_slice %arg12[%add3A_131] : memref<1049600xf32, #tpu.memory_space<vmem_shared>> -> memref<1024xf32, #tpu.memory_space<vmem_shared>>
      tpu.enqueue_dma source(%dma_start3A_140 : memref<1024xf32, #tpu.memory_space<vmem_shared>>) target(%dma_start3A_139 : memref<1024xf32, #tpu.memory_space<hbm>>) target_semaphore(%arg14 : memref<!tpu.dma_semaphore, #tpu.memory_space<semaphore_mem>>)
      %add3A_141 = arith.constant 11264 : i32
      %add3A_142 = arith.addi %mul3A_0, %add3A_141 : i32
      %mul3A_143 = arith.constant 64 : i32
      %mul3A_144 = arith.muli %arg1, %mul3A_143 : i32
      %add3A_145 = arith.constant 11 : i32
      %add3A_146 = arith.addi %mul3A_144, %add3A_145 : i32
      %dma_start3A_147 = arith.constant 1 : i32
      %dma_start3A_148 = arith.constant 0 : i32
      %dma_start3A_149 = tpu.memref_slice %arg6[%dma_start3A_147, %add3A_146, %dma_start3A_148] : memref<2x1024x1024xf32, #tpu.memory_space<hbm>> -> memref<1x1x1024xf32, #tpu.memory_space<hbm>>
      %dma_start3A_150 = tpu.memref_squeeze %dma_start3A_149 : memref<1x1x1024xf32, #tpu.memory_space<hbm>> -> memref<1024xf32, #tpu.memory_space<hbm>>
      %dma_start3A_151 = tpu.memref_slice %arg12[%add3A_142] : memref<1049600xf32, #tpu.memory_space<vmem_shared>> -> memref<1024xf32, #tpu.memory_space<vmem_shared>>
      tpu.enqueue_dma source(%dma_start3A_151 : memref<1024xf32, #tpu.memory_space<vmem_shared>>) target(%dma_start3A_150 : memref<1024xf32, #tpu.memory_space<hbm>>) target_semaphore(%arg14 : memref<!tpu.dma_semaphore, #tpu.memory_space<semaphore_mem>>)
      %add3A_152 = arith.constant 12288 : i32
      %add3A_153 = arith.addi %mul3A_0, %add3A_152 : i32
      %mul3A_154 = arith.constant 64 : i32
      %mul3A_155 = arith.muli %arg1, %mul3A_154 : i32
      %add3A_156 = arith.constant 12 : i32
      %add3A_157 = arith.addi %mul3A_155, %add3A_156 : i32
      %dma_start3A_158 = arith.constant 1 : i32
      %dma_start3A_159 = arith.constant 0 : i32
      %dma_start3A_160 = tpu.memref_slice %arg6[%dma_start3A_158, %add3A_157, %dma_start3A_159] : memref<2x1024x1024xf32, #tpu.memory_space<hbm>> -> memref<1x1x1024xf32, #tpu.memory_space<hbm>>
      %dma_start3A_161 = tpu.memref_squeeze %dma_start3A_160 : memref<1x1x1024xf32, #tpu.memory_space<hbm>> -> memref<1024xf32, #tpu.memory_space<hbm>>
      %dma_start3A_162 = tpu.memref_slice %arg12[%add3A_153] : memref<1049600xf32, #tpu.memory_space<vmem_shared>> -> memref<1024xf32, #tpu.memory_space<vmem_shared>>
      tpu.enqueue_dma source(%dma_start3A_162 : memref<1024xf32, #tpu.memory_space<vmem_shared>>) target(%dma_start3A_161 : memref<1024xf32, #tpu.memory_space<hbm>>) target_semaphore(%arg14 : memref<!tpu.dma_semaphore, #tpu.memory_space<semaphore_mem>>)
      %add3A_163 = arith.constant 13312 : i32
      %add3A_164 = arith.addi %mul3A_0, %add3A_163 : i32
      %mul3A_165 = arith.constant 64 : i32
      %mul3A_166 = arith.muli %arg1, %mul3A_165 : i32
      %add3A_167 = arith.constant 13 : i32
      %add3A_168 = arith.addi %mul3A_166, %add3A_167 : i32
      %dma_start3A_169 = arith.constant 1 : i32
      %dma_start3A_170 = arith.constant 0 : i32
      %dma_start3A_171 = tpu.memref_slice %arg6[%dma_start3A_169, %add3A_168, %dma_start3A_170] : memref<2x1024x1024xf32, #tpu.memory_space<hbm>> -> memref<1x1x1024xf32, #tpu.memory_space<hbm>>
      %dma_start3A_172 = tpu.memref_squeeze %dma_start3A_171 : memref<1x1x1024xf32, #tpu.memory_space<hbm>> -> memref<1024xf32, #tpu.memory_space<hbm>>
      %dma_start3A_173 = tpu.memref_slice %arg12[%add3A_164] : memref<1049600xf32, #tpu.memory_space<vmem_shared>> -> memref<1024xf32, #tpu.memory_space<vmem_shared>>
      tpu.enqueue_dma source(%dma_start3A_173 : memref<1024xf32, #tpu.memory_space<vmem_shared>>) target(%dma_start3A_172 : memref<1024xf32, #tpu.memory_space<hbm>>) target_semaphore(%arg14 : memref<!tpu.dma_semaphore, #tpu.memory_space<semaphore_mem>>)
      %add3A_174 = arith.constant 14336 : i32
      %add3A_175 = arith.addi %mul3A_0, %add3A_174 : i32
      %mul3A_176 = arith.constant 64 : i32
      %mul3A_177 = arith.muli %arg1, %mul3A_176 : i32
      %add3A_178 = arith.constant 14 : i32
      %add3A_179 = arith.addi %mul3A_177, %add3A_178 : i32
      %dma_start3A_180 = arith.constant 1 : i32
      %dma_start3A_181 = arith.constant 0 : i32
      %dma_start3A_182 = tpu.memref_slice %arg6[%dma_start3A_180, %add3A_179, %dma_start3A_181] : memref<2x1024x1024xf32, #tpu.memory_space<hbm>> -> memref<1x1x1024xf32, #tpu.memory_space<hbm>>
      %dma_start3A_183 = tpu.memref_squeeze %dma_start3A_182 : memref<1x1x1024xf32, #tpu.memory_space<hbm>> -> memref<1024xf32, #tpu.memory_space<hbm>>
      %dma_start3A_184 = tpu.memref_slice %arg12[%add3A_175] : memref<1049600xf32, #tpu.memory_space<vmem_shared>> -> memref<1024xf32, #tpu.memory_space<vmem_shared>>
      tpu.enqueue_dma source(%dma_start3A_184 : memref<1024xf32, #tpu.memory_space<vmem_shared>>) target(%dma_start3A_183 : memref<1024xf32, #tpu.memory_space<hbm>>) target_semaphore(%arg14 : memref<!tpu.dma_semaphore, #tpu.memory_space<semaphore_mem>>)
      %add3A_185 = arith.constant 15360 : i32
      %add3A_186 = arith.addi %mul3A_0, %add3A_185 : i32
      %mul3A_187 = arith.constant 64 : i32
      %mul3A_188 = arith.muli %arg1, %mul3A_187 : i32
      %add3A_189 = arith.constant 15 : i32
      %add3A_190 = arith.addi %mul3A_188, %add3A_189 : i32
      %dma_start3A_191 = arith.constant 1 : i32
      %dma_start3A_192 = arith.constant 0 : i32
      %dma_start3A_193 = tpu.memref_slice %arg6[%dma_start3A_191, %add3A_190, %dma_start3A_192] : memref<2x1024x1024xf32, #tpu.memory_space<hbm>> -> memref<1x1x1024xf32, #tpu.memory_space<hbm>>
      %dma_start3A_194 = tpu.memref_squeeze %dma_start3A_193 : memref<1x1x1024xf32, #tpu.memory_space<hbm>> -> memref<1024xf32, #tpu.memory_space<hbm>>
      %dma_start3A_195 = tpu.memref_slice %arg12[%add3A_186] : memref<1049600xf32, #tpu.memory_space<vmem_shared>> -> memref<1024xf32, #tpu.memory_space<vmem_shared>>
      tpu.enqueue_dma source(%dma_start3A_195 : memref<1024xf32, #tpu.memory_space<vmem_shared>>) target(%dma_start3A_194 : memref<1024xf32, #tpu.memory_space<hbm>>) target_semaphore(%arg14 : memref<!tpu.dma_semaphore, #tpu.memory_space<semaphore_mem>>)
      %add3A_196 = arith.constant 16384 : i32
      %add3A_197 = arith.addi %mul3A_0, %add3A_196 : i32
      %mul3A_198 = arith.constant 64 : i32
      %mul3A_199 = arith.muli %arg1, %mul3A_198 : i32
      %add3A_200 = arith.constant 16 : i32
      %add3A_201 = arith.addi %mul3A_199, %add3A_200 : i32
      %dma_start3A_202 = arith.constant 1 : i32
      %dma_start3A_203 = arith.constant 0 : i32
      %dma_start3A_204 = tpu.memref_slice %arg6[%dma_start3A_202, %add3A_201, %dma_start3A_203] : memref<2x1024x1024xf32, #tpu.memory_space<hbm>> -> memref<1x1x1024xf32, #tpu.memory_space<hbm>>
      %dma_start3A_205 = tpu.memref_squeeze %dma_start3A_204 : memref<1x1x1024xf32, #tpu.memory_space<hbm>> -> memref<1024xf32, #tpu.memory_space<hbm>>
      %dma_start3A_206 = tpu.memref_slice %arg12[%add3A_197] : memref<1049600xf32, #tpu.memory_space<vmem_shared>> -> memref<1024xf32, #tpu.memory_space<vmem_shared>>
      tpu.enqueue_dma source(%dma_start3A_206 : memref<1024xf32, #tpu.memory_space<vmem_shared>>) target(%dma_start3A_205 : memref<1024xf32, #tpu.memory_space<hbm>>) target_semaphore(%arg14 : memref<!tpu.dma_semaphore, #tpu.memory_space<semaphore_mem>>)
      %add3A_207 = arith.constant 17408 : i32
      %add3A_208 = arith.addi %mul3A_0, %add3A_207 : i32
      %mul3A_209 = arith.constant 64 : i32
      %mul3A_210 = arith.muli %arg1, %mul3A_209 : i32
      %add3A_211 = arith.constant 17 : i32
      %add3A_212 = arith.addi %mul3A_210, %add3A_211 : i32
      %dma_start3A_213 = arith.constant 1 : i32
      %dma_start3A_214 = arith.constant 0 : i32
      %dma_start3A_215 = tpu.memref_slice %arg6[%dma_start3A_213, %add3A_212, %dma_start3A_214] : memref<2x1024x1024xf32, #tpu.memory_space<hbm>> -> memref<1x1x1024xf32, #tpu.memory_space<hbm>>
      %dma_start3A_216 = tpu.memref_squeeze %dma_start3A_215 : memref<1x1x1024xf32, #tpu.memory_space<hbm>> -> memref<1024xf32, #tpu.memory_space<hbm>>
      %dma_start3A_217 = tpu.memref_slice %arg12[%add3A_208] : memref<1049600xf32, #tpu.memory_space<vmem_shared>> -> memref<1024xf32, #tpu.memory_space<vmem_shared>>
      tpu.enqueue_dma source(%dma_start3A_217 : memref<1024xf32, #tpu.memory_space<vmem_shared>>) target(%dma_start3A_216 : memref<1024xf32, #tpu.memory_space<hbm>>) target_semaphore(%arg14 : memref<!tpu.dma_semaphore, #tpu.memory_space<semaphore_mem>>)
      %add3A_218 = arith.constant 18432 : i32
      %add3A_219 = arith.addi %mul3A_0, %add3A_218 : i32
      %mul3A_220 = arith.constant 64 : i32
      %mul3A_221 = arith.muli %arg1, %mul3A_220 : i32
      %add3A_222 = arith.constant 18 : i32
      %add3A_223 = arith.addi %mul3A_221, %add3A_222 : i32
      %dma_start3A_224 = arith.constant 1 : i32
      %dma_start3A_225 = arith.constant 0 : i32
      %dma_start3A_226 = tpu.memref_slice %arg6[%dma_start3A_224, %add3A_223, %dma_start3A_225] : memref<2x1024x1024xf32, #tpu.memory_space<hbm>> -> memref<1x1x1024xf32, #tpu.memory_space<hbm>>
      %dma_start3A_227 = tpu.memref_squeeze %dma_start3A_226 : memref<1x1x1024xf32, #tpu.memory_space<hbm>> -> memref<1024xf32, #tpu.memory_space<hbm>>
      %dma_start3A_228 = tpu.memref_slice %arg12[%add3A_219] : memref<1049600xf32, #tpu.memory_space<vmem_shared>> -> memref<1024xf32, #tpu.memory_space<vmem_shared>>
      tpu.enqueue_dma source(%dma_start3A_228 : memref<1024xf32, #tpu.memory_space<vmem_shared>>) target(%dma_start3A_227 : memref<1024xf32, #tpu.memory_space<hbm>>) target_semaphore(%arg14 : memref<!tpu.dma_semaphore, #tpu.memory_space<semaphore_mem>>)
      %add3A_229 = arith.constant 19456 : i32
      %add3A_230 = arith.addi %mul3A_0, %add3A_229 : i32
      %mul3A_231 = arith.constant 64 : i32
      %mul3A_232 = arith.muli %arg1, %mul3A_231 : i32
      %add3A_233 = arith.constant 19 : i32
      %add3A_234 = arith.addi %mul3A_232, %add3A_233 : i32
      %dma_start3A_235 = arith.constant 1 : i32
      %dma_start3A_236 = arith.constant 0 : i32
      %dma_start3A_237 = tpu.memref_slice %arg6[%dma_start3A_235, %add3A_234, %dma_start3A_236] : memref<2x1024x1024xf32, #tpu.memory_space<hbm>> -> memref<1x1x1024xf32, #tpu.memory_space<hbm>>
      %dma_start3A_238 = tpu.memref_squeeze %dma_start3A_237 : memref<1x1x1024xf32, #tpu.memory_space<hbm>> -> memref<1024xf32, #tpu.memory_space<hbm>>
      %dma_start3A_239 = tpu.memref_slice %arg12[%add3A_230] : memref<1049600xf32, #tpu.memory_space<vmem_shared>> -> memref<1024xf32, #tpu.memory_space<vmem_shared>>
      tpu.enqueue_dma source(%dma_start3A_239 : memref<1024xf32, #tpu.memory_space<vmem_shared>>) target(%dma_start3A_238 : memref<1024xf32, #tpu.memory_space<hbm>>) target_semaphore(%arg14 : memref<!tpu.dma_semaphore, #tpu.memory_space<semaphore_mem>>)
      %add3A_240 = arith.constant 20480 : i32
      %add3A_241 = arith.addi %mul3A_0, %add3A_240 : i32
      %mul3A_242 = arith.constant 64 : i32
      %mul3A_243 = arith.muli %arg1, %mul3A_242 : i32
      %add3A_244 = arith.constant 20 : i32
      %add3A_245 = arith.addi %mul3A_243, %add3A_244 : i32
      %dma_start3A_246 = arith.constant 1 : i32
      %dma_start3A_247 = arith.constant 0 : i32
      %dma_start3A_248 = tpu.memref_slice %arg6[%dma_start3A_246, %add3A_245, %dma_start3A_247] : memref<2x1024x1024xf32, #tpu.memory_space<hbm>> -> memref<1x1x1024xf32, #tpu.memory_space<hbm>>
      %dma_start3A_249 = tpu.memref_squeeze %dma_start3A_248 : memref<1x1x1024xf32, #tpu.memory_space<hbm>> -> memref<1024xf32, #tpu.memory_space<hbm>>
      %dma_start3A_250 = tpu.memref_slice %arg12[%add3A_241] : memref<1049600xf32, #tpu.memory_space<vmem_shared>> -> memref<1024xf32, #tpu.memory_space<vmem_shared>>
      tpu.enqueue_dma source(%dma_start3A_250 : memref<1024xf32, #tpu.memory_space<vmem_shared>>) target(%dma_start3A_249 : memref<1024xf32, #tpu.memory_space<hbm>>) target_semaphore(%arg14 : memref<!tpu.dma_semaphore, #tpu.memory_space<semaphore_mem>>)
      %add3A_251 = arith.constant 21504 : i32
      %add3A_252 = arith.addi %mul3A_0, %add3A_251 : i32
      %mul3A_253 = arith.constant 64 : i32
      %mul3A_254 = arith.muli %arg1, %mul3A_253 : i32
      %add3A_255 = arith.constant 21 : i32
      %add3A_256 = arith.addi %mul3A_254, %add3A_255 : i32
      %dma_start3A_257 = arith.constant 1 : i32
      %dma_start3A_258 = arith.constant 0 : i32
      %dma_start3A_259 = tpu.memref_slice %arg6[%dma_start3A_257, %add3A_256, %dma_start3A_258] : memref<2x1024x1024xf32, #tpu.memory_space<hbm>> -> memref<1x1x1024xf32, #tpu.memory_space<hbm>>
      %dma_start3A_260 = tpu.memref_squeeze %dma_start3A_259 : memref<1x1x1024xf32, #tpu.memory_space<hbm>> -> memref<1024xf32, #tpu.memory_space<hbm>>
      %dma_start3A_261 = tpu.memref_slice %arg12[%add3A_252] : memref<1049600xf32, #tpu.memory_space<vmem_shared>> -> memref<1024xf32, #tpu.memory_space<vmem_shared>>
      tpu.enqueue_dma source(%dma_start3A_261 : memref<1024xf32, #tpu.memory_space<vmem_shared>>) target(%dma_start3A_260 : memref<1024xf32, #tpu.memory_space<hbm>>) target_semaphore(%arg14 : memref<!tpu.dma_semaphore, #tpu.memory_space<semaphore_mem>>)
      %add3A_262 = arith.constant 22528 : i32
      %add3A_263 = arith.addi %mul3A_0, %add3A_262 : i32
      %mul3A_264 = arith.constant 64 : i32
      %mul3A_265 = arith.muli %arg1, %mul3A_264 : i32
      %add3A_266 = arith.constant 22 : i32
      %add3A_267 = arith.addi %mul3A_265, %add3A_266 : i32
      %dma_start3A_268 = arith.constant 1 : i32
      %dma_start3A_269 = arith.constant 0 : i32
      %dma_start3A_270 = tpu.memref_slice %arg6[%dma_start3A_268, %add3A_267, %dma_start3A_269] : memref<2x1024x1024xf32, #tpu.memory_space<hbm>> -> memref<1x1x1024xf32, #tpu.memory_space<hbm>>
      %dma_start3A_271 = tpu.memref_squeeze %dma_start3A_270 : memref<1x1x1024xf32, #tpu.memory_space<hbm>> -> memref<1024xf32, #tpu.memory_space<hbm>>
      %dma_start3A_272 = tpu.memref_slice %arg12[%add3A_263] : memref<1049600xf32, #tpu.memory_space<vmem_shared>> -> memref<1024xf32, #tpu.memory_space<vmem_shared>>
      tpu.enqueue_dma source(%dma_start3A_272 : memref<1024xf32, #tpu.memory_space<vmem_shared>>) target(%dma_start3A_271 : memref<1024xf32, #tpu.memory_space<hbm>>) target_semaphore(%arg14 : memref<!tpu.dma_semaphore, #tpu.memory_space<semaphore_mem>>)
      %add3A_273 = arith.constant 23552 : i32
      %add3A_274 = arith.addi %mul3A_0, %add3A_273 : i32
      %mul3A_275 = arith.constant 64 : i32
      %mul3A_276 = arith.muli %arg1, %mul3A_275 : i32
      %add3A_277 = arith.constant 23 : i32
      %add3A_278 = arith.addi %mul3A_276, %add3A_277 : i32
      %dma_start3A_279 = arith.constant 1 : i32
      %dma_start3A_280 = arith.constant 0 : i32
      %dma_start3A_281 = tpu.memref_slice %arg6[%dma_start3A_279, %add3A_278, %dma_start3A_280] : memref<2x1024x1024xf32, #tpu.memory_space<hbm>> -> memref<1x1x1024xf32, #tpu.memory_space<hbm>>
      %dma_start3A_282 = tpu.memref_squeeze %dma_start3A_281 : memref<1x1x1024xf32, #tpu.memory_space<hbm>> -> memref<1024xf32, #tpu.memory_space<hbm>>
      %dma_start3A_283 = tpu.memref_slice %arg12[%add3A_274] : memref<1049600xf32, #tpu.memory_space<vmem_shared>> -> memref<1024xf32, #tpu.memory_space<vmem_shared>>
      tpu.enqueue_dma source(%dma_start3A_283 : memref<1024xf32, #tpu.memory_space<vmem_shared>>) target(%dma_start3A_282 : memref<1024xf32, #tpu.memory_space<hbm>>) target_semaphore(%arg14 : memref<!tpu.dma_semaphore, #tpu.memory_space<semaphore_mem>>)
      %add3A_284 = arith.constant 24576 : i32
      %add3A_285 = arith.addi %mul3A_0, %add3A_284 : i32
      %mul3A_286 = arith.constant 64 : i32
      %mul3A_287 = arith.muli %arg1, %mul3A_286 : i32
      %add3A_288 = arith.constant 24 : i32
      %add3A_289 = arith.addi %mul3A_287, %add3A_288 : i32
      %dma_start3A_290 = arith.constant 1 : i32
      %dma_start3A_291 = arith.constant 0 : i32
      %dma_start3A_292 = tpu.memref_slice %arg6[%dma_start3A_290, %add3A_289, %dma_start3A_291] : memref<2x1024x1024xf32, #tpu.memory_space<hbm>> -> memref<1x1x1024xf32, #tpu.memory_space<hbm>>
      %dma_start3A_293 = tpu.memref_squeeze %dma_start3A_292 : memref<1x1x1024xf32, #tpu.memory_space<hbm>> -> memref<1024xf32, #tpu.memory_space<hbm>>
      %dma_start3A_294 = tpu.memref_slice %arg12[%add3A_285] : memref<1049600xf32, #tpu.memory_space<vmem_shared>> -> memref<1024xf32, #tpu.memory_space<vmem_shared>>
      tpu.enqueue_dma source(%dma_start3A_294 : memref<1024xf32, #tpu.memory_space<vmem_shared>>) target(%dma_start3A_293 : memref<1024xf32, #tpu.memory_space<hbm>>) target_semaphore(%arg14 : memref<!tpu.dma_semaphore, #tpu.memory_space<semaphore_mem>>)
      %add3A_295 = arith.constant 25600 : i32
      %add3A_296 = arith.addi %mul3A_0, %add3A_295 : i32
      %mul3A_297 = arith.constant 64 : i32
      %mul3A_298 = arith.muli %arg1, %mul3A_297 : i32
      %add3A_299 = arith.constant 25 : i32
      %add3A_300 = arith.addi %mul3A_298, %add3A_299 : i32
      %dma_start3A_301 = arith.constant 1 : i32
      %dma_start3A_302 = arith.constant 0 : i32
      %dma_start3A_303 = tpu.memref_slice %arg6[%dma_start3A_301, %add3A_300, %dma_start3A_302] : memref<2x1024x1024xf32, #tpu.memory_space<hbm>> -> memref<1x1x1024xf32, #tpu.memory_space<hbm>>
      %dma_start3A_304 = tpu.memref_squeeze %dma_start3A_303 : memref<1x1x1024xf32, #tpu.memory_space<hbm>> -> memref<1024xf32, #tpu.memory_space<hbm>>
      %dma_start3A_305 = tpu.memref_slice %arg12[%add3A_296] : memref<1049600xf32, #tpu.memory_space<vmem_shared>> -> memref<1024xf32, #tpu.memory_space<vmem_shared>>
      tpu.enqueue_dma source(%dma_start3A_305 : memref<1024xf32, #tpu.memory_space<vmem_shared>>) target(%dma_start3A_304 : memref<1024xf32, #tpu.memory_space<hbm>>) target_semaphore(%arg14 : memref<!tpu.dma_semaphore, #tpu.memory_space<semaphore_mem>>)
      %add3A_306 = arith.constant 26624 : i32
      %add3A_307 = arith.addi %mul3A_0, %add3A_306 : i32
      %mul3A_308 = arith.constant 64 : i32
      %mul3A_309 = arith.muli %arg1, %mul3A_308 : i32
      %add3A_310 = arith.constant 26 : i32
      %add3A_311 = arith.addi %mul3A_309, %add3A_310 : i32
      %dma_start3A_312 = arith.constant 1 : i32
      %dma_start3A_313 = arith.constant 0 : i32
      %dma_start3A_314 = tpu.memref_slice %arg6[%dma_start3A_312, %add3A_311, %dma_start3A_313] : memref<2x1024x1024xf32, #tpu.memory_space<hbm>> -> memref<1x1x1024xf32, #tpu.memory_space<hbm>>
      %dma_start3A_315 = tpu.memref_squeeze %dma_start3A_314 : memref<1x1x1024xf32, #tpu.memory_space<hbm>> -> memref<1024xf32, #tpu.memory_space<hbm>>
      %dma_start3A_316 = tpu.memref_slice %arg12[%add3A_307] : memref<1049600xf32, #tpu.memory_space<vmem_shared>> -> memref<1024xf32, #tpu.memory_space<vmem_shared>>
      tpu.enqueue_dma source(%dma_start3A_316 : memref<1024xf32, #tpu.memory_space<vmem_shared>>) target(%dma_start3A_315 : memref<1024xf32, #tpu.memory_space<hbm>>) target_semaphore(%arg14 : memref<!tpu.dma_semaphore, #tpu.memory_space<semaphore_mem>>)
      %add3A_317 = arith.constant 27648 : i32
      %add3A_318 = arith.addi %mul3A_0, %add3A_317 : i32
      %mul3A_319 = arith.constant 64 : i32
      %mul3A_320 = arith.muli %arg1, %mul3A_319 : i32
      %add3A_321 = arith.constant 27 : i32
      %add3A_322 = arith.addi %mul3A_320, %add3A_321 : i32
      %dma_start3A_323 = arith.constant 1 : i32
      %dma_start3A_324 = arith.constant 0 : i32
      %dma_start3A_325 = tpu.memref_slice %arg6[%dma_start3A_323, %add3A_322, %dma_start3A_324] : memref<2x1024x1024xf32, #tpu.memory_space<hbm>> -> memref<1x1x1024xf32, #tpu.memory_space<hbm>>
      %dma_start3A_326 = tpu.memref_squeeze %dma_start3A_325 : memref<1x1x1024xf32, #tpu.memory_space<hbm>> -> memref<1024xf32, #tpu.memory_space<hbm>>
      %dma_start3A_327 = tpu.memref_slice %arg12[%add3A_318] : memref<1049600xf32, #tpu.memory_space<vmem_shared>> -> memref<1024xf32, #tpu.memory_space<vmem_shared>>
      tpu.enqueue_dma source(%dma_start3A_327 : memref<1024xf32, #tpu.memory_space<vmem_shared>>) target(%dma_start3A_326 : memref<1024xf32, #tpu.memory_space<hbm>>) target_semaphore(%arg14 : memref<!tpu.dma_semaphore, #tpu.memory_space<semaphore_mem>>)
      %add3A_328 = arith.constant 28672 : i32
      %add3A_329 = arith.addi %mul3A_0, %add3A_328 : i32
      %mul3A_330 = arith.constant 64 : i32
      %mul3A_331 = arith.muli %arg1, %mul3A_330 : i32
      %add3A_332 = arith.constant 28 : i32
      %add3A_333 = arith.addi %mul3A_331, %add3A_332 : i32
      %dma_start3A_334 = arith.constant 1 : i32
      %dma_start3A_335 = arith.constant 0 : i32
      %dma_start3A_336 = tpu.memref_slice %arg6[%dma_start3A_334, %add3A_333, %dma_start3A_335] : memref<2x1024x1024xf32, #tpu.memory_space<hbm>> -> memref<1x1x1024xf32, #tpu.memory_space<hbm>>
      %dma_start3A_337 = tpu.memref_squeeze %dma_start3A_336 : memref<1x1x1024xf32, #tpu.memory_space<hbm>> -> memref<1024xf32, #tpu.memory_space<hbm>>
      %dma_start3A_338 = tpu.memref_slice %arg12[%add3A_329] : memref<1049600xf32, #tpu.memory_space<vmem_shared>> -> memref<1024xf32, #tpu.memory_space<vmem_shared>>
      tpu.enqueue_dma source(%dma_start3A_338 : memref<1024xf32, #tpu.memory_space<vmem_shared>>) target(%dma_start3A_337 : memref<1024xf32, #tpu.memory_space<hbm>>) target_semaphore(%arg14 : memref<!tpu.dma_semaphore, #tpu.memory_space<semaphore_mem>>)
      %add3A_339 = arith.constant 29696 : i32
      %add3A_340 = arith.addi %mul3A_0, %add3A_339 : i32
      %mul3A_341 = arith.constant 64 : i32
      %mul3A_342 = arith.muli %arg1, %mul3A_341 : i32
      %add3A_343 = arith.constant 29 : i32
      %add3A_344 = arith.addi %mul3A_342, %add3A_343 : i32
      %dma_start3A_345 = arith.constant 1 : i32
      %dma_start3A_346 = arith.constant 0 : i32
      %dma_start3A_347 = tpu.memref_slice %arg6[%dma_start3A_345, %add3A_344, %dma_start3A_346] : memref<2x1024x1024xf32, #tpu.memory_space<hbm>> -> memref<1x1x1024xf32, #tpu.memory_space<hbm>>
      %dma_start3A_348 = tpu.memref_squeeze %dma_start3A_347 : memref<1x1x1024xf32, #tpu.memory_space<hbm>> -> memref<1024xf32, #tpu.memory_space<hbm>>
      %dma_start3A_349 = tpu.memref_slice %arg12[%add3A_340] : memref<1049600xf32, #tpu.memory_space<vmem_shared>> -> memref<1024xf32, #tpu.memory_space<vmem_shared>>
      tpu.enqueue_dma source(%dma_start3A_349 : memref<1024xf32, #tpu.memory_space<vmem_shared>>) target(%dma_start3A_348 : memref<1024xf32, #tpu.memory_space<hbm>>) target_semaphore(%arg14 : memref<!tpu.dma_semaphore, #tpu.memory_space<semaphore_mem>>)
      %add3A_350 = arith.constant 30720 : i32
      %add3A_351 = arith.addi %mul3A_0, %add3A_350 : i32
      %mul3A_352 = arith.constant 64 : i32
      %mul3A_353 = arith.muli %arg1, %mul3A_352 : i32
      %add3A_354 = arith.constant 30 : i32
      %add3A_355 = arith.addi %mul3A_353, %add3A_354 : i32
      %dma_start3A_356 = arith.constant 1 : i32
      %dma_start3A_357 = arith.constant 0 : i32
      %dma_start3A_358 = tpu.memref_slice %arg6[%dma_start3A_356, %add3A_355, %dma_start3A_357] : memref<2x1024x1024xf32, #tpu.memory_space<hbm>> -> memref<1x1x1024xf32, #tpu.memory_space<hbm>>
      %dma_start3A_359 = tpu.memref_squeeze %dma_start3A_358 : memref<1x1x1024xf32, #tpu.memory_space<hbm>> -> memref<1024xf32, #tpu.memory_space<hbm>>
      %dma_start3A_360 = tpu.memref_slice %arg12[%add3A_351] : memref<1049600xf32, #tpu.memory_space<vmem_shared>> -> memref<1024xf32, #tpu.memory_space<vmem_shared>>
      tpu.enqueue_dma source(%dma_start3A_360 : memref<1024xf32, #tpu.memory_space<vmem_shared>>) target(%dma_start3A_359 : memref<1024xf32, #tpu.memory_space<hbm>>) target_semaphore(%arg14 : memref<!tpu.dma_semaphore, #tpu.memory_space<semaphore_mem>>)
      %add3A_361 = arith.constant 31744 : i32
      %add3A_362 = arith.addi %mul3A_0, %add3A_361 : i32
      %mul3A_363 = arith.constant 64 : i32
      %mul3A_364 = arith.muli %arg1, %mul3A_363 : i32
      %add3A_365 = arith.constant 31 : i32
      %add3A_366 = arith.addi %mul3A_364, %add3A_365 : i32
      %dma_start3A_367 = arith.constant 1 : i32
      %dma_start3A_368 = arith.constant 0 : i32
      %dma_start3A_369 = tpu.memref_slice %arg6[%dma_start3A_367, %add3A_366, %dma_start3A_368] : memref<2x1024x1024xf32, #tpu.memory_space<hbm>> -> memref<1x1x1024xf32, #tpu.memory_space<hbm>>
      %dma_start3A_370 = tpu.memref_squeeze %dma_start3A_369 : memref<1x1x1024xf32, #tpu.memory_space<hbm>> -> memref<1024xf32, #tpu.memory_space<hbm>>
      %dma_start3A_371 = tpu.memref_slice %arg12[%add3A_362] : memref<1049600xf32, #tpu.memory_space<vmem_shared>> -> memref<1024xf32, #tpu.memory_space<vmem_shared>>
      tpu.enqueue_dma source(%dma_start3A_371 : memref<1024xf32, #tpu.memory_space<vmem_shared>>) target(%dma_start3A_370 : memref<1024xf32, #tpu.memory_space<hbm>>) target_semaphore(%arg14 : memref<!tpu.dma_semaphore, #tpu.memory_space<semaphore_mem>>)
      %add3A_372 = arith.constant 32768 : i32
      %add3A_373 = arith.addi %mul3A_0, %add3A_372 : i32
      %mul3A_374 = arith.constant 64 : i32
      %mul3A_375 = arith.muli %arg1, %mul3A_374 : i32
      %add3A_376 = arith.constant 32 : i32
      %add3A_377 = arith.addi %mul3A_375, %add3A_376 : i32
      %dma_start3A_378 = arith.constant 1 : i32
      %dma_start3A_379 = arith.constant 0 : i32
      %dma_start3A_380 = tpu.memref_slice %arg6[%dma_start3A_378, %add3A_377, %dma_start3A_379] : memref<2x1024x1024xf32, #tpu.memory_space<hbm>> -> memref<1x1x1024xf32, #tpu.memory_space<hbm>>
      %dma_start3A_381 = tpu.memref_squeeze %dma_start3A_380 : memref<1x1x1024xf32, #tpu.memory_space<hbm>> -> memref<1024xf32, #tpu.memory_space<hbm>>
      %dma_start3A_382 = tpu.memref_slice %arg12[%add3A_373] : memref<1049600xf32, #tpu.memory_space<vmem_shared>> -> memref<1024xf32, #tpu.memory_space<vmem_shared>>
      tpu.enqueue_dma source(%dma_start3A_382 : memref<1024xf32, #tpu.memory_space<vmem_shared>>) target(%dma_start3A_381 : memref<1024xf32, #tpu.memory_space<hbm>>) target_semaphore(%arg14 : memref<!tpu.dma_semaphore, #tpu.memory_space<semaphore_mem>>)
      %add3A_383 = arith.constant 33792 : i32
      %add3A_384 = arith.addi %mul3A_0, %add3A_383 : i32
      %mul3A_385 = arith.constant 64 : i32
      %mul3A_386 = arith.muli %arg1, %mul3A_385 : i32
      %add3A_387 = arith.constant 33 : i32
      %add3A_388 = arith.addi %mul3A_386, %add3A_387 : i32
      %dma_start3A_389 = arith.constant 1 : i32
      %dma_start3A_390 = arith.constant 0 : i32
      %dma_start3A_391 = tpu.memref_slice %arg6[%dma_start3A_389, %add3A_388, %dma_start3A_390] : memref<2x1024x1024xf32, #tpu.memory_space<hbm>> -> memref<1x1x1024xf32, #tpu.memory_space<hbm>>
      %dma_start3A_392 = tpu.memref_squeeze %dma_start3A_391 : memref<1x1x1024xf32, #tpu.memory_space<hbm>> -> memref<1024xf32, #tpu.memory_space<hbm>>
      %dma_start3A_393 = tpu.memref_slice %arg12[%add3A_384] : memref<1049600xf32, #tpu.memory_space<vmem_shared>> -> memref<1024xf32, #tpu.memory_space<vmem_shared>>
      tpu.enqueue_dma source(%dma_start3A_393 : memref<1024xf32, #tpu.memory_space<vmem_shared>>) target(%dma_start3A_392 : memref<1024xf32, #tpu.memory_space<hbm>>) target_semaphore(%arg14 : memref<!tpu.dma_semaphore, #tpu.memory_space<semaphore_mem>>)
      %add3A_394 = arith.constant 34816 : i32
      %add3A_395 = arith.addi %mul3A_0, %add3A_394 : i32
      %mul3A_396 = arith.constant 64 : i32
      %mul3A_397 = arith.muli %arg1, %mul3A_396 : i32
      %add3A_398 = arith.constant 34 : i32
      %add3A_399 = arith.addi %mul3A_397, %add3A_398 : i32
      %dma_start3A_400 = arith.constant 1 : i32
      %dma_start3A_401 = arith.constant 0 : i32
      %dma_start3A_402 = tpu.memref_slice %arg6[%dma_start3A_400, %add3A_399, %dma_start3A_401] : memref<2x1024x1024xf32, #tpu.memory_space<hbm>> -> memref<1x1x1024xf32, #tpu.memory_space<hbm>>
      %dma_start3A_403 = tpu.memref_squeeze %dma_start3A_402 : memref<1x1x1024xf32, #tpu.memory_space<hbm>> -> memref<1024xf32, #tpu.memory_space<hbm>>
      %dma_start3A_404 = tpu.memref_slice %arg12[%add3A_395] : memref<1049600xf32, #tpu.memory_space<vmem_shared>> -> memref<1024xf32, #tpu.memory_space<vmem_shared>>
      tpu.enqueue_dma source(%dma_start3A_404 : memref<1024xf32, #tpu.memory_space<vmem_shared>>) target(%dma_start3A_403 : memref<1024xf32, #tpu.memory_space<hbm>>) target_semaphore(%arg14 : memref<!tpu.dma_semaphore, #tpu.memory_space<semaphore_mem>>)
      %add3A_405 = arith.constant 35840 : i32
      %add3A_406 = arith.addi %mul3A_0, %add3A_405 : i32
      %mul3A_407 = arith.constant 64 : i32
      %mul3A_408 = arith.muli %arg1, %mul3A_407 : i32
      %add3A_409 = arith.constant 35 : i32
      %add3A_410 = arith.addi %mul3A_408, %add3A_409 : i32
      %dma_start3A_411 = arith.constant 1 : i32
      %dma_start3A_412 = arith.constant 0 : i32
      %dma_start3A_413 = tpu.memref_slice %arg6[%dma_start3A_411, %add3A_410, %dma_start3A_412] : memref<2x1024x1024xf32, #tpu.memory_space<hbm>> -> memref<1x1x1024xf32, #tpu.memory_space<hbm>>
      %dma_start3A_414 = tpu.memref_squeeze %dma_start3A_413 : memref<1x1x1024xf32, #tpu.memory_space<hbm>> -> memref<1024xf32, #tpu.memory_space<hbm>>
      %dma_start3A_415 = tpu.memref_slice %arg12[%add3A_406] : memref<1049600xf32, #tpu.memory_space<vmem_shared>> -> memref<1024xf32, #tpu.memory_space<vmem_shared>>
      tpu.enqueue_dma source(%dma_start3A_415 : memref<1024xf32, #tpu.memory_space<vmem_shared>>) target(%dma_start3A_414 : memref<1024xf32, #tpu.memory_space<hbm>>) target_semaphore(%arg14 : memref<!tpu.dma_semaphore, #tpu.memory_space<semaphore_mem>>)
      %add3A_416 = arith.constant 36864 : i32
      %add3A_417 = arith.addi %mul3A_0, %add3A_416 : i32
      %mul3A_418 = arith.constant 64 : i32
      %mul3A_419 = arith.muli %arg1, %mul3A_418 : i32
      %add3A_420 = arith.constant 36 : i32
      %add3A_421 = arith.addi %mul3A_419, %add3A_420 : i32
      %dma_start3A_422 = arith.constant 1 : i32
      %dma_start3A_423 = arith.constant 0 : i32
      %dma_start3A_424 = tpu.memref_slice %arg6[%dma_start3A_422, %add3A_421, %dma_start3A_423] : memref<2x1024x1024xf32, #tpu.memory_space<hbm>> -> memref<1x1x1024xf32, #tpu.memory_space<hbm>>
      %dma_start3A_425 = tpu.memref_squeeze %dma_start3A_424 : memref<1x1x1024xf32, #tpu.memory_space<hbm>> -> memref<1024xf32, #tpu.memory_space<hbm>>
      %dma_start3A_426 = tpu.memref_slice %arg12[%add3A_417] : memref<1049600xf32, #tpu.memory_space<vmem_shared>> -> memref<1024xf32, #tpu.memory_space<vmem_shared>>
      tpu.enqueue_dma source(%dma_start3A_426 : memref<1024xf32, #tpu.memory_space<vmem_shared>>) target(%dma_start3A_425 : memref<1024xf32, #tpu.memory_space<hbm>>) target_semaphore(%arg14 : memref<!tpu.dma_semaphore, #tpu.memory_space<semaphore_mem>>)
      %add3A_427 = arith.constant 37888 : i32
      %add3A_428 = arith.addi %mul3A_0, %add3A_427 : i32
      %mul3A_429 = arith.constant 64 : i32
      %mul3A_430 = arith.muli %arg1, %mul3A_429 : i32
      %add3A_431 = arith.constant 37 : i32
      %add3A_432 = arith.addi %mul3A_430, %add3A_431 : i32
      %dma_start3A_433 = arith.constant 1 : i32
      %dma_start3A_434 = arith.constant 0 : i32
      %dma_start3A_435 = tpu.memref_slice %arg6[%dma_start3A_433, %add3A_432, %dma_start3A_434] : memref<2x1024x1024xf32, #tpu.memory_space<hbm>> -> memref<1x1x1024xf32, #tpu.memory_space<hbm>>
      %dma_start3A_436 = tpu.memref_squeeze %dma_start3A_435 : memref<1x1x1024xf32, #tpu.memory_space<hbm>> -> memref<1024xf32, #tpu.memory_space<hbm>>
      %dma_start3A_437 = tpu.memref_slice %arg12[%add3A_428] : memref<1049600xf32, #tpu.memory_space<vmem_shared>> -> memref<1024xf32, #tpu.memory_space<vmem_shared>>
      tpu.enqueue_dma source(%dma_start3A_437 : memref<1024xf32, #tpu.memory_space<vmem_shared>>) target(%dma_start3A_436 : memref<1024xf32, #tpu.memory_space<hbm>>) target_semaphore(%arg14 : memref<!tpu.dma_semaphore, #tpu.memory_space<semaphore_mem>>)
      %add3A_438 = arith.constant 38912 : i32
      %add3A_439 = arith.addi %mul3A_0, %add3A_438 : i32
      %mul3A_440 = arith.constant 64 : i32
      %mul3A_441 = arith.muli %arg1, %mul3A_440 : i32
      %add3A_442 = arith.constant 38 : i32
      %add3A_443 = arith.addi %mul3A_441, %add3A_442 : i32
      %dma_start3A_444 = arith.constant 1 : i32
      %dma_start3A_445 = arith.constant 0 : i32
      %dma_start3A_446 = tpu.memref_slice %arg6[%dma_start3A_444, %add3A_443, %dma_start3A_445] : memref<2x1024x1024xf32, #tpu.memory_space<hbm>> -> memref<1x1x1024xf32, #tpu.memory_space<hbm>>
      %dma_start3A_447 = tpu.memref_squeeze %dma_start3A_446 : memref<1x1x1024xf32, #tpu.memory_space<hbm>> -> memref<1024xf32, #tpu.memory_space<hbm>>
      %dma_start3A_448 = tpu.memref_slice %arg12[%add3A_439] : memref<1049600xf32, #tpu.memory_space<vmem_shared>> -> memref<1024xf32, #tpu.memory_space<vmem_shared>>
      tpu.enqueue_dma source(%dma_start3A_448 : memref<1024xf32, #tpu.memory_space<vmem_shared>>) target(%dma_start3A_447 : memref<1024xf32, #tpu.memory_space<hbm>>) target_semaphore(%arg14 : memref<!tpu.dma_semaphore, #tpu.memory_space<semaphore_mem>>)
      %add3A_449 = arith.constant 39936 : i32
      %add3A_450 = arith.addi %mul3A_0, %add3A_449 : i32
      %mul3A_451 = arith.constant 64 : i32
      %mul3A_452 = arith.muli %arg1, %mul3A_451 : i32
      %add3A_453 = arith.constant 39 : i32
      %add3A_454 = arith.addi %mul3A_452, %add3A_453 : i32
      %dma_start3A_455 = arith.constant 1 : i32
      %dma_start3A_456 = arith.constant 0 : i32
      %dma_start3A_457 = tpu.memref_slice %arg6[%dma_start3A_455, %add3A_454, %dma_start3A_456] : memref<2x1024x1024xf32, #tpu.memory_space<hbm>> -> memref<1x1x1024xf32, #tpu.memory_space<hbm>>
      %dma_start3A_458 = tpu.memref_squeeze %dma_start3A_457 : memref<1x1x1024xf32, #tpu.memory_space<hbm>> -> memref<1024xf32, #tpu.memory_space<hbm>>
      %dma_start3A_459 = tpu.memref_slice %arg12[%add3A_450] : memref<1049600xf32, #tpu.memory_space<vmem_shared>> -> memref<1024xf32, #tpu.memory_space<vmem_shared>>
      tpu.enqueue_dma source(%dma_start3A_459 : memref<1024xf32, #tpu.memory_space<vmem_shared>>) target(%dma_start3A_458 : memref<1024xf32, #tpu.memory_space<hbm>>) target_semaphore(%arg14 : memref<!tpu.dma_semaphore, #tpu.memory_space<semaphore_mem>>)
      %add3A_460 = arith.constant 40960 : i32
      %add3A_461 = arith.addi %mul3A_0, %add3A_460 : i32
      %mul3A_462 = arith.constant 64 : i32
      %mul3A_463 = arith.muli %arg1, %mul3A_462 : i32
      %add3A_464 = arith.constant 40 : i32
      %add3A_465 = arith.addi %mul3A_463, %add3A_464 : i32
      %dma_start3A_466 = arith.constant 1 : i32
      %dma_start3A_467 = arith.constant 0 : i32
      %dma_start3A_468 = tpu.memref_slice %arg6[%dma_start3A_466, %add3A_465, %dma_start3A_467] : memref<2x1024x1024xf32, #tpu.memory_space<hbm>> -> memref<1x1x1024xf32, #tpu.memory_space<hbm>>
      %dma_start3A_469 = tpu.memref_squeeze %dma_start3A_468 : memref<1x1x1024xf32, #tpu.memory_space<hbm>> -> memref<1024xf32, #tpu.memory_space<hbm>>
      %dma_start3A_470 = tpu.memref_slice %arg12[%add3A_461] : memref<1049600xf32, #tpu.memory_space<vmem_shared>> -> memref<1024xf32, #tpu.memory_space<vmem_shared>>
      tpu.enqueue_dma source(%dma_start3A_470 : memref<1024xf32, #tpu.memory_space<vmem_shared>>) target(%dma_start3A_469 : memref<1024xf32, #tpu.memory_space<hbm>>) target_semaphore(%arg14 : memref<!tpu.dma_semaphore, #tpu.memory_space<semaphore_mem>>)
      %add3A_471 = arith.constant 41984 : i32
      %add3A_472 = arith.addi %mul3A_0, %add3A_471 : i32
      %mul3A_473 = arith.constant 64 : i32
      %mul3A_474 = arith.muli %arg1, %mul3A_473 : i32
      %add3A_475 = arith.constant 41 : i32
      %add3A_476 = arith.addi %mul3A_474, %add3A_475 : i32
      %dma_start3A_477 = arith.constant 1 : i32
      %dma_start3A_478 = arith.constant 0 : i32
      %dma_start3A_479 = tpu.memref_slice %arg6[%dma_start3A_477, %add3A_476, %dma_start3A_478] : memref<2x1024x1024xf32, #tpu.memory_space<hbm>> -> memref<1x1x1024xf32, #tpu.memory_space<hbm>>
      %dma_start3A_480 = tpu.memref_squeeze %dma_start3A_479 : memref<1x1x1024xf32, #tpu.memory_space<hbm>> -> memref<1024xf32, #tpu.memory_space<hbm>>
      %dma_start3A_481 = tpu.memref_slice %arg12[%add3A_472] : memref<1049600xf32, #tpu.memory_space<vmem_shared>> -> memref<1024xf32, #tpu.memory_space<vmem_shared>>
      tpu.enqueue_dma source(%dma_start3A_481 : memref<1024xf32, #tpu.memory_space<vmem_shared>>) target(%dma_start3A_480 : memref<1024xf32, #tpu.memory_space<hbm>>) target_semaphore(%arg14 : memref<!tpu.dma_semaphore, #tpu.memory_space<semaphore_mem>>)
      %add3A_482 = arith.constant 43008 : i32
      %add3A_483 = arith.addi %mul3A_0, %add3A_482 : i32
      %mul3A_484 = arith.constant 64 : i32
      %mul3A_485 = arith.muli %arg1, %mul3A_484 : i32
      %add3A_486 = arith.constant 42 : i32
      %add3A_487 = arith.addi %mul3A_485, %add3A_486 : i32
      %dma_start3A_488 = arith.constant 1 : i32
      %dma_start3A_489 = arith.constant 0 : i32
      %dma_start3A_490 = tpu.memref_slice %arg6[%dma_start3A_488, %add3A_487, %dma_start3A_489] : memref<2x1024x1024xf32, #tpu.memory_space<hbm>> -> memref<1x1x1024xf32, #tpu.memory_space<hbm>>
      %dma_start3A_491 = tpu.memref_squeeze %dma_start3A_490 : memref<1x1x1024xf32, #tpu.memory_space<hbm>> -> memref<1024xf32, #tpu.memory_space<hbm>>
      %dma_start3A_492 = tpu.memref_slice %arg12[%add3A_483] : memref<1049600xf32, #tpu.memory_space<vmem_shared>> -> memref<1024xf32, #tpu.memory_space<vmem_shared>>
      tpu.enqueue_dma source(%dma_start3A_492 : memref<1024xf32, #tpu.memory_space<vmem_shared>>) target(%dma_start3A_491 : memref<1024xf32, #tpu.memory_space<hbm>>) target_semaphore(%arg14 : memref<!tpu.dma_semaphore, #tpu.memory_space<semaphore_mem>>)
      %add3A_493 = arith.constant 44032 : i32
      %add3A_494 = arith.addi %mul3A_0, %add3A_493 : i32
      %mul3A_495 = arith.constant 64 : i32
      %mul3A_496 = arith.muli %arg1, %mul3A_495 : i32
      %add3A_497 = arith.constant 43 : i32
      %add3A_498 = arith.addi %mul3A_496, %add3A_497 : i32
      %dma_start3A_499 = arith.constant 1 : i32
      %dma_start3A_500 = arith.constant 0 : i32
      %dma_start3A_501 = tpu.memref_slice %arg6[%dma_start3A_499, %add3A_498, %dma_start3A_500] : memref<2x1024x1024xf32, #tpu.memory_space<hbm>> -> memref<1x1x1024xf32, #tpu.memory_space<hbm>>
      %dma_start3A_502 = tpu.memref_squeeze %dma_start3A_501 : memref<1x1x1024xf32, #tpu.memory_space<hbm>> -> memref<1024xf32, #tpu.memory_space<hbm>>
      %dma_start3A_503 = tpu.memref_slice %arg12[%add3A_494] : memref<1049600xf32, #tpu.memory_space<vmem_shared>> -> memref<1024xf32, #tpu.memory_space<vmem_shared>>
      tpu.enqueue_dma source(%dma_start3A_503 : memref<1024xf32, #tpu.memory_space<vmem_shared>>) target(%dma_start3A_502 : memref<1024xf32, #tpu.memory_space<hbm>>) target_semaphore(%arg14 : memref<!tpu.dma_semaphore, #tpu.memory_space<semaphore_mem>>)
      %add3A_504 = arith.constant 45056 : i32
      %add3A_505 = arith.addi %mul3A_0, %add3A_504 : i32
      %mul3A_506 = arith.constant 64 : i32
      %mul3A_507 = arith.muli %arg1, %mul3A_506 : i32
      %add3A_508 = arith.constant 44 : i32
      %add3A_509 = arith.addi %mul3A_507, %add3A_508 : i32
      %dma_start3A_510 = arith.constant 1 : i32
      %dma_start3A_511 = arith.constant 0 : i32
      %dma_start3A_512 = tpu.memref_slice %arg6[%dma_start3A_510, %add3A_509, %dma_start3A_511] : memref<2x1024x1024xf32, #tpu.memory_space<hbm>> -> memref<1x1x1024xf32, #tpu.memory_space<hbm>>
      %dma_start3A_513 = tpu.memref_squeeze %dma_start3A_512 : memref<1x1x1024xf32, #tpu.memory_space<hbm>> -> memref<1024xf32, #tpu.memory_space<hbm>>
      %dma_start3A_514 = tpu.memref_slice %arg12[%add3A_505] : memref<1049600xf32, #tpu.memory_space<vmem_shared>> -> memref<1024xf32, #tpu.memory_space<vmem_shared>>
      tpu.enqueue_dma source(%dma_start3A_514 : memref<1024xf32, #tpu.memory_space<vmem_shared>>) target(%dma_start3A_513 : memref<1024xf32, #tpu.memory_space<hbm>>) target_semaphore(%arg14 : memref<!tpu.dma_semaphore, #tpu.memory_space<semaphore_mem>>)
      %add3A_515 = arith.constant 46080 : i32
      %add3A_516 = arith.addi %mul3A_0, %add3A_515 : i32
      %mul3A_517 = arith.constant 64 : i32
      %mul3A_518 = arith.muli %arg1, %mul3A_517 : i32
      %add3A_519 = arith.constant 45 : i32
      %add3A_520 = arith.addi %mul3A_518, %add3A_519 : i32
      %dma_start3A_521 = arith.constant 1 : i32
      %dma_start3A_522 = arith.constant 0 : i32
      %dma_start3A_523 = tpu.memref_slice %arg6[%dma_start3A_521, %add3A_520, %dma_start3A_522] : memref<2x1024x1024xf32, #tpu.memory_space<hbm>> -> memref<1x1x1024xf32, #tpu.memory_space<hbm>>
      %dma_start3A_524 = tpu.memref_squeeze %dma_start3A_523 : memref<1x1x1024xf32, #tpu.memory_space<hbm>> -> memref<1024xf32, #tpu.memory_space<hbm>>
      %dma_start3A_525 = tpu.memref_slice %arg12[%add3A_516] : memref<1049600xf32, #tpu.memory_space<vmem_shared>> -> memref<1024xf32, #tpu.memory_space<vmem_shared>>
      tpu.enqueue_dma source(%dma_start3A_525 : memref<1024xf32, #tpu.memory_space<vmem_shared>>) target(%dma_start3A_524 : memref<1024xf32, #tpu.memory_space<hbm>>) target_semaphore(%arg14 : memref<!tpu.dma_semaphore, #tpu.memory_space<semaphore_mem>>)
      %add3A_526 = arith.constant 47104 : i32
      %add3A_527 = arith.addi %mul3A_0, %add3A_526 : i32
      %mul3A_528 = arith.constant 64 : i32
      %mul3A_529 = arith.muli %arg1, %mul3A_528 : i32
      %add3A_530 = arith.constant 46 : i32
      %add3A_531 = arith.addi %mul3A_529, %add3A_530 : i32
      %dma_start3A_532 = arith.constant 1 : i32
      %dma_start3A_533 = arith.constant 0 : i32
      %dma_start3A_534 = tpu.memref_slice %arg6[%dma_start3A_532, %add3A_531, %dma_start3A_533] : memref<2x1024x1024xf32, #tpu.memory_space<hbm>> -> memref<1x1x1024xf32, #tpu.memory_space<hbm>>
      %dma_start3A_535 = tpu.memref_squeeze %dma_start3A_534 : memref<1x1x1024xf32, #tpu.memory_space<hbm>> -> memref<1024xf32, #tpu.memory_space<hbm>>
      %dma_start3A_536 = tpu.memref_slice %arg12[%add3A_527] : memref<1049600xf32, #tpu.memory_space<vmem_shared>> -> memref<1024xf32, #tpu.memory_space<vmem_shared>>
      tpu.enqueue_dma source(%dma_start3A_536 : memref<1024xf32, #tpu.memory_space<vmem_shared>>) target(%dma_start3A_535 : memref<1024xf32, #tpu.memory_space<hbm>>) target_semaphore(%arg14 : memref<!tpu.dma_semaphore, #tpu.memory_space<semaphore_mem>>)
      %add3A_537 = arith.constant 48128 : i32
      %add3A_538 = arith.addi %mul3A_0, %add3A_537 : i32
      %mul3A_539 = arith.constant 64 : i32
      %mul3A_540 = arith.muli %arg1, %mul3A_539 : i32
      %add3A_541 = arith.constant 47 : i32
      %add3A_542 = arith.addi %mul3A_540, %add3A_541 : i32
      %dma_start3A_543 = arith.constant 1 : i32
      %dma_start3A_544 = arith.constant 0 : i32
      %dma_start3A_545 = tpu.memref_slice %arg6[%dma_start3A_543, %add3A_542, %dma_start3A_544] : memref<2x1024x1024xf32, #tpu.memory_space<hbm>> -> memref<1x1x1024xf32, #tpu.memory_space<hbm>>
      %dma_start3A_546 = tpu.memref_squeeze %dma_start3A_545 : memref<1x1x1024xf32, #tpu.memory_space<hbm>> -> memref<1024xf32, #tpu.memory_space<hbm>>
      %dma_start3A_547 = tpu.memref_slice %arg12[%add3A_538] : memref<1049600xf32, #tpu.memory_space<vmem_shared>> -> memref<1024xf32, #tpu.memory_space<vmem_shared>>
      tpu.enqueue_dma source(%dma_start3A_547 : memref<1024xf32, #tpu.memory_space<vmem_shared>>) target(%dma_start3A_546 : memref<1024xf32, #tpu.memory_space<hbm>>) target_semaphore(%arg14 : memref<!tpu.dma_semaphore, #tpu.memory_space<semaphore_mem>>)
      %add3A_548 = arith.constant 49152 : i32
      %add3A_549 = arith.addi %mul3A_0, %add3A_548 : i32
      %mul3A_550 = arith.constant 64 : i32
      %mul3A_551 = arith.muli %arg1, %mul3A_550 : i32
      %add3A_552 = arith.constant 48 : i32
      %add3A_553 = arith.addi %mul3A_551, %add3A_552 : i32
      %dma_start3A_554 = arith.constant 1 : i32
      %dma_start3A_555 = arith.constant 0 : i32
      %dma_start3A_556 = tpu.memref_slice %arg6[%dma_start3A_554, %add3A_553, %dma_start3A_555] : memref<2x1024x1024xf32, #tpu.memory_space<hbm>> -> memref<1x1x1024xf32, #tpu.memory_space<hbm>>
      %dma_start3A_557 = tpu.memref_squeeze %dma_start3A_556 : memref<1x1x1024xf32, #tpu.memory_space<hbm>> -> memref<1024xf32, #tpu.memory_space<hbm>>
      %dma_start3A_558 = tpu.memref_slice %arg12[%add3A_549] : memref<1049600xf32, #tpu.memory_space<vmem_shared>> -> memref<1024xf32, #tpu.memory_space<vmem_shared>>
      tpu.enqueue_dma source(%dma_start3A_558 : memref<1024xf32, #tpu.memory_space<vmem_shared>>) target(%dma_start3A_557 : memref<1024xf32, #tpu.memory_space<hbm>>) target_semaphore(%arg14 : memref<!tpu.dma_semaphore, #tpu.memory_space<semaphore_mem>>)
      %add3A_559 = arith.constant 50176 : i32
      %add3A_560 = arith.addi %mul3A_0, %add3A_559 : i32
      %mul3A_561 = arith.constant 64 : i32
      %mul3A_562 = arith.muli %arg1, %mul3A_561 : i32
      %add3A_563 = arith.constant 49 : i32
      %add3A_564 = arith.addi %mul3A_562, %add3A_563 : i32
      %dma_start3A_565 = arith.constant 1 : i32
      %dma_start3A_566 = arith.constant 0 : i32
      %dma_start3A_567 = tpu.memref_slice %arg6[%dma_start3A_565, %add3A_564, %dma_start3A_566] : memref<2x1024x1024xf32, #tpu.memory_space<hbm>> -> memref<1x1x1024xf32, #tpu.memory_space<hbm>>
      %dma_start3A_568 = tpu.memref_squeeze %dma_start3A_567 : memref<1x1x1024xf32, #tpu.memory_space<hbm>> -> memref<1024xf32, #tpu.memory_space<hbm>>
      %dma_start3A_569 = tpu.memref_slice %arg12[%add3A_560] : memref<1049600xf32, #tpu.memory_space<vmem_shared>> -> memref<1024xf32, #tpu.memory_space<vmem_shared>>
      tpu.enqueue_dma source(%dma_start3A_569 : memref<1024xf32, #tpu.memory_space<vmem_shared>>) target(%dma_start3A_568 : memref<1024xf32, #tpu.memory_space<hbm>>) target_semaphore(%arg14 : memref<!tpu.dma_semaphore, #tpu.memory_space<semaphore_mem>>)
      %add3A_570 = arith.constant 51200 : i32
      %add3A_571 = arith.addi %mul3A_0, %add3A_570 : i32
      %mul3A_572 = arith.constant 64 : i32
      %mul3A_573 = arith.muli %arg1, %mul3A_572 : i32
      %add3A_574 = arith.constant 50 : i32
      %add3A_575 = arith.addi %mul3A_573, %add3A_574 : i32
      %dma_start3A_576 = arith.constant 1 : i32
      %dma_start3A_577 = arith.constant 0 : i32
      %dma_start3A_578 = tpu.memref_slice %arg6[%dma_start3A_576, %add3A_575, %dma_start3A_577] : memref<2x1024x1024xf32, #tpu.memory_space<hbm>> -> memref<1x1x1024xf32, #tpu.memory_space<hbm>>
      %dma_start3A_579 = tpu.memref_squeeze %dma_start3A_578 : memref<1x1x1024xf32, #tpu.memory_space<hbm>> -> memref<1024xf32, #tpu.memory_space<hbm>>
      %dma_start3A_580 = tpu.memref_slice %arg12[%add3A_571] : memref<1049600xf32, #tpu.memory_space<vmem_shared>> -> memref<1024xf32, #tpu.memory_space<vmem_shared>>
      tpu.enqueue_dma source(%dma_start3A_580 : memref<1024xf32, #tpu.memory_space<vmem_shared>>) target(%dma_start3A_579 : memref<1024xf32, #tpu.memory_space<hbm>>) target_semaphore(%arg14 : memref<!tpu.dma_semaphore, #tpu.memory_space<semaphore_mem>>)
      %add3A_581 = arith.constant 52224 : i32
      %add3A_582 = arith.addi %mul3A_0, %add3A_581 : i32
      %mul3A_583 = arith.constant 64 : i32
      %mul3A_584 = arith.muli %arg1, %mul3A_583 : i32
      %add3A_585 = arith.constant 51 : i32
      %add3A_586 = arith.addi %mul3A_584, %add3A_585 : i32
      %dma_start3A_587 = arith.constant 1 : i32
      %dma_start3A_588 = arith.constant 0 : i32
      %dma_start3A_589 = tpu.memref_slice %arg6[%dma_start3A_587, %add3A_586, %dma_start3A_588] : memref<2x1024x1024xf32, #tpu.memory_space<hbm>> -> memref<1x1x1024xf32, #tpu.memory_space<hbm>>
      %dma_start3A_590 = tpu.memref_squeeze %dma_start3A_589 : memref<1x1x1024xf32, #tpu.memory_space<hbm>> -> memref<1024xf32, #tpu.memory_space<hbm>>
      %dma_start3A_591 = tpu.memref_slice %arg12[%add3A_582] : memref<1049600xf32, #tpu.memory_space<vmem_shared>> -> memref<1024xf32, #tpu.memory_space<vmem_shared>>
      tpu.enqueue_dma source(%dma_start3A_591 : memref<1024xf32, #tpu.memory_space<vmem_shared>>) target(%dma_start3A_590 : memref<1024xf32, #tpu.memory_space<hbm>>) target_semaphore(%arg14 : memref<!tpu.dma_semaphore, #tpu.memory_space<semaphore_mem>>)
      %add3A_592 = arith.constant 53248 : i32
      %add3A_593 = arith.addi %mul3A_0, %add3A_592 : i32
      %mul3A_594 = arith.constant 64 : i32
      %mul3A_595 = arith.muli %arg1, %mul3A_594 : i32
      %add3A_596 = arith.constant 52 : i32
      %add3A_597 = arith.addi %mul3A_595, %add3A_596 : i32
      %dma_start3A_598 = arith.constant 1 : i32
      %dma_start3A_599 = arith.constant 0 : i32
      %dma_start3A_600 = tpu.memref_slice %arg6[%dma_start3A_598, %add3A_597, %dma_start3A_599] : memref<2x1024x1024xf32, #tpu.memory_space<hbm>> -> memref<1x1x1024xf32, #tpu.memory_space<hbm>>
      %dma_start3A_601 = tpu.memref_squeeze %dma_start3A_600 : memref<1x1x1024xf32, #tpu.memory_space<hbm>> -> memref<1024xf32, #tpu.memory_space<hbm>>
      %dma_start3A_602 = tpu.memref_slice %arg12[%add3A_593] : memref<1049600xf32, #tpu.memory_space<vmem_shared>> -> memref<1024xf32, #tpu.memory_space<vmem_shared>>
      tpu.enqueue_dma source(%dma_start3A_602 : memref<1024xf32, #tpu.memory_space<vmem_shared>>) target(%dma_start3A_601 : memref<1024xf32, #tpu.memory_space<hbm>>) target_semaphore(%arg14 : memref<!tpu.dma_semaphore, #tpu.memory_space<semaphore_mem>>)
      %add3A_603 = arith.constant 54272 : i32
      %add3A_604 = arith.addi %mul3A_0, %add3A_603 : i32
      %mul3A_605 = arith.constant 64 : i32
      %mul3A_606 = arith.muli %arg1, %mul3A_605 : i32
      %add3A_607 = arith.constant 53 : i32
      %add3A_608 = arith.addi %mul3A_606, %add3A_607 : i32
      %dma_start3A_609 = arith.constant 1 : i32
      %dma_start3A_610 = arith.constant 0 : i32
      %dma_start3A_611 = tpu.memref_slice %arg6[%dma_start3A_609, %add3A_608, %dma_start3A_610] : memref<2x1024x1024xf32, #tpu.memory_space<hbm>> -> memref<1x1x1024xf32, #tpu.memory_space<hbm>>
      %dma_start3A_612 = tpu.memref_squeeze %dma_start3A_611 : memref<1x1x1024xf32, #tpu.memory_space<hbm>> -> memref<1024xf32, #tpu.memory_space<hbm>>
      %dma_start3A_613 = tpu.memref_slice %arg12[%add3A_604] : memref<1049600xf32, #tpu.memory_space<vmem_shared>> -> memref<1024xf32, #tpu.memory_space<vmem_shared>>
      tpu.enqueue_dma source(%dma_start3A_613 : memref<1024xf32, #tpu.memory_space<vmem_shared>>) target(%dma_start3A_612 : memref<1024xf32, #tpu.memory_space<hbm>>) target_semaphore(%arg14 : memref<!tpu.dma_semaphore, #tpu.memory_space<semaphore_mem>>)
      %add3A_614 = arith.constant 55296 : i32
      %add3A_615 = arith.addi %mul3A_0, %add3A_614 : i32
      %mul3A_616 = arith.constant 64 : i32
      %mul3A_617 = arith.muli %arg1, %mul3A_616 : i32
      %add3A_618 = arith.constant 54 : i32
      %add3A_619 = arith.addi %mul3A_617, %add3A_618 : i32
      %dma_start3A_620 = arith.constant 1 : i32
      %dma_start3A_621 = arith.constant 0 : i32
      %dma_start3A_622 = tpu.memref_slice %arg6[%dma_start3A_620, %add3A_619, %dma_start3A_621] : memref<2x1024x1024xf32, #tpu.memory_space<hbm>> -> memref<1x1x1024xf32, #tpu.memory_space<hbm>>
      %dma_start3A_623 = tpu.memref_squeeze %dma_start3A_622 : memref<1x1x1024xf32, #tpu.memory_space<hbm>> -> memref<1024xf32, #tpu.memory_space<hbm>>
      %dma_start3A_624 = tpu.memref_slice %arg12[%add3A_615] : memref<1049600xf32, #tpu.memory_space<vmem_shared>> -> memref<1024xf32, #tpu.memory_space<vmem_shared>>
      tpu.enqueue_dma source(%dma_start3A_624 : memref<1024xf32, #tpu.memory_space<vmem_shared>>) target(%dma_start3A_623 : memref<1024xf32, #tpu.memory_space<hbm>>) target_semaphore(%arg14 : memref<!tpu.dma_semaphore, #tpu.memory_space<semaphore_mem>>)
      %add3A_625 = arith.constant 56320 : i32
      %add3A_626 = arith.addi %mul3A_0, %add3A_625 : i32
      %mul3A_627 = arith.constant 64 : i32
      %mul3A_628 = arith.muli %arg1, %mul3A_627 : i32
      %add3A_629 = arith.constant 55 : i32
      %add3A_630 = arith.addi %mul3A_628, %add3A_629 : i32
      %dma_start3A_631 = arith.constant 1 : i32
      %dma_start3A_632 = arith.constant 0 : i32
      %dma_start3A_633 = tpu.memref_slice %arg6[%dma_start3A_631, %add3A_630, %dma_start3A_632] : memref<2x1024x1024xf32, #tpu.memory_space<hbm>> -> memref<1x1x1024xf32, #tpu.memory_space<hbm>>
      %dma_start3A_634 = tpu.memref_squeeze %dma_start3A_633 : memref<1x1x1024xf32, #tpu.memory_space<hbm>> -> memref<1024xf32, #tpu.memory_space<hbm>>
      %dma_start3A_635 = tpu.memref_slice %arg12[%add3A_626] : memref<1049600xf32, #tpu.memory_space<vmem_shared>> -> memref<1024xf32, #tpu.memory_space<vmem_shared>>
      tpu.enqueue_dma source(%dma_start3A_635 : memref<1024xf32, #tpu.memory_space<vmem_shared>>) target(%dma_start3A_634 : memref<1024xf32, #tpu.memory_space<hbm>>) target_semaphore(%arg14 : memref<!tpu.dma_semaphore, #tpu.memory_space<semaphore_mem>>)
      %add3A_636 = arith.constant 57344 : i32
      %add3A_637 = arith.addi %mul3A_0, %add3A_636 : i32
      %mul3A_638 = arith.constant 64 : i32
      %mul3A_639 = arith.muli %arg1, %mul3A_638 : i32
      %add3A_640 = arith.constant 56 : i32
      %add3A_641 = arith.addi %mul3A_639, %add3A_640 : i32
      %dma_start3A_642 = arith.constant 1 : i32
      %dma_start3A_643 = arith.constant 0 : i32
      %dma_start3A_644 = tpu.memref_slice %arg6[%dma_start3A_642, %add3A_641, %dma_start3A_643] : memref<2x1024x1024xf32, #tpu.memory_space<hbm>> -> memref<1x1x1024xf32, #tpu.memory_space<hbm>>
      %dma_start3A_645 = tpu.memref_squeeze %dma_start3A_644 : memref<1x1x1024xf32, #tpu.memory_space<hbm>> -> memref<1024xf32, #tpu.memory_space<hbm>>
      %dma_start3A_646 = tpu.memref_slice %arg12[%add3A_637] : memref<1049600xf32, #tpu.memory_space<vmem_shared>> -> memref<1024xf32, #tpu.memory_space<vmem_shared>>
      tpu.enqueue_dma source(%dma_start3A_646 : memref<1024xf32, #tpu.memory_space<vmem_shared>>) target(%dma_start3A_645 : memref<1024xf32, #tpu.memory_space<hbm>>) target_semaphore(%arg14 : memref<!tpu.dma_semaphore, #tpu.memory_space<semaphore_mem>>)
      %add3A_647 = arith.constant 58368 : i32
      %add3A_648 = arith.addi %mul3A_0, %add3A_647 : i32
      %mul3A_649 = arith.constant 64 : i32
      %mul3A_650 = arith.muli %arg1, %mul3A_649 : i32
      %add3A_651 = arith.constant 57 : i32
      %add3A_652 = arith.addi %mul3A_650, %add3A_651 : i32
      %dma_start3A_653 = arith.constant 1 : i32
      %dma_start3A_654 = arith.constant 0 : i32
      %dma_start3A_655 = tpu.memref_slice %arg6[%dma_start3A_653, %add3A_652, %dma_start3A_654] : memref<2x1024x1024xf32, #tpu.memory_space<hbm>> -> memref<1x1x1024xf32, #tpu.memory_space<hbm>>
      %dma_start3A_656 = tpu.memref_squeeze %dma_start3A_655 : memref<1x1x1024xf32, #tpu.memory_space<hbm>> -> memref<1024xf32, #tpu.memory_space<hbm>>
      %dma_start3A_657 = tpu.memref_slice %arg12[%add3A_648] : memref<1049600xf32, #tpu.memory_space<vmem_shared>> -> memref<1024xf32, #tpu.memory_space<vmem_shared>>
      tpu.enqueue_dma source(%dma_start3A_657 : memref<1024xf32, #tpu.memory_space<vmem_shared>>) target(%dma_start3A_656 : memref<1024xf32, #tpu.memory_space<hbm>>) target_semaphore(%arg14 : memref<!tpu.dma_semaphore, #tpu.memory_space<semaphore_mem>>)
      %add3A_658 = arith.constant 59392 : i32
      %add3A_659 = arith.addi %mul3A_0, %add3A_658 : i32
      %mul3A_660 = arith.constant 64 : i32
      %mul3A_661 = arith.muli %arg1, %mul3A_660 : i32
      %add3A_662 = arith.constant 58 : i32
      %add3A_663 = arith.addi %mul3A_661, %add3A_662 : i32
      %dma_start3A_664 = arith.constant 1 : i32
      %dma_start3A_665 = arith.constant 0 : i32
      %dma_start3A_666 = tpu.memref_slice %arg6[%dma_start3A_664, %add3A_663, %dma_start3A_665] : memref<2x1024x1024xf32, #tpu.memory_space<hbm>> -> memref<1x1x1024xf32, #tpu.memory_space<hbm>>
      %dma_start3A_667 = tpu.memref_squeeze %dma_start3A_666 : memref<1x1x1024xf32, #tpu.memory_space<hbm>> -> memref<1024xf32, #tpu.memory_space<hbm>>
      %dma_start3A_668 = tpu.memref_slice %arg12[%add3A_659] : memref<1049600xf32, #tpu.memory_space<vmem_shared>> -> memref<1024xf32, #tpu.memory_space<vmem_shared>>
      tpu.enqueue_dma source(%dma_start3A_668 : memref<1024xf32, #tpu.memory_space<vmem_shared>>) target(%dma_start3A_667 : memref<1024xf32, #tpu.memory_space<hbm>>) target_semaphore(%arg14 : memref<!tpu.dma_semaphore, #tpu.memory_space<semaphore_mem>>)
      %add3A_669 = arith.constant 60416 : i32
      %add3A_670 = arith.addi %mul3A_0, %add3A_669 : i32
      %mul3A_671 = arith.constant 64 : i32
      %mul3A_672 = arith.muli %arg1, %mul3A_671 : i32
      %add3A_673 = arith.constant 59 : i32
      %add3A_674 = arith.addi %mul3A_672, %add3A_673 : i32
      %dma_start3A_675 = arith.constant 1 : i32
      %dma_start3A_676 = arith.constant 0 : i32
      %dma_start3A_677 = tpu.memref_slice %arg6[%dma_start3A_675, %add3A_674, %dma_start3A_676] : memref<2x1024x1024xf32, #tpu.memory_space<hbm>> -> memref<1x1x1024xf32, #tpu.memory_space<hbm>>
      %dma_start3A_678 = tpu.memref_squeeze %dma_start3A_677 : memref<1x1x1024xf32, #tpu.memory_space<hbm>> -> memref<1024xf32, #tpu.memory_space<hbm>>
      %dma_start3A_679 = tpu.memref_slice %arg12[%add3A_670] : memref<1049600xf32, #tpu.memory_space<vmem_shared>> -> memref<1024xf32, #tpu.memory_space<vmem_shared>>
      tpu.enqueue_dma source(%dma_start3A_679 : memref<1024xf32, #tpu.memory_space<vmem_shared>>) target(%dma_start3A_678 : memref<1024xf32, #tpu.memory_space<hbm>>) target_semaphore(%arg14 : memref<!tpu.dma_semaphore, #tpu.memory_space<semaphore_mem>>)
      %add3A_680 = arith.constant 61440 : i32
      %add3A_681 = arith.addi %mul3A_0, %add3A_680 : i32
      %mul3A_682 = arith.constant 64 : i32
      %mul3A_683 = arith.muli %arg1, %mul3A_682 : i32
      %add3A_684 = arith.constant 60 : i32
      %add3A_685 = arith.addi %mul3A_683, %add3A_684 : i32
      %dma_start3A_686 = arith.constant 1 : i32
      %dma_start3A_687 = arith.constant 0 : i32
      %dma_start3A_688 = tpu.memref_slice %arg6[%dma_start3A_686, %add3A_685, %dma_start3A_687] : memref<2x1024x1024xf32, #tpu.memory_space<hbm>> -> memref<1x1x1024xf32, #tpu.memory_space<hbm>>
      %dma_start3A_689 = tpu.memref_squeeze %dma_start3A_688 : memref<1x1x1024xf32, #tpu.memory_space<hbm>> -> memref<1024xf32, #tpu.memory_space<hbm>>
      %dma_start3A_690 = tpu.memref_slice %arg12[%add3A_681] : memref<1049600xf32, #tpu.memory_space<vmem_shared>> -> memref<1024xf32, #tpu.memory_space<vmem_shared>>
      tpu.enqueue_dma source(%dma_start3A_690 : memref<1024xf32, #tpu.memory_space<vmem_shared>>) target(%dma_start3A_689 : memref<1024xf32, #tpu.memory_space<hbm>>) target_semaphore(%arg14 : memref<!tpu.dma_semaphore, #tpu.memory_space<semaphore_mem>>)
      %add3A_691 = arith.constant 62464 : i32
      %add3A_692 = arith.addi %mul3A_0, %add3A_691 : i32
      %mul3A_693 = arith.constant 64 : i32
      %mul3A_694 = arith.muli %arg1, %mul3A_693 : i32
      %add3A_695 = arith.constant 61 : i32
      %add3A_696 = arith.addi %mul3A_694, %add3A_695 : i32
      %dma_start3A_697 = arith.constant 1 : i32
      %dma_start3A_698 = arith.constant 0 : i32
      %dma_start3A_699 = tpu.memref_slice %arg6[%dma_start3A_697, %add3A_696, %dma_start3A_698] : memref<2x1024x1024xf32, #tpu.memory_space<hbm>> -> memref<1x1x1024xf32, #tpu.memory_space<hbm>>
      %dma_start3A_700 = tpu.memref_squeeze %dma_start3A_699 : memref<1x1x1024xf32, #tpu.memory_space<hbm>> -> memref<1024xf32, #tpu.memory_space<hbm>>
      %dma_start3A_701 = tpu.memref_slice %arg12[%add3A_692] : memref<1049600xf32, #tpu.memory_space<vmem_shared>> -> memref<1024xf32, #tpu.memory_space<vmem_shared>>
      tpu.enqueue_dma source(%dma_start3A_701 : memref<1024xf32, #tpu.memory_space<vmem_shared>>) target(%dma_start3A_700 : memref<1024xf32, #tpu.memory_space<hbm>>) target_semaphore(%arg14 : memref<!tpu.dma_semaphore, #tpu.memory_space<semaphore_mem>>)
      %add3A_702 = arith.constant 63488 : i32
      %add3A_703 = arith.addi %mul3A_0, %add3A_702 : i32
      %mul3A_704 = arith.constant 64 : i32
      %mul3A_705 = arith.muli %arg1, %mul3A_704 : i32
      %add3A_706 = arith.constant 62 : i32
      %add3A_707 = arith.addi %mul3A_705, %add3A_706 : i32
      %dma_start3A_708 = arith.constant 1 : i32
      %dma_start3A_709 = arith.constant 0 : i32
      %dma_start3A_710 = tpu.memref_slice %arg6[%dma_start3A_708, %add3A_707, %dma_start3A_709] : memref<2x1024x1024xf32, #tpu.memory_space<hbm>> -> memref<1x1x1024xf32, #tpu.memory_space<hbm>>
      %dma_start3A_711 = tpu.memref_squeeze %dma_start3A_710 : memref<1x1x1024xf32, #tpu.memory_space<hbm>> -> memref<1024xf32, #tpu.memory_space<hbm>>
      %dma_start3A_712 = tpu.memref_slice %arg12[%add3A_703] : memref<1049600xf32, #tpu.memory_space<vmem_shared>> -> memref<1024xf32, #tpu.memory_space<vmem_shared>>
      tpu.enqueue_dma source(%dma_start3A_712 : memref<1024xf32, #tpu.memory_space<vmem_shared>>) target(%dma_start3A_711 : memref<1024xf32, #tpu.memory_space<hbm>>) target_semaphore(%arg14 : memref<!tpu.dma_semaphore, #tpu.memory_space<semaphore_mem>>)
      %add3A_713 = arith.constant 64512 : i32
      %add3A_714 = arith.addi %mul3A_0, %add3A_713 : i32
      %mul3A_715 = arith.constant 64 : i32
      %mul3A_716 = arith.muli %arg1, %mul3A_715 : i32
      %add3A_717 = arith.constant 63 : i32
      %add3A_718 = arith.addi %mul3A_716, %add3A_717 : i32
      %dma_start3A_719 = arith.constant 1 : i32
      %dma_start3A_720 = arith.constant 0 : i32
      %dma_start3A_721 = tpu.memref_slice %arg6[%dma_start3A_719, %add3A_718, %dma_start3A_720] : memref<2x1024x1024xf32, #tpu.memory_space<hbm>> -> memref<1x1x1024xf32, #tpu.memory_space<hbm>>
      %dma_start3A_722 = tpu.memref_squeeze %dma_start3A_721 : memref<1x1x1024xf32, #tpu.memory_space<hbm>> -> memref<1024xf32, #tpu.memory_space<hbm>>
      %dma_start3A_723 = tpu.memref_slice %arg12[%add3A_714] : memref<1049600xf32, #tpu.memory_space<vmem_shared>> -> memref<1024xf32, #tpu.memory_space<vmem_shared>>
      tpu.enqueue_dma source(%dma_start3A_723 : memref<1024xf32, #tpu.memory_space<vmem_shared>>) target(%dma_start3A_722 : memref<1024xf32, #tpu.memory_space<hbm>>) target_semaphore(%arg14 : memref<!tpu.dma_semaphore, #tpu.memory_space<semaphore_mem>>)
      %dma_wait3A_724 = arith.constant 1 : i32
      %dma_wait3A_725 = arith.constant 0 : i32
      %dma_wait3A_726 = tpu.memref_slice %arg6[%dma_wait3A_724, %add3A_25, %dma_wait3A_725] : memref<2x1024x1024xf32, #tpu.memory_space<hbm>> -> memref<1x1x1024xf32, #tpu.memory_space<hbm>>
      %dma_wait3A_727 = tpu.memref_squeeze %dma_wait3A_726 : memref<1x1x1024xf32, #tpu.memory_space<hbm>> -> memref<1024xf32, #tpu.memory_space<hbm>>
      %dma_wait3A_728 = tpu.memref_slice %arg12[%add3A_21] : memref<1049600xf32, #tpu.memory_space<vmem_shared>> -> memref<1024xf32, #tpu.memory_space<vmem_shared>>
      tpu.wait_dma2 semaphore(%arg14 : memref<!tpu.dma_semaphore, #tpu.memory_space<semaphore_mem>>) src(%dma_wait3A_728 : memref<1024xf32, #tpu.memory_space<vmem_shared>>) dst(%dma_wait3A_727 : memref<1024xf32, #tpu.memory_space<hbm>>)
      %dma_wait3A_729 = arith.constant 1 : i32
      %dma_wait3A_730 = arith.constant 0 : i32
      %dma_wait3A_731 = tpu.memref_slice %arg6[%dma_wait3A_729, %add3A_36, %dma_wait3A_730] : memref<2x1024x1024xf32, #tpu.memory_space<hbm>> -> memref<1x1x1024xf32, #tpu.memory_space<hbm>>
      %dma_wait3A_732 = tpu.memref_squeeze %dma_wait3A_731 : memref<1x1x1024xf32, #tpu.memory_space<hbm>> -> memref<1024xf32, #tpu.memory_space<hbm>>
      %dma_wait3A_733 = tpu.memref_slice %arg12[%add3A_32] : memref<1049600xf32, #tpu.memory_space<vmem_shared>> -> memref<1024xf32, #tpu.memory_space<vmem_shared>>
      tpu.wait_dma2 semaphore(%arg14 : memref<!tpu.dma_semaphore, #tpu.memory_space<semaphore_mem>>) src(%dma_wait3A_733 : memref<1024xf32, #tpu.memory_space<vmem_shared>>) dst(%dma_wait3A_732 : memref<1024xf32, #tpu.memory_space<hbm>>)
      %dma_wait3A_734 = arith.constant 1 : i32
      %dma_wait3A_735 = arith.constant 0 : i32
      %dma_wait3A_736 = tpu.memref_slice %arg6[%dma_wait3A_734, %add3A_47, %dma_wait3A_735] : memref<2x1024x1024xf32, #tpu.memory_space<hbm>> -> memref<1x1x1024xf32, #tpu.memory_space<hbm>>
      %dma_wait3A_737 = tpu.memref_squeeze %dma_wait3A_736 : memref<1x1x1024xf32, #tpu.memory_space<hbm>> -> memref<1024xf32, #tpu.memory_space<hbm>>
      %dma_wait3A_738 = tpu.memref_slice %arg12[%add3A_43] : memref<1049600xf32, #tpu.memory_space<vmem_shared>> -> memref<1024xf32, #tpu.memory_space<vmem_shared>>
      tpu.wait_dma2 semaphore(%arg14 : memref<!tpu.dma_semaphore, #tpu.memory_space<semaphore_mem>>) src(%dma_wait3A_738 : memref<1024xf32, #tpu.memory_space<vmem_shared>>) dst(%dma_wait3A_737 : memref<1024xf32, #tpu.memory_space<hbm>>)
      %dma_wait3A_739 = arith.constant 1 : i32
      %dma_wait3A_740 = arith.constant 0 : i32
      %dma_wait3A_741 = tpu.memref_slice %arg6[%dma_wait3A_739, %add3A_58, %dma_wait3A_740] : memref<2x1024x1024xf32, #tpu.memory_space<hbm>> -> memref<1x1x1024xf32, #tpu.memory_space<hbm>>
      %dma_wait3A_742 = tpu.memref_squeeze %dma_wait3A_741 : memref<1x1x1024xf32, #tpu.memory_space<hbm>> -> memref<1024xf32, #tpu.memory_space<hbm>>
      %dma_wait3A_743 = tpu.memref_slice %arg12[%add3A_54] : memref<1049600xf32, #tpu.memory_space<vmem_shared>> -> memref<1024xf32, #tpu.memory_space<vmem_shared>>
      tpu.wait_dma2 semaphore(%arg14 : memref<!tpu.dma_semaphore, #tpu.memory_space<semaphore_mem>>) src(%dma_wait3A_743 : memref<1024xf32, #tpu.memory_space<vmem_shared>>) dst(%dma_wait3A_742 : memref<1024xf32, #tpu.memory_space<hbm>>)
      %dma_wait3A_744 = arith.constant 1 : i32
      %dma_wait3A_745 = arith.constant 0 : i32
      %dma_wait3A_746 = tpu.memref_slice %arg6[%dma_wait3A_744, %add3A_69, %dma_wait3A_745] : memref<2x1024x1024xf32, #tpu.memory_space<hbm>> -> memref<1x1x1024xf32, #tpu.memory_space<hbm>>
      %dma_wait3A_747 = tpu.memref_squeeze %dma_wait3A_746 : memref<1x1x1024xf32, #tpu.memory_space<hbm>> -> memref<1024xf32, #tpu.memory_space<hbm>>
      %dma_wait3A_748 = tpu.memref_slice %arg12[%add3A_65] : memref<1049600xf32, #tpu.memory_space<vmem_shared>> -> memref<1024xf32, #tpu.memory_space<vmem_shared>>
      tpu.wait_dma2 semaphore(%arg14 : memref<!tpu.dma_semaphore, #tpu.memory_space<semaphore_mem>>) src(%dma_wait3A_748 : memref<1024xf32, #tpu.memory_space<vmem_shared>>) dst(%dma_wait3A_747 : memref<1024xf32, #tpu.memory_space<hbm>>)
      %dma_wait3A_749 = arith.constant 1 : i32
      %dma_wait3A_750 = arith.constant 0 : i32
      %dma_wait3A_751 = tpu.memref_slice %arg6[%dma_wait3A_749, %add3A_80, %dma_wait3A_750] : memref<2x1024x1024xf32, #tpu.memory_space<hbm>> -> memref<1x1x1024xf32, #tpu.memory_space<hbm>>
      %dma_wait3A_752 = tpu.memref_squeeze %dma_wait3A_751 : memref<1x1x1024xf32, #tpu.memory_space<hbm>> -> memref<1024xf32, #tpu.memory_space<hbm>>
      %dma_wait3A_753 = tpu.memref_slice %arg12[%add3A_76] : memref<1049600xf32, #tpu.memory_space<vmem_shared>> -> memref<1024xf32, #tpu.memory_space<vmem_shared>>
      tpu.wait_dma2 semaphore(%arg14 : memref<!tpu.dma_semaphore, #tpu.memory_space<semaphore_mem>>) src(%dma_wait3A_753 : memref<1024xf32, #tpu.memory_space<vmem_shared>>) dst(%dma_wait3A_752 : memref<1024xf32, #tpu.memory_space<hbm>>)
      %dma_wait3A_754 = arith.constant 1 : i32
      %dma_wait3A_755 = arith.constant 0 : i32
      %dma_wait3A_756 = tpu.memref_slice %arg6[%dma_wait3A_754, %add3A_91, %dma_wait3A_755] : memref<2x1024x1024xf32, #tpu.memory_space<hbm>> -> memref<1x1x1024xf32, #tpu.memory_space<hbm>>
      %dma_wait3A_757 = tpu.memref_squeeze %dma_wait3A_756 : memref<1x1x1024xf32, #tpu.memory_space<hbm>> -> memref<1024xf32, #tpu.memory_space<hbm>>
      %dma_wait3A_758 = tpu.memref_slice %arg12[%add3A_87] : memref<1049600xf32, #tpu.memory_space<vmem_shared>> -> memref<1024xf32, #tpu.memory_space<vmem_shared>>
      tpu.wait_dma2 semaphore(%arg14 : memref<!tpu.dma_semaphore, #tpu.memory_space<semaphore_mem>>) src(%dma_wait3A_758 : memref<1024xf32, #tpu.memory_space<vmem_shared>>) dst(%dma_wait3A_757 : memref<1024xf32, #tpu.memory_space<hbm>>)
      %dma_wait3A_759 = arith.constant 1 : i32
      %dma_wait3A_760 = arith.constant 0 : i32
      %dma_wait3A_761 = tpu.memref_slice %arg6[%dma_wait3A_759, %add3A_102, %dma_wait3A_760] : memref<2x1024x1024xf32, #tpu.memory_space<hbm>> -> memref<1x1x1024xf32, #tpu.memory_space<hbm>>
      %dma_wait3A_762 = tpu.memref_squeeze %dma_wait3A_761 : memref<1x1x1024xf32, #tpu.memory_space<hbm>> -> memref<1024xf32, #tpu.memory_space<hbm>>
      %dma_wait3A_763 = tpu.memref_slice %arg12[%add3A_98] : memref<1049600xf32, #tpu.memory_space<vmem_shared>> -> memref<1024xf32, #tpu.memory_space<vmem_shared>>
      tpu.wait_dma2 semaphore(%arg14 : memref<!tpu.dma_semaphore, #tpu.memory_space<semaphore_mem>>) src(%dma_wait3A_763 : memref<1024xf32, #tpu.memory_space<vmem_shared>>) dst(%dma_wait3A_762 : memref<1024xf32, #tpu.memory_space<hbm>>)
      %dma_wait3A_764 = arith.constant 1 : i32
      %dma_wait3A_765 = arith.constant 0 : i32
      %dma_wait3A_766 = tpu.memref_slice %arg6[%dma_wait3A_764, %add3A_113, %dma_wait3A_765] : memref<2x1024x1024xf32, #tpu.memory_space<hbm>> -> memref<1x1x1024xf32, #tpu.memory_space<hbm>>
      %dma_wait3A_767 = tpu.memref_squeeze %dma_wait3A_766 : memref<1x1x1024xf32, #tpu.memory_space<hbm>> -> memref<1024xf32, #tpu.memory_space<hbm>>
      %dma_wait3A_768 = tpu.memref_slice %arg12[%add3A_109] : memref<1049600xf32, #tpu.memory_space<vmem_shared>> -> memref<1024xf32, #tpu.memory_space<vmem_shared>>
      tpu.wait_dma2 semaphore(%arg14 : memref<!tpu.dma_semaphore, #tpu.memory_space<semaphore_mem>>) src(%dma_wait3A_768 : memref<1024xf32, #tpu.memory_space<vmem_shared>>) dst(%dma_wait3A_767 : memref<1024xf32, #tpu.memory_space<hbm>>)
      %dma_wait3A_769 = arith.constant 1 : i32
      %dma_wait3A_770 = arith.constant 0 : i32
      %dma_wait3A_771 = tpu.memref_slice %arg6[%dma_wait3A_769, %add3A_124, %dma_wait3A_770] : memref<2x1024x1024xf32, #tpu.memory_space<hbm>> -> memref<1x1x1024xf32, #tpu.memory_space<hbm>>
      %dma_wait3A_772 = tpu.memref_squeeze %dma_wait3A_771 : memref<1x1x1024xf32, #tpu.memory_space<hbm>> -> memref<1024xf32, #tpu.memory_space<hbm>>
      %dma_wait3A_773 = tpu.memref_slice %arg12[%add3A_120] : memref<1049600xf32, #tpu.memory_space<vmem_shared>> -> memref<1024xf32, #tpu.memory_space<vmem_shared>>
      tpu.wait_dma2 semaphore(%arg14 : memref<!tpu.dma_semaphore, #tpu.memory_space<semaphore_mem>>) src(%dma_wait3A_773 : memref<1024xf32, #tpu.memory_space<vmem_shared>>) dst(%dma_wait3A_772 : memref<1024xf32, #tpu.memory_space<hbm>>)
      %dma_wait3A_774 = arith.constant 1 : i32
      %dma_wait3A_775 = arith.constant 0 : i32
      %dma_wait3A_776 = tpu.memref_slice %arg6[%dma_wait3A_774, %add3A_135, %dma_wait3A_775] : memref<2x1024x1024xf32, #tpu.memory_space<hbm>> -> memref<1x1x1024xf32, #tpu.memory_space<hbm>>
      %dma_wait3A_777 = tpu.memref_squeeze %dma_wait3A_776 : memref<1x1x1024xf32, #tpu.memory_space<hbm>> -> memref<1024xf32, #tpu.memory_space<hbm>>
      %dma_wait3A_778 = tpu.memref_slice %arg12[%add3A_131] : memref<1049600xf32, #tpu.memory_space<vmem_shared>> -> memref<1024xf32, #tpu.memory_space<vmem_shared>>
      tpu.wait_dma2 semaphore(%arg14 : memref<!tpu.dma_semaphore, #tpu.memory_space<semaphore_mem>>) src(%dma_wait3A_778 : memref<1024xf32, #tpu.memory_space<vmem_shared>>) dst(%dma_wait3A_777 : memref<1024xf32, #tpu.memory_space<hbm>>)
      %dma_wait3A_779 = arith.constant 1 : i32
      %dma_wait3A_780 = arith.constant 0 : i32
      %dma_wait3A_781 = tpu.memref_slice %arg6[%dma_wait3A_779, %add3A_146, %dma_wait3A_780] : memref<2x1024x1024xf32, #tpu.memory_space<hbm>> -> memref<1x1x1024xf32, #tpu.memory_space<hbm>>
      %dma_wait3A_782 = tpu.memref_squeeze %dma_wait3A_781 : memref<1x1x1024xf32, #tpu.memory_space<hbm>> -> memref<1024xf32, #tpu.memory_space<hbm>>
      %dma_wait3A_783 = tpu.memref_slice %arg12[%add3A_142] : memref<1049600xf32, #tpu.memory_space<vmem_shared>> -> memref<1024xf32, #tpu.memory_space<vmem_shared>>
      tpu.wait_dma2 semaphore(%arg14 : memref<!tpu.dma_semaphore, #tpu.memory_space<semaphore_mem>>) src(%dma_wait3A_783 : memref<1024xf32, #tpu.memory_space<vmem_shared>>) dst(%dma_wait3A_782 : memref<1024xf32, #tpu.memory_space<hbm>>)
      %dma_wait3A_784 = arith.constant 1 : i32
      %dma_wait3A_785 = arith.constant 0 : i32
      %dma_wait3A_786 = tpu.memref_slice %arg6[%dma_wait3A_784, %add3A_157, %dma_wait3A_785] : memref<2x1024x1024xf32, #tpu.memory_space<hbm>> -> memref<1x1x1024xf32, #tpu.memory_space<hbm>>
      %dma_wait3A_787 = tpu.memref_squeeze %dma_wait3A_786 : memref<1x1x1024xf32, #tpu.memory_space<hbm>> -> memref<1024xf32, #tpu.memory_space<hbm>>
      %dma_wait3A_788 = tpu.memref_slice %arg12[%add3A_153] : memref<1049600xf32, #tpu.memory_space<vmem_shared>> -> memref<1024xf32, #tpu.memory_space<vmem_shared>>
      tpu.wait_dma2 semaphore(%arg14 : memref<!tpu.dma_semaphore, #tpu.memory_space<semaphore_mem>>) src(%dma_wait3A_788 : memref<1024xf32, #tpu.memory_space<vmem_shared>>) dst(%dma_wait3A_787 : memref<1024xf32, #tpu.memory_space<hbm>>)
      %dma_wait3A_789 = arith.constant 1 : i32
      %dma_wait3A_790 = arith.constant 0 : i32
      %dma_wait3A_791 = tpu.memref_slice %arg6[%dma_wait3A_789, %add3A_168, %dma_wait3A_790] : memref<2x1024x1024xf32, #tpu.memory_space<hbm>> -> memref<1x1x1024xf32, #tpu.memory_space<hbm>>
      %dma_wait3A_792 = tpu.memref_squeeze %dma_wait3A_791 : memref<1x1x1024xf32, #tpu.memory_space<hbm>> -> memref<1024xf32, #tpu.memory_space<hbm>>
      %dma_wait3A_793 = tpu.memref_slice %arg12[%add3A_164] : memref<1049600xf32, #tpu.memory_space<vmem_shared>> -> memref<1024xf32, #tpu.memory_space<vmem_shared>>
      tpu.wait_dma2 semaphore(%arg14 : memref<!tpu.dma_semaphore, #tpu.memory_space<semaphore_mem>>) src(%dma_wait3A_793 : memref<1024xf32, #tpu.memory_space<vmem_shared>>) dst(%dma_wait3A_792 : memref<1024xf32, #tpu.memory_space<hbm>>)
      %dma_wait3A_794 = arith.constant 1 : i32
      %dma_wait3A_795 = arith.constant 0 : i32
      %dma_wait3A_796 = tpu.memref_slice %arg6[%dma_wait3A_794, %add3A_179, %dma_wait3A_795] : memref<2x1024x1024xf32, #tpu.memory_space<hbm>> -> memref<1x1x1024xf32, #tpu.memory_space<hbm>>
      %dma_wait3A_797 = tpu.memref_squeeze %dma_wait3A_796 : memref<1x1x1024xf32, #tpu.memory_space<hbm>> -> memref<1024xf32, #tpu.memory_space<hbm>>
      %dma_wait3A_798 = tpu.memref_slice %arg12[%add3A_175] : memref<1049600xf32, #tpu.memory_space<vmem_shared>> -> memref<1024xf32, #tpu.memory_space<vmem_shared>>
      tpu.wait_dma2 semaphore(%arg14 : memref<!tpu.dma_semaphore, #tpu.memory_space<semaphore_mem>>) src(%dma_wait3A_798 : memref<1024xf32, #tpu.memory_space<vmem_shared>>) dst(%dma_wait3A_797 : memref<1024xf32, #tpu.memory_space<hbm>>)
      %dma_wait3A_799 = arith.constant 1 : i32
      %dma_wait3A_800 = arith.constant 0 : i32
      %dma_wait3A_801 = tpu.memref_slice %arg6[%dma_wait3A_799, %add3A_190, %dma_wait3A_800] : memref<2x1024x1024xf32, #tpu.memory_space<hbm>> -> memref<1x1x1024xf32, #tpu.memory_space<hbm>>
      %dma_wait3A_802 = tpu.memref_squeeze %dma_wait3A_801 : memref<1x1x1024xf32, #tpu.memory_space<hbm>> -> memref<1024xf32, #tpu.memory_space<hbm>>
      %dma_wait3A_803 = tpu.memref_slice %arg12[%add3A_186] : memref<1049600xf32, #tpu.memory_space<vmem_shared>> -> memref<1024xf32, #tpu.memory_space<vmem_shared>>
      tpu.wait_dma2 semaphore(%arg14 : memref<!tpu.dma_semaphore, #tpu.memory_space<semaphore_mem>>) src(%dma_wait3A_803 : memref<1024xf32, #tpu.memory_space<vmem_shared>>) dst(%dma_wait3A_802 : memref<1024xf32, #tpu.memory_space<hbm>>)
      %dma_wait3A_804 = arith.constant 1 : i32
      %dma_wait3A_805 = arith.constant 0 : i32
      %dma_wait3A_806 = tpu.memref_slice %arg6[%dma_wait3A_804, %add3A_201, %dma_wait3A_805] : memref<2x1024x1024xf32, #tpu.memory_space<hbm>> -> memref<1x1x1024xf32, #tpu.memory_space<hbm>>
      %dma_wait3A_807 = tpu.memref_squeeze %dma_wait3A_806 : memref<1x1x1024xf32, #tpu.memory_space<hbm>> -> memref<1024xf32, #tpu.memory_space<hbm>>
      %dma_wait3A_808 = tpu.memref_slice %arg12[%add3A_197] : memref<1049600xf32, #tpu.memory_space<vmem_shared>> -> memref<1024xf32, #tpu.memory_space<vmem_shared>>
      tpu.wait_dma2 semaphore(%arg14 : memref<!tpu.dma_semaphore, #tpu.memory_space<semaphore_mem>>) src(%dma_wait3A_808 : memref<1024xf32, #tpu.memory_space<vmem_shared>>) dst(%dma_wait3A_807 : memref<1024xf32, #tpu.memory_space<hbm>>)
      %dma_wait3A_809 = arith.constant 1 : i32
      %dma_wait3A_810 = arith.constant 0 : i32
      %dma_wait3A_811 = tpu.memref_slice %arg6[%dma_wait3A_809, %add3A_212, %dma_wait3A_810] : memref<2x1024x1024xf32, #tpu.memory_space<hbm>> -> memref<1x1x1024xf32, #tpu.memory_space<hbm>>
      %dma_wait3A_812 = tpu.memref_squeeze %dma_wait3A_811 : memref<1x1x1024xf32, #tpu.memory_space<hbm>> -> memref<1024xf32, #tpu.memory_space<hbm>>
      %dma_wait3A_813 = tpu.memref_slice %arg12[%add3A_208] : memref<1049600xf32, #tpu.memory_space<vmem_shared>> -> memref<1024xf32, #tpu.memory_space<vmem_shared>>
      tpu.wait_dma2 semaphore(%arg14 : memref<!tpu.dma_semaphore, #tpu.memory_space<semaphore_mem>>) src(%dma_wait3A_813 : memref<1024xf32, #tpu.memory_space<vmem_shared>>) dst(%dma_wait3A_812 : memref<1024xf32, #tpu.memory_space<hbm>>)
      %dma_wait3A_814 = arith.constant 1 : i32
      %dma_wait3A_815 = arith.constant 0 : i32
      %dma_wait3A_816 = tpu.memref_slice %arg6[%dma_wait3A_814, %add3A_223, %dma_wait3A_815] : memref<2x1024x1024xf32, #tpu.memory_space<hbm>> -> memref<1x1x1024xf32, #tpu.memory_space<hbm>>
      %dma_wait3A_817 = tpu.memref_squeeze %dma_wait3A_816 : memref<1x1x1024xf32, #tpu.memory_space<hbm>> -> memref<1024xf32, #tpu.memory_space<hbm>>
      %dma_wait3A_818 = tpu.memref_slice %arg12[%add3A_219] : memref<1049600xf32, #tpu.memory_space<vmem_shared>> -> memref<1024xf32, #tpu.memory_space<vmem_shared>>
      tpu.wait_dma2 semaphore(%arg14 : memref<!tpu.dma_semaphore, #tpu.memory_space<semaphore_mem>>) src(%dma_wait3A_818 : memref<1024xf32, #tpu.memory_space<vmem_shared>>) dst(%dma_wait3A_817 : memref<1024xf32, #tpu.memory_space<hbm>>)
      %dma_wait3A_819 = arith.constant 1 : i32
      %dma_wait3A_820 = arith.constant 0 : i32
      %dma_wait3A_821 = tpu.memref_slice %arg6[%dma_wait3A_819, %add3A_234, %dma_wait3A_820] : memref<2x1024x1024xf32, #tpu.memory_space<hbm>> -> memref<1x1x1024xf32, #tpu.memory_space<hbm>>
      %dma_wait3A_822 = tpu.memref_squeeze %dma_wait3A_821 : memref<1x1x1024xf32, #tpu.memory_space<hbm>> -> memref<1024xf32, #tpu.memory_space<hbm>>
      %dma_wait3A_823 = tpu.memref_slice %arg12[%add3A_230] : memref<1049600xf32, #tpu.memory_space<vmem_shared>> -> memref<1024xf32, #tpu.memory_space<vmem_shared>>
      tpu.wait_dma2 semaphore(%arg14 : memref<!tpu.dma_semaphore, #tpu.memory_space<semaphore_mem>>) src(%dma_wait3A_823 : memref<1024xf32, #tpu.memory_space<vmem_shared>>) dst(%dma_wait3A_822 : memref<1024xf32, #tpu.memory_space<hbm>>)
      %dma_wait3A_824 = arith.constant 1 : i32
      %dma_wait3A_825 = arith.constant 0 : i32
      %dma_wait3A_826 = tpu.memref_slice %arg6[%dma_wait3A_824, %add3A_245, %dma_wait3A_825] : memref<2x1024x1024xf32, #tpu.memory_space<hbm>> -> memref<1x1x1024xf32, #tpu.memory_space<hbm>>
      %dma_wait3A_827 = tpu.memref_squeeze %dma_wait3A_826 : memref<1x1x1024xf32, #tpu.memory_space<hbm>> -> memref<1024xf32, #tpu.memory_space<hbm>>
      %dma_wait3A_828 = tpu.memref_slice %arg12[%add3A_241] : memref<1049600xf32, #tpu.memory_space<vmem_shared>> -> memref<1024xf32, #tpu.memory_space<vmem_shared>>
      tpu.wait_dma2 semaphore(%arg14 : memref<!tpu.dma_semaphore, #tpu.memory_space<semaphore_mem>>) src(%dma_wait3A_828 : memref<1024xf32, #tpu.memory_space<vmem_shared>>) dst(%dma_wait3A_827 : memref<1024xf32, #tpu.memory_space<hbm>>)
      %dma_wait3A_829 = arith.constant 1 : i32
      %dma_wait3A_830 = arith.constant 0 : i32
      %dma_wait3A_831 = tpu.memref_slice %arg6[%dma_wait3A_829, %add3A_256, %dma_wait3A_830] : memref<2x1024x1024xf32, #tpu.memory_space<hbm>> -> memref<1x1x1024xf32, #tpu.memory_space<hbm>>
      %dma_wait3A_832 = tpu.memref_squeeze %dma_wait3A_831 : memref<1x1x1024xf32, #tpu.memory_space<hbm>> -> memref<1024xf32, #tpu.memory_space<hbm>>
      %dma_wait3A_833 = tpu.memref_slice %arg12[%add3A_252] : memref<1049600xf32, #tpu.memory_space<vmem_shared>> -> memref<1024xf32, #tpu.memory_space<vmem_shared>>
      tpu.wait_dma2 semaphore(%arg14 : memref<!tpu.dma_semaphore, #tpu.memory_space<semaphore_mem>>) src(%dma_wait3A_833 : memref<1024xf32, #tpu.memory_space<vmem_shared>>) dst(%dma_wait3A_832 : memref<1024xf32, #tpu.memory_space<hbm>>)
      %dma_wait3A_834 = arith.constant 1 : i32
      %dma_wait3A_835 = arith.constant 0 : i32
      %dma_wait3A_836 = tpu.memref_slice %arg6[%dma_wait3A_834, %add3A_267, %dma_wait3A_835] : memref<2x1024x1024xf32, #tpu.memory_space<hbm>> -> memref<1x1x1024xf32, #tpu.memory_space<hbm>>
      %dma_wait3A_837 = tpu.memref_squeeze %dma_wait3A_836 : memref<1x1x1024xf32, #tpu.memory_space<hbm>> -> memref<1024xf32, #tpu.memory_space<hbm>>
      %dma_wait3A_838 = tpu.memref_slice %arg12[%add3A_263] : memref<1049600xf32, #tpu.memory_space<vmem_shared>> -> memref<1024xf32, #tpu.memory_space<vmem_shared>>
      tpu.wait_dma2 semaphore(%arg14 : memref<!tpu.dma_semaphore, #tpu.memory_space<semaphore_mem>>) src(%dma_wait3A_838 : memref<1024xf32, #tpu.memory_space<vmem_shared>>) dst(%dma_wait3A_837 : memref<1024xf32, #tpu.memory_space<hbm>>)
      %dma_wait3A_839 = arith.constant 1 : i32
      %dma_wait3A_840 = arith.constant 0 : i32
      %dma_wait3A_841 = tpu.memref_slice %arg6[%dma_wait3A_839, %add3A_278, %dma_wait3A_840] : memref<2x1024x1024xf32, #tpu.memory_space<hbm>> -> memref<1x1x1024xf32, #tpu.memory_space<hbm>>
      %dma_wait3A_842 = tpu.memref_squeeze %dma_wait3A_841 : memref<1x1x1024xf32, #tpu.memory_space<hbm>> -> memref<1024xf32, #tpu.memory_space<hbm>>
      %dma_wait3A_843 = tpu.memref_slice %arg12[%add3A_274] : memref<1049600xf32, #tpu.memory_space<vmem_shared>> -> memref<1024xf32, #tpu.memory_space<vmem_shared>>
      tpu.wait_dma2 semaphore(%arg14 : memref<!tpu.dma_semaphore, #tpu.memory_space<semaphore_mem>>) src(%dma_wait3A_843 : memref<1024xf32, #tpu.memory_space<vmem_shared>>) dst(%dma_wait3A_842 : memref<1024xf32, #tpu.memory_space<hbm>>)
      %dma_wait3A_844 = arith.constant 1 : i32
      %dma_wait3A_845 = arith.constant 0 : i32
      %dma_wait3A_846 = tpu.memref_slice %arg6[%dma_wait3A_844, %add3A_289, %dma_wait3A_845] : memref<2x1024x1024xf32, #tpu.memory_space<hbm>> -> memref<1x1x1024xf32, #tpu.memory_space<hbm>>
      %dma_wait3A_847 = tpu.memref_squeeze %dma_wait3A_846 : memref<1x1x1024xf32, #tpu.memory_space<hbm>> -> memref<1024xf32, #tpu.memory_space<hbm>>
      %dma_wait3A_848 = tpu.memref_slice %arg12[%add3A_285] : memref<1049600xf32, #tpu.memory_space<vmem_shared>> -> memref<1024xf32, #tpu.memory_space<vmem_shared>>
      tpu.wait_dma2 semaphore(%arg14 : memref<!tpu.dma_semaphore, #tpu.memory_space<semaphore_mem>>) src(%dma_wait3A_848 : memref<1024xf32, #tpu.memory_space<vmem_shared>>) dst(%dma_wait3A_847 : memref<1024xf32, #tpu.memory_space<hbm>>)
      %dma_wait3A_849 = arith.constant 1 : i32
      %dma_wait3A_850 = arith.constant 0 : i32
      %dma_wait3A_851 = tpu.memref_slice %arg6[%dma_wait3A_849, %add3A_300, %dma_wait3A_850] : memref<2x1024x1024xf32, #tpu.memory_space<hbm>> -> memref<1x1x1024xf32, #tpu.memory_space<hbm>>
      %dma_wait3A_852 = tpu.memref_squeeze %dma_wait3A_851 : memref<1x1x1024xf32, #tpu.memory_space<hbm>> -> memref<1024xf32, #tpu.memory_space<hbm>>
      %dma_wait3A_853 = tpu.memref_slice %arg12[%add3A_296] : memref<1049600xf32, #tpu.memory_space<vmem_shared>> -> memref<1024xf32, #tpu.memory_space<vmem_shared>>
      tpu.wait_dma2 semaphore(%arg14 : memref<!tpu.dma_semaphore, #tpu.memory_space<semaphore_mem>>) src(%dma_wait3A_853 : memref<1024xf32, #tpu.memory_space<vmem_shared>>) dst(%dma_wait3A_852 : memref<1024xf32, #tpu.memory_space<hbm>>)
      %dma_wait3A_854 = arith.constant 1 : i32
      %dma_wait3A_855 = arith.constant 0 : i32
      %dma_wait3A_856 = tpu.memref_slice %arg6[%dma_wait3A_854, %add3A_311, %dma_wait3A_855] : memref<2x1024x1024xf32, #tpu.memory_space<hbm>> -> memref<1x1x1024xf32, #tpu.memory_space<hbm>>
      %dma_wait3A_857 = tpu.memref_squeeze %dma_wait3A_856 : memref<1x1x1024xf32, #tpu.memory_space<hbm>> -> memref<1024xf32, #tpu.memory_space<hbm>>
      %dma_wait3A_858 = tpu.memref_slice %arg12[%add3A_307] : memref<1049600xf32, #tpu.memory_space<vmem_shared>> -> memref<1024xf32, #tpu.memory_space<vmem_shared>>
      tpu.wait_dma2 semaphore(%arg14 : memref<!tpu.dma_semaphore, #tpu.memory_space<semaphore_mem>>) src(%dma_wait3A_858 : memref<1024xf32, #tpu.memory_space<vmem_shared>>) dst(%dma_wait3A_857 : memref<1024xf32, #tpu.memory_space<hbm>>)
      %dma_wait3A_859 = arith.constant 1 : i32
      %dma_wait3A_860 = arith.constant 0 : i32
      %dma_wait3A_861 = tpu.memref_slice %arg6[%dma_wait3A_859, %add3A_322, %dma_wait3A_860] : memref<2x1024x1024xf32, #tpu.memory_space<hbm>> -> memref<1x1x1024xf32, #tpu.memory_space<hbm>>
      %dma_wait3A_862 = tpu.memref_squeeze %dma_wait3A_861 : memref<1x1x1024xf32, #tpu.memory_space<hbm>> -> memref<1024xf32, #tpu.memory_space<hbm>>
      %dma_wait3A_863 = tpu.memref_slice %arg12[%add3A_318] : memref<1049600xf32, #tpu.memory_space<vmem_shared>> -> memref<1024xf32, #tpu.memory_space<vmem_shared>>
      tpu.wait_dma2 semaphore(%arg14 : memref<!tpu.dma_semaphore, #tpu.memory_space<semaphore_mem>>) src(%dma_wait3A_863 : memref<1024xf32, #tpu.memory_space<vmem_shared>>) dst(%dma_wait3A_862 : memref<1024xf32, #tpu.memory_space<hbm>>)
      %dma_wait3A_864 = arith.constant 1 : i32
      %dma_wait3A_865 = arith.constant 0 : i32
      %dma_wait3A_866 = tpu.memref_slice %arg6[%dma_wait3A_864, %add3A_333, %dma_wait3A_865] : memref<2x1024x1024xf32, #tpu.memory_space<hbm>> -> memref<1x1x1024xf32, #tpu.memory_space<hbm>>
      %dma_wait3A_867 = tpu.memref_squeeze %dma_wait3A_866 : memref<1x1x1024xf32, #tpu.memory_space<hbm>> -> memref<1024xf32, #tpu.memory_space<hbm>>
      %dma_wait3A_868 = tpu.memref_slice %arg12[%add3A_329] : memref<1049600xf32, #tpu.memory_space<vmem_shared>> -> memref<1024xf32, #tpu.memory_space<vmem_shared>>
      tpu.wait_dma2 semaphore(%arg14 : memref<!tpu.dma_semaphore, #tpu.memory_space<semaphore_mem>>) src(%dma_wait3A_868 : memref<1024xf32, #tpu.memory_space<vmem_shared>>) dst(%dma_wait3A_867 : memref<1024xf32, #tpu.memory_space<hbm>>)
      %dma_wait3A_869 = arith.constant 1 : i32
      %dma_wait3A_870 = arith.constant 0 : i32
      %dma_wait3A_871 = tpu.memref_slice %arg6[%dma_wait3A_869, %add3A_344, %dma_wait3A_870] : memref<2x1024x1024xf32, #tpu.memory_space<hbm>> -> memref<1x1x1024xf32, #tpu.memory_space<hbm>>
      %dma_wait3A_872 = tpu.memref_squeeze %dma_wait3A_871 : memref<1x1x1024xf32, #tpu.memory_space<hbm>> -> memref<1024xf32, #tpu.memory_space<hbm>>
      %dma_wait3A_873 = tpu.memref_slice %arg12[%add3A_340] : memref<1049600xf32, #tpu.memory_space<vmem_shared>> -> memref<1024xf32, #tpu.memory_space<vmem_shared>>
      tpu.wait_dma2 semaphore(%arg14 : memref<!tpu.dma_semaphore, #tpu.memory_space<semaphore_mem>>) src(%dma_wait3A_873 : memref<1024xf32, #tpu.memory_space<vmem_shared>>) dst(%dma_wait3A_872 : memref<1024xf32, #tpu.memory_space<hbm>>)
      %dma_wait3A_874 = arith.constant 1 : i32
      %dma_wait3A_875 = arith.constant 0 : i32
      %dma_wait3A_876 = tpu.memref_slice %arg6[%dma_wait3A_874, %add3A_355, %dma_wait3A_875] : memref<2x1024x1024xf32, #tpu.memory_space<hbm>> -> memref<1x1x1024xf32, #tpu.memory_space<hbm>>
      %dma_wait3A_877 = tpu.memref_squeeze %dma_wait3A_876 : memref<1x1x1024xf32, #tpu.memory_space<hbm>> -> memref<1024xf32, #tpu.memory_space<hbm>>
      %dma_wait3A_878 = tpu.memref_slice %arg12[%add3A_351] : memref<1049600xf32, #tpu.memory_space<vmem_shared>> -> memref<1024xf32, #tpu.memory_space<vmem_shared>>
      tpu.wait_dma2 semaphore(%arg14 : memref<!tpu.dma_semaphore, #tpu.memory_space<semaphore_mem>>) src(%dma_wait3A_878 : memref<1024xf32, #tpu.memory_space<vmem_shared>>) dst(%dma_wait3A_877 : memref<1024xf32, #tpu.memory_space<hbm>>)
      %dma_wait3A_879 = arith.constant 1 : i32
      %dma_wait3A_880 = arith.constant 0 : i32
      %dma_wait3A_881 = tpu.memref_slice %arg6[%dma_wait3A_879, %add3A_366, %dma_wait3A_880] : memref<2x1024x1024xf32, #tpu.memory_space<hbm>> -> memref<1x1x1024xf32, #tpu.memory_space<hbm>>
      %dma_wait3A_882 = tpu.memref_squeeze %dma_wait3A_881 : memref<1x1x1024xf32, #tpu.memory_space<hbm>> -> memref<1024xf32, #tpu.memory_space<hbm>>
      %dma_wait3A_883 = tpu.memref_slice %arg12[%add3A_362] : memref<1049600xf32, #tpu.memory_space<vmem_shared>> -> memref<1024xf32, #tpu.memory_space<vmem_shared>>
      tpu.wait_dma2 semaphore(%arg14 : memref<!tpu.dma_semaphore, #tpu.memory_space<semaphore_mem>>) src(%dma_wait3A_883 : memref<1024xf32, #tpu.memory_space<vmem_shared>>) dst(%dma_wait3A_882 : memref<1024xf32, #tpu.memory_space<hbm>>)
      %dma_wait3A_884 = arith.constant 1 : i32
      %dma_wait3A_885 = arith.constant 0 : i32
      %dma_wait3A_886 = tpu.memref_slice %arg6[%dma_wait3A_884, %add3A_377, %dma_wait3A_885] : memref<2x1024x1024xf32, #tpu.memory_space<hbm>> -> memref<1x1x1024xf32, #tpu.memory_space<hbm>>
      %dma_wait3A_887 = tpu.memref_squeeze %dma_wait3A_886 : memref<1x1x1024xf32, #tpu.memory_space<hbm>> -> memref<1024xf32, #tpu.memory_space<hbm>>
      %dma_wait3A_888 = tpu.memref_slice %arg12[%add3A_373] : memref<1049600xf32, #tpu.memory_space<vmem_shared>> -> memref<1024xf32, #tpu.memory_space<vmem_shared>>
      tpu.wait_dma2 semaphore(%arg14 : memref<!tpu.dma_semaphore, #tpu.memory_space<semaphore_mem>>) src(%dma_wait3A_888 : memref<1024xf32, #tpu.memory_space<vmem_shared>>) dst(%dma_wait3A_887 : memref<1024xf32, #tpu.memory_space<hbm>>)
      %dma_wait3A_889 = arith.constant 1 : i32
      %dma_wait3A_890 = arith.constant 0 : i32
      %dma_wait3A_891 = tpu.memref_slice %arg6[%dma_wait3A_889, %add3A_388, %dma_wait3A_890] : memref<2x1024x1024xf32, #tpu.memory_space<hbm>> -> memref<1x1x1024xf32, #tpu.memory_space<hbm>>
      %dma_wait3A_892 = tpu.memref_squeeze %dma_wait3A_891 : memref<1x1x1024xf32, #tpu.memory_space<hbm>> -> memref<1024xf32, #tpu.memory_space<hbm>>
      %dma_wait3A_893 = tpu.memref_slice %arg12[%add3A_384] : memref<1049600xf32, #tpu.memory_space<vmem_shared>> -> memref<1024xf32, #tpu.memory_space<vmem_shared>>
      tpu.wait_dma2 semaphore(%arg14 : memref<!tpu.dma_semaphore, #tpu.memory_space<semaphore_mem>>) src(%dma_wait3A_893 : memref<1024xf32, #tpu.memory_space<vmem_shared>>) dst(%dma_wait3A_892 : memref<1024xf32, #tpu.memory_space<hbm>>)
      %dma_wait3A_894 = arith.constant 1 : i32
      %dma_wait3A_895 = arith.constant 0 : i32
      %dma_wait3A_896 = tpu.memref_slice %arg6[%dma_wait3A_894, %add3A_399, %dma_wait3A_895] : memref<2x1024x1024xf32, #tpu.memory_space<hbm>> -> memref<1x1x1024xf32, #tpu.memory_space<hbm>>
      %dma_wait3A_897 = tpu.memref_squeeze %dma_wait3A_896 : memref<1x1x1024xf32, #tpu.memory_space<hbm>> -> memref<1024xf32, #tpu.memory_space<hbm>>
      %dma_wait3A_898 = tpu.memref_slice %arg12[%add3A_395] : memref<1049600xf32, #tpu.memory_space<vmem_shared>> -> memref<1024xf32, #tpu.memory_space<vmem_shared>>
      tpu.wait_dma2 semaphore(%arg14 : memref<!tpu.dma_semaphore, #tpu.memory_space<semaphore_mem>>) src(%dma_wait3A_898 : memref<1024xf32, #tpu.memory_space<vmem_shared>>) dst(%dma_wait3A_897 : memref<1024xf32, #tpu.memory_space<hbm>>)
      %dma_wait3A_899 = arith.constant 1 : i32
      %dma_wait3A_900 = arith.constant 0 : i32
      %dma_wait3A_901 = tpu.memref_slice %arg6[%dma_wait3A_899, %add3A_410, %dma_wait3A_900] : memref<2x1024x1024xf32, #tpu.memory_space<hbm>> -> memref<1x1x1024xf32, #tpu.memory_space<hbm>>
      %dma_wait3A_902 = tpu.memref_squeeze %dma_wait3A_901 : memref<1x1x1024xf32, #tpu.memory_space<hbm>> -> memref<1024xf32, #tpu.memory_space<hbm>>
      %dma_wait3A_903 = tpu.memref_slice %arg12[%add3A_406] : memref<1049600xf32, #tpu.memory_space<vmem_shared>> -> memref<1024xf32, #tpu.memory_space<vmem_shared>>
      tpu.wait_dma2 semaphore(%arg14 : memref<!tpu.dma_semaphore, #tpu.memory_space<semaphore_mem>>) src(%dma_wait3A_903 : memref<1024xf32, #tpu.memory_space<vmem_shared>>) dst(%dma_wait3A_902 : memref<1024xf32, #tpu.memory_space<hbm>>)
      %dma_wait3A_904 = arith.constant 1 : i32
      %dma_wait3A_905 = arith.constant 0 : i32
      %dma_wait3A_906 = tpu.memref_slice %arg6[%dma_wait3A_904, %add3A_421, %dma_wait3A_905] : memref<2x1024x1024xf32, #tpu.memory_space<hbm>> -> memref<1x1x1024xf32, #tpu.memory_space<hbm>>
      %dma_wait3A_907 = tpu.memref_squeeze %dma_wait3A_906 : memref<1x1x1024xf32, #tpu.memory_space<hbm>> -> memref<1024xf32, #tpu.memory_space<hbm>>
      %dma_wait3A_908 = tpu.memref_slice %arg12[%add3A_417] : memref<1049600xf32, #tpu.memory_space<vmem_shared>> -> memref<1024xf32, #tpu.memory_space<vmem_shared>>
      tpu.wait_dma2 semaphore(%arg14 : memref<!tpu.dma_semaphore, #tpu.memory_space<semaphore_mem>>) src(%dma_wait3A_908 : memref<1024xf32, #tpu.memory_space<vmem_shared>>) dst(%dma_wait3A_907 : memref<1024xf32, #tpu.memory_space<hbm>>)
      %dma_wait3A_909 = arith.constant 1 : i32
      %dma_wait3A_910 = arith.constant 0 : i32
      %dma_wait3A_911 = tpu.memref_slice %arg6[%dma_wait3A_909, %add3A_432, %dma_wait3A_910] : memref<2x1024x1024xf32, #tpu.memory_space<hbm>> -> memref<1x1x1024xf32, #tpu.memory_space<hbm>>
      %dma_wait3A_912 = tpu.memref_squeeze %dma_wait3A_911 : memref<1x1x1024xf32, #tpu.memory_space<hbm>> -> memref<1024xf32, #tpu.memory_space<hbm>>
      %dma_wait3A_913 = tpu.memref_slice %arg12[%add3A_428] : memref<1049600xf32, #tpu.memory_space<vmem_shared>> -> memref<1024xf32, #tpu.memory_space<vmem_shared>>
      tpu.wait_dma2 semaphore(%arg14 : memref<!tpu.dma_semaphore, #tpu.memory_space<semaphore_mem>>) src(%dma_wait3A_913 : memref<1024xf32, #tpu.memory_space<vmem_shared>>) dst(%dma_wait3A_912 : memref<1024xf32, #tpu.memory_space<hbm>>)
      %dma_wait3A_914 = arith.constant 1 : i32
      %dma_wait3A_915 = arith.constant 0 : i32
      %dma_wait3A_916 = tpu.memref_slice %arg6[%dma_wait3A_914, %add3A_443, %dma_wait3A_915] : memref<2x1024x1024xf32, #tpu.memory_space<hbm>> -> memref<1x1x1024xf32, #tpu.memory_space<hbm>>
      %dma_wait3A_917 = tpu.memref_squeeze %dma_wait3A_916 : memref<1x1x1024xf32, #tpu.memory_space<hbm>> -> memref<1024xf32, #tpu.memory_space<hbm>>
      %dma_wait3A_918 = tpu.memref_slice %arg12[%add3A_439] : memref<1049600xf32, #tpu.memory_space<vmem_shared>> -> memref<1024xf32, #tpu.memory_space<vmem_shared>>
      tpu.wait_dma2 semaphore(%arg14 : memref<!tpu.dma_semaphore, #tpu.memory_space<semaphore_mem>>) src(%dma_wait3A_918 : memref<1024xf32, #tpu.memory_space<vmem_shared>>) dst(%dma_wait3A_917 : memref<1024xf32, #tpu.memory_space<hbm>>)
      %dma_wait3A_919 = arith.constant 1 : i32
      %dma_wait3A_920 = arith.constant 0 : i32
      %dma_wait3A_921 = tpu.memref_slice %arg6[%dma_wait3A_919, %add3A_454, %dma_wait3A_920] : memref<2x1024x1024xf32, #tpu.memory_space<hbm>> -> memref<1x1x1024xf32, #tpu.memory_space<hbm>>
      %dma_wait3A_922 = tpu.memref_squeeze %dma_wait3A_921 : memref<1x1x1024xf32, #tpu.memory_space<hbm>> -> memref<1024xf32, #tpu.memory_space<hbm>>
      %dma_wait3A_923 = tpu.memref_slice %arg12[%add3A_450] : memref<1049600xf32, #tpu.memory_space<vmem_shared>> -> memref<1024xf32, #tpu.memory_space<vmem_shared>>
      tpu.wait_dma2 semaphore(%arg14 : memref<!tpu.dma_semaphore, #tpu.memory_space<semaphore_mem>>) src(%dma_wait3A_923 : memref<1024xf32, #tpu.memory_space<vmem_shared>>) dst(%dma_wait3A_922 : memref<1024xf32, #tpu.memory_space<hbm>>)
      %dma_wait3A_924 = arith.constant 1 : i32
      %dma_wait3A_925 = arith.constant 0 : i32
      %dma_wait3A_926 = tpu.memref_slice %arg6[%dma_wait3A_924, %add3A_465, %dma_wait3A_925] : memref<2x1024x1024xf32, #tpu.memory_space<hbm>> -> memref<1x1x1024xf32, #tpu.memory_space<hbm>>
      %dma_wait3A_927 = tpu.memref_squeeze %dma_wait3A_926 : memref<1x1x1024xf32, #tpu.memory_space<hbm>> -> memref<1024xf32, #tpu.memory_space<hbm>>
      %dma_wait3A_928 = tpu.memref_slice %arg12[%add3A_461] : memref<1049600xf32, #tpu.memory_space<vmem_shared>> -> memref<1024xf32, #tpu.memory_space<vmem_shared>>
      tpu.wait_dma2 semaphore(%arg14 : memref<!tpu.dma_semaphore, #tpu.memory_space<semaphore_mem>>) src(%dma_wait3A_928 : memref<1024xf32, #tpu.memory_space<vmem_shared>>) dst(%dma_wait3A_927 : memref<1024xf32, #tpu.memory_space<hbm>>)
      %dma_wait3A_929 = arith.constant 1 : i32
      %dma_wait3A_930 = arith.constant 0 : i32
      %dma_wait3A_931 = tpu.memref_slice %arg6[%dma_wait3A_929, %add3A_476, %dma_wait3A_930] : memref<2x1024x1024xf32, #tpu.memory_space<hbm>> -> memref<1x1x1024xf32, #tpu.memory_space<hbm>>
      %dma_wait3A_932 = tpu.memref_squeeze %dma_wait3A_931 : memref<1x1x1024xf32, #tpu.memory_space<hbm>> -> memref<1024xf32, #tpu.memory_space<hbm>>
      %dma_wait3A_933 = tpu.memref_slice %arg12[%add3A_472] : memref<1049600xf32, #tpu.memory_space<vmem_shared>> -> memref<1024xf32, #tpu.memory_space<vmem_shared>>
      tpu.wait_dma2 semaphore(%arg14 : memref<!tpu.dma_semaphore, #tpu.memory_space<semaphore_mem>>) src(%dma_wait3A_933 : memref<1024xf32, #tpu.memory_space<vmem_shared>>) dst(%dma_wait3A_932 : memref<1024xf32, #tpu.memory_space<hbm>>)
      %dma_wait3A_934 = arith.constant 1 : i32
      %dma_wait3A_935 = arith.constant 0 : i32
      %dma_wait3A_936 = tpu.memref_slice %arg6[%dma_wait3A_934, %add3A_487, %dma_wait3A_935] : memref<2x1024x1024xf32, #tpu.memory_space<hbm>> -> memref<1x1x1024xf32, #tpu.memory_space<hbm>>
      %dma_wait3A_937 = tpu.memref_squeeze %dma_wait3A_936 : memref<1x1x1024xf32, #tpu.memory_space<hbm>> -> memref<1024xf32, #tpu.memory_space<hbm>>
      %dma_wait3A_938 = tpu.memref_slice %arg12[%add3A_483] : memref<1049600xf32, #tpu.memory_space<vmem_shared>> -> memref<1024xf32, #tpu.memory_space<vmem_shared>>
      tpu.wait_dma2 semaphore(%arg14 : memref<!tpu.dma_semaphore, #tpu.memory_space<semaphore_mem>>) src(%dma_wait3A_938 : memref<1024xf32, #tpu.memory_space<vmem_shared>>) dst(%dma_wait3A_937 : memref<1024xf32, #tpu.memory_space<hbm>>)
      %dma_wait3A_939 = arith.constant 1 : i32
      %dma_wait3A_940 = arith.constant 0 : i32
      %dma_wait3A_941 = tpu.memref_slice %arg6[%dma_wait3A_939, %add3A_498, %dma_wait3A_940] : memref<2x1024x1024xf32, #tpu.memory_space<hbm>> -> memref<1x1x1024xf32, #tpu.memory_space<hbm>>
      %dma_wait3A_942 = tpu.memref_squeeze %dma_wait3A_941 : memref<1x1x1024xf32, #tpu.memory_space<hbm>> -> memref<1024xf32, #tpu.memory_space<hbm>>
      %dma_wait3A_943 = tpu.memref_slice %arg12[%add3A_494] : memref<1049600xf32, #tpu.memory_space<vmem_shared>> -> memref<1024xf32, #tpu.memory_space<vmem_shared>>
      tpu.wait_dma2 semaphore(%arg14 : memref<!tpu.dma_semaphore, #tpu.memory_space<semaphore_mem>>) src(%dma_wait3A_943 : memref<1024xf32, #tpu.memory_space<vmem_shared>>) dst(%dma_wait3A_942 : memref<1024xf32, #tpu.memory_space<hbm>>)
      %dma_wait3A_944 = arith.constant 1 : i32
      %dma_wait3A_945 = arith.constant 0 : i32
      %dma_wait3A_946 = tpu.memref_slice %arg6[%dma_wait3A_944, %add3A_509, %dma_wait3A_945] : memref<2x1024x1024xf32, #tpu.memory_space<hbm>> -> memref<1x1x1024xf32, #tpu.memory_space<hbm>>
      %dma_wait3A_947 = tpu.memref_squeeze %dma_wait3A_946 : memref<1x1x1024xf32, #tpu.memory_space<hbm>> -> memref<1024xf32, #tpu.memory_space<hbm>>
      %dma_wait3A_948 = tpu.memref_slice %arg12[%add3A_505] : memref<1049600xf32, #tpu.memory_space<vmem_shared>> -> memref<1024xf32, #tpu.memory_space<vmem_shared>>
      tpu.wait_dma2 semaphore(%arg14 : memref<!tpu.dma_semaphore, #tpu.memory_space<semaphore_mem>>) src(%dma_wait3A_948 : memref<1024xf32, #tpu.memory_space<vmem_shared>>) dst(%dma_wait3A_947 : memref<1024xf32, #tpu.memory_space<hbm>>)
      %dma_wait3A_949 = arith.constant 1 : i32
      %dma_wait3A_950 = arith.constant 0 : i32
      %dma_wait3A_951 = tpu.memref_slice %arg6[%dma_wait3A_949, %add3A_520, %dma_wait3A_950] : memref<2x1024x1024xf32, #tpu.memory_space<hbm>> -> memref<1x1x1024xf32, #tpu.memory_space<hbm>>
      %dma_wait3A_952 = tpu.memref_squeeze %dma_wait3A_951 : memref<1x1x1024xf32, #tpu.memory_space<hbm>> -> memref<1024xf32, #tpu.memory_space<hbm>>
      %dma_wait3A_953 = tpu.memref_slice %arg12[%add3A_516] : memref<1049600xf32, #tpu.memory_space<vmem_shared>> -> memref<1024xf32, #tpu.memory_space<vmem_shared>>
      tpu.wait_dma2 semaphore(%arg14 : memref<!tpu.dma_semaphore, #tpu.memory_space<semaphore_mem>>) src(%dma_wait3A_953 : memref<1024xf32, #tpu.memory_space<vmem_shared>>) dst(%dma_wait3A_952 : memref<1024xf32, #tpu.memory_space<hbm>>)
      %dma_wait3A_954 = arith.constant 1 : i32
      %dma_wait3A_955 = arith.constant 0 : i32
      %dma_wait3A_956 = tpu.memref_slice %arg6[%dma_wait3A_954, %add3A_531, %dma_wait3A_955] : memref<2x1024x1024xf32, #tpu.memory_space<hbm>> -> memref<1x1x1024xf32, #tpu.memory_space<hbm>>
      %dma_wait3A_957 = tpu.memref_squeeze %dma_wait3A_956 : memref<1x1x1024xf32, #tpu.memory_space<hbm>> -> memref<1024xf32, #tpu.memory_space<hbm>>
      %dma_wait3A_958 = tpu.memref_slice %arg12[%add3A_527] : memref<1049600xf32, #tpu.memory_space<vmem_shared>> -> memref<1024xf32, #tpu.memory_space<vmem_shared>>
      tpu.wait_dma2 semaphore(%arg14 : memref<!tpu.dma_semaphore, #tpu.memory_space<semaphore_mem>>) src(%dma_wait3A_958 : memref<1024xf32, #tpu.memory_space<vmem_shared>>) dst(%dma_wait3A_957 : memref<1024xf32, #tpu.memory_space<hbm>>)
      %dma_wait3A_959 = arith.constant 1 : i32
      %dma_wait3A_960 = arith.constant 0 : i32
      %dma_wait3A_961 = tpu.memref_slice %arg6[%dma_wait3A_959, %add3A_542, %dma_wait3A_960] : memref<2x1024x1024xf32, #tpu.memory_space<hbm>> -> memref<1x1x1024xf32, #tpu.memory_space<hbm>>
      %dma_wait3A_962 = tpu.memref_squeeze %dma_wait3A_961 : memref<1x1x1024xf32, #tpu.memory_space<hbm>> -> memref<1024xf32, #tpu.memory_space<hbm>>
      %dma_wait3A_963 = tpu.memref_slice %arg12[%add3A_538] : memref<1049600xf32, #tpu.memory_space<vmem_shared>> -> memref<1024xf32, #tpu.memory_space<vmem_shared>>
      tpu.wait_dma2 semaphore(%arg14 : memref<!tpu.dma_semaphore, #tpu.memory_space<semaphore_mem>>) src(%dma_wait3A_963 : memref<1024xf32, #tpu.memory_space<vmem_shared>>) dst(%dma_wait3A_962 : memref<1024xf32, #tpu.memory_space<hbm>>)
      %dma_wait3A_964 = arith.constant 1 : i32
      %dma_wait3A_965 = arith.constant 0 : i32
      %dma_wait3A_966 = tpu.memref_slice %arg6[%dma_wait3A_964, %add3A_553, %dma_wait3A_965] : memref<2x1024x1024xf32, #tpu.memory_space<hbm>> -> memref<1x1x1024xf32, #tpu.memory_space<hbm>>
      %dma_wait3A_967 = tpu.memref_squeeze %dma_wait3A_966 : memref<1x1x1024xf32, #tpu.memory_space<hbm>> -> memref<1024xf32, #tpu.memory_space<hbm>>
      %dma_wait3A_968 = tpu.memref_slice %arg12[%add3A_549] : memref<1049600xf32, #tpu.memory_space<vmem_shared>> -> memref<1024xf32, #tpu.memory_space<vmem_shared>>
      tpu.wait_dma2 semaphore(%arg14 : memref<!tpu.dma_semaphore, #tpu.memory_space<semaphore_mem>>) src(%dma_wait3A_968 : memref<1024xf32, #tpu.memory_space<vmem_shared>>) dst(%dma_wait3A_967 : memref<1024xf32, #tpu.memory_space<hbm>>)
      %dma_wait3A_969 = arith.constant 1 : i32
      %dma_wait3A_970 = arith.constant 0 : i32
      %dma_wait3A_971 = tpu.memref_slice %arg6[%dma_wait3A_969, %add3A_564, %dma_wait3A_970] : memref<2x1024x1024xf32, #tpu.memory_space<hbm>> -> memref<1x1x1024xf32, #tpu.memory_space<hbm>>
      %dma_wait3A_972 = tpu.memref_squeeze %dma_wait3A_971 : memref<1x1x1024xf32, #tpu.memory_space<hbm>> -> memref<1024xf32, #tpu.memory_space<hbm>>
      %dma_wait3A_973 = tpu.memref_slice %arg12[%add3A_560] : memref<1049600xf32, #tpu.memory_space<vmem_shared>> -> memref<1024xf32, #tpu.memory_space<vmem_shared>>
      tpu.wait_dma2 semaphore(%arg14 : memref<!tpu.dma_semaphore, #tpu.memory_space<semaphore_mem>>) src(%dma_wait3A_973 : memref<1024xf32, #tpu.memory_space<vmem_shared>>) dst(%dma_wait3A_972 : memref<1024xf32, #tpu.memory_space<hbm>>)
      %dma_wait3A_974 = arith.constant 1 : i32
      %dma_wait3A_975 = arith.constant 0 : i32
      %dma_wait3A_976 = tpu.memref_slice %arg6[%dma_wait3A_974, %add3A_575, %dma_wait3A_975] : memref<2x1024x1024xf32, #tpu.memory_space<hbm>> -> memref<1x1x1024xf32, #tpu.memory_space<hbm>>
      %dma_wait3A_977 = tpu.memref_squeeze %dma_wait3A_976 : memref<1x1x1024xf32, #tpu.memory_space<hbm>> -> memref<1024xf32, #tpu.memory_space<hbm>>
      %dma_wait3A_978 = tpu.memref_slice %arg12[%add3A_571] : memref<1049600xf32, #tpu.memory_space<vmem_shared>> -> memref<1024xf32, #tpu.memory_space<vmem_shared>>
      tpu.wait_dma2 semaphore(%arg14 : memref<!tpu.dma_semaphore, #tpu.memory_space<semaphore_mem>>) src(%dma_wait3A_978 : memref<1024xf32, #tpu.memory_space<vmem_shared>>) dst(%dma_wait3A_977 : memref<1024xf32, #tpu.memory_space<hbm>>)
      %dma_wait3A_979 = arith.constant 1 : i32
      %dma_wait3A_980 = arith.constant 0 : i32
      %dma_wait3A_981 = tpu.memref_slice %arg6[%dma_wait3A_979, %add3A_586, %dma_wait3A_980] : memref<2x1024x1024xf32, #tpu.memory_space<hbm>> -> memref<1x1x1024xf32, #tpu.memory_space<hbm>>
      %dma_wait3A_982 = tpu.memref_squeeze %dma_wait3A_981 : memref<1x1x1024xf32, #tpu.memory_space<hbm>> -> memref<1024xf32, #tpu.memory_space<hbm>>
      %dma_wait3A_983 = tpu.memref_slice %arg12[%add3A_582] : memref<1049600xf32, #tpu.memory_space<vmem_shared>> -> memref<1024xf32, #tpu.memory_space<vmem_shared>>
      tpu.wait_dma2 semaphore(%arg14 : memref<!tpu.dma_semaphore, #tpu.memory_space<semaphore_mem>>) src(%dma_wait3A_983 : memref<1024xf32, #tpu.memory_space<vmem_shared>>) dst(%dma_wait3A_982 : memref<1024xf32, #tpu.memory_space<hbm>>)
      %dma_wait3A_984 = arith.constant 1 : i32
      %dma_wait3A_985 = arith.constant 0 : i32
      %dma_wait3A_986 = tpu.memref_slice %arg6[%dma_wait3A_984, %add3A_597, %dma_wait3A_985] : memref<2x1024x1024xf32, #tpu.memory_space<hbm>> -> memref<1x1x1024xf32, #tpu.memory_space<hbm>>
      %dma_wait3A_987 = tpu.memref_squeeze %dma_wait3A_986 : memref<1x1x1024xf32, #tpu.memory_space<hbm>> -> memref<1024xf32, #tpu.memory_space<hbm>>
      %dma_wait3A_988 = tpu.memref_slice %arg12[%add3A_593] : memref<1049600xf32, #tpu.memory_space<vmem_shared>> -> memref<1024xf32, #tpu.memory_space<vmem_shared>>
      tpu.wait_dma2 semaphore(%arg14 : memref<!tpu.dma_semaphore, #tpu.memory_space<semaphore_mem>>) src(%dma_wait3A_988 : memref<1024xf32, #tpu.memory_space<vmem_shared>>) dst(%dma_wait3A_987 : memref<1024xf32, #tpu.memory_space<hbm>>)
      %dma_wait3A_989 = arith.constant 1 : i32
      %dma_wait3A_990 = arith.constant 0 : i32
      %dma_wait3A_991 = tpu.memref_slice %arg6[%dma_wait3A_989, %add3A_608, %dma_wait3A_990] : memref<2x1024x1024xf32, #tpu.memory_space<hbm>> -> memref<1x1x1024xf32, #tpu.memory_space<hbm>>
      %dma_wait3A_992 = tpu.memref_squeeze %dma_wait3A_991 : memref<1x1x1024xf32, #tpu.memory_space<hbm>> -> memref<1024xf32, #tpu.memory_space<hbm>>
      %dma_wait3A_993 = tpu.memref_slice %arg12[%add3A_604] : memref<1049600xf32, #tpu.memory_space<vmem_shared>> -> memref<1024xf32, #tpu.memory_space<vmem_shared>>
      tpu.wait_dma2 semaphore(%arg14 : memref<!tpu.dma_semaphore, #tpu.memory_space<semaphore_mem>>) src(%dma_wait3A_993 : memref<1024xf32, #tpu.memory_space<vmem_shared>>) dst(%dma_wait3A_992 : memref<1024xf32, #tpu.memory_space<hbm>>)
      %dma_wait3A_994 = arith.constant 1 : i32
      %dma_wait3A_995 = arith.constant 0 : i32
      %dma_wait3A_996 = tpu.memref_slice %arg6[%dma_wait3A_994, %add3A_619, %dma_wait3A_995] : memref<2x1024x1024xf32, #tpu.memory_space<hbm>> -> memref<1x1x1024xf32, #tpu.memory_space<hbm>>
      %dma_wait3A_997 = tpu.memref_squeeze %dma_wait3A_996 : memref<1x1x1024xf32, #tpu.memory_space<hbm>> -> memref<1024xf32, #tpu.memory_space<hbm>>
      %dma_wait3A_998 = tpu.memref_slice %arg12[%add3A_615] : memref<1049600xf32, #tpu.memory_space<vmem_shared>> -> memref<1024xf32, #tpu.memory_space<vmem_shared>>
      tpu.wait_dma2 semaphore(%arg14 : memref<!tpu.dma_semaphore, #tpu.memory_space<semaphore_mem>>) src(%dma_wait3A_998 : memref<1024xf32, #tpu.memory_space<vmem_shared>>) dst(%dma_wait3A_997 : memref<1024xf32, #tpu.memory_space<hbm>>)
      %dma_wait3A_999 = arith.constant 1 : i32
      %dma_wait3A_1000 = arith.constant 0 : i32
      %dma_wait3A_1001 = tpu.memref_slice %arg6[%dma_wait3A_999, %add3A_630, %dma_wait3A_1000] : memref<2x1024x1024xf32, #tpu.memory_space<hbm>> -> memref<1x1x1024xf32, #tpu.memory_space<hbm>>
      %dma_wait3A_1002 = tpu.memref_squeeze %dma_wait3A_1001 : memref<1x1x1024xf32, #tpu.memory_space<hbm>> -> memref<1024xf32, #tpu.memory_space<hbm>>
      %dma_wait3A_1003 = tpu.memref_slice %arg12[%add3A_626] : memref<1049600xf32, #tpu.memory_space<vmem_shared>> -> memref<1024xf32, #tpu.memory_space<vmem_shared>>
      tpu.wait_dma2 semaphore(%arg14 : memref<!tpu.dma_semaphore, #tpu.memory_space<semaphore_mem>>) src(%dma_wait3A_1003 : memref<1024xf32, #tpu.memory_space<vmem_shared>>) dst(%dma_wait3A_1002 : memref<1024xf32, #tpu.memory_space<hbm>>)
      %dma_wait3A_1004 = arith.constant 1 : i32
      %dma_wait3A_1005 = arith.constant 0 : i32
      %dma_wait3A_1006 = tpu.memref_slice %arg6[%dma_wait3A_1004, %add3A_641, %dma_wait3A_1005] : memref<2x1024x1024xf32, #tpu.memory_space<hbm>> -> memref<1x1x1024xf32, #tpu.memory_space<hbm>>
      %dma_wait3A_1007 = tpu.memref_squeeze %dma_wait3A_1006 : memref<1x1x1024xf32, #tpu.memory_space<hbm>> -> memref<1024xf32, #tpu.memory_space<hbm>>
      %dma_wait3A_1008 = tpu.memref_slice %arg12[%add3A_637] : memref<1049600xf32, #tpu.memory_space<vmem_shared>> -> memref<1024xf32, #tpu.memory_space<vmem_shared>>
      tpu.wait_dma2 semaphore(%arg14 : memref<!tpu.dma_semaphore, #tpu.memory_space<semaphore_mem>>) src(%dma_wait3A_1008 : memref<1024xf32, #tpu.memory_space<vmem_shared>>) dst(%dma_wait3A_1007 : memref<1024xf32, #tpu.memory_space<hbm>>)
      %dma_wait3A_1009 = arith.constant 1 : i32
      %dma_wait3A_1010 = arith.constant 0 : i32
      %dma_wait3A_1011 = tpu.memref_slice %arg6[%dma_wait3A_1009, %add3A_652, %dma_wait3A_1010] : memref<2x1024x1024xf32, #tpu.memory_space<hbm>> -> memref<1x1x1024xf32, #tpu.memory_space<hbm>>
      %dma_wait3A_1012 = tpu.memref_squeeze %dma_wait3A_1011 : memref<1x1x1024xf32, #tpu.memory_space<hbm>> -> memref<1024xf32, #tpu.memory_space<hbm>>
      %dma_wait3A_1013 = tpu.memref_slice %arg12[%add3A_648] : memref<1049600xf32, #tpu.memory_space<vmem_shared>> -> memref<1024xf32, #tpu.memory_space<vmem_shared>>
      tpu.wait_dma2 semaphore(%arg14 : memref<!tpu.dma_semaphore, #tpu.memory_space<semaphore_mem>>) src(%dma_wait3A_1013 : memref<1024xf32, #tpu.memory_space<vmem_shared>>) dst(%dma_wait3A_1012 : memref<1024xf32, #tpu.memory_space<hbm>>)
      %dma_wait3A_1014 = arith.constant 1 : i32
      %dma_wait3A_1015 = arith.constant 0 : i32
      %dma_wait3A_1016 = tpu.memref_slice %arg6[%dma_wait3A_1014, %add3A_663, %dma_wait3A_1015] : memref<2x1024x1024xf32, #tpu.memory_space<hbm>> -> memref<1x1x1024xf32, #tpu.memory_space<hbm>>
      %dma_wait3A_1017 = tpu.memref_squeeze %dma_wait3A_1016 : memref<1x1x1024xf32, #tpu.memory_space<hbm>> -> memref<1024xf32, #tpu.memory_space<hbm>>
      %dma_wait3A_1018 = tpu.memref_slice %arg12[%add3A_659] : memref<1049600xf32, #tpu.memory_space<vmem_shared>> -> memref<1024xf32, #tpu.memory_space<vmem_shared>>
      tpu.wait_dma2 semaphore(%arg14 : memref<!tpu.dma_semaphore, #tpu.memory_space<semaphore_mem>>) src(%dma_wait3A_1018 : memref<1024xf32, #tpu.memory_space<vmem_shared>>) dst(%dma_wait3A_1017 : memref<1024xf32, #tpu.memory_space<hbm>>)
      %dma_wait3A_1019 = arith.constant 1 : i32
      %dma_wait3A_1020 = arith.constant 0 : i32
      %dma_wait3A_1021 = tpu.memref_slice %arg6[%dma_wait3A_1019, %add3A_674, %dma_wait3A_1020] : memref<2x1024x1024xf32, #tpu.memory_space<hbm>> -> memref<1x1x1024xf32, #tpu.memory_space<hbm>>
      %dma_wait3A_1022 = tpu.memref_squeeze %dma_wait3A_1021 : memref<1x1x1024xf32, #tpu.memory_space<hbm>> -> memref<1024xf32, #tpu.memory_space<hbm>>
      %dma_wait3A_1023 = tpu.memref_slice %arg12[%add3A_670] : memref<1049600xf32, #tpu.memory_space<vmem_shared>> -> memref<1024xf32, #tpu.memory_space<vmem_shared>>
      tpu.wait_dma2 semaphore(%arg14 : memref<!tpu.dma_semaphore, #tpu.memory_space<semaphore_mem>>) src(%dma_wait3A_1023 : memref<1024xf32, #tpu.memory_space<vmem_shared>>) dst(%dma_wait3A_1022 : memref<1024xf32, #tpu.memory_space<hbm>>)
      %dma_wait3A_1024 = arith.constant 1 : i32
      %dma_wait3A_1025 = arith.constant 0 : i32
      %dma_wait3A_1026 = tpu.memref_slice %arg6[%dma_wait3A_1024, %add3A_685, %dma_wait3A_1025] : memref<2x1024x1024xf32, #tpu.memory_space<hbm>> -> memref<1x1x1024xf32, #tpu.memory_space<hbm>>
      %dma_wait3A_1027 = tpu.memref_squeeze %dma_wait3A_1026 : memref<1x1x1024xf32, #tpu.memory_space<hbm>> -> memref<1024xf32, #tpu.memory_space<hbm>>
      %dma_wait3A_1028 = tpu.memref_slice %arg12[%add3A_681] : memref<1049600xf32, #tpu.memory_space<vmem_shared>> -> memref<1024xf32, #tpu.memory_space<vmem_shared>>
      tpu.wait_dma2 semaphore(%arg14 : memref<!tpu.dma_semaphore, #tpu.memory_space<semaphore_mem>>) src(%dma_wait3A_1028 : memref<1024xf32, #tpu.memory_space<vmem_shared>>) dst(%dma_wait3A_1027 : memref<1024xf32, #tpu.memory_space<hbm>>)
      %dma_wait3A_1029 = arith.constant 1 : i32
      %dma_wait3A_1030 = arith.constant 0 : i32
      %dma_wait3A_1031 = tpu.memref_slice %arg6[%dma_wait3A_1029, %add3A_696, %dma_wait3A_1030] : memref<2x1024x1024xf32, #tpu.memory_space<hbm>> -> memref<1x1x1024xf32, #tpu.memory_space<hbm>>
      %dma_wait3A_1032 = tpu.memref_squeeze %dma_wait3A_1031 : memref<1x1x1024xf32, #tpu.memory_space<hbm>> -> memref<1024xf32, #tpu.memory_space<hbm>>
      %dma_wait3A_1033 = tpu.memref_slice %arg12[%add3A_692] : memref<1049600xf32, #tpu.memory_space<vmem_shared>> -> memref<1024xf32, #tpu.memory_space<vmem_shared>>
      tpu.wait_dma2 semaphore(%arg14 : memref<!tpu.dma_semaphore, #tpu.memory_space<semaphore_mem>>) src(%dma_wait3A_1033 : memref<1024xf32, #tpu.memory_space<vmem_shared>>) dst(%dma_wait3A_1032 : memref<1024xf32, #tpu.memory_space<hbm>>)
      %dma_wait3A_1034 = arith.constant 1 : i32
      %dma_wait3A_1035 = arith.constant 0 : i32
      %dma_wait3A_1036 = tpu.memref_slice %arg6[%dma_wait3A_1034, %add3A_707, %dma_wait3A_1035] : memref<2x1024x1024xf32, #tpu.memory_space<hbm>> -> memref<1x1x1024xf32, #tpu.memory_space<hbm>>
      %dma_wait3A_1037 = tpu.memref_squeeze %dma_wait3A_1036 : memref<1x1x1024xf32, #tpu.memory_space<hbm>> -> memref<1024xf32, #tpu.memory_space<hbm>>
      %dma_wait3A_1038 = tpu.memref_slice %arg12[%add3A_703] : memref<1049600xf32, #tpu.memory_space<vmem_shared>> -> memref<1024xf32, #tpu.memory_space<vmem_shared>>
      tpu.wait_dma2 semaphore(%arg14 : memref<!tpu.dma_semaphore, #tpu.memory_space<semaphore_mem>>) src(%dma_wait3A_1038 : memref<1024xf32, #tpu.memory_space<vmem_shared>>) dst(%dma_wait3A_1037 : memref<1024xf32, #tpu.memory_space<hbm>>)
      %dma_wait3A_1039 = arith.constant 1 : i32
      %dma_wait3A_1040 = arith.constant 0 : i32
      %dma_wait3A_1041 = tpu.memref_slice %arg6[%dma_wait3A_1039, %add3A_718, %dma_wait3A_1040] : memref<2x1024x1024xf32, #tpu.memory_space<hbm>> -> memref<1x1x1024xf32, #tpu.memory_space<hbm>>
      %dma_wait3A_1042 = tpu.memref_squeeze %dma_wait3A_1041 : memref<1x1x1024xf32, #tpu.memory_space<hbm>> -> memref<1024xf32, #tpu.memory_space<hbm>>
      %dma_wait3A_1043 = tpu.memref_slice %arg12[%add3A_714] : memref<1049600xf32, #tpu.memory_space<vmem_shared>> -> memref<1024xf32, #tpu.memory_space<vmem_shared>>
      tpu.wait_dma2 semaphore(%arg14 : memref<!tpu.dma_semaphore, #tpu.memory_space<semaphore_mem>>) src(%dma_wait3A_1043 : memref<1024xf32, #tpu.memory_space<vmem_shared>>) dst(%dma_wait3A_1042 : memref<1024xf32, #tpu.memory_space<hbm>>)
      %eq3A_1044 = arith.constant 0 : i32
      %eq3A_1045 = arith.cmpi eq, %arg1, %eq3A_1044 : i32
      %convert_element_type3A_1046 = arith.extui %eq3A_1045 : i1 to i32
      %cond3A_1047 = arith.constant 0 : i32
      %cond3A_1048 = arith.cmpi ne, %convert_element_type3A_1046, %cond3A_1047 : i32
      scf.if %cond3A_1048 {
        %run_scoped3A_1049 = arith.constant 1 : i32
        "tpu.region"() ({
          %run_scoped3A_1050 = tpu.sem_alloc : memref<!tpu.dma_semaphore, #tpu.memory_space<semaphore_mem>>
          %dma_start3A_1051 = arith.constant 0 : i32
          %dma_start3A_1052 = tpu.memref_slice %arg7[%run_scoped3A_1049, %dma_start3A_1051] : memref<2x1024xf32, #tpu.memory_space<hbm>> -> memref<1x1024xf32, #tpu.memory_space<hbm>>
          %dma_start3A_1053 = tpu.memref_squeeze %dma_start3A_1052 : memref<1x1024xf32, #tpu.memory_space<hbm>> -> memref<1024xf32, #tpu.memory_space<hbm>>
          %dma_start3A_1054 = arith.constant 1048576 : i32
          %dma_start3A_1055 = tpu.memref_slice %arg12[%dma_start3A_1054] : memref<1049600xf32, #tpu.memory_space<vmem_shared>> -> memref<1024xf32, #tpu.memory_space<vmem_shared>>
          tpu.enqueue_dma source(%dma_start3A_1055 : memref<1024xf32, #tpu.memory_space<vmem_shared>>) target(%dma_start3A_1053 : memref<1024xf32, #tpu.memory_space<hbm>>) target_semaphore(%run_scoped3A_1050 : memref<!tpu.dma_semaphore, #tpu.memory_space<semaphore_mem>>)
          %dma_wait3A_1056 = arith.constant 0 : i32
          %dma_wait3A_1057 = tpu.memref_slice %arg7[%run_scoped3A_1049, %dma_wait3A_1056] : memref<2x1024xf32, #tpu.memory_space<hbm>> -> memref<1x1024xf32, #tpu.memory_space<hbm>>
          %dma_wait3A_1058 = tpu.memref_squeeze %dma_wait3A_1057 : memref<1x1024xf32, #tpu.memory_space<hbm>> -> memref<1024xf32, #tpu.memory_space<hbm>>
          %dma_wait3A_1059 = arith.constant 1048576 : i32
          %dma_wait3A_1060 = tpu.memref_slice %arg12[%dma_wait3A_1059] : memref<1049600xf32, #tpu.memory_space<vmem_shared>> -> memref<1024xf32, #tpu.memory_space<vmem_shared>>
          tpu.wait_dma2 semaphore(%run_scoped3A_1050 : memref<!tpu.dma_semaphore, #tpu.memory_space<semaphore_mem>>) src(%dma_wait3A_1060 : memref<1024xf32, #tpu.memory_space<vmem_shared>>) dst(%dma_wait3A_1058 : memref<1024xf32, #tpu.memory_space<hbm>>)
          tpu.yield
        }) : () -> ()
      } else {
      }
    } else {
    }
    return
  }
}

module attributes {stable_mosaic.version = 14 : i64} {
  func.func @_tc_body(%arg0: i32, %arg1: memref<4x2x1024x128xf32, #tpu.memory_space<vmem>>, %arg2: memref<2x1024x1024xf32, #tpu.memory_space<vmem>>, %arg3: memref<2x1024x1xf32, #tpu.memory_space<vmem>>, %arg4: memref<2x128x256xbf16, #tpu.memory_space<vmem>>, %arg5: memref<2x1x256xf32, #tpu.memory_space<vmem>>, %arg6: memref<2x2x128x128xbf16, #tpu.memory_space<vmem>>, %arg7: memref<2x2x1x128xf32, #tpu.memory_space<vmem>>, %arg8: memref<1024x2048xbf16, #tpu.memory_space<vmem>>, %arg9: memref<2x128x128xbf16, #tpu.memory_space<vmem>>, %arg10: memref<1024x128xf32, #tpu.memory_space<vmem>>, %arg11: memref<4x1x1024x128xf32, #tpu.memory_space<vmem>>, %arg12: memref<2x1024x1024xbf16, #tpu.memory_space<vmem>>, %arg13: memref<1024x512xbf16, #tpu.memory_space<vmem>>, %arg14: memref<1024x512xbf16, #tpu.memory_space<vmem>>, %arg15: memref<1024x1024xbf16, #tpu.memory_space<vmem>>, %arg16: memref<1024x1024xbf16, #tpu.memory_space<vmem>>, %arg17: memref<1024x512xbf16, #tpu.memory_space<vmem>>) attributes {dimension_semantics = [#tpu.dimension_semantics<arbitrary>], iteration_bounds = array<i64: 4>, scalar_prefetch = 0 : i64, scratch_operands = 6 : i64, tpu.core_type = #tpu.core_type<tc>, window_params = [{transform_indices = @transform_0, window_bounds = array<i64: 4, 2, 1024, 128>}, {pipeline_mode = #tpu.pipeline_mode<synchronous>, transform_indices = @transform_1, window_bounds = array<i64: 2, 1024, 1024>}, {pipeline_mode = #tpu.pipeline_mode<synchronous>, transform_indices = @transform_2, window_bounds = array<i64: 2, 1024, 1>}, {pipeline_mode = #tpu.pipeline_mode<synchronous>, transform_indices = @transform_3, window_bounds = array<i64: 2, 128, 256>}, {pipeline_mode = #tpu.pipeline_mode<synchronous>, transform_indices = @transform_4, window_bounds = array<i64: 2, 1, 256>}, {pipeline_mode = #tpu.pipeline_mode<synchronous>, transform_indices = @transform_5, window_bounds = array<i64: 2, 2, 128, 128>}, {pipeline_mode = #tpu.pipeline_mode<synchronous>, transform_indices = @transform_6, window_bounds = array<i64: 2, 2, 1, 128>}, {pipeline_mode = #tpu.pipeline_mode<synchronous>, transform_indices = @transform_7, window_bounds = array<i64: 1024, 2048>}, {pipeline_mode = #tpu.pipeline_mode<synchronous>, transform_indices = @transform_8, window_bounds = array<i64: 2, 128, 128>}, {pipeline_mode = #tpu.pipeline_mode<synchronous>, transform_indices = @transform_9, window_bounds = array<i64: 1024, 128>}, {transform_indices = @transform_10, window_bounds = array<i64: 4, 1, 1024, 128>}]} {
    %eq3A = arith.constant 0 : i32
    %eq3A_0 = arith.cmpi eq, %arg0, %eq3A : i32
    %convert_element_type3A = arith.extui %eq3A_0 : i1 to i32
    %cond3A = arith.constant 0 : i32
    %cond3A_1 = arith.cmpi ne, %convert_element_type3A, %cond3A : i32
    scf.if %cond3A_1 {
      %get3A_995 = arith.constant 0 : index
      %get3A_996 = arith.constant 0 : index
      %get3A_997 = arith.constant 0 : index
      %get3A_998 = vector.load %arg3[%get3A_995, %get3A_996, %get3A_997] : memref<2x1024x1xf32, #tpu.memory_space<vmem>>, vector<1x1024x1xf32>
      %get3A_999 = vector.shape_cast %get3A_998 : vector<1x1024x1xf32> to vector<1024x1xf32>
      %max3A_1000 = arith.constant 1.000000e+00 : f32
      %max3A_1001 = vector.broadcast %max3A_1000 : f32 to vector<1024x1xf32>
      %max3A_1002 = arith.maximumf %get3A_999, %max3A_1001 : vector<1024x1xf32>
      %div3A = arith.constant 1.000000e+00 : f32
      %div3A_1003 = vector.broadcast %div3A : f32 to vector<1024x1xf32>
      %div3A_1004 = arith.divf %div3A_1003, %max3A_1002 : vector<1024x1xf32>
      %get3A_1005 = arith.constant 0 : index
      %get3A_1006 = arith.constant 0 : index
      %get3A_1007 = arith.constant 0 : index
      %get3A_1008 = vector.load %arg2[%get3A_1005, %get3A_1006, %get3A_1007] : memref<2x1024x1024xf32, #tpu.memory_space<vmem>>, vector<1x1024x1024xf32>
      %get3A_1009 = vector.shape_cast %get3A_1008 : vector<1x1024x1024xf32> to vector<1024x1024xf32>
      %mul3A = vector.broadcast %div3A_1004 : vector<1024x1xf32> to vector<1024x1024xf32>
      %mul3A_1010 = arith.mulf %get3A_1009, %mul3A : vector<1024x1024xf32>
      %convert_element_type3A_1011 = arith.truncf %mul3A_1010 : vector<1024x1024xf32> to vector<1024x1024xbf16>
      %swap3A_1012 = arith.constant 0 : index
      %swap3A_1013 = arith.constant 0 : index
      %swap3A_1014 = arith.constant 0 : index
      %swap3A_1015 = vector.load %arg12[%swap3A_1012, %swap3A_1013, %swap3A_1014] : memref<2x1024x1024xbf16, #tpu.memory_space<vmem>>, vector<1x1024x1024xbf16>
      %swap3A_1016 = vector.shape_cast %swap3A_1015 : vector<1x1024x1024xbf16> to vector<1024x1024xbf16>
      %swap3A_1017 = vector.shape_cast %convert_element_type3A_1011 : vector<1024x1024xbf16> to vector<1x1024x1024xbf16>
      tpu.vector_store %arg12[%swap3A_1012, %swap3A_1013, %swap3A_1014], %swap3A_1017 {strides = array<i32>} : memref<2x1024x1024xbf16, #tpu.memory_space<vmem>>, vector<1x1024x1024xbf16>,
      %get3A_1018 = arith.constant 1 : index
      %get3A_1019 = arith.constant 0 : index
      %get3A_1020 = arith.constant 0 : index
      %get3A_1021 = vector.load %arg3[%get3A_1018, %get3A_1019, %get3A_1020] : memref<2x1024x1xf32, #tpu.memory_space<vmem>>, vector<1x1024x1xf32>
      %get3A_1022 = vector.shape_cast %get3A_1021 : vector<1x1024x1xf32> to vector<1024x1xf32>
      %max3A_1023 = arith.constant 1.000000e+00 : f32
      %max3A_1024 = vector.broadcast %max3A_1023 : f32 to vector<1024x1xf32>
      %max3A_1025 = arith.maximumf %get3A_1022, %max3A_1024 : vector<1024x1xf32>
      %div3A_1026 = arith.constant 1.000000e+00 : f32
      %div3A_1027 = vector.broadcast %div3A_1026 : f32 to vector<1024x1xf32>
      %div3A_1028 = arith.divf %div3A_1027, %max3A_1025 : vector<1024x1xf32>
      %get3A_1029 = arith.constant 1 : index
      %get3A_1030 = arith.constant 0 : index
      %get3A_1031 = arith.constant 0 : index
      %get3A_1032 = vector.load %arg2[%get3A_1029, %get3A_1030, %get3A_1031] : memref<2x1024x1024xf32, #tpu.memory_space<vmem>>, vector<1x1024x1024xf32>
      %get3A_1033 = vector.shape_cast %get3A_1032 : vector<1x1024x1024xf32> to vector<1024x1024xf32>
      %mul3A_1034 = vector.broadcast %div3A_1028 : vector<1024x1xf32> to vector<1024x1024xf32>
      %mul3A_1035 = arith.mulf %get3A_1033, %mul3A_1034 : vector<1024x1024xf32>
      %convert_element_type3A_1036 = arith.truncf %mul3A_1035 : vector<1024x1024xf32> to vector<1024x1024xbf16>
      %swap3A_1037 = arith.constant 1 : index
      %swap3A_1038 = arith.constant 0 : index
      %swap3A_1039 = arith.constant 0 : index
      %swap3A_1040 = vector.load %arg12[%swap3A_1037, %swap3A_1038, %swap3A_1039] : memref<2x1024x1024xbf16, #tpu.memory_space<vmem>>, vector<1x1024x1024xbf16>
      %swap3A_1041 = vector.shape_cast %swap3A_1040 : vector<1x1024x1024xbf16> to vector<1024x1024xbf16>
      %swap3A_1042 = vector.shape_cast %convert_element_type3A_1036 : vector<1024x1024xbf16> to vector<1x1024x1024xbf16>
      tpu.vector_store %arg12[%swap3A_1037, %swap3A_1038, %swap3A_1039], %swap3A_1042 {strides = array<i32>} : memref<2x1024x1024xbf16, #tpu.memory_space<vmem>>, vector<1x1024x1024xbf16>,
    } else {
    }
    %get3A = arith.constant 0 : index
    %get3A_2 = arith.constant 0 : index
    %get3A_3 = arith.constant 0 : index
    %get3A_4 = vector.load %arg12[%get3A, %get3A_2, %get3A_3] : memref<2x1024x1024xbf16, #tpu.memory_space<vmem>>, vector<1x1024x1024xbf16>
    %get3A_5 = vector.shape_cast %get3A_4 : vector<1x1024x1024xbf16> to vector<1024x1024xbf16>
    %get3A_6 = arith.constant 0 : index
    %get3A_7 = arith.constant 0 : index
    %get3A_8 = arith.constant 0 : index
    %get3A_9 = arith.constant 0 : index
    %get3A_10 = vector.load %arg1[%get3A_6, %get3A_7, %get3A_8, %get3A_9] : memref<4x2x1024x128xf32, #tpu.memory_space<vmem>>, vector<1x1x1024x128xf32>
    %get3A_11 = vector.shape_cast %get3A_10 : vector<1x1x1024x128xf32> to vector<1024x128xf32>
    %convert_element_type3A_12 = arith.truncf %get3A_11 : vector<1024x128xf32> to vector<1024x128xbf16>
    %swap3A = arith.constant 0 : index
    %swap3A_13 = arith.constant 0 : index
    %swap3A_14 = vector.load %arg13[%swap3A, %swap3A_13] : memref<1024x512xbf16, #tpu.memory_space<vmem>>, vector<1024x128xbf16>
    tpu.vector_store %arg13[%swap3A, %swap3A_13], %convert_element_type3A_12 {strides = array<i32>} : memref<1024x512xbf16, #tpu.memory_space<vmem>>, vector<1024x128xbf16>,
    %get3A_15 = arith.constant 1 : index
    %get3A_16 = arith.constant 0 : index
    %get3A_17 = arith.constant 0 : index
    %get3A_18 = arith.constant 0 : index
    %get3A_19 = vector.load %arg1[%get3A_15, %get3A_16, %get3A_17, %get3A_18] : memref<4x2x1024x128xf32, #tpu.memory_space<vmem>>, vector<1x1x1024x128xf32>
    %get3A_20 = vector.shape_cast %get3A_19 : vector<1x1x1024x128xf32> to vector<1024x128xf32>
    %convert_element_type3A_21 = arith.truncf %get3A_20 : vector<1024x128xf32> to vector<1024x128xbf16>
    %swap3A_22 = arith.constant 0 : index
    %swap3A_23 = arith.constant 128 : index
    %swap3A_24 = vector.load %arg13[%swap3A_22, %swap3A_23] : memref<1024x512xbf16, #tpu.memory_space<vmem>>, vector<1024x128xbf16>
    tpu.vector_store %arg13[%swap3A_22, %swap3A_23], %convert_element_type3A_21 {strides = array<i32>} : memref<1024x512xbf16, #tpu.memory_space<vmem>>, vector<1024x128xbf16>,
    %get3A_25 = arith.constant 2 : index
    %get3A_26 = arith.constant 0 : index
    %get3A_27 = arith.constant 0 : index
    %get3A_28 = arith.constant 0 : index
    %get3A_29 = vector.load %arg1[%get3A_25, %get3A_26, %get3A_27, %get3A_28] : memref<4x2x1024x128xf32, #tpu.memory_space<vmem>>, vector<1x1x1024x128xf32>
    %get3A_30 = vector.shape_cast %get3A_29 : vector<1x1x1024x128xf32> to vector<1024x128xf32>
    %convert_element_type3A_31 = arith.truncf %get3A_30 : vector<1024x128xf32> to vector<1024x128xbf16>
    %swap3A_32 = arith.constant 0 : index
    %swap3A_33 = arith.constant 256 : index
    %swap3A_34 = vector.load %arg13[%swap3A_32, %swap3A_33] : memref<1024x512xbf16, #tpu.memory_space<vmem>>, vector<1024x128xbf16>
    tpu.vector_store %arg13[%swap3A_32, %swap3A_33], %convert_element_type3A_31 {strides = array<i32>} : memref<1024x512xbf16, #tpu.memory_space<vmem>>, vector<1024x128xbf16>,
    %get3A_35 = arith.constant 3 : index
    %get3A_36 = arith.constant 0 : index
    %get3A_37 = arith.constant 0 : index
    %get3A_38 = arith.constant 0 : index
    %get3A_39 = vector.load %arg1[%get3A_35, %get3A_36, %get3A_37, %get3A_38] : memref<4x2x1024x128xf32, #tpu.memory_space<vmem>>, vector<1x1x1024x128xf32>
    %get3A_40 = vector.shape_cast %get3A_39 : vector<1x1x1024x128xf32> to vector<1024x128xf32>
    %convert_element_type3A_41 = arith.truncf %get3A_40 : vector<1024x128xf32> to vector<1024x128xbf16>
    %swap3A_42 = arith.constant 0 : index
    %swap3A_43 = arith.constant 384 : index
    %swap3A_44 = vector.load %arg13[%swap3A_42, %swap3A_43] : memref<1024x512xbf16, #tpu.memory_space<vmem>>, vector<1024x128xbf16>
    tpu.vector_store %arg13[%swap3A_42, %swap3A_43], %convert_element_type3A_41 {strides = array<i32>} : memref<1024x512xbf16, #tpu.memory_space<vmem>>, vector<1024x128xbf16>,
    %get3A_45 = arith.constant 0 : index
    %get3A_46 = arith.constant 0 : index
    %get3A_47 = vector.load %arg13[%get3A_45, %get3A_46] : memref<1024x512xbf16, #tpu.memory_space<vmem>>, vector<1024x512xbf16>
    %dot_general3A = arith.constant dense<0.000000e+00> : vector<1024x512xf32>
    %dot_general3A_48 = tpu.matmul %get3A_5, %get3A_47, %dot_general3A {dimension_numbers = #tpu.dot_dimension_numbers<[1], [0], [0], [1], [0, 0, 1, 1], [], []>, transpose_lhs_hint = false} : vector<1024x1024xbf16>, vector<1024x512xbf16>, vector<1024x512xf32> -> vector<1024x512xf32>
    %slice3A = vector.extract_strided_slice %dot_general3A_48 {offsets = [0, 0], sizes = [1024, 128], strides = [1, 1]} : vector<1024x512xf32> to vector<1024x128xf32>
    %get3A_49 = arith.constant 0 : index
    %get3A_50 = arith.constant 0 : index
    %get3A_51 = arith.constant 0 : index
    %get3A_52 = arith.constant 0 : index
    %get3A_53 = vector.load %arg1[%get3A_49, %get3A_50, %get3A_51, %get3A_52] : memref<4x2x1024x128xf32, #tpu.memory_space<vmem>>, vector<1x1x1024x128xf32>
    %get3A_54 = vector.shape_cast %get3A_53 : vector<1x1x1024x128xf32> to vector<1024x128xf32>
    %add3A = arith.addf %slice3A, %get3A_54 : vector<1024x128xf32>
    %convert_element_type3A_55 = arith.truncf %add3A : vector<1024x128xf32> to vector<1024x128xbf16>
    %swap3A_56 = arith.constant 0 : index
    %swap3A_57 = arith.constant 0 : index
    %swap3A_58 = vector.load %arg14[%swap3A_56, %swap3A_57] : memref<1024x512xbf16, #tpu.memory_space<vmem>>, vector<1024x128xbf16>
    tpu.vector_store %arg14[%swap3A_56, %swap3A_57], %convert_element_type3A_55 {strides = array<i32>} : memref<1024x512xbf16, #tpu.memory_space<vmem>>, vector<1024x128xbf16>,
    %slice3A_59 = vector.extract_strided_slice %dot_general3A_48 {offsets = [0, 128], sizes = [1024, 128], strides = [1, 1]} : vector<1024x512xf32> to vector<1024x128xf32>
    %get3A_60 = arith.constant 1 : index
    %get3A_61 = arith.constant 0 : index
    %get3A_62 = arith.constant 0 : index
    %get3A_63 = arith.constant 0 : index
    %get3A_64 = vector.load %arg1[%get3A_60, %get3A_61, %get3A_62, %get3A_63] : memref<4x2x1024x128xf32, #tpu.memory_space<vmem>>, vector<1x1x1024x128xf32>
    %get3A_65 = vector.shape_cast %get3A_64 : vector<1x1x1024x128xf32> to vector<1024x128xf32>
    %add3A_66 = arith.addf %slice3A_59, %get3A_65 : vector<1024x128xf32>
    %convert_element_type3A_67 = arith.truncf %add3A_66 : vector<1024x128xf32> to vector<1024x128xbf16>
    %swap3A_68 = arith.constant 0 : index
    %swap3A_69 = arith.constant 128 : index
    %swap3A_70 = vector.load %arg14[%swap3A_68, %swap3A_69] : memref<1024x512xbf16, #tpu.memory_space<vmem>>, vector<1024x128xbf16>
    tpu.vector_store %arg14[%swap3A_68, %swap3A_69], %convert_element_type3A_67 {strides = array<i32>} : memref<1024x512xbf16, #tpu.memory_space<vmem>>, vector<1024x128xbf16>,
    %slice3A_71 = vector.extract_strided_slice %dot_general3A_48 {offsets = [0, 256], sizes = [1024, 128], strides = [1, 1]} : vector<1024x512xf32> to vector<1024x128xf32>
    %get3A_72 = arith.constant 2 : index
    %get3A_73 = arith.constant 0 : index
    %get3A_74 = arith.constant 0 : index
    %get3A_75 = arith.constant 0 : index
    %get3A_76 = vector.load %arg1[%get3A_72, %get3A_73, %get3A_74, %get3A_75] : memref<4x2x1024x128xf32, #tpu.memory_space<vmem>>, vector<1x1x1024x128xf32>
    %get3A_77 = vector.shape_cast %get3A_76 : vector<1x1x1024x128xf32> to vector<1024x128xf32>
    %add3A_78 = arith.addf %slice3A_71, %get3A_77 : vector<1024x128xf32>
    %convert_element_type3A_79 = arith.truncf %add3A_78 : vector<1024x128xf32> to vector<1024x128xbf16>
    %swap3A_80 = arith.constant 0 : index
    %swap3A_81 = arith.constant 256 : index
    %swap3A_82 = vector.load %arg14[%swap3A_80, %swap3A_81] : memref<1024x512xbf16, #tpu.memory_space<vmem>>, vector<1024x128xbf16>
    tpu.vector_store %arg14[%swap3A_80, %swap3A_81], %convert_element_type3A_79 {strides = array<i32>} : memref<1024x512xbf16, #tpu.memory_space<vmem>>, vector<1024x128xbf16>,
    %slice3A_83 = vector.extract_strided_slice %dot_general3A_48 {offsets = [0, 384], sizes = [1024, 128], strides = [1, 1]} : vector<1024x512xf32> to vector<1024x128xf32>
    %get3A_84 = arith.constant 3 : index
    %get3A_85 = arith.constant 0 : index
    %get3A_86 = arith.constant 0 : index
    %get3A_87 = arith.constant 0 : index
    %get3A_88 = vector.load %arg1[%get3A_84, %get3A_85, %get3A_86, %get3A_87] : memref<4x2x1024x128xf32, #tpu.memory_space<vmem>>, vector<1x1x1024x128xf32>
    %get3A_89 = vector.shape_cast %get3A_88 : vector<1x1x1024x128xf32> to vector<1024x128xf32>
    %add3A_90 = arith.addf %slice3A_83, %get3A_89 : vector<1024x128xf32>
    %convert_element_type3A_91 = arith.truncf %add3A_90 : vector<1024x128xf32> to vector<1024x128xbf16>
    %swap3A_92 = arith.constant 0 : index
    %swap3A_93 = arith.constant 384 : index
    %swap3A_94 = vector.load %arg14[%swap3A_92, %swap3A_93] : memref<1024x512xbf16, #tpu.memory_space<vmem>>, vector<1024x128xbf16>
    tpu.vector_store %arg14[%swap3A_92, %swap3A_93], %convert_element_type3A_91 {strides = array<i32>} : memref<1024x512xbf16, #tpu.memory_space<vmem>>, vector<1024x128xbf16>,
    %get3A_95 = arith.constant 0 : index
    %get3A_96 = arith.constant 0 : index
    %get3A_97 = vector.load %arg14[%get3A_95, %get3A_96] : memref<1024x512xbf16, #tpu.memory_space<vmem>>, vector<1024x128xbf16>
    %get3A_98 = arith.constant 0 : index
    %get3A_99 = arith.constant 0 : index
    %get3A_100 = arith.constant 0 : index
    %get3A_101 = vector.load %arg4[%get3A_98, %get3A_99, %get3A_100] : memref<2x128x256xbf16, #tpu.memory_space<vmem>>, vector<1x128x256xbf16>
    %get3A_102 = vector.shape_cast %get3A_101 : vector<1x128x256xbf16> to vector<128x256xbf16>
    %dot_general3A_103 = arith.constant dense<0.000000e+00> : vector<1024x256xf32>
    %dot_general3A_104 = tpu.matmul %get3A_97, %get3A_102, %dot_general3A_103 {dimension_numbers = #tpu.dot_dimension_numbers<[1], [0], [0], [1], [0, 0, 1, 1], [], []>, transpose_lhs_hint = false} : vector<1024x128xbf16>, vector<128x256xbf16>, vector<1024x256xf32> -> vector<1024x256xf32>
    %get3A_105 = arith.constant 0 : index
    %get3A_106 = arith.constant 0 : index
    %get3A_107 = arith.constant 0 : index
    %get3A_108 = vector.load %arg5[%get3A_105, %get3A_106, %get3A_107] : memref<2x1x256xf32, #tpu.memory_space<vmem>>, vector<1x1x256xf32>
    %get3A_109 = vector.shape_cast %get3A_108 : vector<1x1x256xf32> to vector<1x256xf32>
    %add3A_110 = vector.broadcast %get3A_109 : vector<1x256xf32> to vector<1024x256xf32>
    %add3A_111 = arith.addf %dot_general3A_104, %add3A_110 : vector<1024x256xf32>
    %max3A = arith.constant 0.000000e+00 : f32
    %max3A_112 = vector.broadcast %max3A : f32 to vector<1024x256xf32>
    %max3A_113 = arith.maximumf %add3A_111, %max3A_112 : vector<1024x256xf32>
    %convert_element_type3A_114 = arith.truncf %max3A_113 : vector<1024x256xf32> to vector<1024x256xbf16>
    %swap3A_115 = arith.constant 0 : index
    %swap3A_116 = arith.constant 0 : index
    %swap3A_117 = vector.load %arg15[%swap3A_115, %swap3A_116] : memref<1024x1024xbf16, #tpu.memory_space<vmem>>, vector<1024x256xbf16>
    tpu.vector_store %arg15[%swap3A_115, %swap3A_116], %convert_element_type3A_114 {strides = array<i32>} : memref<1024x1024xbf16, #tpu.memory_space<vmem>>, vector<1024x256xbf16>,
    %get3A_118 = arith.constant 0 : index
    %get3A_119 = arith.constant 128 : index
    %get3A_120 = vector.load %arg14[%get3A_118, %get3A_119] : memref<1024x512xbf16, #tpu.memory_space<vmem>>, vector<1024x128xbf16>
    %get3A_121 = arith.constant 0 : index
    %get3A_122 = arith.constant 0 : index
    %get3A_123 = arith.constant 0 : index
    %get3A_124 = vector.load %arg4[%get3A_121, %get3A_122, %get3A_123] : memref<2x128x256xbf16, #tpu.memory_space<vmem>>, vector<1x128x256xbf16>
    %get3A_125 = vector.shape_cast %get3A_124 : vector<1x128x256xbf16> to vector<128x256xbf16>
    %dot_general3A_126 = arith.constant dense<0.000000e+00> : vector<1024x256xf32>
    %dot_general3A_127 = tpu.matmul %get3A_120, %get3A_125, %dot_general3A_126 {dimension_numbers = #tpu.dot_dimension_numbers<[1], [0], [0], [1], [0, 0, 1, 1], [], []>, transpose_lhs_hint = false} : vector<1024x128xbf16>, vector<128x256xbf16>, vector<1024x256xf32> -> vector<1024x256xf32>
    %get3A_128 = arith.constant 0 : index
    %get3A_129 = arith.constant 0 : index
    %get3A_130 = arith.constant 0 : index
    %get3A_131 = vector.load %arg5[%get3A_128, %get3A_129, %get3A_130] : memref<2x1x256xf32, #tpu.memory_space<vmem>>, vector<1x1x256xf32>
    %get3A_132 = vector.shape_cast %get3A_131 : vector<1x1x256xf32> to vector<1x256xf32>
    %add3A_133 = vector.broadcast %get3A_132 : vector<1x256xf32> to vector<1024x256xf32>
    %add3A_134 = arith.addf %dot_general3A_127, %add3A_133 : vector<1024x256xf32>
    %max3A_135 = arith.constant 0.000000e+00 : f32
    %max3A_136 = vector.broadcast %max3A_135 : f32 to vector<1024x256xf32>
    %max3A_137 = arith.maximumf %add3A_134, %max3A_136 : vector<1024x256xf32>
    %convert_element_type3A_138 = arith.truncf %max3A_137 : vector<1024x256xf32> to vector<1024x256xbf16>
    %swap3A_139 = arith.constant 0 : index
    %swap3A_140 = arith.constant 256 : index
    %swap3A_141 = vector.load %arg15[%swap3A_139, %swap3A_140] : memref<1024x1024xbf16, #tpu.memory_space<vmem>>, vector<1024x256xbf16>
    tpu.vector_store %arg15[%swap3A_139, %swap3A_140], %convert_element_type3A_138 {strides = array<i32>} : memref<1024x1024xbf16, #tpu.memory_space<vmem>>, vector<1024x256xbf16>,
    %get3A_142 = arith.constant 0 : index
    %get3A_143 = arith.constant 256 : index
    %get3A_144 = vector.load %arg14[%get3A_142, %get3A_143] : memref<1024x512xbf16, #tpu.memory_space<vmem>>, vector<1024x128xbf16>
    %get3A_145 = arith.constant 0 : index
    %get3A_146 = arith.constant 0 : index
    %get3A_147 = arith.constant 0 : index
    %get3A_148 = vector.load %arg4[%get3A_145, %get3A_146, %get3A_147] : memref<2x128x256xbf16, #tpu.memory_space<vmem>>, vector<1x128x256xbf16>
    %get3A_149 = vector.shape_cast %get3A_148 : vector<1x128x256xbf16> to vector<128x256xbf16>
    %dot_general3A_150 = arith.constant dense<0.000000e+00> : vector<1024x256xf32>
    %dot_general3A_151 = tpu.matmul %get3A_144, %get3A_149, %dot_general3A_150 {dimension_numbers = #tpu.dot_dimension_numbers<[1], [0], [0], [1], [0, 0, 1, 1], [], []>, transpose_lhs_hint = false} : vector<1024x128xbf16>, vector<128x256xbf16>, vector<1024x256xf32> -> vector<1024x256xf32>
    %get3A_152 = arith.constant 0 : index
    %get3A_153 = arith.constant 0 : index
    %get3A_154 = arith.constant 0 : index
    %get3A_155 = vector.load %arg5[%get3A_152, %get3A_153, %get3A_154] : memref<2x1x256xf32, #tpu.memory_space<vmem>>, vector<1x1x256xf32>
    %get3A_156 = vector.shape_cast %get3A_155 : vector<1x1x256xf32> to vector<1x256xf32>
    %add3A_157 = vector.broadcast %get3A_156 : vector<1x256xf32> to vector<1024x256xf32>
    %add3A_158 = arith.addf %dot_general3A_151, %add3A_157 : vector<1024x256xf32>
    %max3A_159 = arith.constant 0.000000e+00 : f32
    %max3A_160 = vector.broadcast %max3A_159 : f32 to vector<1024x256xf32>
    %max3A_161 = arith.maximumf %add3A_158, %max3A_160 : vector<1024x256xf32>
    %convert_element_type3A_162 = arith.truncf %max3A_161 : vector<1024x256xf32> to vector<1024x256xbf16>
    %swap3A_163 = arith.constant 0 : index
    %swap3A_164 = arith.constant 512 : index
    %swap3A_165 = vector.load %arg15[%swap3A_163, %swap3A_164] : memref<1024x1024xbf16, #tpu.memory_space<vmem>>, vector<1024x256xbf16>
    tpu.vector_store %arg15[%swap3A_163, %swap3A_164], %convert_element_type3A_162 {strides = array<i32>} : memref<1024x1024xbf16, #tpu.memory_space<vmem>>, vector<1024x256xbf16>,
    %get3A_166 = arith.constant 0 : index
    %get3A_167 = arith.constant 384 : index
    %get3A_168 = vector.load %arg14[%get3A_166, %get3A_167] : memref<1024x512xbf16, #tpu.memory_space<vmem>>, vector<1024x128xbf16>
    %get3A_169 = arith.constant 0 : index
    %get3A_170 = arith.constant 0 : index
    %get3A_171 = arith.constant 0 : index
    %get3A_172 = vector.load %arg4[%get3A_169, %get3A_170, %get3A_171] : memref<2x128x256xbf16, #tpu.memory_space<vmem>>, vector<1x128x256xbf16>
    %get3A_173 = vector.shape_cast %get3A_172 : vector<1x128x256xbf16> to vector<128x256xbf16>
    %dot_general3A_174 = arith.constant dense<0.000000e+00> : vector<1024x256xf32>
    %dot_general3A_175 = tpu.matmul %get3A_168, %get3A_173, %dot_general3A_174 {dimension_numbers = #tpu.dot_dimension_numbers<[1], [0], [0], [1], [0, 0, 1, 1], [], []>, transpose_lhs_hint = false} : vector<1024x128xbf16>, vector<128x256xbf16>, vector<1024x256xf32> -> vector<1024x256xf32>
    %get3A_176 = arith.constant 0 : index
    %get3A_177 = arith.constant 0 : index
    %get3A_178 = arith.constant 0 : index
    %get3A_179 = vector.load %arg5[%get3A_176, %get3A_177, %get3A_178] : memref<2x1x256xf32, #tpu.memory_space<vmem>>, vector<1x1x256xf32>
    %get3A_180 = vector.shape_cast %get3A_179 : vector<1x1x256xf32> to vector<1x256xf32>
    %add3A_181 = vector.broadcast %get3A_180 : vector<1x256xf32> to vector<1024x256xf32>
    %add3A_182 = arith.addf %dot_general3A_175, %add3A_181 : vector<1024x256xf32>
    %max3A_183 = arith.constant 0.000000e+00 : f32
    %max3A_184 = vector.broadcast %max3A_183 : f32 to vector<1024x256xf32>
    %max3A_185 = arith.maximumf %add3A_182, %max3A_184 : vector<1024x256xf32>
    %convert_element_type3A_186 = arith.truncf %max3A_185 : vector<1024x256xf32> to vector<1024x256xbf16>
    %swap3A_187 = arith.constant 0 : index
    %swap3A_188 = arith.constant 768 : index
    %swap3A_189 = vector.load %arg15[%swap3A_187, %swap3A_188] : memref<1024x1024xbf16, #tpu.memory_space<vmem>>, vector<1024x256xbf16>
    tpu.vector_store %arg15[%swap3A_187, %swap3A_188], %convert_element_type3A_186 {strides = array<i32>} : memref<1024x1024xbf16, #tpu.memory_space<vmem>>, vector<1024x256xbf16>,
    %get3A_190 = arith.constant 0 : index
    %get3A_191 = arith.constant 0 : index
    %get3A_192 = vector.load %arg15[%get3A_190, %get3A_191] : memref<1024x1024xbf16, #tpu.memory_space<vmem>>, vector<1024x1024xbf16>
    %dot_general3A_193 = arith.constant dense<0.000000e+00> : vector<1024x1024xf32>
    %dot_general3A_194 = tpu.matmul %get3A_5, %get3A_192, %dot_general3A_193 {dimension_numbers = #tpu.dot_dimension_numbers<[1], [0], [0], [1], [0, 0, 1, 1], [], []>, transpose_lhs_hint = false} : vector<1024x1024xbf16>, vector<1024x1024xbf16>, vector<1024x1024xf32> -> vector<1024x1024xf32>
    %convert_element_type3A_195 = arith.truncf %dot_general3A_194 : vector<1024x1024xf32> to vector<1024x1024xbf16>
    %get3A_196 = arith.constant 0 : index
    %get3A_197 = arith.constant 0 : index
    %get3A_198 = vector.load %arg15[%get3A_196, %get3A_197] : memref<1024x1024xbf16, #tpu.memory_space<vmem>>, vector<1024x1024xbf16>
    %add3A_199 = arith.addf %convert_element_type3A_195, %get3A_198 : vector<1024x1024xbf16>
    %swap3A_200 = arith.constant 0 : index
    %swap3A_201 = arith.constant 0 : index
    %swap3A_202 = vector.load %arg16[%swap3A_200, %swap3A_201] : memref<1024x1024xbf16, #tpu.memory_space<vmem>>, vector<1024x1024xbf16>
    tpu.vector_store %arg16[%swap3A_200, %swap3A_201], %add3A_199 {strides = array<i32>} : memref<1024x1024xbf16, #tpu.memory_space<vmem>>, vector<1024x1024xbf16>,
    %get3A_203 = arith.constant 0 : index
    %get3A_204 = arith.constant 0 : index
    %get3A_205 = vector.load %arg16[%get3A_203, %get3A_204] : memref<1024x1024xbf16, #tpu.memory_space<vmem>>, vector<1024x128xbf16>
    %get3A_206 = arith.constant 0 : index
    %get3A_207 = arith.constant 0 : index
    %get3A_208 = arith.constant 0 : index
    %get3A_209 = arith.constant 0 : index
    %get3A_210 = vector.load %arg6[%get3A_206, %get3A_207, %get3A_208, %get3A_209] : memref<2x2x128x128xbf16, #tpu.memory_space<vmem>>, vector<1x1x128x128xbf16>
    %get3A_211 = vector.shape_cast %get3A_210 : vector<1x1x128x128xbf16> to vector<128x128xbf16>
    %dot_general3A_212 = arith.constant dense<0.000000e+00> : vector<1024x128xf32>
    %dot_general3A_213 = tpu.matmul %get3A_205, %get3A_211, %dot_general3A_212 {dimension_numbers = #tpu.dot_dimension_numbers<[1], [0], [0], [1], [0, 0, 1, 1], [], []>, transpose_lhs_hint = false} : vector<1024x128xbf16>, vector<128x128xbf16>, vector<1024x128xf32> -> vector<1024x128xf32>
    %get3A_214 = arith.constant 0 : index
    %get3A_215 = arith.constant 0 : index
    %get3A_216 = arith.constant 0 : index
    %get3A_217 = arith.constant 0 : index
    %get3A_218 = vector.load %arg7[%get3A_214, %get3A_215, %get3A_216, %get3A_217] : memref<2x2x1x128xf32, #tpu.memory_space<vmem>>, vector<1x1x1x128xf32>
    %get3A_219 = vector.shape_cast %get3A_218 : vector<1x1x1x128xf32> to vector<1x128xf32>
    %add3A_220 = vector.broadcast %get3A_219 : vector<1x128xf32> to vector<1024x128xf32>
    %add3A_221 = arith.addf %dot_general3A_213, %add3A_220 : vector<1024x128xf32>
    %max3A_222 = arith.constant 0.000000e+00 : f32
    %max3A_223 = vector.broadcast %max3A_222 : f32 to vector<1024x128xf32>
    %max3A_224 = arith.maximumf %add3A_221, %max3A_223 : vector<1024x128xf32>
    %convert_element_type3A_225 = arith.truncf %max3A_224 : vector<1024x128xf32> to vector<1024x128xbf16>
    %get3A_226 = arith.constant 0 : index
    %get3A_227 = arith.constant 0 : index
    %get3A_228 = arith.constant 0 : index
    %get3A_229 = vector.load %arg9[%get3A_226, %get3A_227, %get3A_228] : memref<2x128x128xbf16, #tpu.memory_space<vmem>>, vector<1x128x128xbf16>
    %get3A_230 = vector.shape_cast %get3A_229 : vector<1x128x128xbf16> to vector<128x128xbf16>
    %dot_general3A_231 = arith.constant dense<0.000000e+00> : vector<1024x128xf32>
    %dot_general3A_232 = tpu.matmul %convert_element_type3A_225, %get3A_230, %dot_general3A_231 {dimension_numbers = #tpu.dot_dimension_numbers<[1], [0], [0], [1], [0, 0, 1, 1], [], []>, transpose_lhs_hint = false} : vector<1024x128xbf16>, vector<128x128xbf16>, vector<1024x128xf32> -> vector<1024x128xf32>
    %get3A_233 = arith.constant 0 : index
    %get3A_234 = arith.constant 128 : index
    %get3A_235 = vector.load %arg16[%get3A_233, %get3A_234] : memref<1024x1024xbf16, #tpu.memory_space<vmem>>, vector<1024x128xbf16>
    %get3A_236 = arith.constant 1 : index
    %get3A_237 = arith.constant 0 : index
    %get3A_238 = arith.constant 0 : index
    %get3A_239 = arith.constant 0 : index
    %get3A_240 = vector.load %arg6[%get3A_236, %get3A_237, %get3A_238, %get3A_239] : memref<2x2x128x128xbf16, #tpu.memory_space<vmem>>, vector<1x1x128x128xbf16>
    %get3A_241 = vector.shape_cast %get3A_240 : vector<1x1x128x128xbf16> to vector<128x128xbf16>
    %dot_general3A_242 = arith.constant dense<0.000000e+00> : vector<1024x128xf32>
    %dot_general3A_243 = tpu.matmul %get3A_235, %get3A_241, %dot_general3A_242 {dimension_numbers = #tpu.dot_dimension_numbers<[1], [0], [0], [1], [0, 0, 1, 1], [], []>, transpose_lhs_hint = false} : vector<1024x128xbf16>, vector<128x128xbf16>, vector<1024x128xf32> -> vector<1024x128xf32>
    %get3A_244 = arith.constant 1 : index
    %get3A_245 = arith.constant 0 : index
    %get3A_246 = arith.constant 0 : index
    %get3A_247 = arith.constant 0 : index
    %get3A_248 = vector.load %arg7[%get3A_244, %get3A_245, %get3A_246, %get3A_247] : memref<2x2x1x128xf32, #tpu.memory_space<vmem>>, vector<1x1x1x128xf32>
    %get3A_249 = vector.shape_cast %get3A_248 : vector<1x1x1x128xf32> to vector<1x128xf32>
    %add3A_250 = vector.broadcast %get3A_249 : vector<1x128xf32> to vector<1024x128xf32>
    %add3A_251 = arith.addf %dot_general3A_243, %add3A_250 : vector<1024x128xf32>
    %max3A_252 = arith.constant 0.000000e+00 : f32
    %max3A_253 = vector.broadcast %max3A_252 : f32 to vector<1024x128xf32>
    %max3A_254 = arith.maximumf %add3A_251, %max3A_253 : vector<1024x128xf32>
    %convert_element_type3A_255 = arith.truncf %max3A_254 : vector<1024x128xf32> to vector<1024x128xbf16>
    %get3A_256 = arith.constant 1 : index
    %get3A_257 = arith.constant 0 : index
    %get3A_258 = arith.constant 0 : index
    %get3A_259 = vector.load %arg9[%get3A_256, %get3A_257, %get3A_258] : memref<2x128x128xbf16, #tpu.memory_space<vmem>>, vector<1x128x128xbf16>
    %get3A_260 = vector.shape_cast %get3A_259 : vector<1x128x128xbf16> to vector<128x128xbf16>
    %dot_general3A_261 = arith.constant dense<0.000000e+00> : vector<1024x128xf32>
    %dot_general3A_262 = tpu.matmul %convert_element_type3A_255, %get3A_260, %dot_general3A_261 {dimension_numbers = #tpu.dot_dimension_numbers<[1], [0], [0], [1], [0, 0, 1, 1], [], []>, transpose_lhs_hint = false} : vector<1024x128xbf16>, vector<128x128xbf16>, vector<1024x128xf32> -> vector<1024x128xf32>
    %add3A_263 = arith.addf %dot_general3A_232, %dot_general3A_262 : vector<1024x128xf32>
    %convert_element_type3A_264 = arith.truncf %add3A_263 : vector<1024x128xf32> to vector<1024x128xbf16>
    %swap3A_265 = arith.constant 0 : index
    %swap3A_266 = arith.constant 0 : index
    %swap3A_267 = vector.load %arg17[%swap3A_265, %swap3A_266] : memref<1024x512xbf16, #tpu.memory_space<vmem>>, vector<1024x128xbf16>
    tpu.vector_store %arg17[%swap3A_265, %swap3A_266], %convert_element_type3A_264 {strides = array<i32>} : memref<1024x512xbf16, #tpu.memory_space<vmem>>, vector<1024x128xbf16>,
    %get3A_268 = arith.constant 0 : index
    %get3A_269 = arith.constant 256 : index
    %get3A_270 = vector.load %arg16[%get3A_268, %get3A_269] : memref<1024x1024xbf16, #tpu.memory_space<vmem>>, vector<1024x128xbf16>
    %get3A_271 = arith.constant 0 : index
    %get3A_272 = arith.constant 0 : index
    %get3A_273 = arith.constant 0 : index
    %get3A_274 = arith.constant 0 : index
    %get3A_275 = vector.load %arg6[%get3A_271, %get3A_272, %get3A_273, %get3A_274] : memref<2x2x128x128xbf16, #tpu.memory_space<vmem>>, vector<1x1x128x128xbf16>
    %get3A_276 = vector.shape_cast %get3A_275 : vector<1x1x128x128xbf16> to vector<128x128xbf16>
    %dot_general3A_277 = arith.constant dense<0.000000e+00> : vector<1024x128xf32>
    %dot_general3A_278 = tpu.matmul %get3A_270, %get3A_276, %dot_general3A_277 {dimension_numbers = #tpu.dot_dimension_numbers<[1], [0], [0], [1], [0, 0, 1, 1], [], []>, transpose_lhs_hint = false} : vector<1024x128xbf16>, vector<128x128xbf16>, vector<1024x128xf32> -> vector<1024x128xf32>
    %get3A_279 = arith.constant 0 : index
    %get3A_280 = arith.constant 0 : index
    %get3A_281 = arith.constant 0 : index
    %get3A_282 = arith.constant 0 : index
    %get3A_283 = vector.load %arg7[%get3A_279, %get3A_280, %get3A_281, %get3A_282] : memref<2x2x1x128xf32, #tpu.memory_space<vmem>>, vector<1x1x1x128xf32>
    %get3A_284 = vector.shape_cast %get3A_283 : vector<1x1x1x128xf32> to vector<1x128xf32>
    %add3A_285 = vector.broadcast %get3A_284 : vector<1x128xf32> to vector<1024x128xf32>
    %add3A_286 = arith.addf %dot_general3A_278, %add3A_285 : vector<1024x128xf32>
    %max3A_287 = arith.constant 0.000000e+00 : f32
    %max3A_288 = vector.broadcast %max3A_287 : f32 to vector<1024x128xf32>
    %max3A_289 = arith.maximumf %add3A_286, %max3A_288 : vector<1024x128xf32>
    %convert_element_type3A_290 = arith.truncf %max3A_289 : vector<1024x128xf32> to vector<1024x128xbf16>
    %get3A_291 = arith.constant 0 : index
    %get3A_292 = arith.constant 0 : index
    %get3A_293 = arith.constant 0 : index
    %get3A_294 = vector.load %arg9[%get3A_291, %get3A_292, %get3A_293] : memref<2x128x128xbf16, #tpu.memory_space<vmem>>, vector<1x128x128xbf16>
    %get3A_295 = vector.shape_cast %get3A_294 : vector<1x128x128xbf16> to vector<128x128xbf16>
    %dot_general3A_296 = arith.constant dense<0.000000e+00> : vector<1024x128xf32>
    %dot_general3A_297 = tpu.matmul %convert_element_type3A_290, %get3A_295, %dot_general3A_296 {dimension_numbers = #tpu.dot_dimension_numbers<[1], [0], [0], [1], [0, 0, 1, 1], [], []>, transpose_lhs_hint = false} : vector<1024x128xbf16>, vector<128x128xbf16>, vector<1024x128xf32> -> vector<1024x128xf32>
    %get3A_298 = arith.constant 0 : index
    %get3A_299 = arith.constant 384 : index
    %get3A_300 = vector.load %arg16[%get3A_298, %get3A_299] : memref<1024x1024xbf16, #tpu.memory_space<vmem>>, vector<1024x128xbf16>
    %get3A_301 = arith.constant 1 : index
    %get3A_302 = arith.constant 0 : index
    %get3A_303 = arith.constant 0 : index
    %get3A_304 = arith.constant 0 : index
    %get3A_305 = vector.load %arg6[%get3A_301, %get3A_302, %get3A_303, %get3A_304] : memref<2x2x128x128xbf16, #tpu.memory_space<vmem>>, vector<1x1x128x128xbf16>
    %get3A_306 = vector.shape_cast %get3A_305 : vector<1x1x128x128xbf16> to vector<128x128xbf16>
    %dot_general3A_307 = arith.constant dense<0.000000e+00> : vector<1024x128xf32>
    %dot_general3A_308 = tpu.matmul %get3A_300, %get3A_306, %dot_general3A_307 {dimension_numbers = #tpu.dot_dimension_numbers<[1], [0], [0], [1], [0, 0, 1, 1], [], []>, transpose_lhs_hint = false} : vector<1024x128xbf16>, vector<128x128xbf16>, vector<1024x128xf32> -> vector<1024x128xf32>
    %get3A_309 = arith.constant 1 : index
    %get3A_310 = arith.constant 0 : index
    %get3A_311 = arith.constant 0 : index
    %get3A_312 = arith.constant 0 : index
    %get3A_313 = vector.load %arg7[%get3A_309, %get3A_310, %get3A_311, %get3A_312] : memref<2x2x1x128xf32, #tpu.memory_space<vmem>>, vector<1x1x1x128xf32>
    %get3A_314 = vector.shape_cast %get3A_313 : vector<1x1x1x128xf32> to vector<1x128xf32>
    %add3A_315 = vector.broadcast %get3A_314 : vector<1x128xf32> to vector<1024x128xf32>
    %add3A_316 = arith.addf %dot_general3A_308, %add3A_315 : vector<1024x128xf32>
    %max3A_317 = arith.constant 0.000000e+00 : f32
    %max3A_318 = vector.broadcast %max3A_317 : f32 to vector<1024x128xf32>
    %max3A_319 = arith.maximumf %add3A_316, %max3A_318 : vector<1024x128xf32>
    %convert_element_type3A_320 = arith.truncf %max3A_319 : vector<1024x128xf32> to vector<1024x128xbf16>
    %get3A_321 = arith.constant 1 : index
    %get3A_322 = arith.constant 0 : index
    %get3A_323 = arith.constant 0 : index
    %get3A_324 = vector.load %arg9[%get3A_321, %get3A_322, %get3A_323] : memref<2x128x128xbf16, #tpu.memory_space<vmem>>, vector<1x128x128xbf16>
    %get3A_325 = vector.shape_cast %get3A_324 : vector<1x128x128xbf16> to vector<128x128xbf16>
    %dot_general3A_326 = arith.constant dense<0.000000e+00> : vector<1024x128xf32>
    %dot_general3A_327 = tpu.matmul %convert_element_type3A_320, %get3A_325, %dot_general3A_326 {dimension_numbers = #tpu.dot_dimension_numbers<[1], [0], [0], [1], [0, 0, 1, 1], [], []>, transpose_lhs_hint = false} : vector<1024x128xbf16>, vector<128x128xbf16>, vector<1024x128xf32> -> vector<1024x128xf32>
    %add3A_328 = arith.addf %dot_general3A_297, %dot_general3A_327 : vector<1024x128xf32>
    %convert_element_type3A_329 = arith.truncf %add3A_328 : vector<1024x128xf32> to vector<1024x128xbf16>
    %swap3A_330 = arith.constant 0 : index
    %swap3A_331 = arith.constant 128 : index
    %swap3A_332 = vector.load %arg17[%swap3A_330, %swap3A_331] : memref<1024x512xbf16, #tpu.memory_space<vmem>>, vector<1024x128xbf16>
    tpu.vector_store %arg17[%swap3A_330, %swap3A_331], %convert_element_type3A_329 {strides = array<i32>} : memref<1024x512xbf16, #tpu.memory_space<vmem>>, vector<1024x128xbf16>,
    %get3A_333 = arith.constant 0 : index
    %get3A_334 = arith.constant 512 : index
    %get3A_335 = vector.load %arg16[%get3A_333, %get3A_334] : memref<1024x1024xbf16, #tpu.memory_space<vmem>>, vector<1024x128xbf16>
    %get3A_336 = arith.constant 0 : index
    %get3A_337 = arith.constant 0 : index
    %get3A_338 = arith.constant 0 : index
    %get3A_339 = arith.constant 0 : index
    %get3A_340 = vector.load %arg6[%get3A_336, %get3A_337, %get3A_338, %get3A_339] : memref<2x2x128x128xbf16, #tpu.memory_space<vmem>>, vector<1x1x128x128xbf16>
    %get3A_341 = vector.shape_cast %get3A_340 : vector<1x1x128x128xbf16> to vector<128x128xbf16>
    %dot_general3A_342 = arith.constant dense<0.000000e+00> : vector<1024x128xf32>
    %dot_general3A_343 = tpu.matmul %get3A_335, %get3A_341, %dot_general3A_342 {dimension_numbers = #tpu.dot_dimension_numbers<[1], [0], [0], [1], [0, 0, 1, 1], [], []>, transpose_lhs_hint = false} : vector<1024x128xbf16>, vector<128x128xbf16>, vector<1024x128xf32> -> vector<1024x128xf32>
    %get3A_344 = arith.constant 0 : index
    %get3A_345 = arith.constant 0 : index
    %get3A_346 = arith.constant 0 : index
    %get3A_347 = arith.constant 0 : index
    %get3A_348 = vector.load %arg7[%get3A_344, %get3A_345, %get3A_346, %get3A_347] : memref<2x2x1x128xf32, #tpu.memory_space<vmem>>, vector<1x1x1x128xf32>
    %get3A_349 = vector.shape_cast %get3A_348 : vector<1x1x1x128xf32> to vector<1x128xf32>
    %add3A_350 = vector.broadcast %get3A_349 : vector<1x128xf32> to vector<1024x128xf32>
    %add3A_351 = arith.addf %dot_general3A_343, %add3A_350 : vector<1024x128xf32>
    %max3A_352 = arith.constant 0.000000e+00 : f32
    %max3A_353 = vector.broadcast %max3A_352 : f32 to vector<1024x128xf32>
    %max3A_354 = arith.maximumf %add3A_351, %max3A_353 : vector<1024x128xf32>
    %convert_element_type3A_355 = arith.truncf %max3A_354 : vector<1024x128xf32> to vector<1024x128xbf16>
    %get3A_356 = arith.constant 0 : index
    %get3A_357 = arith.constant 0 : index
    %get3A_358 = arith.constant 0 : index
    %get3A_359 = vector.load %arg9[%get3A_356, %get3A_357, %get3A_358] : memref<2x128x128xbf16, #tpu.memory_space<vmem>>, vector<1x128x128xbf16>
    %get3A_360 = vector.shape_cast %get3A_359 : vector<1x128x128xbf16> to vector<128x128xbf16>
    %dot_general3A_361 = arith.constant dense<0.000000e+00> : vector<1024x128xf32>
    %dot_general3A_362 = tpu.matmul %convert_element_type3A_355, %get3A_360, %dot_general3A_361 {dimension_numbers = #tpu.dot_dimension_numbers<[1], [0], [0], [1], [0, 0, 1, 1], [], []>, transpose_lhs_hint = false} : vector<1024x128xbf16>, vector<128x128xbf16>, vector<1024x128xf32> -> vector<1024x128xf32>
    %get3A_363 = arith.constant 0 : index
    %get3A_364 = arith.constant 640 : index
    %get3A_365 = vector.load %arg16[%get3A_363, %get3A_364] : memref<1024x1024xbf16, #tpu.memory_space<vmem>>, vector<1024x128xbf16>
    %get3A_366 = arith.constant 1 : index
    %get3A_367 = arith.constant 0 : index
    %get3A_368 = arith.constant 0 : index
    %get3A_369 = arith.constant 0 : index
    %get3A_370 = vector.load %arg6[%get3A_366, %get3A_367, %get3A_368, %get3A_369] : memref<2x2x128x128xbf16, #tpu.memory_space<vmem>>, vector<1x1x128x128xbf16>
    %get3A_371 = vector.shape_cast %get3A_370 : vector<1x1x128x128xbf16> to vector<128x128xbf16>
    %dot_general3A_372 = arith.constant dense<0.000000e+00> : vector<1024x128xf32>
    %dot_general3A_373 = tpu.matmul %get3A_365, %get3A_371, %dot_general3A_372 {dimension_numbers = #tpu.dot_dimension_numbers<[1], [0], [0], [1], [0, 0, 1, 1], [], []>, transpose_lhs_hint = false} : vector<1024x128xbf16>, vector<128x128xbf16>, vector<1024x128xf32> -> vector<1024x128xf32>
    %get3A_374 = arith.constant 1 : index
    %get3A_375 = arith.constant 0 : index
    %get3A_376 = arith.constant 0 : index
    %get3A_377 = arith.constant 0 : index
    %get3A_378 = vector.load %arg7[%get3A_374, %get3A_375, %get3A_376, %get3A_377] : memref<2x2x1x128xf32, #tpu.memory_space<vmem>>, vector<1x1x1x128xf32>
    %get3A_379 = vector.shape_cast %get3A_378 : vector<1x1x1x128xf32> to vector<1x128xf32>
    %add3A_380 = vector.broadcast %get3A_379 : vector<1x128xf32> to vector<1024x128xf32>
    %add3A_381 = arith.addf %dot_general3A_373, %add3A_380 : vector<1024x128xf32>
    %max3A_382 = arith.constant 0.000000e+00 : f32
    %max3A_383 = vector.broadcast %max3A_382 : f32 to vector<1024x128xf32>
    %max3A_384 = arith.maximumf %add3A_381, %max3A_383 : vector<1024x128xf32>
    %convert_element_type3A_385 = arith.truncf %max3A_384 : vector<1024x128xf32> to vector<1024x128xbf16>
    %get3A_386 = arith.constant 1 : index
    %get3A_387 = arith.constant 0 : index
    %get3A_388 = arith.constant 0 : index
    %get3A_389 = vector.load %arg9[%get3A_386, %get3A_387, %get3A_388] : memref<2x128x128xbf16, #tpu.memory_space<vmem>>, vector<1x128x128xbf16>
    %get3A_390 = vector.shape_cast %get3A_389 : vector<1x128x128xbf16> to vector<128x128xbf16>
    %dot_general3A_391 = arith.constant dense<0.000000e+00> : vector<1024x128xf32>
    %dot_general3A_392 = tpu.matmul %convert_element_type3A_385, %get3A_390, %dot_general3A_391 {dimension_numbers = #tpu.dot_dimension_numbers<[1], [0], [0], [1], [0, 0, 1, 1], [], []>, transpose_lhs_hint = false} : vector<1024x128xbf16>, vector<128x128xbf16>, vector<1024x128xf32> -> vector<1024x128xf32>
    %add3A_393 = arith.addf %dot_general3A_362, %dot_general3A_392 : vector<1024x128xf32>
    %convert_element_type3A_394 = arith.truncf %add3A_393 : vector<1024x128xf32> to vector<1024x128xbf16>
    %swap3A_395 = arith.constant 0 : index
    %swap3A_396 = arith.constant 256 : index
    %swap3A_397 = vector.load %arg17[%swap3A_395, %swap3A_396] : memref<1024x512xbf16, #tpu.memory_space<vmem>>, vector<1024x128xbf16>
    tpu.vector_store %arg17[%swap3A_395, %swap3A_396], %convert_element_type3A_394 {strides = array<i32>} : memref<1024x512xbf16, #tpu.memory_space<vmem>>, vector<1024x128xbf16>,
    %get3A_398 = arith.constant 0 : index
    %get3A_399 = arith.constant 768 : index
    %get3A_400 = vector.load %arg16[%get3A_398, %get3A_399] : memref<1024x1024xbf16, #tpu.memory_space<vmem>>, vector<1024x128xbf16>
    %get3A_401 = arith.constant 0 : index
    %get3A_402 = arith.constant 0 : index
    %get3A_403 = arith.constant 0 : index
    %get3A_404 = arith.constant 0 : index
    %get3A_405 = vector.load %arg6[%get3A_401, %get3A_402, %get3A_403, %get3A_404] : memref<2x2x128x128xbf16, #tpu.memory_space<vmem>>, vector<1x1x128x128xbf16>
    %get3A_406 = vector.shape_cast %get3A_405 : vector<1x1x128x128xbf16> to vector<128x128xbf16>
    %dot_general3A_407 = arith.constant dense<0.000000e+00> : vector<1024x128xf32>
    %dot_general3A_408 = tpu.matmul %get3A_400, %get3A_406, %dot_general3A_407 {dimension_numbers = #tpu.dot_dimension_numbers<[1], [0], [0], [1], [0, 0, 1, 1], [], []>, transpose_lhs_hint = false} : vector<1024x128xbf16>, vector<128x128xbf16>, vector<1024x128xf32> -> vector<1024x128xf32>
    %get3A_409 = arith.constant 0 : index
    %get3A_410 = arith.constant 0 : index
    %get3A_411 = arith.constant 0 : index
    %get3A_412 = arith.constant 0 : index
    %get3A_413 = vector.load %arg7[%get3A_409, %get3A_410, %get3A_411, %get3A_412] : memref<2x2x1x128xf32, #tpu.memory_space<vmem>>, vector<1x1x1x128xf32>
    %get3A_414 = vector.shape_cast %get3A_413 : vector<1x1x1x128xf32> to vector<1x128xf32>
    %add3A_415 = vector.broadcast %get3A_414 : vector<1x128xf32> to vector<1024x128xf32>
    %add3A_416 = arith.addf %dot_general3A_408, %add3A_415 : vector<1024x128xf32>
    %max3A_417 = arith.constant 0.000000e+00 : f32
    %max3A_418 = vector.broadcast %max3A_417 : f32 to vector<1024x128xf32>
    %max3A_419 = arith.maximumf %add3A_416, %max3A_418 : vector<1024x128xf32>
    %convert_element_type3A_420 = arith.truncf %max3A_419 : vector<1024x128xf32> to vector<1024x128xbf16>
    %get3A_421 = arith.constant 0 : index
    %get3A_422 = arith.constant 0 : index
    %get3A_423 = arith.constant 0 : index
    %get3A_424 = vector.load %arg9[%get3A_421, %get3A_422, %get3A_423] : memref<2x128x128xbf16, #tpu.memory_space<vmem>>, vector<1x128x128xbf16>
    %get3A_425 = vector.shape_cast %get3A_424 : vector<1x128x128xbf16> to vector<128x128xbf16>
    %dot_general3A_426 = arith.constant dense<0.000000e+00> : vector<1024x128xf32>
    %dot_general3A_427 = tpu.matmul %convert_element_type3A_420, %get3A_425, %dot_general3A_426 {dimension_numbers = #tpu.dot_dimension_numbers<[1], [0], [0], [1], [0, 0, 1, 1], [], []>, transpose_lhs_hint = false} : vector<1024x128xbf16>, vector<128x128xbf16>, vector<1024x128xf32> -> vector<1024x128xf32>
    %get3A_428 = arith.constant 0 : index
    %get3A_429 = arith.constant 896 : index
    %get3A_430 = vector.load %arg16[%get3A_428, %get3A_429] : memref<1024x1024xbf16, #tpu.memory_space<vmem>>, vector<1024x128xbf16>
    %get3A_431 = arith.constant 1 : index
    %get3A_432 = arith.constant 0 : index
    %get3A_433 = arith.constant 0 : index
    %get3A_434 = arith.constant 0 : index
    %get3A_435 = vector.load %arg6[%get3A_431, %get3A_432, %get3A_433, %get3A_434] : memref<2x2x128x128xbf16, #tpu.memory_space<vmem>>, vector<1x1x128x128xbf16>
    %get3A_436 = vector.shape_cast %get3A_435 : vector<1x1x128x128xbf16> to vector<128x128xbf16>
    %dot_general3A_437 = arith.constant dense<0.000000e+00> : vector<1024x128xf32>
    %dot_general3A_438 = tpu.matmul %get3A_430, %get3A_436, %dot_general3A_437 {dimension_numbers = #tpu.dot_dimension_numbers<[1], [0], [0], [1], [0, 0, 1, 1], [], []>, transpose_lhs_hint = false} : vector<1024x128xbf16>, vector<128x128xbf16>, vector<1024x128xf32> -> vector<1024x128xf32>
    %get3A_439 = arith.constant 1 : index
    %get3A_440 = arith.constant 0 : index
    %get3A_441 = arith.constant 0 : index
    %get3A_442 = arith.constant 0 : index
    %get3A_443 = vector.load %arg7[%get3A_439, %get3A_440, %get3A_441, %get3A_442] : memref<2x2x1x128xf32, #tpu.memory_space<vmem>>, vector<1x1x1x128xf32>
    %get3A_444 = vector.shape_cast %get3A_443 : vector<1x1x1x128xf32> to vector<1x128xf32>
    %add3A_445 = vector.broadcast %get3A_444 : vector<1x128xf32> to vector<1024x128xf32>
    %add3A_446 = arith.addf %dot_general3A_438, %add3A_445 : vector<1024x128xf32>
    %max3A_447 = arith.constant 0.000000e+00 : f32
    %max3A_448 = vector.broadcast %max3A_447 : f32 to vector<1024x128xf32>
    %max3A_449 = arith.maximumf %add3A_446, %max3A_448 : vector<1024x128xf32>
    %convert_element_type3A_450 = arith.truncf %max3A_449 : vector<1024x128xf32> to vector<1024x128xbf16>
    %get3A_451 = arith.constant 1 : index
    %get3A_452 = arith.constant 0 : index
    %get3A_453 = arith.constant 0 : index
    %get3A_454 = vector.load %arg9[%get3A_451, %get3A_452, %get3A_453] : memref<2x128x128xbf16, #tpu.memory_space<vmem>>, vector<1x128x128xbf16>
    %get3A_455 = vector.shape_cast %get3A_454 : vector<1x128x128xbf16> to vector<128x128xbf16>
    %dot_general3A_456 = arith.constant dense<0.000000e+00> : vector<1024x128xf32>
    %dot_general3A_457 = tpu.matmul %convert_element_type3A_450, %get3A_455, %dot_general3A_456 {dimension_numbers = #tpu.dot_dimension_numbers<[1], [0], [0], [1], [0, 0, 1, 1], [], []>, transpose_lhs_hint = false} : vector<1024x128xbf16>, vector<128x128xbf16>, vector<1024x128xf32> -> vector<1024x128xf32>
    %add3A_458 = arith.addf %dot_general3A_427, %dot_general3A_457 : vector<1024x128xf32>
    %convert_element_type3A_459 = arith.truncf %add3A_458 : vector<1024x128xf32> to vector<1024x128xbf16>
    %swap3A_460 = arith.constant 0 : index
    %swap3A_461 = arith.constant 384 : index
    %swap3A_462 = vector.load %arg17[%swap3A_460, %swap3A_461] : memref<1024x512xbf16, #tpu.memory_space<vmem>>, vector<1024x128xbf16>
    tpu.vector_store %arg17[%swap3A_460, %swap3A_461], %convert_element_type3A_459 {strides = array<i32>} : memref<1024x512xbf16, #tpu.memory_space<vmem>>, vector<1024x128xbf16>,
    %get3A_463 = arith.constant 0 : index
    %get3A_464 = arith.constant 0 : index
    %get3A_465 = vector.load %arg8[%get3A_463, %get3A_464] : memref<1024x2048xbf16, #tpu.memory_space<vmem>>, vector<1024x1024xbf16>
    %get3A_466 = arith.constant 0 : index
    %get3A_467 = arith.constant 0 : index
    %get3A_468 = vector.load %arg17[%get3A_466, %get3A_467] : memref<1024x512xbf16, #tpu.memory_space<vmem>>, vector<1024x512xbf16>
    %dot_general3A_469 = arith.constant dense<0.000000e+00> : vector<1024x512xf32>
    %dot_general3A_470 = tpu.matmul %get3A_465, %get3A_468, %dot_general3A_469 {dimension_numbers = #tpu.dot_dimension_numbers<[1], [0], [0], [1], [0, 0, 1, 1], [], []>, transpose_lhs_hint = false} : vector<1024x1024xbf16>, vector<1024x512xbf16>, vector<1024x512xf32> -> vector<1024x512xf32>
    %get3A_471 = arith.constant 1 : index
    %get3A_472 = arith.constant 0 : index
    %get3A_473 = arith.constant 0 : index
    %get3A_474 = vector.load %arg12[%get3A_471, %get3A_472, %get3A_473] : memref<2x1024x1024xbf16, #tpu.memory_space<vmem>>, vector<1x1024x1024xbf16>
    %get3A_475 = vector.shape_cast %get3A_474 : vector<1x1024x1024xbf16> to vector<1024x1024xbf16>
    %get3A_476 = arith.constant 0 : index
    %get3A_477 = arith.constant 1 : index
    %get3A_478 = arith.constant 0 : index
    %get3A_479 = arith.constant 0 : index
    %get3A_480 = vector.load %arg1[%get3A_476, %get3A_477, %get3A_478, %get3A_479] : memref<4x2x1024x128xf32, #tpu.memory_space<vmem>>, vector<1x1x1024x128xf32>
    %get3A_481 = vector.shape_cast %get3A_480 : vector<1x1x1024x128xf32> to vector<1024x128xf32>
    %convert_element_type3A_482 = arith.truncf %get3A_481 : vector<1024x128xf32> to vector<1024x128xbf16>
    %swap3A_483 = arith.constant 0 : index
    %swap3A_484 = arith.constant 0 : index
    %swap3A_485 = vector.load %arg13[%swap3A_483, %swap3A_484] : memref<1024x512xbf16, #tpu.memory_space<vmem>>, vector<1024x128xbf16>
    tpu.vector_store %arg13[%swap3A_483, %swap3A_484], %convert_element_type3A_482 {strides = array<i32>} : memref<1024x512xbf16, #tpu.memory_space<vmem>>, vector<1024x128xbf16>,
    %get3A_486 = arith.constant 1 : index
    %get3A_487 = arith.constant 1 : index
    %get3A_488 = arith.constant 0 : index
    %get3A_489 = arith.constant 0 : index
    %get3A_490 = vector.load %arg1[%get3A_486, %get3A_487, %get3A_488, %get3A_489] : memref<4x2x1024x128xf32, #tpu.memory_space<vmem>>, vector<1x1x1024x128xf32>
    %get3A_491 = vector.shape_cast %get3A_490 : vector<1x1x1024x128xf32> to vector<1024x128xf32>
    %convert_element_type3A_492 = arith.truncf %get3A_491 : vector<1024x128xf32> to vector<1024x128xbf16>
    %swap3A_493 = arith.constant 0 : index
    %swap3A_494 = arith.constant 128 : index
    %swap3A_495 = vector.load %arg13[%swap3A_493, %swap3A_494] : memref<1024x512xbf16, #tpu.memory_space<vmem>>, vector<1024x128xbf16>
    tpu.vector_store %arg13[%swap3A_493, %swap3A_494], %convert_element_type3A_492 {strides = array<i32>} : memref<1024x512xbf16, #tpu.memory_space<vmem>>, vector<1024x128xbf16>,
    %get3A_496 = arith.constant 2 : index
    %get3A_497 = arith.constant 1 : index
    %get3A_498 = arith.constant 0 : index
    %get3A_499 = arith.constant 0 : index
    %get3A_500 = vector.load %arg1[%get3A_496, %get3A_497, %get3A_498, %get3A_499] : memref<4x2x1024x128xf32, #tpu.memory_space<vmem>>, vector<1x1x1024x128xf32>
    %get3A_501 = vector.shape_cast %get3A_500 : vector<1x1x1024x128xf32> to vector<1024x128xf32>
    %convert_element_type3A_502 = arith.truncf %get3A_501 : vector<1024x128xf32> to vector<1024x128xbf16>
    %swap3A_503 = arith.constant 0 : index
    %swap3A_504 = arith.constant 256 : index
    %swap3A_505 = vector.load %arg13[%swap3A_503, %swap3A_504] : memref<1024x512xbf16, #tpu.memory_space<vmem>>, vector<1024x128xbf16>
    tpu.vector_store %arg13[%swap3A_503, %swap3A_504], %convert_element_type3A_502 {strides = array<i32>} : memref<1024x512xbf16, #tpu.memory_space<vmem>>, vector<1024x128xbf16>,
    %get3A_506 = arith.constant 3 : index
    %get3A_507 = arith.constant 1 : index
    %get3A_508 = arith.constant 0 : index
    %get3A_509 = arith.constant 0 : index
    %get3A_510 = vector.load %arg1[%get3A_506, %get3A_507, %get3A_508, %get3A_509] : memref<4x2x1024x128xf32, #tpu.memory_space<vmem>>, vector<1x1x1024x128xf32>
    %get3A_511 = vector.shape_cast %get3A_510 : vector<1x1x1024x128xf32> to vector<1024x128xf32>
    %convert_element_type3A_512 = arith.truncf %get3A_511 : vector<1024x128xf32> to vector<1024x128xbf16>
    %swap3A_513 = arith.constant 0 : index
    %swap3A_514 = arith.constant 384 : index
    %swap3A_515 = vector.load %arg13[%swap3A_513, %swap3A_514] : memref<1024x512xbf16, #tpu.memory_space<vmem>>, vector<1024x128xbf16>
    tpu.vector_store %arg13[%swap3A_513, %swap3A_514], %convert_element_type3A_512 {strides = array<i32>} : memref<1024x512xbf16, #tpu.memory_space<vmem>>, vector<1024x128xbf16>,
    %get3A_516 = arith.constant 0 : index
    %get3A_517 = arith.constant 0 : index
    %get3A_518 = vector.load %arg13[%get3A_516, %get3A_517] : memref<1024x512xbf16, #tpu.memory_space<vmem>>, vector<1024x512xbf16>
    %dot_general3A_519 = arith.constant dense<0.000000e+00> : vector<1024x512xf32>
    %dot_general3A_520 = tpu.matmul %get3A_475, %get3A_518, %dot_general3A_519 {dimension_numbers = #tpu.dot_dimension_numbers<[1], [0], [0], [1], [0, 0, 1, 1], [], []>, transpose_lhs_hint = false} : vector<1024x1024xbf16>, vector<1024x512xbf16>, vector<1024x512xf32> -> vector<1024x512xf32>
    %slice3A_521 = vector.extract_strided_slice %dot_general3A_520 {offsets = [0, 0], sizes = [1024, 128], strides = [1, 1]} : vector<1024x512xf32> to vector<1024x128xf32>
    %get3A_522 = arith.constant 0 : index
    %get3A_523 = arith.constant 1 : index
    %get3A_524 = arith.constant 0 : index
    %get3A_525 = arith.constant 0 : index
    %get3A_526 = vector.load %arg1[%get3A_522, %get3A_523, %get3A_524, %get3A_525] : memref<4x2x1024x128xf32, #tpu.memory_space<vmem>>, vector<1x1x1024x128xf32>
    %get3A_527 = vector.shape_cast %get3A_526 : vector<1x1x1024x128xf32> to vector<1024x128xf32>
    %add3A_528 = arith.addf %slice3A_521, %get3A_527 : vector<1024x128xf32>
    %convert_element_type3A_529 = arith.truncf %add3A_528 : vector<1024x128xf32> to vector<1024x128xbf16>
    %swap3A_530 = arith.constant 0 : index
    %swap3A_531 = arith.constant 0 : index
    %swap3A_532 = vector.load %arg14[%swap3A_530, %swap3A_531] : memref<1024x512xbf16, #tpu.memory_space<vmem>>, vector<1024x128xbf16>
    tpu.vector_store %arg14[%swap3A_530, %swap3A_531], %convert_element_type3A_529 {strides = array<i32>} : memref<1024x512xbf16, #tpu.memory_space<vmem>>, vector<1024x128xbf16>,
    %slice3A_533 = vector.extract_strided_slice %dot_general3A_520 {offsets = [0, 128], sizes = [1024, 128], strides = [1, 1]} : vector<1024x512xf32> to vector<1024x128xf32>
    %get3A_534 = arith.constant 1 : index
    %get3A_535 = arith.constant 1 : index
    %get3A_536 = arith.constant 0 : index
    %get3A_537 = arith.constant 0 : index
    %get3A_538 = vector.load %arg1[%get3A_534, %get3A_535, %get3A_536, %get3A_537] : memref<4x2x1024x128xf32, #tpu.memory_space<vmem>>, vector<1x1x1024x128xf32>
    %get3A_539 = vector.shape_cast %get3A_538 : vector<1x1x1024x128xf32> to vector<1024x128xf32>
    %add3A_540 = arith.addf %slice3A_533, %get3A_539 : vector<1024x128xf32>
    %convert_element_type3A_541 = arith.truncf %add3A_540 : vector<1024x128xf32> to vector<1024x128xbf16>
    %swap3A_542 = arith.constant 0 : index
    %swap3A_543 = arith.constant 128 : index
    %swap3A_544 = vector.load %arg14[%swap3A_542, %swap3A_543] : memref<1024x512xbf16, #tpu.memory_space<vmem>>, vector<1024x128xbf16>
    tpu.vector_store %arg14[%swap3A_542, %swap3A_543], %convert_element_type3A_541 {strides = array<i32>} : memref<1024x512xbf16, #tpu.memory_space<vmem>>, vector<1024x128xbf16>,
    %slice3A_545 = vector.extract_strided_slice %dot_general3A_520 {offsets = [0, 256], sizes = [1024, 128], strides = [1, 1]} : vector<1024x512xf32> to vector<1024x128xf32>
    %get3A_546 = arith.constant 2 : index
    %get3A_547 = arith.constant 1 : index
    %get3A_548 = arith.constant 0 : index
    %get3A_549 = arith.constant 0 : index
    %get3A_550 = vector.load %arg1[%get3A_546, %get3A_547, %get3A_548, %get3A_549] : memref<4x2x1024x128xf32, #tpu.memory_space<vmem>>, vector<1x1x1024x128xf32>
    %get3A_551 = vector.shape_cast %get3A_550 : vector<1x1x1024x128xf32> to vector<1024x128xf32>
    %add3A_552 = arith.addf %slice3A_545, %get3A_551 : vector<1024x128xf32>
    %convert_element_type3A_553 = arith.truncf %add3A_552 : vector<1024x128xf32> to vector<1024x128xbf16>
    %swap3A_554 = arith.constant 0 : index
    %swap3A_555 = arith.constant 256 : index
    %swap3A_556 = vector.load %arg14[%swap3A_554, %swap3A_555] : memref<1024x512xbf16, #tpu.memory_space<vmem>>, vector<1024x128xbf16>
    tpu.vector_store %arg14[%swap3A_554, %swap3A_555], %convert_element_type3A_553 {strides = array<i32>} : memref<1024x512xbf16, #tpu.memory_space<vmem>>, vector<1024x128xbf16>,
    %slice3A_557 = vector.extract_strided_slice %dot_general3A_520 {offsets = [0, 384], sizes = [1024, 128], strides = [1, 1]} : vector<1024x512xf32> to vector<1024x128xf32>
    %get3A_558 = arith.constant 3 : index
    %get3A_559 = arith.constant 1 : index
    %get3A_560 = arith.constant 0 : index
    %get3A_561 = arith.constant 0 : index
    %get3A_562 = vector.load %arg1[%get3A_558, %get3A_559, %get3A_560, %get3A_561] : memref<4x2x1024x128xf32, #tpu.memory_space<vmem>>, vector<1x1x1024x128xf32>
    %get3A_563 = vector.shape_cast %get3A_562 : vector<1x1x1024x128xf32> to vector<1024x128xf32>
    %add3A_564 = arith.addf %slice3A_557, %get3A_563 : vector<1024x128xf32>
    %convert_element_type3A_565 = arith.truncf %add3A_564 : vector<1024x128xf32> to vector<1024x128xbf16>
    %swap3A_566 = arith.constant 0 : index
    %swap3A_567 = arith.constant 384 : index
    %swap3A_568 = vector.load %arg14[%swap3A_566, %swap3A_567] : memref<1024x512xbf16, #tpu.memory_space<vmem>>, vector<1024x128xbf16>
    tpu.vector_store %arg14[%swap3A_566, %swap3A_567], %convert_element_type3A_565 {strides = array<i32>} : memref<1024x512xbf16, #tpu.memory_space<vmem>>, vector<1024x128xbf16>,
    %get3A_569 = arith.constant 0 : index
    %get3A_570 = arith.constant 0 : index
    %get3A_571 = vector.load %arg14[%get3A_569, %get3A_570] : memref<1024x512xbf16, #tpu.memory_space<vmem>>, vector<1024x128xbf16>
    %get3A_572 = arith.constant 1 : index
    %get3A_573 = arith.constant 0 : index
    %get3A_574 = arith.constant 0 : index
    %get3A_575 = vector.load %arg4[%get3A_572, %get3A_573, %get3A_574] : memref<2x128x256xbf16, #tpu.memory_space<vmem>>, vector<1x128x256xbf16>
    %get3A_576 = vector.shape_cast %get3A_575 : vector<1x128x256xbf16> to vector<128x256xbf16>
    %dot_general3A_577 = arith.constant dense<0.000000e+00> : vector<1024x256xf32>
    %dot_general3A_578 = tpu.matmul %get3A_571, %get3A_576, %dot_general3A_577 {dimension_numbers = #tpu.dot_dimension_numbers<[1], [0], [0], [1], [0, 0, 1, 1], [], []>, transpose_lhs_hint = false} : vector<1024x128xbf16>, vector<128x256xbf16>, vector<1024x256xf32> -> vector<1024x256xf32>
    %get3A_579 = arith.constant 1 : index
    %get3A_580 = arith.constant 0 : index
    %get3A_581 = arith.constant 0 : index
    %get3A_582 = vector.load %arg5[%get3A_579, %get3A_580, %get3A_581] : memref<2x1x256xf32, #tpu.memory_space<vmem>>, vector<1x1x256xf32>
    %get3A_583 = vector.shape_cast %get3A_582 : vector<1x1x256xf32> to vector<1x256xf32>
    %add3A_584 = vector.broadcast %get3A_583 : vector<1x256xf32> to vector<1024x256xf32>
    %add3A_585 = arith.addf %dot_general3A_578, %add3A_584 : vector<1024x256xf32>
    %max3A_586 = arith.constant 0.000000e+00 : f32
    %max3A_587 = vector.broadcast %max3A_586 : f32 to vector<1024x256xf32>
    %max3A_588 = arith.maximumf %add3A_585, %max3A_587 : vector<1024x256xf32>
    %convert_element_type3A_589 = arith.truncf %max3A_588 : vector<1024x256xf32> to vector<1024x256xbf16>
    %swap3A_590 = arith.constant 0 : index
    %swap3A_591 = arith.constant 0 : index
    %swap3A_592 = vector.load %arg15[%swap3A_590, %swap3A_591] : memref<1024x1024xbf16, #tpu.memory_space<vmem>>, vector<1024x256xbf16>
    tpu.vector_store %arg15[%swap3A_590, %swap3A_591], %convert_element_type3A_589 {strides = array<i32>} : memref<1024x1024xbf16, #tpu.memory_space<vmem>>, vector<1024x256xbf16>,
    %get3A_593 = arith.constant 0 : index
    %get3A_594 = arith.constant 128 : index
    %get3A_595 = vector.load %arg14[%get3A_593, %get3A_594] : memref<1024x512xbf16, #tpu.memory_space<vmem>>, vector<1024x128xbf16>
    %get3A_596 = arith.constant 1 : index
    %get3A_597 = arith.constant 0 : index
    %get3A_598 = arith.constant 0 : index
    %get3A_599 = vector.load %arg4[%get3A_596, %get3A_597, %get3A_598] : memref<2x128x256xbf16, #tpu.memory_space<vmem>>, vector<1x128x256xbf16>
    %get3A_600 = vector.shape_cast %get3A_599 : vector<1x128x256xbf16> to vector<128x256xbf16>
    %dot_general3A_601 = arith.constant dense<0.000000e+00> : vector<1024x256xf32>
    %dot_general3A_602 = tpu.matmul %get3A_595, %get3A_600, %dot_general3A_601 {dimension_numbers = #tpu.dot_dimension_numbers<[1], [0], [0], [1], [0, 0, 1, 1], [], []>, transpose_lhs_hint = false} : vector<1024x128xbf16>, vector<128x256xbf16>, vector<1024x256xf32> -> vector<1024x256xf32>
    %get3A_603 = arith.constant 1 : index
    %get3A_604 = arith.constant 0 : index
    %get3A_605 = arith.constant 0 : index
    %get3A_606 = vector.load %arg5[%get3A_603, %get3A_604, %get3A_605] : memref<2x1x256xf32, #tpu.memory_space<vmem>>, vector<1x1x256xf32>
    %get3A_607 = vector.shape_cast %get3A_606 : vector<1x1x256xf32> to vector<1x256xf32>
    %add3A_608 = vector.broadcast %get3A_607 : vector<1x256xf32> to vector<1024x256xf32>
    %add3A_609 = arith.addf %dot_general3A_602, %add3A_608 : vector<1024x256xf32>
    %max3A_610 = arith.constant 0.000000e+00 : f32
    %max3A_611 = vector.broadcast %max3A_610 : f32 to vector<1024x256xf32>
    %max3A_612 = arith.maximumf %add3A_609, %max3A_611 : vector<1024x256xf32>
    %convert_element_type3A_613 = arith.truncf %max3A_612 : vector<1024x256xf32> to vector<1024x256xbf16>
    %swap3A_614 = arith.constant 0 : index
    %swap3A_615 = arith.constant 256 : index
    %swap3A_616 = vector.load %arg15[%swap3A_614, %swap3A_615] : memref<1024x1024xbf16, #tpu.memory_space<vmem>>, vector<1024x256xbf16>
    tpu.vector_store %arg15[%swap3A_614, %swap3A_615], %convert_element_type3A_613 {strides = array<i32>} : memref<1024x1024xbf16, #tpu.memory_space<vmem>>, vector<1024x256xbf16>,
    %get3A_617 = arith.constant 0 : index
    %get3A_618 = arith.constant 256 : index
    %get3A_619 = vector.load %arg14[%get3A_617, %get3A_618] : memref<1024x512xbf16, #tpu.memory_space<vmem>>, vector<1024x128xbf16>
    %get3A_620 = arith.constant 1 : index
    %get3A_621 = arith.constant 0 : index
    %get3A_622 = arith.constant 0 : index
    %get3A_623 = vector.load %arg4[%get3A_620, %get3A_621, %get3A_622] : memref<2x128x256xbf16, #tpu.memory_space<vmem>>, vector<1x128x256xbf16>
    %get3A_624 = vector.shape_cast %get3A_623 : vector<1x128x256xbf16> to vector<128x256xbf16>
    %dot_general3A_625 = arith.constant dense<0.000000e+00> : vector<1024x256xf32>
    %dot_general3A_626 = tpu.matmul %get3A_619, %get3A_624, %dot_general3A_625 {dimension_numbers = #tpu.dot_dimension_numbers<[1], [0], [0], [1], [0, 0, 1, 1], [], []>, transpose_lhs_hint = false} : vector<1024x128xbf16>, vector<128x256xbf16>, vector<1024x256xf32> -> vector<1024x256xf32>
    %get3A_627 = arith.constant 1 : index
    %get3A_628 = arith.constant 0 : index
    %get3A_629 = arith.constant 0 : index
    %get3A_630 = vector.load %arg5[%get3A_627, %get3A_628, %get3A_629] : memref<2x1x256xf32, #tpu.memory_space<vmem>>, vector<1x1x256xf32>
    %get3A_631 = vector.shape_cast %get3A_630 : vector<1x1x256xf32> to vector<1x256xf32>
    %add3A_632 = vector.broadcast %get3A_631 : vector<1x256xf32> to vector<1024x256xf32>
    %add3A_633 = arith.addf %dot_general3A_626, %add3A_632 : vector<1024x256xf32>
    %max3A_634 = arith.constant 0.000000e+00 : f32
    %max3A_635 = vector.broadcast %max3A_634 : f32 to vector<1024x256xf32>
    %max3A_636 = arith.maximumf %add3A_633, %max3A_635 : vector<1024x256xf32>
    %convert_element_type3A_637 = arith.truncf %max3A_636 : vector<1024x256xf32> to vector<1024x256xbf16>
    %swap3A_638 = arith.constant 0 : index
    %swap3A_639 = arith.constant 512 : index
    %swap3A_640 = vector.load %arg15[%swap3A_638, %swap3A_639] : memref<1024x1024xbf16, #tpu.memory_space<vmem>>, vector<1024x256xbf16>
    tpu.vector_store %arg15[%swap3A_638, %swap3A_639], %convert_element_type3A_637 {strides = array<i32>} : memref<1024x1024xbf16, #tpu.memory_space<vmem>>, vector<1024x256xbf16>,
    %get3A_641 = arith.constant 0 : index
    %get3A_642 = arith.constant 384 : index
    %get3A_643 = vector.load %arg14[%get3A_641, %get3A_642] : memref<1024x512xbf16, #tpu.memory_space<vmem>>, vector<1024x128xbf16>
    %get3A_644 = arith.constant 1 : index
    %get3A_645 = arith.constant 0 : index
    %get3A_646 = arith.constant 0 : index
    %get3A_647 = vector.load %arg4[%get3A_644, %get3A_645, %get3A_646] : memref<2x128x256xbf16, #tpu.memory_space<vmem>>, vector<1x128x256xbf16>
    %get3A_648 = vector.shape_cast %get3A_647 : vector<1x128x256xbf16> to vector<128x256xbf16>
    %dot_general3A_649 = arith.constant dense<0.000000e+00> : vector<1024x256xf32>
    %dot_general3A_650 = tpu.matmul %get3A_643, %get3A_648, %dot_general3A_649 {dimension_numbers = #tpu.dot_dimension_numbers<[1], [0], [0], [1], [0, 0, 1, 1], [], []>, transpose_lhs_hint = false} : vector<1024x128xbf16>, vector<128x256xbf16>, vector<1024x256xf32> -> vector<1024x256xf32>
    %get3A_651 = arith.constant 1 : index
    %get3A_652 = arith.constant 0 : index
    %get3A_653 = arith.constant 0 : index
    %get3A_654 = vector.load %arg5[%get3A_651, %get3A_652, %get3A_653] : memref<2x1x256xf32, #tpu.memory_space<vmem>>, vector<1x1x256xf32>
    %get3A_655 = vector.shape_cast %get3A_654 : vector<1x1x256xf32> to vector<1x256xf32>
    %add3A_656 = vector.broadcast %get3A_655 : vector<1x256xf32> to vector<1024x256xf32>
    %add3A_657 = arith.addf %dot_general3A_650, %add3A_656 : vector<1024x256xf32>
    %max3A_658 = arith.constant 0.000000e+00 : f32
    %max3A_659 = vector.broadcast %max3A_658 : f32 to vector<1024x256xf32>
    %max3A_660 = arith.maximumf %add3A_657, %max3A_659 : vector<1024x256xf32>
    %convert_element_type3A_661 = arith.truncf %max3A_660 : vector<1024x256xf32> to vector<1024x256xbf16>
    %swap3A_662 = arith.constant 0 : index
    %swap3A_663 = arith.constant 768 : index
    %swap3A_664 = vector.load %arg15[%swap3A_662, %swap3A_663] : memref<1024x1024xbf16, #tpu.memory_space<vmem>>, vector<1024x256xbf16>
    tpu.vector_store %arg15[%swap3A_662, %swap3A_663], %convert_element_type3A_661 {strides = array<i32>} : memref<1024x1024xbf16, #tpu.memory_space<vmem>>, vector<1024x256xbf16>,
    %get3A_665 = arith.constant 0 : index
    %get3A_666 = arith.constant 0 : index
    %get3A_667 = vector.load %arg15[%get3A_665, %get3A_666] : memref<1024x1024xbf16, #tpu.memory_space<vmem>>, vector<1024x1024xbf16>
    %dot_general3A_668 = arith.constant dense<0.000000e+00> : vector<1024x1024xf32>
    %dot_general3A_669 = tpu.matmul %get3A_475, %get3A_667, %dot_general3A_668 {dimension_numbers = #tpu.dot_dimension_numbers<[1], [0], [0], [1], [0, 0, 1, 1], [], []>, transpose_lhs_hint = false} : vector<1024x1024xbf16>, vector<1024x1024xbf16>, vector<1024x1024xf32> -> vector<1024x1024xf32>
    %convert_element_type3A_670 = arith.truncf %dot_general3A_669 : vector<1024x1024xf32> to vector<1024x1024xbf16>
    %get3A_671 = arith.constant 0 : index
    %get3A_672 = arith.constant 0 : index
    %get3A_673 = vector.load %arg15[%get3A_671, %get3A_672] : memref<1024x1024xbf16, #tpu.memory_space<vmem>>, vector<1024x1024xbf16>
    %add3A_674 = arith.addf %convert_element_type3A_670, %get3A_673 : vector<1024x1024xbf16>
    %swap3A_675 = arith.constant 0 : index
    %swap3A_676 = arith.constant 0 : index
    %swap3A_677 = vector.load %arg16[%swap3A_675, %swap3A_676] : memref<1024x1024xbf16, #tpu.memory_space<vmem>>, vector<1024x1024xbf16>
    tpu.vector_store %arg16[%swap3A_675, %swap3A_676], %add3A_674 {strides = array<i32>} : memref<1024x1024xbf16, #tpu.memory_space<vmem>>, vector<1024x1024xbf16>,
    %get3A_678 = arith.constant 0 : index
    %get3A_679 = arith.constant 0 : index
    %get3A_680 = vector.load %arg16[%get3A_678, %get3A_679] : memref<1024x1024xbf16, #tpu.memory_space<vmem>>, vector<1024x128xbf16>
    %get3A_681 = arith.constant 0 : index
    %get3A_682 = arith.constant 1 : index
    %get3A_683 = arith.constant 0 : index
    %get3A_684 = arith.constant 0 : index
    %get3A_685 = vector.load %arg6[%get3A_681, %get3A_682, %get3A_683, %get3A_684] : memref<2x2x128x128xbf16, #tpu.memory_space<vmem>>, vector<1x1x128x128xbf16>
    %get3A_686 = vector.shape_cast %get3A_685 : vector<1x1x128x128xbf16> to vector<128x128xbf16>
    %dot_general3A_687 = arith.constant dense<0.000000e+00> : vector<1024x128xf32>
    %dot_general3A_688 = tpu.matmul %get3A_680, %get3A_686, %dot_general3A_687 {dimension_numbers = #tpu.dot_dimension_numbers<[1], [0], [0], [1], [0, 0, 1, 1], [], []>, transpose_lhs_hint = false} : vector<1024x128xbf16>, vector<128x128xbf16>, vector<1024x128xf32> -> vector<1024x128xf32>
    %get3A_689 = arith.constant 0 : index
    %get3A_690 = arith.constant 1 : index
    %get3A_691 = arith.constant 0 : index
    %get3A_692 = arith.constant 0 : index
    %get3A_693 = vector.load %arg7[%get3A_689, %get3A_690, %get3A_691, %get3A_692] : memref<2x2x1x128xf32, #tpu.memory_space<vmem>>, vector<1x1x1x128xf32>
    %get3A_694 = vector.shape_cast %get3A_693 : vector<1x1x1x128xf32> to vector<1x128xf32>
    %add3A_695 = vector.broadcast %get3A_694 : vector<1x128xf32> to vector<1024x128xf32>
    %add3A_696 = arith.addf %dot_general3A_688, %add3A_695 : vector<1024x128xf32>
    %max3A_697 = arith.constant 0.000000e+00 : f32
    %max3A_698 = vector.broadcast %max3A_697 : f32 to vector<1024x128xf32>
    %max3A_699 = arith.maximumf %add3A_696, %max3A_698 : vector<1024x128xf32>
    %convert_element_type3A_700 = arith.truncf %max3A_699 : vector<1024x128xf32> to vector<1024x128xbf16>
    %get3A_701 = arith.constant 0 : index
    %get3A_702 = arith.constant 0 : index
    %get3A_703 = arith.constant 0 : index
    %get3A_704 = vector.load %arg9[%get3A_701, %get3A_702, %get3A_703] : memref<2x128x128xbf16, #tpu.memory_space<vmem>>, vector<1x128x128xbf16>
    %get3A_705 = vector.shape_cast %get3A_704 : vector<1x128x128xbf16> to vector<128x128xbf16>
    %dot_general3A_706 = arith.constant dense<0.000000e+00> : vector<1024x128xf32>
    %dot_general3A_707 = tpu.matmul %convert_element_type3A_700, %get3A_705, %dot_general3A_706 {dimension_numbers = #tpu.dot_dimension_numbers<[1], [0], [0], [1], [0, 0, 1, 1], [], []>, transpose_lhs_hint = false} : vector<1024x128xbf16>, vector<128x128xbf16>, vector<1024x128xf32> -> vector<1024x128xf32>
    %get3A_708 = arith.constant 0 : index
    %get3A_709 = arith.constant 128 : index
    %get3A_710 = vector.load %arg16[%get3A_708, %get3A_709] : memref<1024x1024xbf16, #tpu.memory_space<vmem>>, vector<1024x128xbf16>
    %get3A_711 = arith.constant 1 : index
    %get3A_712 = arith.constant 1 : index
    %get3A_713 = arith.constant 0 : index
    %get3A_714 = arith.constant 0 : index
    %get3A_715 = vector.load %arg6[%get3A_711, %get3A_712, %get3A_713, %get3A_714] : memref<2x2x128x128xbf16, #tpu.memory_space<vmem>>, vector<1x1x128x128xbf16>
    %get3A_716 = vector.shape_cast %get3A_715 : vector<1x1x128x128xbf16> to vector<128x128xbf16>
    %dot_general3A_717 = arith.constant dense<0.000000e+00> : vector<1024x128xf32>
    %dot_general3A_718 = tpu.matmul %get3A_710, %get3A_716, %dot_general3A_717 {dimension_numbers = #tpu.dot_dimension_numbers<[1], [0], [0], [1], [0, 0, 1, 1], [], []>, transpose_lhs_hint = false} : vector<1024x128xbf16>, vector<128x128xbf16>, vector<1024x128xf32> -> vector<1024x128xf32>
    %get3A_719 = arith.constant 1 : index
    %get3A_720 = arith.constant 1 : index
    %get3A_721 = arith.constant 0 : index
    %get3A_722 = arith.constant 0 : index
    %get3A_723 = vector.load %arg7[%get3A_719, %get3A_720, %get3A_721, %get3A_722] : memref<2x2x1x128xf32, #tpu.memory_space<vmem>>, vector<1x1x1x128xf32>
    %get3A_724 = vector.shape_cast %get3A_723 : vector<1x1x1x128xf32> to vector<1x128xf32>
    %add3A_725 = vector.broadcast %get3A_724 : vector<1x128xf32> to vector<1024x128xf32>
    %add3A_726 = arith.addf %dot_general3A_718, %add3A_725 : vector<1024x128xf32>
    %max3A_727 = arith.constant 0.000000e+00 : f32
    %max3A_728 = vector.broadcast %max3A_727 : f32 to vector<1024x128xf32>
    %max3A_729 = arith.maximumf %add3A_726, %max3A_728 : vector<1024x128xf32>
    %convert_element_type3A_730 = arith.truncf %max3A_729 : vector<1024x128xf32> to vector<1024x128xbf16>
    %get3A_731 = arith.constant 1 : index
    %get3A_732 = arith.constant 0 : index
    %get3A_733 = arith.constant 0 : index
    %get3A_734 = vector.load %arg9[%get3A_731, %get3A_732, %get3A_733] : memref<2x128x128xbf16, #tpu.memory_space<vmem>>, vector<1x128x128xbf16>
    %get3A_735 = vector.shape_cast %get3A_734 : vector<1x128x128xbf16> to vector<128x128xbf16>
    %dot_general3A_736 = arith.constant dense<0.000000e+00> : vector<1024x128xf32>
    %dot_general3A_737 = tpu.matmul %convert_element_type3A_730, %get3A_735, %dot_general3A_736 {dimension_numbers = #tpu.dot_dimension_numbers<[1], [0], [0], [1], [0, 0, 1, 1], [], []>, transpose_lhs_hint = false} : vector<1024x128xbf16>, vector<128x128xbf16>, vector<1024x128xf32> -> vector<1024x128xf32>
    %add3A_738 = arith.addf %dot_general3A_707, %dot_general3A_737 : vector<1024x128xf32>
    %convert_element_type3A_739 = arith.truncf %add3A_738 : vector<1024x128xf32> to vector<1024x128xbf16>
    %swap3A_740 = arith.constant 0 : index
    %swap3A_741 = arith.constant 0 : index
    %swap3A_742 = vector.load %arg17[%swap3A_740, %swap3A_741] : memref<1024x512xbf16, #tpu.memory_space<vmem>>, vector<1024x128xbf16>
    tpu.vector_store %arg17[%swap3A_740, %swap3A_741], %convert_element_type3A_739 {strides = array<i32>} : memref<1024x512xbf16, #tpu.memory_space<vmem>>, vector<1024x128xbf16>,
    %get3A_743 = arith.constant 0 : index
    %get3A_744 = arith.constant 256 : index
    %get3A_745 = vector.load %arg16[%get3A_743, %get3A_744] : memref<1024x1024xbf16, #tpu.memory_space<vmem>>, vector<1024x128xbf16>
    %get3A_746 = arith.constant 0 : index
    %get3A_747 = arith.constant 1 : index
    %get3A_748 = arith.constant 0 : index
    %get3A_749 = arith.constant 0 : index
    %get3A_750 = vector.load %arg6[%get3A_746, %get3A_747, %get3A_748, %get3A_749] : memref<2x2x128x128xbf16, #tpu.memory_space<vmem>>, vector<1x1x128x128xbf16>
    %get3A_751 = vector.shape_cast %get3A_750 : vector<1x1x128x128xbf16> to vector<128x128xbf16>
    %dot_general3A_752 = arith.constant dense<0.000000e+00> : vector<1024x128xf32>
    %dot_general3A_753 = tpu.matmul %get3A_745, %get3A_751, %dot_general3A_752 {dimension_numbers = #tpu.dot_dimension_numbers<[1], [0], [0], [1], [0, 0, 1, 1], [], []>, transpose_lhs_hint = false} : vector<1024x128xbf16>, vector<128x128xbf16>, vector<1024x128xf32> -> vector<1024x128xf32>
    %get3A_754 = arith.constant 0 : index
    %get3A_755 = arith.constant 1 : index
    %get3A_756 = arith.constant 0 : index
    %get3A_757 = arith.constant 0 : index
    %get3A_758 = vector.load %arg7[%get3A_754, %get3A_755, %get3A_756, %get3A_757] : memref<2x2x1x128xf32, #tpu.memory_space<vmem>>, vector<1x1x1x128xf32>
    %get3A_759 = vector.shape_cast %get3A_758 : vector<1x1x1x128xf32> to vector<1x128xf32>
    %add3A_760 = vector.broadcast %get3A_759 : vector<1x128xf32> to vector<1024x128xf32>
    %add3A_761 = arith.addf %dot_general3A_753, %add3A_760 : vector<1024x128xf32>
    %max3A_762 = arith.constant 0.000000e+00 : f32
    %max3A_763 = vector.broadcast %max3A_762 : f32 to vector<1024x128xf32>
    %max3A_764 = arith.maximumf %add3A_761, %max3A_763 : vector<1024x128xf32>
    %convert_element_type3A_765 = arith.truncf %max3A_764 : vector<1024x128xf32> to vector<1024x128xbf16>
    %get3A_766 = arith.constant 0 : index
    %get3A_767 = arith.constant 0 : index
    %get3A_768 = arith.constant 0 : index
    %get3A_769 = vector.load %arg9[%get3A_766, %get3A_767, %get3A_768] : memref<2x128x128xbf16, #tpu.memory_space<vmem>>, vector<1x128x128xbf16>
    %get3A_770 = vector.shape_cast %get3A_769 : vector<1x128x128xbf16> to vector<128x128xbf16>
    %dot_general3A_771 = arith.constant dense<0.000000e+00> : vector<1024x128xf32>
    %dot_general3A_772 = tpu.matmul %convert_element_type3A_765, %get3A_770, %dot_general3A_771 {dimension_numbers = #tpu.dot_dimension_numbers<[1], [0], [0], [1], [0, 0, 1, 1], [], []>, transpose_lhs_hint = false} : vector<1024x128xbf16>, vector<128x128xbf16>, vector<1024x128xf32> -> vector<1024x128xf32>
    %get3A_773 = arith.constant 0 : index
    %get3A_774 = arith.constant 384 : index
    %get3A_775 = vector.load %arg16[%get3A_773, %get3A_774] : memref<1024x1024xbf16, #tpu.memory_space<vmem>>, vector<1024x128xbf16>
    %get3A_776 = arith.constant 1 : index
    %get3A_777 = arith.constant 1 : index
    %get3A_778 = arith.constant 0 : index
    %get3A_779 = arith.constant 0 : index
    %get3A_780 = vector.load %arg6[%get3A_776, %get3A_777, %get3A_778, %get3A_779] : memref<2x2x128x128xbf16, #tpu.memory_space<vmem>>, vector<1x1x128x128xbf16>
    %get3A_781 = vector.shape_cast %get3A_780 : vector<1x1x128x128xbf16> to vector<128x128xbf16>
    %dot_general3A_782 = arith.constant dense<0.000000e+00> : vector<1024x128xf32>
    %dot_general3A_783 = tpu.matmul %get3A_775, %get3A_781, %dot_general3A_782 {dimension_numbers = #tpu.dot_dimension_numbers<[1], [0], [0], [1], [0, 0, 1, 1], [], []>, transpose_lhs_hint = false} : vector<1024x128xbf16>, vector<128x128xbf16>, vector<1024x128xf32> -> vector<1024x128xf32>
    %get3A_784 = arith.constant 1 : index
    %get3A_785 = arith.constant 1 : index
    %get3A_786 = arith.constant 0 : index
    %get3A_787 = arith.constant 0 : index
    %get3A_788 = vector.load %arg7[%get3A_784, %get3A_785, %get3A_786, %get3A_787] : memref<2x2x1x128xf32, #tpu.memory_space<vmem>>, vector<1x1x1x128xf32>
    %get3A_789 = vector.shape_cast %get3A_788 : vector<1x1x1x128xf32> to vector<1x128xf32>
    %add3A_790 = vector.broadcast %get3A_789 : vector<1x128xf32> to vector<1024x128xf32>
    %add3A_791 = arith.addf %dot_general3A_783, %add3A_790 : vector<1024x128xf32>
    %max3A_792 = arith.constant 0.000000e+00 : f32
    %max3A_793 = vector.broadcast %max3A_792 : f32 to vector<1024x128xf32>
    %max3A_794 = arith.maximumf %add3A_791, %max3A_793 : vector<1024x128xf32>
    %convert_element_type3A_795 = arith.truncf %max3A_794 : vector<1024x128xf32> to vector<1024x128xbf16>
    %get3A_796 = arith.constant 1 : index
    %get3A_797 = arith.constant 0 : index
    %get3A_798 = arith.constant 0 : index
    %get3A_799 = vector.load %arg9[%get3A_796, %get3A_797, %get3A_798] : memref<2x128x128xbf16, #tpu.memory_space<vmem>>, vector<1x128x128xbf16>
    %get3A_800 = vector.shape_cast %get3A_799 : vector<1x128x128xbf16> to vector<128x128xbf16>
    %dot_general3A_801 = arith.constant dense<0.000000e+00> : vector<1024x128xf32>
    %dot_general3A_802 = tpu.matmul %convert_element_type3A_795, %get3A_800, %dot_general3A_801 {dimension_numbers = #tpu.dot_dimension_numbers<[1], [0], [0], [1], [0, 0, 1, 1], [], []>, transpose_lhs_hint = false} : vector<1024x128xbf16>, vector<128x128xbf16>, vector<1024x128xf32> -> vector<1024x128xf32>
    %add3A_803 = arith.addf %dot_general3A_772, %dot_general3A_802 : vector<1024x128xf32>
    %convert_element_type3A_804 = arith.truncf %add3A_803 : vector<1024x128xf32> to vector<1024x128xbf16>
    %swap3A_805 = arith.constant 0 : index
    %swap3A_806 = arith.constant 128 : index
    %swap3A_807 = vector.load %arg17[%swap3A_805, %swap3A_806] : memref<1024x512xbf16, #tpu.memory_space<vmem>>, vector<1024x128xbf16>
    tpu.vector_store %arg17[%swap3A_805, %swap3A_806], %convert_element_type3A_804 {strides = array<i32>} : memref<1024x512xbf16, #tpu.memory_space<vmem>>, vector<1024x128xbf16>,
    %get3A_808 = arith.constant 0 : index
    %get3A_809 = arith.constant 512 : index
    %get3A_810 = vector.load %arg16[%get3A_808, %get3A_809] : memref<1024x1024xbf16, #tpu.memory_space<vmem>>, vector<1024x128xbf16>
    %get3A_811 = arith.constant 0 : index
    %get3A_812 = arith.constant 1 : index
    %get3A_813 = arith.constant 0 : index
    %get3A_814 = arith.constant 0 : index
    %get3A_815 = vector.load %arg6[%get3A_811, %get3A_812, %get3A_813, %get3A_814] : memref<2x2x128x128xbf16, #tpu.memory_space<vmem>>, vector<1x1x128x128xbf16>
    %get3A_816 = vector.shape_cast %get3A_815 : vector<1x1x128x128xbf16> to vector<128x128xbf16>
    %dot_general3A_817 = arith.constant dense<0.000000e+00> : vector<1024x128xf32>
    %dot_general3A_818 = tpu.matmul %get3A_810, %get3A_816, %dot_general3A_817 {dimension_numbers = #tpu.dot_dimension_numbers<[1], [0], [0], [1], [0, 0, 1, 1], [], []>, transpose_lhs_hint = false} : vector<1024x128xbf16>, vector<128x128xbf16>, vector<1024x128xf32> -> vector<1024x128xf32>
    %get3A_819 = arith.constant 0 : index
    %get3A_820 = arith.constant 1 : index
    %get3A_821 = arith.constant 0 : index
    %get3A_822 = arith.constant 0 : index
    %get3A_823 = vector.load %arg7[%get3A_819, %get3A_820, %get3A_821, %get3A_822] : memref<2x2x1x128xf32, #tpu.memory_space<vmem>>, vector<1x1x1x128xf32>
    %get3A_824 = vector.shape_cast %get3A_823 : vector<1x1x1x128xf32> to vector<1x128xf32>
    %add3A_825 = vector.broadcast %get3A_824 : vector<1x128xf32> to vector<1024x128xf32>
    %add3A_826 = arith.addf %dot_general3A_818, %add3A_825 : vector<1024x128xf32>
    %max3A_827 = arith.constant 0.000000e+00 : f32
    %max3A_828 = vector.broadcast %max3A_827 : f32 to vector<1024x128xf32>
    %max3A_829 = arith.maximumf %add3A_826, %max3A_828 : vector<1024x128xf32>
    %convert_element_type3A_830 = arith.truncf %max3A_829 : vector<1024x128xf32> to vector<1024x128xbf16>
    %get3A_831 = arith.constant 0 : index
    %get3A_832 = arith.constant 0 : index
    %get3A_833 = arith.constant 0 : index
    %get3A_834 = vector.load %arg9[%get3A_831, %get3A_832, %get3A_833] : memref<2x128x128xbf16, #tpu.memory_space<vmem>>, vector<1x128x128xbf16>
    %get3A_835 = vector.shape_cast %get3A_834 : vector<1x128x128xbf16> to vector<128x128xbf16>
    %dot_general3A_836 = arith.constant dense<0.000000e+00> : vector<1024x128xf32>
    %dot_general3A_837 = tpu.matmul %convert_element_type3A_830, %get3A_835, %dot_general3A_836 {dimension_numbers = #tpu.dot_dimension_numbers<[1], [0], [0], [1], [0, 0, 1, 1], [], []>, transpose_lhs_hint = false} : vector<1024x128xbf16>, vector<128x128xbf16>, vector<1024x128xf32> -> vector<1024x128xf32>
    %get3A_838 = arith.constant 0 : index
    %get3A_839 = arith.constant 640 : index
    %get3A_840 = vector.load %arg16[%get3A_838, %get3A_839] : memref<1024x1024xbf16, #tpu.memory_space<vmem>>, vector<1024x128xbf16>
    %get3A_841 = arith.constant 1 : index
    %get3A_842 = arith.constant 1 : index
    %get3A_843 = arith.constant 0 : index
    %get3A_844 = arith.constant 0 : index
    %get3A_845 = vector.load %arg6[%get3A_841, %get3A_842, %get3A_843, %get3A_844] : memref<2x2x128x128xbf16, #tpu.memory_space<vmem>>, vector<1x1x128x128xbf16>
    %get3A_846 = vector.shape_cast %get3A_845 : vector<1x1x128x128xbf16> to vector<128x128xbf16>
    %dot_general3A_847 = arith.constant dense<0.000000e+00> : vector<1024x128xf32>
    %dot_general3A_848 = tpu.matmul %get3A_840, %get3A_846, %dot_general3A_847 {dimension_numbers = #tpu.dot_dimension_numbers<[1], [0], [0], [1], [0, 0, 1, 1], [], []>, transpose_lhs_hint = false} : vector<1024x128xbf16>, vector<128x128xbf16>, vector<1024x128xf32> -> vector<1024x128xf32>
    %get3A_849 = arith.constant 1 : index
    %get3A_850 = arith.constant 1 : index
    %get3A_851 = arith.constant 0 : index
    %get3A_852 = arith.constant 0 : index
    %get3A_853 = vector.load %arg7[%get3A_849, %get3A_850, %get3A_851, %get3A_852] : memref<2x2x1x128xf32, #tpu.memory_space<vmem>>, vector<1x1x1x128xf32>
    %get3A_854 = vector.shape_cast %get3A_853 : vector<1x1x1x128xf32> to vector<1x128xf32>
    %add3A_855 = vector.broadcast %get3A_854 : vector<1x128xf32> to vector<1024x128xf32>
    %add3A_856 = arith.addf %dot_general3A_848, %add3A_855 : vector<1024x128xf32>
    %max3A_857 = arith.constant 0.000000e+00 : f32
    %max3A_858 = vector.broadcast %max3A_857 : f32 to vector<1024x128xf32>
    %max3A_859 = arith.maximumf %add3A_856, %max3A_858 : vector<1024x128xf32>
    %convert_element_type3A_860 = arith.truncf %max3A_859 : vector<1024x128xf32> to vector<1024x128xbf16>
    %get3A_861 = arith.constant 1 : index
    %get3A_862 = arith.constant 0 : index
    %get3A_863 = arith.constant 0 : index
    %get3A_864 = vector.load %arg9[%get3A_861, %get3A_862, %get3A_863] : memref<2x128x128xbf16, #tpu.memory_space<vmem>>, vector<1x128x128xbf16>
    %get3A_865 = vector.shape_cast %get3A_864 : vector<1x128x128xbf16> to vector<128x128xbf16>
    %dot_general3A_866 = arith.constant dense<0.000000e+00> : vector<1024x128xf32>
    %dot_general3A_867 = tpu.matmul %convert_element_type3A_860, %get3A_865, %dot_general3A_866 {dimension_numbers = #tpu.dot_dimension_numbers<[1], [0], [0], [1], [0, 0, 1, 1], [], []>, transpose_lhs_hint = false} : vector<1024x128xbf16>, vector<128x128xbf16>, vector<1024x128xf32> -> vector<1024x128xf32>
    %add3A_868 = arith.addf %dot_general3A_837, %dot_general3A_867 : vector<1024x128xf32>
    %convert_element_type3A_869 = arith.truncf %add3A_868 : vector<1024x128xf32> to vector<1024x128xbf16>
    %swap3A_870 = arith.constant 0 : index
    %swap3A_871 = arith.constant 256 : index
    %swap3A_872 = vector.load %arg17[%swap3A_870, %swap3A_871] : memref<1024x512xbf16, #tpu.memory_space<vmem>>, vector<1024x128xbf16>
    tpu.vector_store %arg17[%swap3A_870, %swap3A_871], %convert_element_type3A_869 {strides = array<i32>} : memref<1024x512xbf16, #tpu.memory_space<vmem>>, vector<1024x128xbf16>,
    %get3A_873 = arith.constant 0 : index
    %get3A_874 = arith.constant 768 : index
    %get3A_875 = vector.load %arg16[%get3A_873, %get3A_874] : memref<1024x1024xbf16, #tpu.memory_space<vmem>>, vector<1024x128xbf16>
    %get3A_876 = arith.constant 0 : index
    %get3A_877 = arith.constant 1 : index
    %get3A_878 = arith.constant 0 : index
    %get3A_879 = arith.constant 0 : index
    %get3A_880 = vector.load %arg6[%get3A_876, %get3A_877, %get3A_878, %get3A_879] : memref<2x2x128x128xbf16, #tpu.memory_space<vmem>>, vector<1x1x128x128xbf16>
    %get3A_881 = vector.shape_cast %get3A_880 : vector<1x1x128x128xbf16> to vector<128x128xbf16>
    %dot_general3A_882 = arith.constant dense<0.000000e+00> : vector<1024x128xf32>
    %dot_general3A_883 = tpu.matmul %get3A_875, %get3A_881, %dot_general3A_882 {dimension_numbers = #tpu.dot_dimension_numbers<[1], [0], [0], [1], [0, 0, 1, 1], [], []>, transpose_lhs_hint = false} : vector<1024x128xbf16>, vector<128x128xbf16>, vector<1024x128xf32> -> vector<1024x128xf32>
    %get3A_884 = arith.constant 0 : index
    %get3A_885 = arith.constant 1 : index
    %get3A_886 = arith.constant 0 : index
    %get3A_887 = arith.constant 0 : index
    %get3A_888 = vector.load %arg7[%get3A_884, %get3A_885, %get3A_886, %get3A_887] : memref<2x2x1x128xf32, #tpu.memory_space<vmem>>, vector<1x1x1x128xf32>
    %get3A_889 = vector.shape_cast %get3A_888 : vector<1x1x1x128xf32> to vector<1x128xf32>
    %add3A_890 = vector.broadcast %get3A_889 : vector<1x128xf32> to vector<1024x128xf32>
    %add3A_891 = arith.addf %dot_general3A_883, %add3A_890 : vector<1024x128xf32>
    %max3A_892 = arith.constant 0.000000e+00 : f32
    %max3A_893 = vector.broadcast %max3A_892 : f32 to vector<1024x128xf32>
    %max3A_894 = arith.maximumf %add3A_891, %max3A_893 : vector<1024x128xf32>
    %convert_element_type3A_895 = arith.truncf %max3A_894 : vector<1024x128xf32> to vector<1024x128xbf16>
    %get3A_896 = arith.constant 0 : index
    %get3A_897 = arith.constant 0 : index
    %get3A_898 = arith.constant 0 : index
    %get3A_899 = vector.load %arg9[%get3A_896, %get3A_897, %get3A_898] : memref<2x128x128xbf16, #tpu.memory_space<vmem>>, vector<1x128x128xbf16>
    %get3A_900 = vector.shape_cast %get3A_899 : vector<1x128x128xbf16> to vector<128x128xbf16>
    %dot_general3A_901 = arith.constant dense<0.000000e+00> : vector<1024x128xf32>
    %dot_general3A_902 = tpu.matmul %convert_element_type3A_895, %get3A_900, %dot_general3A_901 {dimension_numbers = #tpu.dot_dimension_numbers<[1], [0], [0], [1], [0, 0, 1, 1], [], []>, transpose_lhs_hint = false} : vector<1024x128xbf16>, vector<128x128xbf16>, vector<1024x128xf32> -> vector<1024x128xf32>
    %get3A_903 = arith.constant 0 : index
    %get3A_904 = arith.constant 896 : index
    %get3A_905 = vector.load %arg16[%get3A_903, %get3A_904] : memref<1024x1024xbf16, #tpu.memory_space<vmem>>, vector<1024x128xbf16>
    %get3A_906 = arith.constant 1 : index
    %get3A_907 = arith.constant 1 : index
    %get3A_908 = arith.constant 0 : index
    %get3A_909 = arith.constant 0 : index
    %get3A_910 = vector.load %arg6[%get3A_906, %get3A_907, %get3A_908, %get3A_909] : memref<2x2x128x128xbf16, #tpu.memory_space<vmem>>, vector<1x1x128x128xbf16>
    %get3A_911 = vector.shape_cast %get3A_910 : vector<1x1x128x128xbf16> to vector<128x128xbf16>
    %dot_general3A_912 = arith.constant dense<0.000000e+00> : vector<1024x128xf32>
    %dot_general3A_913 = tpu.matmul %get3A_905, %get3A_911, %dot_general3A_912 {dimension_numbers = #tpu.dot_dimension_numbers<[1], [0], [0], [1], [0, 0, 1, 1], [], []>, transpose_lhs_hint = false} : vector<1024x128xbf16>, vector<128x128xbf16>, vector<1024x128xf32> -> vector<1024x128xf32>
    %get3A_914 = arith.constant 1 : index
    %get3A_915 = arith.constant 1 : index
    %get3A_916 = arith.constant 0 : index
    %get3A_917 = arith.constant 0 : index
    %get3A_918 = vector.load %arg7[%get3A_914, %get3A_915, %get3A_916, %get3A_917] : memref<2x2x1x128xf32, #tpu.memory_space<vmem>>, vector<1x1x1x128xf32>
    %get3A_919 = vector.shape_cast %get3A_918 : vector<1x1x1x128xf32> to vector<1x128xf32>
    %add3A_920 = vector.broadcast %get3A_919 : vector<1x128xf32> to vector<1024x128xf32>
    %add3A_921 = arith.addf %dot_general3A_913, %add3A_920 : vector<1024x128xf32>
    %max3A_922 = arith.constant 0.000000e+00 : f32
    %max3A_923 = vector.broadcast %max3A_922 : f32 to vector<1024x128xf32>
    %max3A_924 = arith.maximumf %add3A_921, %max3A_923 : vector<1024x128xf32>
    %convert_element_type3A_925 = arith.truncf %max3A_924 : vector<1024x128xf32> to vector<1024x128xbf16>
    %get3A_926 = arith.constant 1 : index
    %get3A_927 = arith.constant 0 : index
    %get3A_928 = arith.constant 0 : index
    %get3A_929 = vector.load %arg9[%get3A_926, %get3A_927, %get3A_928] : memref<2x128x128xbf16, #tpu.memory_space<vmem>>, vector<1x128x128xbf16>
    %get3A_930 = vector.shape_cast %get3A_929 : vector<1x128x128xbf16> to vector<128x128xbf16>
    %dot_general3A_931 = arith.constant dense<0.000000e+00> : vector<1024x128xf32>
    %dot_general3A_932 = tpu.matmul %convert_element_type3A_925, %get3A_930, %dot_general3A_931 {dimension_numbers = #tpu.dot_dimension_numbers<[1], [0], [0], [1], [0, 0, 1, 1], [], []>, transpose_lhs_hint = false} : vector<1024x128xbf16>, vector<128x128xbf16>, vector<1024x128xf32> -> vector<1024x128xf32>
    %add3A_933 = arith.addf %dot_general3A_902, %dot_general3A_932 : vector<1024x128xf32>
    %convert_element_type3A_934 = arith.truncf %add3A_933 : vector<1024x128xf32> to vector<1024x128xbf16>
    %swap3A_935 = arith.constant 0 : index
    %swap3A_936 = arith.constant 384 : index
    %swap3A_937 = vector.load %arg17[%swap3A_935, %swap3A_936] : memref<1024x512xbf16, #tpu.memory_space<vmem>>, vector<1024x128xbf16>
    tpu.vector_store %arg17[%swap3A_935, %swap3A_936], %convert_element_type3A_934 {strides = array<i32>} : memref<1024x512xbf16, #tpu.memory_space<vmem>>, vector<1024x128xbf16>,
    %get3A_938 = arith.constant 0 : index
    %get3A_939 = arith.constant 1024 : index
    %get3A_940 = vector.load %arg8[%get3A_938, %get3A_939] : memref<1024x2048xbf16, #tpu.memory_space<vmem>>, vector<1024x1024xbf16>
    %get3A_941 = arith.constant 0 : index
    %get3A_942 = arith.constant 0 : index
    %get3A_943 = vector.load %arg17[%get3A_941, %get3A_942] : memref<1024x512xbf16, #tpu.memory_space<vmem>>, vector<1024x512xbf16>
    %dot_general3A_944 = arith.constant dense<0.000000e+00> : vector<1024x512xf32>
    %dot_general3A_945 = tpu.matmul %get3A_940, %get3A_943, %dot_general3A_944 {dimension_numbers = #tpu.dot_dimension_numbers<[1], [0], [0], [1], [0, 0, 1, 1], [], []>, transpose_lhs_hint = false} : vector<1024x1024xbf16>, vector<1024x512xbf16>, vector<1024x512xf32> -> vector<1024x512xf32>
    %add3A_946 = arith.addf %dot_general3A_470, %dot_general3A_945 : vector<1024x512xf32>
    %slice3A_947 = vector.extract_strided_slice %add3A_946 {offsets = [0, 0], sizes = [1024, 128], strides = [1, 1]} : vector<1024x512xf32> to vector<1024x128xf32>
    %get3A_948 = arith.constant 0 : index
    %get3A_949 = arith.constant 0 : index
    %get3A_950 = vector.load %arg10[%get3A_948, %get3A_949] : memref<1024x128xf32, #tpu.memory_space<vmem>>, vector<1024x128xf32>
    %add3A_951 = arith.addf %slice3A_947, %get3A_950 : vector<1024x128xf32>
    %swap3A_952 = arith.constant 0 : index
    %swap3A_953 = arith.constant 0 : index
    %swap3A_954 = arith.constant 0 : index
    %swap3A_955 = arith.constant 0 : index
    %swap3A_956 = vector.load %arg11[%swap3A_952, %swap3A_953, %swap3A_954, %swap3A_955] : memref<4x1x1024x128xf32, #tpu.memory_space<vmem>>, vector<1x1x1024x128xf32>
    %swap3A_957 = vector.shape_cast %swap3A_956 : vector<1x1x1024x128xf32> to vector<1024x128xf32>
    %swap3A_958 = vector.shape_cast %add3A_951 : vector<1024x128xf32> to vector<1x1x1024x128xf32>
    tpu.vector_store %arg11[%swap3A_952, %swap3A_953, %swap3A_954, %swap3A_955], %swap3A_958 {strides = array<i32>} : memref<4x1x1024x128xf32, #tpu.memory_space<vmem>>, vector<1x1x1024x128xf32>,
    %slice3A_959 = vector.extract_strided_slice %add3A_946 {offsets = [0, 128], sizes = [1024, 128], strides = [1, 1]} : vector<1024x512xf32> to vector<1024x128xf32>
    %get3A_960 = arith.constant 0 : index
    %get3A_961 = arith.constant 0 : index
    %get3A_962 = vector.load %arg10[%get3A_960, %get3A_961] : memref<1024x128xf32, #tpu.memory_space<vmem>>, vector<1024x128xf32>
    %add3A_963 = arith.addf %slice3A_959, %get3A_962 : vector<1024x128xf32>
    %swap3A_964 = arith.constant 1 : index
    %swap3A_965 = arith.constant 0 : index
    %swap3A_966 = arith.constant 0 : index
    %swap3A_967 = arith.constant 0 : index
    %swap3A_968 = vector.load %arg11[%swap3A_964, %swap3A_965, %swap3A_966, %swap3A_967] : memref<4x1x1024x128xf32, #tpu.memory_space<vmem>>, vector<1x1x1024x128xf32>
    %swap3A_969 = vector.shape_cast %swap3A_968 : vector<1x1x1024x128xf32> to vector<1024x128xf32>
    %swap3A_970 = vector.shape_cast %add3A_963 : vector<1024x128xf32> to vector<1x1x1024x128xf32>
    tpu.vector_store %arg11[%swap3A_964, %swap3A_965, %swap3A_966, %swap3A_967], %swap3A_970 {strides = array<i32>} : memref<4x1x1024x128xf32, #tpu.memory_space<vmem>>, vector<1x1x1024x128xf32>,
    %slice3A_971 = vector.extract_strided_slice %add3A_946 {offsets = [0, 256], sizes = [1024, 128], strides = [1, 1]} : vector<1024x512xf32> to vector<1024x128xf32>
    %get3A_972 = arith.constant 0 : index
    %get3A_973 = arith.constant 0 : index
    %get3A_974 = vector.load %arg10[%get3A_972, %get3A_973] : memref<1024x128xf32, #tpu.memory_space<vmem>>, vector<1024x128xf32>
    %add3A_975 = arith.addf %slice3A_971, %get3A_974 : vector<1024x128xf32>
    %swap3A_976 = arith.constant 2 : index
    %swap3A_977 = arith.constant 0 : index
    %swap3A_978 = arith.constant 0 : index
    %swap3A_979 = arith.constant 0 : index
    %swap3A_980 = vector.load %arg11[%swap3A_976, %swap3A_977, %swap3A_978, %swap3A_979] : memref<4x1x1024x128xf32, #tpu.memory_space<vmem>>, vector<1x1x1024x128xf32>
    %swap3A_981 = vector.shape_cast %swap3A_980 : vector<1x1x1024x128xf32> to vector<1024x128xf32>
    %swap3A_982 = vector.shape_cast %add3A_975 : vector<1024x128xf32> to vector<1x1x1024x128xf32>
    tpu.vector_store %arg11[%swap3A_976, %swap3A_977, %swap3A_978, %swap3A_979], %swap3A_982 {strides = array<i32>} : memref<4x1x1024x128xf32, #tpu.memory_space<vmem>>, vector<1x1x1024x128xf32>,
    %slice3A_983 = vector.extract_strided_slice %add3A_946 {offsets = [0, 384], sizes = [1024, 128], strides = [1, 1]} : vector<1024x512xf32> to vector<1024x128xf32>
    %get3A_984 = arith.constant 0 : index
    %get3A_985 = arith.constant 0 : index
    %get3A_986 = vector.load %arg10[%get3A_984, %get3A_985] : memref<1024x128xf32, #tpu.memory_space<vmem>>, vector<1024x128xf32>
    %add3A_987 = arith.addf %slice3A_983, %get3A_986 : vector<1024x128xf32>
    %swap3A_988 = arith.constant 3 : index
    %swap3A_989 = arith.constant 0 : index
    %swap3A_990 = arith.constant 0 : index
    %swap3A_991 = arith.constant 0 : index
    %swap3A_992 = vector.load %arg11[%swap3A_988, %swap3A_989, %swap3A_990, %swap3A_991] : memref<4x1x1024x128xf32, #tpu.memory_space<vmem>>, vector<1x1x1024x128xf32>
    %swap3A_993 = vector.shape_cast %swap3A_992 : vector<1x1x1024x128xf32> to vector<1024x128xf32>
    %swap3A_994 = vector.shape_cast %add3A_987 : vector<1024x128xf32> to vector<1x1x1024x128xf32>
    tpu.vector_store %arg11[%swap3A_988, %swap3A_989, %swap3A_990, %swap3A_991], %swap3A_994 {strides = array<i32>} : memref<4x1x1024x128xf32, #tpu.memory_space<vmem>>, vector<1x1x1024x128xf32>,
    return
  }
  func.func @transform_0(%arg0: i32) -> (i32, i32, i32, i32) {
    %c0_i32 = arith.constant 0 : i32
    %c0_i32_0 = arith.constant 0 : i32
    %c0_i32_1 = arith.constant 0 : i32
    %c0_i32_2 = arith.constant 0 : i32
    return %c0_i32, %arg0, %c0_i32_0, %c0_i32_1 : i32, i32, i32, i32
  }
  func.func @transform_1(%arg0: i32) -> (i32, i32, i32) {
    %c0_i32 = arith.constant 0 : i32
    %c0_i32_0 = arith.constant 0 : i32
    %c0_i32_1 = arith.constant 0 : i32
    %c0_i32_2 = arith.constant 0 : i32
    return %c0_i32, %c0_i32_0, %c0_i32_1 : i32, i32, i32
  }
  func.func @transform_2(%arg0: i32) -> (i32, i32, i32) {
    %c0_i32 = arith.constant 0 : i32
    %c0_i32_0 = arith.constant 0 : i32
    %c0_i32_1 = arith.constant 0 : i32
    %c0_i32_2 = arith.constant 0 : i32
    return %c0_i32, %c0_i32_0, %c0_i32_1 : i32, i32, i32
  }
  func.func @transform_3(%arg0: i32) -> (i32, i32, i32) {
    %c0_i32 = arith.constant 0 : i32
    %c0_i32_0 = arith.constant 0 : i32
    %c0_i32_1 = arith.constant 0 : i32
    %c0_i32_2 = arith.constant 0 : i32
    return %c0_i32, %c0_i32_0, %c0_i32_1 : i32, i32, i32
  }
  func.func @transform_4(%arg0: i32) -> (i32, i32, i32) {
    %c0_i32 = arith.constant 0 : i32
    %c0_i32_0 = arith.constant 0 : i32
    %c0_i32_1 = arith.constant 0 : i32
    %c0_i32_2 = arith.constant 0 : i32
    return %c0_i32, %c0_i32_0, %c0_i32_1 : i32, i32, i32
  }
  func.func @transform_5(%arg0: i32) -> (i32, i32, i32, i32) {
    %c0_i32 = arith.constant 0 : i32
    %c0_i32_0 = arith.constant 0 : i32
    %c0_i32_1 = arith.constant 0 : i32
    %c0_i32_2 = arith.constant 0 : i32
    %c0_i32_3 = arith.constant 0 : i32
    return %c0_i32, %c0_i32_0, %c0_i32_1, %c0_i32_2 : i32, i32, i32, i32
  }
  func.func @transform_6(%arg0: i32) -> (i32, i32, i32, i32) {
    %c0_i32 = arith.constant 0 : i32
    %c0_i32_0 = arith.constant 0 : i32
    %c0_i32_1 = arith.constant 0 : i32
    %c0_i32_2 = arith.constant 0 : i32
    %c0_i32_3 = arith.constant 0 : i32
    return %c0_i32, %c0_i32_0, %c0_i32_1, %c0_i32_2 : i32, i32, i32, i32
  }
  func.func @transform_7(%arg0: i32) -> (i32, i32) {
    %c0_i32 = arith.constant 0 : i32
    %c0_i32_0 = arith.constant 0 : i32
    %c0_i32_1 = arith.constant 0 : i32
    return %c0_i32, %c0_i32_0 : i32, i32
  }
  func.func @transform_8(%arg0: i32) -> (i32, i32, i32) {
    %c0_i32 = arith.constant 0 : i32
    %c0_i32_0 = arith.constant 0 : i32
    %c0_i32_1 = arith.constant 0 : i32
    %c0_i32_2 = arith.constant 0 : i32
    return %c0_i32, %c0_i32_0, %c0_i32_1 : i32, i32, i32
  }
  func.func @transform_9(%arg0: i32) -> (i32, i32) {
    %c0_i32 = arith.constant 0 : i32
    %c0_i32_0 = arith.constant 0 : i32
    %c0_i32_1 = arith.constant 0 : i32
    return %c0_i32, %c0_i32_0 : i32, i32
  }
  func.func @transform_10(%arg0: i32) -> (i32, i32, i32, i32) {
    %c0_i32 = arith.constant 0 : i32
    %c0_i32_0 = arith.constant 0 : i32
    %c0_i32_1 = arith.constant 0 : i32
    %c0_i32_2 = arith.constant 0 : i32
    return %c0_i32, %arg0, %c0_i32_0, %c0_i32_1 : i32, i32, i32, i32
  }
}

</mosaic_0001>

<sc_bundles>
// kernel: kernel.4.cloned.1.call-start
scs
__scs_entry_jumppad:
0x0: {  	(pc) =	sbr.rel $0x88, $3  }
0x1: {  	(tag) =	ssettag $0x0;
	lr =	simm.s32 $0x1  }
0x2: {  	[smem:$0x3F98] =	sst lr;
	_ =	strace $0xD0000000  }
0x3: {  	_ = 	snop  }
0x4: {  	_ = 	snop  }
0x5: {  	_ = 	snop  }
0x6: {  	_ = 	snop  }
0x7: {  	_ = 	snop  }
__scs_overlays_trampoline_lowered:
0x8: {  	[smem:$0x3FA7] =	sst s0  }
0x9: {  	[smem:$0x3FA8] =	sst s1  }
0xa: {  	[smem:$0x3FA9] =	sst s2  }
0xb: {  	[smem:$0x3FAA] =	sst s3  }
0xc: {  	[smem:$0x3FAB] =	sst s4  }
0xd: {  	[smem:$0x3FAC] =	sst s5  }
0xe: {  	[smem:$0x3FAD] =	sst s6  }
0xf: {  	[smem:$0x3FAE] =	sst s7  }
0x10: {  	[smem:$0x3FAF] =	sst s8  }
0x11: {  	[smem:$0x3FB0] =	sst s9;
	s0 =	simm.s32 @!p0 $0x0  }
0x12: {  	s1 =	sld [smem:$0x3F96];
	s0 =	simm.s32 @p0 $0x1  }
0x13: {  	[smem:$0x3FB1] =	sst s0;
	s0 =	simm.s32 @!p1 $0x0  }
0x14: {  	s2 =	sld [smem:$0x3F95];
	s0 =	simm.s32 @p1 $0x1  }
0x15: {  	[smem:$0x3FB2] =	sst s0;
	s0 =	simm.s32 @!p2 $0x0  }
0x16: {  	s3 =	sld [smem:$0x3FDB];
	s0 =	simm.s32 @p2 $0x1  }
0x17: {  	s4 =	simm.s32 $0x1BF5;
	[smem:$0x3FB4] =	sst s0  }
0x18: {  	s0 =	sld [smem:$0x3F97];
	_ =	swait.ge [sflag:s4], $0x0  }
0x19: {  	s7 =	sld [smem:$0x3F98]  }
0x1a: {  	s8 =	sadd.s32 $0xFFFFE003, lr  }
0x1b: {  	s9 =	sadd.s32 $0xFFFFFEF7, lr;
	s5 =	simm.s32 $0xFFFFFFFF;
	p2 =	slt.u32 s8, $0xFFFFF086  }
0x1c: {  	p1 =	slt.u32 s9, $0xF7A;
	s5 =	simm.s32 @!p2 $0x0  }
0x1d: {  	s5 =	simm.s32 @p1 $0x1;
	p0 =	seq.s32 s7, s2  }
0x1e: {  	s7 =	smul.u32 @!p0 $0xF7A, s2;
	p2 =	seq.s32 @!p0 s5, $0x0  }
0x1f: {  	s9 =	smul.u32 $0xF7A, s1;
	s8 =	simm.s32 @!p0 $0x1BF5;
	p2 =	por !p2, p0  }
0x20: {  	[sflag:s8] =	ssyncset.s32 @!p0 $0xFFFFF086;
	s6 =	sadd.s32 @!p0 s3, s7;
	s7 =	simm.s32 @!p0 $0x108  }
0x21: {  	s3 =	sadd.s32 s3, s9;
	s6 =	sadd.s32 @!p0 $0x88, s6;
	s7 =	simm.s32 @p2 $0x1082  }
0x22: {  	[simem:s7], [sflag:s8] =	dma.local @!p0 [hbm:s6], $0xF7A  }
0x23: {  	s9 =	sor.u32 $0xD0000000, s2;
	s6 =	simm.s32 $0x108;
	_ =	swait.ge @!p0 [sflag:s8], $0x0  }
0x24: {  	s3 =	sadd.s32 $0x88, s3;
	s6 =	simm.s32 @!p1 $0x1082;
	[sflag:s4] =	ssyncset.s32 $0xFFFFF086  }
0x25: {  	[simem:s6], [sflag:s4] =	dma.local [hbm:s3], $0xF7A  }
0x26: {  	[smem:$0x3F98] =	sst s1;
	(tag) =	ssettag s2;
	_ =	strace s9  }
0x27: {  	s1 =	sld [smem:$0x3FA8]  }
0x28: {  	s2 =	sld [smem:$0x3FA9]  }
0x29: {  	s4 =	sld [smem:$0x3FAB]  }
0x2a: {  	p0 =	seq.s32 s5, $0x0;
	s5 =	sld [smem:$0x3FAC]  }
0x2b: {  	s6 =	sld [smem:$0x3FAD]  }
0x2c: {  	s7 =	sld [smem:$0x3FAE]  }
0x2d: {  	s3 =	simm.s32 $0x108;
	s8 =	sld [smem:$0x3FAF]  }
0x2e: {  	s3 =	simm.s32 @!p0 $0x1082;
	s9 =	sld [smem:$0x3FB0]  }
0x2f: {  	lr =	sadd.s32 s0, s3;
	s0 =	sld [smem:$0x3FA7]  }
0x30: {  	s3 =	sld [smem:$0x3FAA]  }
0x31: {  	[smem:$0x3FB3] =	sst s10  }
0x32: {  	s10 =	sld [smem:$0x3FB1];
	_ =	sdelay $0x3  }
0x33: {  	p0 =	seq.s32 s10, $0x1;
	s10 =	sld [smem:$0x3FB3];
	_ =	sdelay $0x3  }
0x34: {  	[smem:$0x3FB3] =	sst s10  }
0x35: {  	s10 =	sld [smem:$0x3FB2];
	_ =	sdelay $0x3  }
0x36: {  	p1 =	seq.s32 s10, $0x1;
	s10 =	sld [smem:$0x3FB3];
	_ =	sdelay $0x3  }
0x37: {  	[smem:$0x3FB3] =	sst s10  }
0x38: {  	s10 =	sld [smem:$0x3FB4]  }
0x39: {  	_ = 	snop;
	(pc) =	sbr.ind lr, $3  }
0x3a: {  	_ = 	snop  }
0x3b: {  	_ = 	snop  }
0x3c: {  	p2 =	seq.s32 s10, $0x1;
	s10 =	sld [smem:$0x3FB3]  }
0x3d: {  	_ =	shalt  }
0x3e: {  	_ =	shalt  }
0x3f: {  	_ =	shalt  }
0x40: {  	_ =	shalt  }
0x41: {  	_ =	shalt  }
0x42: {  	_ =	shalt  }
0x43: {  	_ =	shalt  }
0x44: {  	_ =	shalt  }
0x45: {  	_ =	shalt  }
0x46: {  	_ =	shalt  }
0x47: {  	_ =	shalt  }
0x48: {  	_ =	shalt  }
0x49: {  	_ =	shalt  }
0x4a: {  	_ =	shalt  }
0x4b: {  	_ =	shalt  }
0x4c: {  	_ =	shalt  }
0x4d: {  	_ =	shalt  }
0x4e: {  	_ =	shalt  }
0x4f: {  	_ =	shalt  }
0x50: {  	_ =	shalt  }
0x51: {  	_ =	shalt  }
0x52: {  	_ =	shalt  }
0x53: {  	_ =	shalt  }
0x54: {  	_ =	shalt  }
0x55: {  	_ =	shalt  }
0x56: {  	_ =	shalt  }
0x57: {  	_ =	shalt  }
0x58: {  	_ =	shalt  }
0x59: {  	_ =	shalt  }
0x5a: {  	_ =	shalt  }
0x5b: {  	_ =	shalt  }
0x5c: {  	_ =	shalt  }
0x5d: {  	_ =	shalt  }
0x5e: {  	_ =	shalt  }
0x5f: {  	_ =	shalt  }
0x60: {  	_ =	shalt  }
0x61: {  	_ =	shalt  }
0x62: {  	_ =	shalt  }
0x63: {  	_ =	shalt  }
0x64: {  	_ =	shalt  }
0x65: {  	_ =	shalt  }
0x66: {  	_ =	shalt  }
0x67: {  	_ =	shalt  }
0x68: {  	_ =	shalt  }
0x69: {  	_ =	shalt  }
0x6a: {  	_ =	shalt  }
0x6b: {  	_ =	shalt  }
0x6c: {  	_ =	shalt  }
0x6d: {  	_ =	shalt  }
0x6e: {  	_ =	shalt  }
0x6f: {  	_ =	shalt  }
0x70: {  	_ =	shalt  }
0x71: {  	_ =	shalt  }
0x72: {  	_ =	shalt  }
0x73: {  	_ =	shalt  }
0x74: {  	_ =	shalt  }
0x75: {  	_ =	shalt  }
0x76: {  	_ =	shalt  }
0x77: {  	_ =	shalt  }
0x78: {  	_ =	shalt  }
0x79: {  	_ =	shalt  }
0x7a: {  	_ =	shalt  }
0x7b: {  	_ =	shalt  }
0x7c: {  	_ =	shalt  }
0x7d: {  	_ =	shalt  }
0x7e: {  	_ =	shalt  }
0x7f: {  	_ =	shalt  }
0x80: {  	_ =	shalt  }
0x81: {  	_ =	shalt  }
0x82: {  	_ =	shalt  }
0x83: {  	_ =	shalt  }
0x84: {  	_ =	shalt  }
0x85: {  	_ =	shalt  }
0x86: {  	_ =	shalt  }
0x87: {  	_ =	shalt  }
.Lfunc_end0:
.L_simem_size_0:
called_computation_lowered:
.L_overlay_start_0:
0x88: {  	s2 =	sld [smem:$0x3FD9]  }
0x89: {  	s3 =	sld [smem:$0x3FFE];
	_ =	sdelay $0x1  }
0x8a: {  	s1 =	srdreg.scid  }
0x8b: {  	s0 =	sand.u32 $0x1, s1  }
0x8c: {  	s17 =	sshll.u32 s0, $0xA;
	s2 =	sadd.s32 s3, s2  }
0x8d: {  	s2 =	sadd.s32 s2, s17  }
0x8e: {  	[smem:$0x3FBF] =	sst s2  }
0x8f: {  	_ = 	snop  }
0x90: {  	s2 =	sld [smem:$0x3FC8]  }
0x91: {  	s18 =	sld [smem:$0x3FC7]  }
0x92: {  	s4 =	sld [smem:$0x3FD0];
	(tm) =	ssettm $0x1  }
0x93: {  	s5 =	sld [smem:$0x3FFB];
	_ =	sdelay $0x3  }
0x94: {  	_ =	strace s5  }
0x95: {  	s5 =	sld [smem:$0x3FFC];
	_ =	sdelay $0x3  }
0x96: {  	_ =	strace s5  }
0x97: {  	s5 =	sld [smem:$0x3FFD];
	_ =	sdelay $0x3  }
0x98: {  	_ =	strace s5  }
0x99: {  	_ =	strace $0x8FFFFFFF  }
0x9a: {  	s19 =	sld [smem:$0x3FDB];
	_ =	sdelay $0x1  }
0x9b: {  	s6 =	simm.s32 $_scs_section_size  }
0x9c: {  	s7 =	simm.s32 $_size__tile_overlayer_lowered;
	s8 =	simm.s32 $_tile_overlayer_lowered  }
0x9d: {  	s22 =	simm.s32 $0x1BFF;
	s21 =	sshll.u32 s8, $0x1;
	s5 =	sadd.s32 s6, s19  }
0x9e: {  	s9 =	simm.s32 $0x0;
	s20 =	sshll.u32 s7, $0x1;
	s7 =	sadd.s32 s21, s5  }
0x9f: {  	[timem:s9], [sflag:s22] =	dma.local [hbm:s7], s20  }
0xa0: {  	_ =	swait.ge [sflag:s22], s20  }
0xa1: {  	s6 =	ssub.s32 $0x0, s20;
	[sflag:s22] =	ssyncset.done $0x0  }
0xa2: {  	[sflag:s22] =	ssyncadd.s32 s6;
	_ =	sdelay $0x1  }
0xa3: {  	s23 =	simm.s32 $0x1B8B  }
0xa4: {  	_ =	swait.ge [sflag:s23], $0x1  }
0xa5: {  	[sflag:s23] =	ssyncset.done $0x0  }
0xa6: {  	s25 =	simm.s32 $0x1B8E;
	s24 =	sld [smem:$0x3FFE];
	[sflag:s23] =	ssyncadd.s32 $0xFFFFFFFF  }
0xa7: {  	s26 =	simm.s32 $execute0_lowered;
	[smem:$0x3FD2] =	sst s25  }
0xa8: {  	s7 =	sshll.u32 s26, $0x1;
	_ =	strace $0x80000046;
	[dreg:$0x1] =	wrdreg $0xFFFFFFFF  }
0xa9: {  	s28 =	simm.s32 $_size_execute0_lowered;
	s5 =	sadd.s32 s5, s7;
	[dreg:$0x0] =	wrdreg $0x0  }
0xaa: {  	s7 =	sshll.u32 s28, $0x1;
	[dreg:$0x2] =	wrdreg s5  }
0xab: {  	[dreg:$0x3] =	wrdreg s7  }
0xac: {  	[dreg:$0x4] =	wrdreg $0xC0  }
0xad: {  	_ =	task [dreg:s9], $0x5FFFF  }
0xae: {  	[dreg:$0x1] =	wrdreg $0xFFFFFFFF  }
0xaf: {  	[dreg:$0x0] =	wrdreg $0x60  }
0xb0: {  	[dreg:$0x2] =	wrdreg s2  }
0xb1: {  	[dreg:$0x3] =	wrdreg s18  }
0xb2: {  	[dreg:$0x4] =	wrdreg s4  }
0xb3: {  	[dreg:$0x5] =	wrdreg s24  }
0xb4: {  	[dreg:$0x6] =	wrdreg $0x30000  }
0xb5: {  	[dreg:$0x7] =	wrdreg $0x9  }
0xb6: {  	_ =	task.clear_ibuf [dreg:s9], $0x8FFFF;
	_ =	strace $0x90000046  }
0xb7: {  	s29 =	simm.s32 $0x9;
	_ =	strace $0x80000048  }
0xb8: {  	_ =	swait.ge [sflag:s29], $0x1  }
0xb9: {  	[sflag:s29] =	ssyncadd.s32 $0xFFFFFFFF  }
0xba: {  	_ =	strace $0x90000048  }
0xbb: {  	_ =	sfence  }
0xbc: {  	s30 =	sld [smem:$0x0];
	_ =	sdelay $0x2  }
0xbd: {  	s31 =	sshll.u32 s1, $0xD;
	s1 =	sshrl.u32 s1, $0x2  }
0xbe: {  	s3 =	sand.u32 $0x4000, s31;
	s1 =	sadd.s32 s1, s30  }
0xbf: {  	s0 =	sor.u32 s3, s0;
	s1 =	sshll.u32 s1, $0x11  }
0xc0: {  	s0 =	sor.u32 s1, s0  }
0xc1: {  	s0 =	sadd.s32 $0x8F2B, s0  }
0xc2: {  	[sflag:s0] =	ssyncadd.remote.s32 $0x1  }
0xc3: {  	_ =	sfence.sel $0xFFFF  }
0xc4: {  	[dreg:$0x0] =	wrdreg $0xFFFFFFFF;
	(pc) =	sbr.abs _section_cstart, $3  }
0xc5: {  	[dreg:$0x1] =	wrdreg $0xFFFFFFFF  }
0xc6: {  	_ =	task.clear_ibuf [dreg:s9], $0x2FFFF;
	_ =	strace $0x9FFFFFFF  }
0xc7: {  	(tm) =	ssettm $0x7FFFFFFF  }
tec
execute0_lowered:
.L_overlay_start_1:
0x0: {  	(tag) =	ssettag $0x1  }
0x1: {  	s3 =	rddreg [dreg:$0x0]  }
0x2: {  	s5 =	rddreg [dreg:$0x1]  }
0x3: {  	s0 =	rddreg [dreg:$0x3]  }
0x4: {  	s9 =	rddreg [dreg:$0x4];
	s2 =	simm.s32 $0x0;
	s1 =	srdreg.scid  }
0x5: {  	s6 =	stileid.u32;
	[smem:$0x7FF] =	sst s2;
	s7 =	sand.u32 $0x1, s1  }
0x6: {  	s11 =	sshll.u32 s6, $0xD;
	s13 =	sshll.u32 s6, $0x9;
	s10 =	sshll.u32 s6, $0x6  }
0x7: {  	_ =	strace $0x80000047;
	s4 =	ssub.s32 $0x2, s7;
	s2 =	sadd.s32 s11, s0  }
0x8: {  	p0 =	seq.s32 s7, $0x1;
	s7 =	sadd.s32 s3, s13;
	[dreg:$0x6] =	wrdreg s10  }
0x9: {  	s14 =	sadd.s32 $0x1600, s2;
	[dreg:$0x7] =	wrdreg s7  }
0xa: {  	s15 =	sadd.s32 $0x1610, s2;
	[dreg:$0x8] =	wrdreg s14  }
0xb: {  	s16 =	sadd.s32 $0x1620, s2;
	[dreg:$0x9] =	wrdreg s15  }
0xc: {  	s17 =	sadd.s32 $0x1630, s2;
	[dreg:$0xa] =	wrdreg s16  }
0xd: {  	s18 =	sadd.s32 $0x1640, s2;
	[dreg:$0xb] =	wrdreg s17  }
0xe: {  	s19 =	sadd.s32 $0x1650, s2;
	[dreg:$0xc] =	wrdreg s18  }
0xf: {  	s20 =	sadd.s32 $0x1660, s2;
	[dreg:$0xd] =	wrdreg s19  }
0x10: {  	s21 =	sadd.s32 $0x1670, s2;
	[dreg:$0xe] =	wrdreg s20  }
0x11: {  	s22 =	sadd.s32 $0x1A00, s2;
	[dreg:$0xf] =	wrdreg s21  }
0x12: {  	s23 =	sadd.s32 $0x1A10, s2;
	[dreg:$0x10] =	wrdreg s22  }
0x13: {  	s8 =	sshll.u32 s6, $0x10;
	s24 =	sadd.s32 $0x1A20, s2;
	[dreg:$0x11] =	wrdreg s23  }
0x14: {  	p1 =	sne.s32 s6, $0x0;
	s25 =	sadd.s32 $0x1A30, s2;
	[dreg:$0x12] =	wrdreg s24  }
0x15: {  	p2 =	seq.s32 s6, $0x0;
	s26 =	sadd.s32 $0x1A40, s2;
	[dreg:$0x13] =	wrdreg s25  }
0x16: {  	s12 =	sshrl.u32 s4, $0x1;
	s11 =	sadd.s32 $0x1A60, s2;
	[dreg:$0x14] =	wrdreg s26  }
0x17: {  	s6 =	sadd.s32 $0x2260, s2;
	s1 =	ssub.s32 s4, s12;
	[dreg:$0x17] =	wrdreg s11  }
0x18: {  	s4 =	sadd.s32 s8, s9;
	s8 =	sadd.s32 $0x1A50, s2;
	[smem:$0x765] =	sst s6  }
0x19: {  	s12 =	sadd.s32 s5, s13;
	s13 =	sadd.s32 $0x1A70, s2;
	[dreg:$0x16] =	wrdreg s8  }
0x1a: {  	s14 =	sadd.s32 $0x1E00, s2;
	[dreg:$0x18] =	wrdreg s13  }
0x1b: {  	s15 =	sadd.s32 $0x1E10, s2;
	[dreg:$0x19] =	wrdreg s14  }
0x1c: {  	s16 =	sadd.s32 $0x1E20, s2;
	[dreg:$0x1a] =	wrdreg s15  }
0x1d: {  	s17 =	sadd.s32 $0x1E30, s2;
	[dreg:$0x1b] =	wrdreg s16  }
0x1e: {  	s18 =	sadd.s32 $0x1E40, s2;
	[dreg:$0x1c] =	wrdreg s17  }
0x1f: {  	s19 =	sadd.s32 $0x1E50, s2;
	[dreg:$0x1d] =	wrdreg s18  }
0x20: {  	s20 =	sadd.s32 $0x1E60, s2;
	[dreg:$0x1e] =	wrdreg s19  }
0x21: {  	s21 =	sadd.s32 $0x1E70, s2;
	[dreg:$0x1f] =	wrdreg s20  }
0x22: {  	s22 =	sadd.s32 $0x2200, s2;
	[smem:$0x75E] =	sst s21  }
0x23: {  	s23 =	sadd.s32 $0x2210, s2;
	[smem:$0x75F] =	sst s22  }
0x24: {  	s24 =	sadd.s32 $0x2220, s2;
	[smem:$0x760] =	sst s23  }
0x25: {  	s25 =	sadd.s32 $0x2230, s2;
	[smem:$0x761] =	sst s24  }
0x26: {  	s26 =	sadd.s32 $0x2240, s2;
	[smem:$0x762] =	sst s25  }
0x27: {  	s5 =	sadd.s32 $0x2250, s2;
	[smem:$0x763] =	sst s26  }
0x28: {  	s11 =	sadd.s32 $0x2600, s2;
	[smem:$0x764] =	sst s5  }
0x29: {  	s6 =	sadd.s32 $0x2E00, s2;
	[smem:$0x767] =	sst s11  }
0x2a: {  	[smem:$0x777] =	sst s6  }
0x2b: {  	s8 =	sadd.s32 $0x2270, s2;
	[dreg:$0x15] =	wrdreg s12  }
0x2c: {  	s13 =	sadd.s32 $0x2610, s2;
	[smem:$0x766] =	sst s8  }
0x2d: {  	s14 =	sadd.s32 $0x2620, s2;
	[smem:$0x768] =	sst s13  }
0x2e: {  	s15 =	sadd.s32 $0x2630, s2;
	[smem:$0x769] =	sst s14  }
0x2f: {  	s16 =	sadd.s32 $0x2640, s2;
	[smem:$0x76A] =	sst s15  }
0x30: {  	s17 =	sadd.s32 $0x2650, s2;
	[smem:$0x76B] =	sst s16  }
0x31: {  	s18 =	sadd.s32 $0x2660, s2;
	[smem:$0x76C] =	sst s17  }
0x32: {  	s19 =	sadd.s32 $0x2670, s2;
	[smem:$0x76D] =	sst s18  }
0x33: {  	s20 =	sadd.s32 $0x2A00, s2;
	[smem:$0x76E] =	sst s19  }
0x34: {  	s21 =	sadd.s32 $0x2A10, s2;
	[smem:$0x76F] =	sst s20  }
0x35: {  	s22 =	sadd.s32 $0x2A20, s2;
	[smem:$0x770] =	sst s21  }
0x36: {  	s23 =	sadd.s32 $0x2A30, s2;
	[smem:$0x771] =	sst s22  }
0x37: {  	s24 =	sadd.s32 $0x2A40, s2;
	[smem:$0x772] =	sst s23  }
0x38: {  	s25 =	sadd.s32 $0x2A50, s2;
	[smem:$0x773] =	sst s24  }
0x39: {  	s26 =	sadd.s32 $0x2A60, s2;
	[smem:$0x774] =	sst s25  }
0x3a: {  	s5 =	sadd.s32 $0x2A70, s2;
	[smem:$0x775] =	sst s26  }
0x3b: {  	s11 =	sadd.s32 $0x2E20, s2;
	[smem:$0x776] =	sst s5  }
0x3c: {  	s6 =	sadd.s32 $0x21620, s2;
	[smem:$0x779] =	sst s11  }
0x3d: {  	s3 =	sadd.s32 $0x100000, s9;
	s9 =	sadd.s32 $0x3000, s4;
	[smem:$0x789] =	sst s6  }
0x3e: {  	s8 =	sadd.s32 $0x2E10, s2;
	[smem:$0x7D8] =	sst s9  }
0x3f: {  	s13 =	sadd.s32 $0x2E30, s2;
	[smem:$0x778] =	sst s8  }
0x40: {  	s14 =	sadd.s32 $0x2E40, s2;
	[smem:$0x77A] =	sst s13  }
0x41: {  	s15 =	sadd.s32 $0x2E50, s2;
	[smem:$0x77B] =	sst s14  }
0x42: {  	s16 =	sadd.s32 $0x2E60, s2;
	[smem:$0x77C] =	sst s15  }
0x43: {  	s17 =	sadd.s32 $0x2E70, s2;
	[smem:$0x77D] =	sst s16  }
0x44: {  	s18 =	sadd.s32 $0x3200, s2;
	[smem:$0x77E] =	sst s17  }
0x45: {  	s19 =	sadd.s32 $0x3210, s2;
	[smem:$0x77F] =	sst s18  }
0x46: {  	s20 =	sadd.s32 $0x3220, s2;
	[smem:$0x780] =	sst s19  }
0x47: {  	s21 =	sadd.s32 $0x3230, s2;
	[smem:$0x781] =	sst s20  }
0x48: {  	s22 =	sadd.s32 $0x3240, s2;
	[smem:$0x782] =	sst s21  }
0x49: {  	s23 =	sadd.s32 $0x3250, s2;
	[smem:$0x783] =	sst s22  }
0x4a: {  	s24 =	sadd.s32 $0x3260, s2;
	[smem:$0x784] =	sst s23  }
0x4b: {  	s25 =	sadd.s32 $0x3270, s2;
	[smem:$0x785] =	sst s24  }
0x4c: {  	s26 =	sadd.s32 $0x21600, s2;
	[smem:$0x786] =	sst s25  }
0x4d: {  	s5 =	sadd.s32 $0x21610, s2;
	[smem:$0x787] =	sst s26  }
0x4e: {  	s11 =	sadd.s32 $0x21640, s2;
	[smem:$0x788] =	sst s5  }
0x4f: {  	s6 =	sadd.s32 $0x21E40, s2;
	[smem:$0x78B] =	sst s11  }
0x50: {  	s9 =	sadd.s32 $0x8C00, s4;
	[smem:$0x79B] =	sst s6  }
0x51: {  	s8 =	sadd.s32 $0x21630, s2;
	[smem:$0x7EF] =	sst s9  }
0x52: {  	s13 =	sadd.s32 $0x21650, s2;
	[smem:$0x78A] =	sst s8  }
0x53: {  	s14 =	sadd.s32 $0x21660, s2;
	[smem:$0x78C] =	sst s13  }
0x54: {  	s15 =	sadd.s32 $0x21670, s2;
	[smem:$0x78D] =	sst s14  }
0x55: {  	s16 =	sadd.s32 $0x21A00, s2;
	[smem:$0x78E] =	sst s15  }
0x56: {  	s17 =	sadd.s32 $0x21A10, s2;
	[smem:$0x78F] =	sst s16  }
0x57: {  	s18 =	sadd.s32 $0x21A20, s2;
	[smem:$0x790] =	sst s17  }
0x58: {  	s19 =	sadd.s32 $0x21A30, s2;
	[smem:$0x791] =	sst s18  }
0x59: {  	s20 =	sadd.s32 $0x21A40, s2;
	[smem:$0x792] =	sst s19  }
0x5a: {  	s21 =	sadd.s32 $0x21A50, s2;
	[smem:$0x793] =	sst s20  }
0x5b: {  	s22 =	sadd.s32 $0x21A60, s2;
	[smem:$0x794] =	sst s21  }
0x5c: {  	s23 =	sadd.s32 $0x21A70, s2;
	[smem:$0x795] =	sst s22  }
0x5d: {  	s24 =	sadd.s32 $0x21E00, s2;
	[smem:$0x796] =	sst s23  }
0x5e: {  	s25 =	sadd.s32 $0x21E10, s2;
	[smem:$0x797] =	sst s24  }
0x5f: {  	s26 =	sadd.s32 $0x21E20, s2;
	[smem:$0x798] =	sst s25  }
0x60: {  	s5 =	sadd.s32 $0x21E30, s2;
	[smem:$0x799] =	sst s26  }
0x61: {  	s11 =	sadd.s32 $0x21E60, s2;
	[smem:$0x79A] =	sst s5  }
0x62: {  	s6 =	sadd.s32 $0x22660, s2;
	[smem:$0x79D] =	sst s11  }
0x63: {  	s8 =	sadd.s32 $0x21E50, s2;
	[smem:$0x7AD] =	sst s6  }
0x64: {  	s13 =	sadd.s32 $0x21E70, s2;
	[smem:$0x79C] =	sst s8  }
0x65: {  	s14 =	sadd.s32 $0x22200, s2;
	[smem:$0x79E] =	sst s13  }
0x66: {  	s15 =	sadd.s32 $0x22210, s2;
	[smem:$0x79F] =	sst s14  }
0x67: {  	s16 =	sadd.s32 $0x22220, s2;
	[smem:$0x7A0] =	sst s15  }
0x68: {  	s17 =	sadd.s32 $0x22230, s2;
	[smem:$0x7A1] =	sst s16  }
0x69: {  	s18 =	sadd.s32 $0x22240, s2;
	[smem:$0x7A2] =	sst s17  }
0x6a: {  	s19 =	sadd.s32 $0x22250, s2;
	[smem:$0x7A3] =	sst s18  }
0x6b: {  	s20 =	sadd.s32 $0x22260, s2;
	[smem:$0x7A4] =	sst s19  }
0x6c: {  	s21 =	sadd.s32 $0x22270, s2;
	[smem:$0x7A5] =	sst s20  }
0x6d: {  	s22 =	sadd.s32 $0x22600, s2;
	[smem:$0x7A6] =	sst s21  }
0x6e: {  	s23 =	sadd.s32 $0x22610, s2;
	[smem:$0x7A7] =	sst s22  }
0x6f: {  	s24 =	sadd.s32 $0x22620, s2;
	[smem:$0x7A8] =	sst s23  }
0x70: {  	s25 =	sadd.s32 $0x22630, s2;
	[smem:$0x7A9] =	sst s24  }
0x71: {  	s26 =	sadd.s32 $0x22640, s2;
	[smem:$0x7AA] =	sst s25  }
0x72: {  	s5 =	sadd.s32 $0x22650, s2;
	[smem:$0x7AB] =	sst s26  }
0x73: {  	s11 =	sadd.s32 $0x22A00, s2;
	[smem:$0x7AC] =	sst s5  }
0x74: {  	s6 =	sadd.s32 $0x23200, s2;
	[smem:$0x7AF] =	sst s11  }
0x75: {  	s8 =	sadd.s32 $0x22670, s2;
	[smem:$0x7BF] =	sst s6  }
0x76: {  	s13 =	sadd.s32 $0x22A10, s2;
	[smem:$0x7AE] =	sst s8  }
0x77: {  	s14 =	sadd.s32 $0x22A20, s2;
	[smem:$0x7B0] =	sst s13  }
0x78: {  	s15 =	sadd.s32 $0x22A30, s2;
	[smem:$0x7B1] =	sst s14  }
0x79: {  	s16 =	sadd.s32 $0x22A40, s2;
	[smem:$0x7B2] =	sst s15  }
0x7a: {  	s17 =	sadd.s32 $0x22A50, s2;
	[smem:$0x7B3] =	sst s16  }
0x7b: {  	s18 =	sadd.s32 $0x22A60, s2;
	[smem:$0x7B4] =	sst s17  }
0x7c: {  	s19 =	sadd.s32 $0x22A70, s2;
	[smem:$0x7B5] =	sst s18  }
0x7d: {  	s20 =	sadd.s32 $0x22E00, s2;
	[smem:$0x7B6] =	sst s19  }
0x7e: {  	s21 =	sadd.s32 $0x22E10, s2;
	[smem:$0x7B7] =	sst s20  }
0x7f: {  	s22 =	sadd.s32 $0x22E20, s2;
	[smem:$0x7B8] =	sst s21  }
0x80: {  	s23 =	sadd.s32 $0x22E30, s2;
	[smem:$0x7B9] =	sst s22  }
0x81: {  	s24 =	sadd.s32 $0x22E40, s2;
	[smem:$0x7BA] =	sst s23  }
0x82: {  	s25 =	sadd.s32 $0x22E50, s2;
	[smem:$0x7BB] =	sst s24  }
0x83: {  	s26 =	sadd.s32 $0x22E60, s2;
	[smem:$0x7BC] =	sst s25  }
0x84: {  	s5 =	sadd.s32 $0x22E70, s2;
	[smem:$0x7BD] =	sst s26  }
0x85: {  	s11 =	sadd.s32 $0x23220, s2;
	[smem:$0x7BE] =	sst s5  }
0x86: {  	s6 =	sadd.s32 $0x2400, s4;
	[smem:$0x7C1] =	sst s11  }
0x87: {  	s8 =	sadd.s32 $0x23210, s2;
	[smem:$0x7D5] =	sst s6  }
0x88: {  	s13 =	sadd.s32 $0x23230, s2;
	[smem:$0x7C0] =	sst s8  }
0x89: {  	s14 =	sadd.s32 $0x23240, s2;
	[smem:$0x7C2] =	sst s13  }
0x8a: {  	s15 =	sadd.s32 $0x23250, s2;
	[smem:$0x7C3] =	sst s14  }
0x8b: {  	s16 =	sadd.s32 $0x23260, s2;
	[smem:$0x7C4] =	sst s15  }
0x8c: {  	s2 =	sadd.s32 $0x23270, s2;
	[smem:$0x7C5] =	sst s16  }
0x8d: {  	s17 =	sadd.s32 $0x1200, s0;
	[smem:$0x7C6] =	sst s2  }
0x8e: {  	s18 =	sadd.s32 $0x1400, s0;
	[smem:$0x7C7] =	sst s17  }
0x8f: {  	s0 =	sadd.s32 $0x1410, s0;
	[smem:$0x7C8] =	sst s18  }
0x90: {  	s19 =	smax.u32 s1, $0x1;
	[smem:$0x7C9] =	sst s0  }
0x91: {  	s20 =	sor.u32 $0x1C01, s10;
	[smem:$0x7CA] =	sst s19  }
0x92: {  	s21 =	sadd.s32 $0x10, s7;
	[smem:$0x7CB] =	sst s20  }
0x93: {  	s22 =	sadd.s32 $0x400, s4;
	[smem:$0x7CC] =	sst s21  }
0x94: {  	s23 =	sadd.s32 $0x800, s4;
	[smem:$0x7CD] =	sst s22  }
0x95: {  	s24 =	sadd.s32 $0xC00, s4;
	[smem:$0x7CE] =	sst s23  }
0x96: {  	s25 =	sadd.s32 $0x1000, s4;
	[smem:$0x7CF] =	sst s24  }
0x97: {  	s26 =	sadd.s32 $0x1400, s4;
	[smem:$0x7D0] =	sst s25  }
0x98: {  	s1 =	sadd.s32 $0x1800, s4;
	[smem:$0x7D1] =	sst s26  }
0x99: {  	s5 =	sadd.s32 $0x2000, s4;
	[smem:$0x7D2] =	sst s1  }
0x9a: {  	s7 =	sadd.s32 $0x2800, s4;
	[smem:$0x7D4] =	sst s5  }
0x9b: {  	s10 =	sadd.s32 $0x3400, s4;
	[smem:$0x7D6] =	sst s7  }
0x9c: {  	s11 =	sadd.s32 $0x3800, s4;
	[smem:$0x7D9] =	sst s10  }
0x9d: {  	s6 =	sadd.s32 $0x8000, s4;
	[smem:$0x7DA] =	sst s11  }
0x9e: {  	s2 =	sadd.s32 $0x1C00, s4;
	[smem:$0x7EC] =	sst s6  }
0x9f: {  	s8 =	sadd.s32 $0x2C00, s4;
	[smem:$0x7D3] =	sst s2  }
0xa0: {  	s13 =	sadd.s32 $0x3C00, s4;
	[smem:$0x7D7] =	sst s8  }
0xa1: {  	s14 =	sadd.s32 $0x4000, s4;
	[smem:$0x7DB] =	sst s13  }
0xa2: {  	s15 =	sadd.s32 $0x4400, s4;
	[smem:$0x7DC] =	sst s14  }
0xa3: {  	s16 =	sadd.s32 $0x4800, s4;
	[smem:$0x7DD] =	sst s15  }
0xa4: {  	s17 =	sadd.s32 $0x4C00, s4;
	[smem:$0x7DE] =	sst s16  }
0xa5: {  	s18 =	sadd.s32 $0x5000, s4;
	[smem:$0x7DF] =	sst s17  }
0xa6: {  	s19 =	sadd.s32 $0x5400, s4;
	[smem:$0x7E0] =	sst s18  }
0xa7: {  	s20 =	sadd.s32 $0x5800, s4;
	[smem:$0x7E1] =	sst s19  }
0xa8: {  	s21 =	sadd.s32 $0x5C00, s4;
	[smem:$0x7E2] =	sst s20  }
0xa9: {  	s22 =	sadd.s32 $0x6000, s4;
	[smem:$0x7E3] =	sst s21  }
0xaa: {  	s23 =	sadd.s32 $0x6400, s4;
	[smem:$0x7E4] =	sst s22  }
0xab: {  	s24 =	sadd.s32 $0x6800, s4;
	[smem:$0x7E5] =	sst s23  }
0xac: {  	s25 =	sadd.s32 $0x6C00, s4;
	[smem:$0x7E6] =	sst s24  }
0xad: {  	s26 =	sadd.s32 $0x7000, s4;
	[smem:$0x7E7] =	sst s25  }
0xae: {  	s1 =	sadd.s32 $0x7400, s4;
	[smem:$0x7E8] =	sst s26  }
0xaf: {  	s5 =	sadd.s32 $0x7C00, s4;
	[smem:$0x7E9] =	sst s1  }
0xb0: {  	s7 =	sadd.s32 $0x8400, s4;
	[smem:$0x7EB] =	sst s5  }
0xb1: {  	s28 =	sadd.s32 $0xCC00, s4;
	s10 =	sadd.s32 $0x9000, s4;
	[smem:$0x7ED] =	sst s7  }
0xb2: {  	s30 =	sadd.s32 $0xD400, s4;
	s11 =	sadd.s32 $0x9400, s4;
	[smem:$0x7F0] =	sst s10  }
0xb3: {  	s29 =	sadd.s32 $0xE000, s4;
	s2 =	sadd.s32 $0x7800, s4;
	[smem:$0x7F1] =	sst s11  }
0xb4: {  	s31 =	sadd.s32 $0xE400, s4;
	s8 =	sadd.s32 $0x8800, s4;
	[smem:$0x7EA] =	sst s2  }
0xb5: {  	s9 =	sadd.s32 $0xF000, s4;
	s13 =	sadd.s32 $0x9800, s4;
	[smem:$0x7EE] =	sst s8  }
0xb6: {  	s0 =	sadd.s32 $0xE800, s4;
	s14 =	sadd.s32 $0x9C00, s4;
	[smem:$0x7F2] =	sst s13  }
0xb7: {  	s6 =	sadd.s32 $0xF400, s4;
	s15 =	sadd.s32 $0xA000, s4;
	[smem:$0x7F3] =	sst s14  }
0xb8: {  	s16 =	sadd.s32 $0xA400, s4;
	s17 =	sadd.s32 $0xA800, s4;
	[smem:$0x7F4] =	sst s15  }
0xb9: {  	s18 =	sadd.s32 $0xAC00, s4;
	s19 =	sadd.s32 $0xB000, s4;
	[smem:$0x7F5] =	sst s16  }
0xba: {  	s20 =	sadd.s32 $0xB400, s4;
	s21 =	sadd.s32 $0xB800, s4;
	[smem:$0x7F6] =	sst s17  }
0xbb: {  	s22 =	sadd.s32 $0xBC00, s4;
	s23 =	sadd.s32 $0xC000, s4;
	[smem:$0x7F7] =	sst s18  }
0xbc: {  	s25 =	sadd.s32 $0xC400, s4;
	s26 =	sadd.s32 $0xC800, s4;
	[smem:$0x7F8] =	sst s19  }
0xbd: {  	s7 =	sadd.s32 $0xD000, s4;
	s1 =	sadd.s32 $0xD800, s4;
	[smem:$0x7F9] =	sst s20  }
0xbe: {  	s5 =	sadd.s32 $0xDC00, s4;
	s10 =	sadd.s32 $0xF800, s4;
	[smem:$0x7FA] =	sst s21  }
.Ltmp0:
0xbf: {  	s11 =	sadd.s32 $0xFC00, s4;
	[smem:$0x7FB] =	sst s22;
	(pc) =	sbr.rel .LBB2_1-.Ltmp0, $4  }
0xc0: {  	s24 =	sadd.s32 $0x10, s12;
	s12 =	simm.s32 $0x2000;
	[smem:$0x7FC] =	sst s23  }
0xc1: {  	s8 =	sadd.s32 $0xEC00, s4;
	[smem:$0x7FD] =	sst s24;
	s13 =	simm.s32 $0x3  }
0xc2: {  	s14 =	simm.s32 $0x80;
	s15 =	simm.s32 $0x100;
	s16 =	simm.s32 $0x1  }
0xc3: {  	s17 =	simm.s32 $0x10;
	s18 =	simm.s32 $0x2;
	s2 =	simm.s32 $0x0  }
.LBB2_9:
0xc4: {  	s20 =	sshrl.u32 s3, $0x3;
	s21 =	simm.s32 $0x20;
	s22 =	simm.s32 $0x1C03  }
0xc5: {  	[hbm:s19@s21], [sflag:s22] =	dma.strided [spmem:s20@s17], $0x80, s16, $0x10   }
0xc6: {  	_ =	swait.ge [sflag:s13], $0x80  }
0xc7: {  	[sflag:s13] =	ssyncset.done $0x0  }
0xc8: {  	[sflag:s13] =	ssyncadd.s32 $0xFFFFFF80  }
.LBB2_10:
0xc9: {  	s19 =	sld [smem:$0x7CA];
	_ =	sdelay $0x1  }
0xca: {  	s2 =	sadd.s32 $0x1, s2  }
0xcb: {  	p3 =	sne.s32 s2, s19  }
.Ltmp1:
0xcc: {  	_ = 	snop;
	(pc) =	sbr.rel @!p3 .LBB2_11-.Ltmp1, $1  }
0xcd: {  	_ =	sdelay $0x3  }
.LBB2_1:
0xce: {  	s20 =	sld [smem:$0x7CB];
	_ =	sdelay $0x1  }
0xcf: {  	s19 =	sshrl.u32 s4, $0x3;
	s22 =	rddreg [dreg:$0x2]  }
0xd0: {  	[spmem:s19], [sflag:s20] =	dma.local [hbm:s22], $0x2000  }
0xd1: {  	s21 =	sld [smem:$0x7C7];
	_ =	sdelay $0x1  }
0xd2: {  	s24 =	simm.s32 $0x0  }
0xd3: {  	[tilespmem:s12], [sflag:$0x3] =	stream.linear.gather [hbm4b:s21+s24], $0x1000, $0x38;
	[tilespmem:$0x13040] =	vst v63  }
0xd4: {  	_ =	swait.ge [sflag:s13], $0x1000  }
0xd5: {  	[sflag:s13] =	ssyncset.done $0x0  }
0xd6: {  	s20 =	sshrl.u32 @!p1 s3, $0x3;
	s21 =	simm.s32 @!p1 $0x1C03;
	[sflag:s13] =	ssyncadd.s32 $0xFFFFF000  }
0xd7: {  	[spmem:s20], [sflag:s21] =	dma.local @!p1 [hbm:s22], $0x80  }
.Ltmp2:
0xd8: {  	_ = 	snop;
	(pc) =	sbr.rel @!p0 .LBB2_2-.Ltmp2, $4  }
0xd9: {  	s20 =	simm.s32 @!p1 $0x3  }
0xda: {  	_ =	swait.ge @!p1 [sflag:s20], $0x80  }
0xdb: {  	[sflag:s20] =	ssyncset.done @!p1 $0x0  }
0xdc: {  	s21 =	simm.s32 $0x0;
	[sflag:s20] =	ssyncadd.s32 @!p1 $0xFFFFFF80  }
0xdd: {  	s20 =	rddreg [dreg:$0x15]  }
0xde: {  	[tilespmem:s21], [sflag:$0x3] =	stream.strided.gather [hbm4b:s20+s14], $0x800, s15, s14, $0x38;
	[tilespmem:$0x13040] =	vst v63  }
0xdf: {  	_ =	swait.ge [sflag:s13], $0x800  }
0xe0: {  	s24 =	sld [smem:$0x7FD]  }
0xe1: {  	[sflag:s13] =	ssyncset.done $0x0  }
0xe2: {  	s22 =	simm.s32 $0x800;
	[sflag:s13] =	ssyncadd.s32 $0xFFFFF800  }
0xe3: {  	[tilespmem:s22], [sflag:$0x3] =	stream.strided.gather [hbm4b:s24+s14], $0x800, s15, s14, $0x38;
	[tilespmem:$0x13040] =	vst v63  }
0xe4: {  	_ =	swait.ge [sflag:s13], $0x800  }
0xe5: {  	[sflag:s13] =	ssyncset.done $0x0  }
0xe6: {  	[sflag:s13] =	ssyncadd.s32 $0xFFFFF800  }
0xe7: {  	v0 =	vld [tilespmem:s22+$0x0]  }
0xe8: {  	v1 =	vld [tilespmem:s21+$0x0];
	_ =	sdelay $0x3  }
0xe9: {  	v0 =	vshll.u32 v0, $0xA  }
0xea: {  	s23 =	simm.s32 $0x1000;
	v0 =	vadd.s32 v1, v0  }
0xeb: {  	[tilespmem:s23+$0x0] =	vst v0  }
0xec: {  	v0 =	vld [tilespmem:s22+$0x0];
	_ =	sdelay $0x4  }
0xed: {  	s20 =	simm.s32 $0x10;
	s24 =	sand.u32 $0x7F0, s21;
	v0 =	vadd.s32 $0x100000, v0  }
.LBB2_6:
0xee: {  	[tilespmem:s24+$0x1800] =	vst v0;
	s22 =	sadd.s32 $0x10, s22;
	s21 =	sadd.s32 $0x10, s21;
	s23 =	sadd.s32 $0x10, s23  }
0xef: {  	p3 =	sne.s32 s20, $0x7F0;
	s24 =	smov.u32 s20;
	s20 =	sadd.s32 $0x10, s20;
	v0 =	vld [tilespmem:s22+$0x0]  }
0xf0: {  	v1 =	vld [tilespmem:s21+$0x0];
	_ =	sdelay $0x3  }
0xf1: {  	v0 =	vshll.u32 v0, $0xA  }
0xf2: {  	v0 =	vadd.s32 v1, v0  }
0xf3: {  	[tilespmem:s23+$0x0] =	vst v0  }
0xf4: {  	v0 =	vld [tilespmem:s22+$0x0]  }
.Ltmp3:
0xf5: {  	(pc) =	sbr.rel @p3 .LBB2_6-.Ltmp3, $2  }
0xf6: {  	_ =	sdelay $0x2  }
0xf7: {  	s24 =	sand.u32 $0x7F0, s24;
	v0 =	vadd.s32 $0x100000, v0  }
0xf8: {  	[tilespmem:s24+$0x1800] =	vst v0  }
0xf9: {  	_ =	swait.ge [sflag:s16], $0x2000  }
0xfa: {  	[sflag:s16] =	ssyncset.done $0x0  }
0xfb: {  	[sflag:s16] =	ssyncadd.s32 $0xFFFFE000  }
0xfc: {  	[bflag:$0x0] =	sbarrier.arrive $0xFFFF  }
0xfd: {  	s21 =	simm.s32 $0x1000;
	s20 =	rddreg [dreg:$0x4]  }
0xfe: {  	[spmem:s20] =	stream.indirect.scatter.add.f32 [tilespmem:s12], [sflag:$0x3], $0x1, s21, s21, $0xb8;
	[tilespmem:$0x13040] =	vst v63  }
0xff: {  	_ =	swait.ge [sflag:s13], $0x1000  }
0x100: {  	[sflag:s13] =	ssyncset.done $0x0  }
0x101: {  	[sflag:s13] =	ssyncadd.s32 $0xFFFFF000  }
0x102: {  	[bflag:$0x0] =	sbarrier.arrive $0xFFFF  }
0x103: {  	s24 =	sld [smem:$0x787]  }
0x104: {  	s23 =	rddreg [dreg:$0x6]  }
0x105: {  	s21 =	sor.u32 $0x1C02, s23  }
0x106: {  	[hbm:s24@s14], [sflag:s21] =	dma.strided [spmem:s19@s17], $0x80, s16, $0x10   }
0x107: {  	s19 =	sld [smem:$0x7CD]  }
0x108: {  	s20 =	sld [smem:$0x788];
	_ =	sdelay $0x1  }
0x109: {  	s19 =	sshrl.u32 s19, $0x3  }
0x10a: {  	[hbm:s20@s14], [sflag:s21] =	dma.strided [spmem:s19@s17], $0x80, s16, $0x10   }
0x10b: {  	s19 =	sld [smem:$0x7CE]  }
0x10c: {  	s20 =	sld [smem:$0x789];
	_ =	sdelay $0x1  }
0x10d: {  	s19 =	sshrl.u32 s19, $0x3  }
0x10e: {  	[hbm:s20@s14], [sflag:s21] =	dma.strided [spmem:s19@s17], $0x80, s16, $0x10   }
0x10f: {  	s19 =	sld [smem:$0x7CF]  }
0x110: {  	s20 =	sld [smem:$0x78A];
	_ =	sdelay $0x1  }
0x111: {  	s19 =	sshrl.u32 s19, $0x3  }
0x112: {  	[hbm:s20@s14], [sflag:s21] =	dma.strided [spmem:s19@s17], $0x80, s16, $0x10   }
0x113: {  	s19 =	sld [smem:$0x7D0]  }
0x114: {  	s20 =	sld [smem:$0x78B];
	_ =	sdelay $0x1  }
0x115: {  	s19 =	sshrl.u32 s19, $0x3  }
0x116: {  	[hbm:s20@s14], [sflag:s21] =	dma.strided [spmem:s19@s17], $0x80, s16, $0x10   }
0x117: {  	s19 =	sld [smem:$0x7D1]  }
0x118: {  	s20 =	sld [smem:$0x78C];
	_ =	sdelay $0x1  }
0x119: {  	s19 =	sshrl.u32 s19, $0x3  }
0x11a: {  	[hbm:s20@s14], [sflag:s21] =	dma.strided [spmem:s19@s17], $0x80, s16, $0x10   }
0x11b: {  	s19 =	sld [smem:$0x7D2]  }
0x11c: {  	s20 =	sld [smem:$0x78D];
	_ =	sdelay $0x1  }
0x11d: {  	s19 =	sshrl.u32 s19, $0x3  }
0x11e: {  	[hbm:s20@s14], [sflag:s21] =	dma.strided [spmem:s19@s17], $0x80, s16, $0x10   }
0x11f: {  	s19 =	sld [smem:$0x7D3]  }
0x120: {  	s20 =	sld [smem:$0x78E];
	_ =	sdelay $0x1  }
0x121: {  	s19 =	sshrl.u32 s19, $0x3  }
0x122: {  	[hbm:s20@s14], [sflag:s21] =	dma.strided [spmem:s19@s17], $0x80, s16, $0x10   }
0x123: {  	s19 =	sld [smem:$0x7D4]  }
0x124: {  	s20 =	sld [smem:$0x78F];
	_ =	sdelay $0x1  }
0x125: {  	s19 =	sshrl.u32 s19, $0x3  }
0x126: {  	[hbm:s20@s14], [sflag:s21] =	dma.strided [spmem:s19@s17], $0x80, s16, $0x10   }
0x127: {  	s19 =	sld [smem:$0x7D5]  }
0x128: {  	s20 =	sld [smem:$0x790];
	_ =	sdelay $0x1  }
0x129: {  	s19 =	sshrl.u32 s19, $0x3  }
0x12a: {  	[hbm:s20@s14], [sflag:s21] =	dma.strided [spmem:s19@s17], $0x80, s16, $0x10   }
0x12b: {  	s19 =	sld [smem:$0x7D6]  }
0x12c: {  	s20 =	sld [smem:$0x791];
	_ =	sdelay $0x1  }
0x12d: {  	s19 =	sshrl.u32 s19, $0x3  }
0x12e: {  	[hbm:s20@s14], [sflag:s21] =	dma.strided [spmem:s19@s17], $0x80, s16, $0x10   }
0x12f: {  	s19 =	sld [smem:$0x7D7]  }
0x130: {  	s20 =	sld [smem:$0x792];
	_ =	sdelay $0x1  }
0x131: {  	s19 =	sshrl.u32 s19, $0x3  }
0x132: {  	[hbm:s20@s14], [sflag:s21] =	dma.strided [spmem:s19@s17], $0x80, s16, $0x10   }
0x133: {  	s19 =	sld [smem:$0x7D8]  }
0x134: {  	s20 =	sld [smem:$0x793];
	_ =	sdelay $0x1  }
0x135: {  	s19 =	sshrl.u32 s19, $0x3  }
0x136: {  	[hbm:s20@s14], [sflag:s21] =	dma.strided [spmem:s19@s17], $0x80, s16, $0x10   }
0x137: {  	s19 =	sld [smem:$0x7D9]  }
0x138: {  	s20 =	sld [smem:$0x794];
	_ =	sdelay $0x1  }
0x139: {  	s19 =	sshrl.u32 s19, $0x3  }
0x13a: {  	[hbm:s20@s14], [sflag:s21] =	dma.strided [spmem:s19@s17], $0x80, s16, $0x10   }
0x13b: {  	s19 =	sld [smem:$0x7DA]  }
0x13c: {  	s20 =	sld [smem:$0x795];
	_ =	sdelay $0x1  }
0x13d: {  	s19 =	sshrl.u32 s19, $0x3  }
0x13e: {  	[hbm:s20@s14], [sflag:s21] =	dma.strided [spmem:s19@s17], $0x80, s16, $0x10   }
0x13f: {  	s19 =	sld [smem:$0x7DB]  }
0x140: {  	s20 =	sld [smem:$0x796];
	_ =	sdelay $0x1  }
0x141: {  	s19 =	sshrl.u32 s19, $0x3  }
0x142: {  	[hbm:s20@s14], [sflag:s21] =	dma.strided [spmem:s19@s17], $0x80, s16, $0x10   }
0x143: {  	s19 =	sld [smem:$0x7DC]  }
0x144: {  	s20 =	sld [smem:$0x797];
	_ =	sdelay $0x1  }
0x145: {  	s19 =	sshrl.u32 s19, $0x3  }
0x146: {  	[hbm:s20@s14], [sflag:s21] =	dma.strided [spmem:s19@s17], $0x80, s16, $0x10   }
0x147: {  	s19 =	sld [smem:$0x7DD]  }
0x148: {  	s20 =	sld [smem:$0x798];
	_ =	sdelay $0x1  }
0x149: {  	s19 =	sshrl.u32 s19, $0x3  }
0x14a: {  	[hbm:s20@s14], [sflag:s21] =	dma.strided [spmem:s19@s17], $0x80, s16, $0x10   }
0x14b: {  	s19 =	sld [smem:$0x7DE]  }
0x14c: {  	s20 =	sld [smem:$0x799];
	_ =	sdelay $0x1  }
0x14d: {  	s19 =	sshrl.u32 s19, $0x3  }
0x14e: {  	[hbm:s20@s14], [sflag:s21] =	dma.strided [spmem:s19@s17], $0x80, s16, $0x10   }
0x14f: {  	s19 =	sld [smem:$0x7DF]  }
0x150: {  	s20 =	sld [smem:$0x79A];
	_ =	sdelay $0x1  }
0x151: {  	s19 =	sshrl.u32 s19, $0x3  }
0x152: {  	[hbm:s20@s14], [sflag:s21] =	dma.strided [spmem:s19@s17], $0x80, s16, $0x10   }
0x153: {  	s19 =	sld [smem:$0x7E0]  }
0x154: {  	s20 =	sld [smem:$0x79B];
	_ =	sdelay $0x1  }
0x155: {  	s19 =	sshrl.u32 s19, $0x3  }
0x156: {  	[hbm:s20@s14], [sflag:s21] =	dma.strided [spmem:s19@s17], $0x80, s16, $0x10   }
0x157: {  	s19 =	sld [smem:$0x7E1]  }
0x158: {  	s20 =	sld [smem:$0x79C];
	_ =	sdelay $0x1  }
0x159: {  	s19 =	sshrl.u32 s19, $0x3  }
0x15a: {  	[hbm:s20@s14], [sflag:s21] =	dma.strided [spmem:s19@s17], $0x80, s16, $0x10   }
0x15b: {  	s19 =	sld [smem:$0x7E2]  }
0x15c: {  	s20 =	sld [smem:$0x79D];
	_ =	sdelay $0x1  }
0x15d: {  	s19 =	sshrl.u32 s19, $0x3  }
0x15e: {  	[hbm:s20@s14], [sflag:s21] =	dma.strided [spmem:s19@s17], $0x80, s16, $0x10   }
0x15f: {  	s19 =	sld [smem:$0x7E3]  }
0x160: {  	s20 =	sld [smem:$0x79E];
	_ =	sdelay $0x1  }
0x161: {  	s19 =	sshrl.u32 s19, $0x3  }
0x162: {  	[hbm:s20@s14], [sflag:s21] =	dma.strided [spmem:s19@s17], $0x80, s16, $0x10   }
0x163: {  	s19 =	sld [smem:$0x7E4]  }
0x164: {  	s20 =	sld [smem:$0x79F];
	_ =	sdelay $0x1  }
0x165: {  	s19 =	sshrl.u32 s19, $0x3  }
0x166: {  	[hbm:s20@s14], [sflag:s21] =	dma.strided [spmem:s19@s17], $0x80, s16, $0x10   }
0x167: {  	s19 =	sld [smem:$0x7E5]  }
0x168: {  	s20 =	sld [smem:$0x7A0];
	_ =	sdelay $0x1  }
0x169: {  	s19 =	sshrl.u32 s19, $0x3  }
0x16a: {  	[hbm:s20@s14], [sflag:s21] =	dma.strided [spmem:s19@s17], $0x80, s16, $0x10   }
0x16b: {  	s19 =	sld [smem:$0x7E6]  }
0x16c: {  	s20 =	sld [smem:$0x7A1];
	_ =	sdelay $0x1  }
0x16d: {  	s19 =	sshrl.u32 s19, $0x3  }
0x16e: {  	[hbm:s20@s14], [sflag:s21] =	dma.strided [spmem:s19@s17], $0x80, s16, $0x10   }
0x16f: {  	s19 =	sld [smem:$0x7E7]  }
0x170: {  	s20 =	sld [smem:$0x7A2];
	_ =	sdelay $0x1  }
0x171: {  	s19 =	sshrl.u32 s19, $0x3  }
0x172: {  	[hbm:s20@s14], [sflag:s21] =	dma.strided [spmem:s19@s17], $0x80, s16, $0x10   }
0x173: {  	s19 =	sld [smem:$0x7E8]  }
0x174: {  	s20 =	sld [smem:$0x7A3];
	_ =	sdelay $0x1  }
0x175: {  	s19 =	sshrl.u32 s19, $0x3  }
0x176: {  	[hbm:s20@s14], [sflag:s21] =	dma.strided [spmem:s19@s17], $0x80, s16, $0x10   }
0x177: {  	s19 =	sld [smem:$0x7E9]  }
0x178: {  	s20 =	sld [smem:$0x7A4];
	_ =	sdelay $0x1  }
0x179: {  	s19 =	sshrl.u32 s19, $0x3  }
0x17a: {  	[hbm:s20@s14], [sflag:s21] =	dma.strided [spmem:s19@s17], $0x80, s16, $0x10   }
0x17b: {  	s19 =	sld [smem:$0x7EA]  }
0x17c: {  	s20 =	sld [smem:$0x7A5];
	_ =	sdelay $0x1  }
0x17d: {  	s19 =	sshrl.u32 s19, $0x3  }
0x17e: {  	[hbm:s20@s14], [sflag:s21] =	dma.strided [spmem:s19@s17], $0x80, s16, $0x10   }
0x17f: {  	s19 =	sld [smem:$0x7EB]  }
0x180: {  	s20 =	sld [smem:$0x7A6];
	_ =	sdelay $0x1  }
0x181: {  	s19 =	sshrl.u32 s19, $0x3  }
0x182: {  	[hbm:s20@s14], [sflag:s21] =	dma.strided [spmem:s19@s17], $0x80, s16, $0x10   }
0x183: {  	s19 =	sld [smem:$0x7EC]  }
0x184: {  	s20 =	sld [smem:$0x7A7];
	_ =	sdelay $0x1  }
0x185: {  	s19 =	sshrl.u32 s19, $0x3  }
0x186: {  	[hbm:s20@s14], [sflag:s21] =	dma.strided [spmem:s19@s17], $0x80, s16, $0x10   }
0x187: {  	s19 =	sld [smem:$0x7ED]  }
0x188: {  	s20 =	sld [smem:$0x7A8];
	_ =	sdelay $0x1  }
0x189: {  	s19 =	sshrl.u32 s19, $0x3  }
0x18a: {  	[hbm:s20@s14], [sflag:s21] =	dma.strided [spmem:s19@s17], $0x80, s16, $0x10   }
0x18b: {  	s19 =	sld [smem:$0x7EE]  }
0x18c: {  	s20 =	sld [smem:$0x7A9];
	_ =	sdelay $0x1  }
0x18d: {  	s19 =	sshrl.u32 s19, $0x3  }
0x18e: {  	[hbm:s20@s14], [sflag:s21] =	dma.strided [spmem:s19@s17], $0x80, s16, $0x10   }
0x18f: {  	s19 =	sld [smem:$0x7EF]  }
0x190: {  	s20 =	sld [smem:$0x7AA];
	_ =	sdelay $0x1  }
0x191: {  	s19 =	sshrl.u32 s19, $0x3  }
0x192: {  	[hbm:s20@s14], [sflag:s21] =	dma.strided [spmem:s19@s17], $0x80, s16, $0x10   }
0x193: {  	s19 =	sld [smem:$0x7F0]  }
0x194: {  	s20 =	sld [smem:$0x7AB];
	_ =	sdelay $0x1  }
0x195: {  	s19 =	sshrl.u32 s19, $0x3  }
0x196: {  	[hbm:s20@s14], [sflag:s21] =	dma.strided [spmem:s19@s17], $0x80, s16, $0x10   }
0x197: {  	s19 =	sld [smem:$0x7F1]  }
0x198: {  	s20 =	sld [smem:$0x7AC];
	_ =	sdelay $0x1  }
0x199: {  	s19 =	sshrl.u32 s19, $0x3  }
0x19a: {  	[hbm:s20@s14], [sflag:s21] =	dma.strided [spmem:s19@s17], $0x80, s16, $0x10   }
0x19b: {  	s19 =	sld [smem:$0x7F2]  }
0x19c: {  	s20 =	sld [smem:$0x7AD];
	_ =	sdelay $0x1  }
0x19d: {  	s19 =	sshrl.u32 s19, $0x3  }
0x19e: {  	[hbm:s20@s14], [sflag:s21] =	dma.strided [spmem:s19@s17], $0x80, s16, $0x10   }
0x19f: {  	s19 =	sld [smem:$0x7F3]  }
0x1a0: {  	s20 =	sld [smem:$0x7AE];
	_ =	sdelay $0x1  }
0x1a1: {  	s19 =	sshrl.u32 s19, $0x3  }
0x1a2: {  	[hbm:s20@s14], [sflag:s21] =	dma.strided [spmem:s19@s17], $0x80, s16, $0x10   }
0x1a3: {  	s19 =	sld [smem:$0x7F4]  }
0x1a4: {  	s20 =	sld [smem:$0x7AF];
	_ =	sdelay $0x1  }
0x1a5: {  	s19 =	sshrl.u32 s19, $0x3  }
0x1a6: {  	[hbm:s20@s14], [sflag:s21] =	dma.strided [spmem:s19@s17], $0x80, s16, $0x10   }
0x1a7: {  	s19 =	sld [smem:$0x7F5]  }
0x1a8: {  	s20 =	sld [smem:$0x7B0];
	_ =	sdelay $0x1  }
0x1a9: {  	s19 =	sshrl.u32 s19, $0x3  }
0x1aa: {  	[hbm:s20@s14], [sflag:s21] =	dma.strided [spmem:s19@s17], $0x80, s16, $0x10   }
0x1ab: {  	s19 =	sld [smem:$0x7F6]  }
0x1ac: {  	s20 =	sld [smem:$0x7B1];
	_ =	sdelay $0x1  }
0x1ad: {  	s19 =	sshrl.u32 s19, $0x3  }
0x1ae: {  	[hbm:s20@s14], [sflag:s21] =	dma.strided [spmem:s19@s17], $0x80, s16, $0x10   }
0x1af: {  	s19 =	sld [smem:$0x7F7]  }
0x1b0: {  	s20 =	sld [smem:$0x7B2];
	_ =	sdelay $0x1  }
0x1b1: {  	s19 =	sshrl.u32 s19, $0x3  }
0x1b2: {  	[hbm:s20@s14], [sflag:s21] =	dma.strided [spmem:s19@s17], $0x80, s16, $0x10   }
0x1b3: {  	s19 =	sld [smem:$0x7F8]  }
0x1b4: {  	s20 =	sld [smem:$0x7B3];
	_ =	sdelay $0x1  }
0x1b5: {  	s19 =	sshrl.u32 s19, $0x3  }
0x1b6: {  	[hbm:s20@s14], [sflag:s21] =	dma.strided [spmem:s19@s17], $0x80, s16, $0x10   }
0x1b7: {  	s19 =	sld [smem:$0x7F9]  }
0x1b8: {  	s20 =	sld [smem:$0x7B4];
	_ =	sdelay $0x1  }
0x1b9: {  	s19 =	sshrl.u32 s19, $0x3  }
0x1ba: {  	[hbm:s20@s14], [sflag:s21] =	dma.strided [spmem:s19@s17], $0x80, s16, $0x10   }
0x1bb: {  	s19 =	sld [smem:$0x7FA]  }
0x1bc: {  	s20 =	sld [smem:$0x7B5];
	_ =	sdelay $0x1  }
0x1bd: {  	s19 =	sshrl.u32 s19, $0x3  }
0x1be: {  	[hbm:s20@s14], [sflag:s21] =	dma.strided [spmem:s19@s17], $0x80, s16, $0x10   }
0x1bf: {  	s19 =	sld [smem:$0x7FB]  }
0x1c0: {  	s20 =	sld [smem:$0x7B6];
	_ =	sdelay $0x1  }
0x1c1: {  	s19 =	sshrl.u32 s19, $0x3  }
0x1c2: {  	[hbm:s20@s14], [sflag:s21] =	dma.strided [spmem:s19@s17], $0x80, s16, $0x10   }
0x1c3: {  	s19 =	sld [smem:$0x7FC]  }
0x1c4: {  	s20 =	sld [smem:$0x7B7];
	_ =	sdelay $0x1  }
0x1c5: {  	s19 =	sshrl.u32 s19, $0x3  }
0x1c6: {  	[hbm:s20@s14], [sflag:s21] =	dma.strided [spmem:s19@s17], $0x80, s16, $0x10   }
0x1c7: {  	s20 =	sld [smem:$0x7B8];
	_ =	sdelay $0x1  }
0x1c8: {  	s22 =	sshrl.u32 s25, $0x3  }
0x1c9: {  	[hbm:s20@s14], [sflag:s21] =	dma.strided [spmem:s22@s17], $0x80, s16, $0x10   }
0x1ca: {  	s20 =	sld [smem:$0x7B9];
	_ =	sdelay $0x1  }
0x1cb: {  	s23 =	sshrl.u32 s26, $0x3  }
0x1cc: {  	[hbm:s20@s14], [sflag:s21] =	dma.strided [spmem:s23@s17], $0x80, s16, $0x10   }
0x1cd: {  	s20 =	sld [smem:$0x7BA];
	_ =	sdelay $0x1  }
0x1ce: {  	s24 =	sshrl.u32 s28, $0x3  }
0x1cf: {  	[hbm:s20@s14], [sflag:s21] =	dma.strided [spmem:s24@s17], $0x80, s16, $0x10   }
0x1d0: {  	s20 =	sld [smem:$0x7BB];
	_ =	sdelay $0x1  }
0x1d1: {  	s22 =	sshrl.u32 s7, $0x3  }
0x1d2: {  	[hbm:s20@s14], [sflag:s21] =	dma.strided [spmem:s22@s17], $0x80, s16, $0x10   }
0x1d3: {  	s20 =	sld [smem:$0x7BC];
	_ =	sdelay $0x1  }
0x1d4: {  	s23 =	sshrl.u32 s30, $0x3  }
0x1d5: {  	[hbm:s20@s14], [sflag:s21] =	dma.strided [spmem:s23@s17], $0x80, s16, $0x10   }
0x1d6: {  	s20 =	sld [smem:$0x7BD];
	_ =	sdelay $0x1  }
0x1d7: {  	s24 =	sshrl.u32 s1, $0x3  }
0x1d8: {  	[hbm:s20@s14], [sflag:s21] =	dma.strided [spmem:s24@s17], $0x80, s16, $0x10   }
0x1d9: {  	s20 =	sld [smem:$0x7BE];
	_ =	sdelay $0x1  }
0x1da: {  	s22 =	sshrl.u32 s5, $0x3  }
0x1db: {  	[hbm:s20@s14], [sflag:s21] =	dma.strided [spmem:s22@s17], $0x80, s16, $0x10   }
0x1dc: {  	s20 =	sld [smem:$0x7BF];
	_ =	sdelay $0x1  }
0x1dd: {  	s23 =	sshrl.u32 s29, $0x3  }
0x1de: {  	[hbm:s20@s14], [sflag:s21] =	dma.strided [spmem:s23@s17], $0x80, s16, $0x10   }
0x1df: {  	s20 =	sld [smem:$0x7C0];
	_ =	sdelay $0x1  }
0x1e0: {  	s24 =	sshrl.u32 s31, $0x3  }
0x1e1: {  	[hbm:s20@s14], [sflag:s21] =	dma.strided [spmem:s24@s17], $0x80, s16, $0x10   }
0x1e2: {  	s20 =	sld [smem:$0x7C1];
	_ =	sdelay $0x1  }
0x1e3: {  	s22 =	sshrl.u32 s0, $0x3  }
0x1e4: {  	[hbm:s20@s14], [sflag:s21] =	dma.strided [spmem:s22@s17], $0x80, s16, $0x10   }
0x1e5: {  	s20 =	sld [smem:$0x7C2];
	_ =	sdelay $0x1  }
0x1e6: {  	s23 =	sshrl.u32 s8, $0x3  }
0x1e7: {  	[hbm:s20@s14], [sflag:s21] =	dma.strided [spmem:s23@s17], $0x80, s16, $0x10   }
0x1e8: {  	s20 =	sld [smem:$0x7C3];
	_ =	sdelay $0x1  }
0x1e9: {  	s24 =	sshrl.u32 s9, $0x3  }
0x1ea: {  	[hbm:s20@s14], [sflag:s21] =	dma.strided [spmem:s24@s17], $0x80, s16, $0x10   }
0x1eb: {  	s20 =	sld [smem:$0x7C4];
	_ =	sdelay $0x1  }
0x1ec: {  	s22 =	sshrl.u32 s6, $0x3  }
0x1ed: {  	[hbm:s20@s14], [sflag:s21] =	dma.strided [spmem:s22@s17], $0x80, s16, $0x10   }
0x1ee: {  	s20 =	sld [smem:$0x7C5];
	_ =	sdelay $0x1  }
0x1ef: {  	s23 =	sshrl.u32 s10, $0x3  }
0x1f0: {  	[hbm:s20@s14], [sflag:s21] =	dma.strided [spmem:s23@s17], $0x80, s16, $0x10   }
0x1f1: {  	s20 =	sld [smem:$0x7C6];
	_ =	sdelay $0x1  }
0x1f2: {  	s24 =	sshrl.u32 s11, $0x3  }
0x1f3: {  	[hbm:s20@s14], [sflag:s21] =	dma.strided [spmem:s24@s17], $0x80, s16, $0x10   }
0x1f4: {  	_ =	swait.ge [sflag:s18], $0x80  }
0x1f5: {  	[sflag:s18] =	ssyncset.done $0x0  }
0x1f6: {  	[sflag:s18] =	ssyncadd.s32 $0xFFFFFF80  }
0x1f7: {  	_ =	swait.ge [sflag:s18], $0x80  }
0x1f8: {  	[sflag:s18] =	ssyncset.done $0x0  }
0x1f9: {  	[sflag:s18] =	ssyncadd.s32 $0xFFFFFF80  }
0x1fa: {  	_ =	swait.ge [sflag:s18], $0x80  }
0x1fb: {  	[sflag:s18] =	ssyncset.done $0x0  }
0x1fc: {  	[sflag:s18] =	ssyncadd.s32 $0xFFFFFF80  }
0x1fd: {  	_ =	swait.ge [sflag:s18], $0x80  }
0x1fe: {  	[sflag:s18] =	ssyncset.done $0x0  }
0x1ff: {  	[sflag:s18] =	ssyncadd.s32 $0xFFFFFF80  }
0x200: {  	_ =	swait.ge [sflag:s18], $0x80  }
0x201: {  	[sflag:s18] =	ssyncset.done $0x0  }
0x202: {  	[sflag:s18] =	ssyncadd.s32 $0xFFFFFF80  }
0x203: {  	_ =	swait.ge [sflag:s18], $0x80  }
0x204: {  	[sflag:s18] =	ssyncset.done $0x0  }
0x205: {  	[sflag:s18] =	ssyncadd.s32 $0xFFFFFF80  }
0x206: {  	_ =	swait.ge [sflag:s18], $0x80  }
0x207: {  	[sflag:s18] =	ssyncset.done $0x0  }
0x208: {  	[sflag:s18] =	ssyncadd.s32 $0xFFFFFF80  }
0x209: {  	_ =	swait.ge [sflag:s18], $0x80  }
0x20a: {  	[sflag:s18] =	ssyncset.done $0x0  }
0x20b: {  	[sflag:s18] =	ssyncadd.s32 $0xFFFFFF80  }
0x20c: {  	_ =	swait.ge [sflag:s18], $0x80  }
0x20d: {  	[sflag:s18] =	ssyncset.done $0x0  }
0x20e: {  	[sflag:s18] =	ssyncadd.s32 $0xFFFFFF80  }
0x20f: {  	_ =	swait.ge [sflag:s18], $0x80  }
0x210: {  	[sflag:s18] =	ssyncset.done $0x0  }
0x211: {  	[sflag:s18] =	ssyncadd.s32 $0xFFFFFF80  }
0x212: {  	_ =	swait.ge [sflag:s18], $0x80  }
0x213: {  	[sflag:s18] =	ssyncset.done $0x0  }
0x214: {  	[sflag:s18] =	ssyncadd.s32 $0xFFFFFF80  }
0x215: {  	_ =	swait.ge [sflag:s18], $0x80  }
0x216: {  	[sflag:s18] =	ssyncset.done $0x0  }
0x217: {  	[sflag:s18] =	ssyncadd.s32 $0xFFFFFF80  }
0x218: {  	_ =	swait.ge [sflag:s18], $0x80  }
0x219: {  	[sflag:s18] =	ssyncset.done $0x0  }
0x21a: {  	[sflag:s18] =	ssyncadd.s32 $0xFFFFFF80  }
0x21b: {  	_ =	swait.ge [sflag:s18], $0x80  }
0x21c: {  	[sflag:s18] =	ssyncset.done $0x0  }
0x21d: {  	[sflag:s18] =	ssyncadd.s32 $0xFFFFFF80  }
0x21e: {  	_ =	swait.ge [sflag:s18], $0x80  }
0x21f: {  	[sflag:s18] =	ssyncset.done $0x0  }
0x220: {  	[sflag:s18] =	ssyncadd.s32 $0xFFFFFF80  }
0x221: {  	_ =	swait.ge [sflag:s18], $0x80  }
0x222: {  	[sflag:s18] =	ssyncset.done $0x0  }
0x223: {  	[sflag:s18] =	ssyncadd.s32 $0xFFFFFF80  }
0x224: {  	_ =	swait.ge [sflag:s18], $0x80  }
0x225: {  	[sflag:s18] =	ssyncset.done $0x0  }
0x226: {  	[sflag:s18] =	ssyncadd.s32 $0xFFFFFF80  }
0x227: {  	_ =	swait.ge [sflag:s18], $0x80  }
0x228: {  	[sflag:s18] =	ssyncset.done $0x0  }
0x229: {  	[sflag:s18] =	ssyncadd.s32 $0xFFFFFF80  }
0x22a: {  	_ =	swait.ge [sflag:s18], $0x80  }
0x22b: {  	[sflag:s18] =	ssyncset.done $0x0  }
0x22c: {  	[sflag:s18] =	ssyncadd.s32 $0xFFFFFF80  }
0x22d: {  	_ =	swait.ge [sflag:s18], $0x80  }
0x22e: {  	[sflag:s18] =	ssyncset.done $0x0  }
0x22f: {  	[sflag:s18] =	ssyncadd.s32 $0xFFFFFF80  }
0x230: {  	_ =	swait.ge [sflag:s18], $0x80  }
0x231: {  	[sflag:s18] =	ssyncset.done $0x0  }
0x232: {  	[sflag:s18] =	ssyncadd.s32 $0xFFFFFF80  }
0x233: {  	_ =	swait.ge [sflag:s18], $0x80  }
0x234: {  	[sflag:s18] =	ssyncset.done $0x0  }
0x235: {  	[sflag:s18] =	ssyncadd.s32 $0xFFFFFF80  }
0x236: {  	_ =	swait.ge [sflag:s18], $0x80  }
0x237: {  	[sflag:s18] =	ssyncset.done $0x0  }
0x238: {  	[sflag:s18] =	ssyncadd.s32 $0xFFFFFF80  }
0x239: {  	_ =	swait.ge [sflag:s18], $0x80  }
0x23a: {  	[sflag:s18] =	ssyncset.done $0x0  }
0x23b: {  	[sflag:s18] =	ssyncadd.s32 $0xFFFFFF80  }
0x23c: {  	_ =	swait.ge [sflag:s18], $0x80  }
0x23d: {  	[sflag:s18] =	ssyncset.done $0x0  }
0x23e: {  	[sflag:s18] =	ssyncadd.s32 $0xFFFFFF80  }
0x23f: {  	_ =	swait.ge [sflag:s18], $0x80  }
0x240: {  	[sflag:s18] =	ssyncset.done $0x0  }
0x241: {  	[sflag:s18] =	ssyncadd.s32 $0xFFFFFF80  }
0x242: {  	_ =	swait.ge [sflag:s18], $0x80  }
0x243: {  	[sflag:s18] =	ssyncset.done $0x0  }
0x244: {  	[sflag:s18] =	ssyncadd.s32 $0xFFFFFF80  }
0x245: {  	_ =	swait.ge [sflag:s18], $0x80  }
0x246: {  	[sflag:s18] =	ssyncset.done $0x0  }
0x247: {  	[sflag:s18] =	ssyncadd.s32 $0xFFFFFF80  }
0x248: {  	_ =	swait.ge [sflag:s18], $0x80  }
0x249: {  	[sflag:s18] =	ssyncset.done $0x0  }
0x24a: {  	[sflag:s18] =	ssyncadd.s32 $0xFFFFFF80  }
0x24b: {  	_ =	swait.ge [sflag:s18], $0x80  }
0x24c: {  	[sflag:s18] =	ssyncset.done $0x0  }
0x24d: {  	[sflag:s18] =	ssyncadd.s32 $0xFFFFFF80  }
0x24e: {  	_ =	swait.ge [sflag:s18], $0x80  }
0x24f: {  	[sflag:s18] =	ssyncset.done $0x0  }
0x250: {  	[sflag:s18] =	ssyncadd.s32 $0xFFFFFF80  }
0x251: {  	_ =	swait.ge [sflag:s18], $0x80  }
0x252: {  	[sflag:s18] =	ssyncset.done $0x0  }
0x253: {  	[sflag:s18] =	ssyncadd.s32 $0xFFFFFF80  }
0x254: {  	_ =	swait.ge [sflag:s18], $0x80  }
0x255: {  	[sflag:s18] =	ssyncset.done $0x0  }
0x256: {  	[sflag:s18] =	ssyncadd.s32 $0xFFFFFF80  }
0x257: {  	_ =	swait.ge [sflag:s18], $0x80  }
0x258: {  	[sflag:s18] =	ssyncset.done $0x0  }
0x259: {  	[sflag:s18] =	ssyncadd.s32 $0xFFFFFF80  }
0x25a: {  	_ =	swait.ge [sflag:s18], $0x80  }
0x25b: {  	[sflag:s18] =	ssyncset.done $0x0  }
0x25c: {  	[sflag:s18] =	ssyncadd.s32 $0xFFFFFF80  }
0x25d: {  	_ =	swait.ge [sflag:s18], $0x80  }
0x25e: {  	[sflag:s18] =	ssyncset.done $0x0  }
0x25f: {  	[sflag:s18] =	ssyncadd.s32 $0xFFFFFF80  }
0x260: {  	_ =	swait.ge [sflag:s18], $0x80  }
0x261: {  	[sflag:s18] =	ssyncset.done $0x0  }
0x262: {  	[sflag:s18] =	ssyncadd.s32 $0xFFFFFF80  }
0x263: {  	_ =	swait.ge [sflag:s18], $0x80  }
0x264: {  	[sflag:s18] =	ssyncset.done $0x0  }
0x265: {  	[sflag:s18] =	ssyncadd.s32 $0xFFFFFF80  }
0x266: {  	_ =	swait.ge [sflag:s18], $0x80  }
0x267: {  	[sflag:s18] =	ssyncset.done $0x0  }
0x268: {  	[sflag:s18] =	ssyncadd.s32 $0xFFFFFF80  }
0x269: {  	_ =	swait.ge [sflag:s18], $0x80  }
0x26a: {  	[sflag:s18] =	ssyncset.done $0x0  }
0x26b: {  	[sflag:s18] =	ssyncadd.s32 $0xFFFFFF80  }
0x26c: {  	_ =	swait.ge [sflag:s18], $0x80  }
0x26d: {  	[sflag:s18] =	ssyncset.done $0x0  }
0x26e: {  	[sflag:s18] =	ssyncadd.s32 $0xFFFFFF80  }
0x26f: {  	_ =	swait.ge [sflag:s18], $0x80  }
0x270: {  	[sflag:s18] =	ssyncset.done $0x0  }
0x271: {  	[sflag:s18] =	ssyncadd.s32 $0xFFFFFF80  }
0x272: {  	_ =	swait.ge [sflag:s18], $0x80  }
0x273: {  	[sflag:s18] =	ssyncset.done $0x0  }
0x274: {  	[sflag:s18] =	ssyncadd.s32 $0xFFFFFF80  }
0x275: {  	_ =	swait.ge [sflag:s18], $0x80  }
0x276: {  	[sflag:s18] =	ssyncset.done $0x0  }
0x277: {  	[sflag:s18] =	ssyncadd.s32 $0xFFFFFF80  }
0x278: {  	_ =	swait.ge [sflag:s18], $0x80  }
0x279: {  	[sflag:s18] =	ssyncset.done $0x0  }
0x27a: {  	[sflag:s18] =	ssyncadd.s32 $0xFFFFFF80  }
0x27b: {  	_ =	swait.ge [sflag:s18], $0x80  }
0x27c: {  	[sflag:s18] =	ssyncset.done $0x0  }
0x27d: {  	[sflag:s18] =	ssyncadd.s32 $0xFFFFFF80  }
0x27e: {  	_ =	swait.ge [sflag:s18], $0x80  }
0x27f: {  	[sflag:s18] =	ssyncset.done $0x0  }
0x280: {  	[sflag:s18] =	ssyncadd.s32 $0xFFFFFF80  }
0x281: {  	_ =	swait.ge [sflag:s18], $0x80  }
0x282: {  	[sflag:s18] =	ssyncset.done $0x0  }
0x283: {  	[sflag:s18] =	ssyncadd.s32 $0xFFFFFF80  }
0x284: {  	_ =	swait.ge [sflag:s18], $0x80  }
0x285: {  	[sflag:s18] =	ssyncset.done $0x0  }
0x286: {  	[sflag:s18] =	ssyncadd.s32 $0xFFFFFF80  }
0x287: {  	_ =	swait.ge [sflag:s18], $0x80  }
0x288: {  	[sflag:s18] =	ssyncset.done $0x0  }
0x289: {  	[sflag:s18] =	ssyncadd.s32 $0xFFFFFF80  }
0x28a: {  	_ =	swait.ge [sflag:s18], $0x80  }
0x28b: {  	[sflag:s18] =	ssyncset.done $0x0  }
0x28c: {  	[sflag:s18] =	ssyncadd.s32 $0xFFFFFF80  }
0x28d: {  	_ =	swait.ge [sflag:s18], $0x80  }
0x28e: {  	[sflag:s18] =	ssyncset.done $0x0  }
0x28f: {  	[sflag:s18] =	ssyncadd.s32 $0xFFFFFF80  }
0x290: {  	_ =	swait.ge [sflag:s18], $0x80  }
0x291: {  	[sflag:s18] =	ssyncset.done $0x0  }
0x292: {  	[sflag:s18] =	ssyncadd.s32 $0xFFFFFF80  }
0x293: {  	_ =	swait.ge [sflag:s18], $0x80  }
0x294: {  	[sflag:s18] =	ssyncset.done $0x0  }
0x295: {  	[sflag:s18] =	ssyncadd.s32 $0xFFFFFF80  }
0x296: {  	_ =	swait.ge [sflag:s18], $0x80  }
0x297: {  	[sflag:s18] =	ssyncset.done $0x0  }
0x298: {  	[sflag:s18] =	ssyncadd.s32 $0xFFFFFF80  }
0x299: {  	_ =	swait.ge [sflag:s18], $0x80  }
0x29a: {  	[sflag:s18] =	ssyncset.done $0x0  }
0x29b: {  	[sflag:s18] =	ssyncadd.s32 $0xFFFFFF80  }
0x29c: {  	_ =	swait.ge [sflag:s18], $0x80  }
0x29d: {  	[sflag:s18] =	ssyncset.done $0x0  }
0x29e: {  	[sflag:s18] =	ssyncadd.s32 $0xFFFFFF80  }
0x29f: {  	_ =	swait.ge [sflag:s18], $0x80  }
0x2a0: {  	[sflag:s18] =	ssyncset.done $0x0  }
0x2a1: {  	[sflag:s18] =	ssyncadd.s32 $0xFFFFFF80  }
0x2a2: {  	_ =	swait.ge [sflag:s18], $0x80  }
0x2a3: {  	[sflag:s18] =	ssyncset.done $0x0  }
0x2a4: {  	[sflag:s18] =	ssyncadd.s32 $0xFFFFFF80  }
0x2a5: {  	_ =	swait.ge [sflag:s18], $0x80  }
0x2a6: {  	[sflag:s18] =	ssyncset.done $0x0  }
0x2a7: {  	[sflag:s18] =	ssyncadd.s32 $0xFFFFFF80  }
0x2a8: {  	_ =	swait.ge [sflag:s18], $0x80  }
0x2a9: {  	[sflag:s18] =	ssyncset.done $0x0  }
0x2aa: {  	[sflag:s18] =	ssyncadd.s32 $0xFFFFFF80  }
0x2ab: {  	_ =	swait.ge [sflag:s18], $0x80  }
0x2ac: {  	[sflag:s18] =	ssyncset.done $0x0  }
0x2ad: {  	[sflag:s18] =	ssyncadd.s32 $0xFFFFFF80  }
0x2ae: {  	_ =	swait.ge [sflag:s18], $0x80  }
.Ltmp4:
0x2af: {  	[sflag:s18] =	ssyncset.done $0x0;
	(pc) =	sbr.rel @p1 .LBB2_10-.Ltmp4, $4  }
0x2b0: {  	[sflag:s18] =	ssyncadd.s32 $0xFFFFFF80  }
0x2b1: {  	_ =	swait.ge [sflag:s18], $0x80  }
0x2b2: {  	[sflag:s18] =	ssyncset.done $0x0  }
0x2b3: {  	[sflag:s18] =	ssyncadd.s32 $0xFFFFFF80  }
.Ltmp5:
0x2b4: {  	(pc) =	sbr.rel .LBB2_9-.Ltmp5, $2  }
0x2b5: {  	_ =	sdelay $0x1  }
0x2b6: {  	s19 =	sld [smem:$0x7C9];
	_ =	sdelay $0x1  }
.LBB2_2:
0x2b7: {  	s20 =	rddreg [dreg:$0x7]  }
0x2b8: {  	[tilespmem:s21], [sflag:$0x3] =	stream.strided.gather [hbm4b:s20+s14], $0x800, s15, s14, $0x38;
	[tilespmem:$0x13040] =	vst v63  }
0x2b9: {  	_ =	swait.ge [sflag:s13], $0x800  }
0x2ba: {  	s24 =	sld [smem:$0x7CC]  }
0x2bb: {  	[sflag:s13] =	ssyncset.done $0x0  }
0x2bc: {  	s22 =	simm.s32 $0x800;
	[sflag:s13] =	ssyncadd.s32 $0xFFFFF800  }
0x2bd: {  	[tilespmem:s22], [sflag:$0x3] =	stream.strided.gather [hbm4b:s24+s14], $0x800, s15, s14, $0x38;
	[tilespmem:$0x13040] =	vst v63  }
0x2be: {  	_ =	swait.ge [sflag:s13], $0x800  }
0x2bf: {  	[sflag:s13] =	ssyncset.done $0x0  }
0x2c0: {  	[sflag:s13] =	ssyncadd.s32 $0xFFFFF800  }
0x2c1: {  	v0 =	vld [tilespmem:s22+$0x0]  }
0x2c2: {  	v1 =	vld [tilespmem:s21+$0x0];
	_ =	sdelay $0x3  }
0x2c3: {  	v0 =	vshll.u32 v0, $0xA  }
0x2c4: {  	s23 =	simm.s32 $0x1000;
	v0 =	vadd.s32 v1, v0  }
0x2c5: {  	[tilespmem:s23+$0x0] =	vst v0  }
0x2c6: {  	v0 =	vld [tilespmem:s22+$0x0];
	_ =	sdelay $0x4  }
0x2c7: {  	s20 =	simm.s32 $0x10;
	s24 =	sand.u32 $0x7F0, s21;
	v0 =	vadd.s32 $0x100000, v0  }
.LBB2_3:
0x2c8: {  	[tilespmem:s24+$0x1800] =	vst v0;
	s22 =	sadd.s32 $0x10, s22;
	s21 =	sadd.s32 $0x10, s21;
	s23 =	sadd.s32 $0x10, s23  }
0x2c9: {  	p3 =	sne.s32 s20, $0x7F0;
	s24 =	smov.u32 s20;
	s20 =	sadd.s32 $0x10, s20;
	v0 =	vld [tilespmem:s22+$0x0]  }
0x2ca: {  	v1 =	vld [tilespmem:s21+$0x0];
	_ =	sdelay $0x3  }
0x2cb: {  	v0 =	vshll.u32 v0, $0xA  }
0x2cc: {  	v0 =	vadd.s32 v1, v0  }
0x2cd: {  	[tilespmem:s23+$0x0] =	vst v0  }
0x2ce: {  	v0 =	vld [tilespmem:s22+$0x0]  }
.Ltmp6:
0x2cf: {  	(pc) =	sbr.rel @p3 .LBB2_3-.Ltmp6, $2  }
0x2d0: {  	_ =	sdelay $0x2  }
0x2d1: {  	s24 =	sand.u32 $0x7F0, s24;
	v0 =	vadd.s32 $0x100000, v0  }
0x2d2: {  	[tilespmem:s24+$0x1800] =	vst v0  }
0x2d3: {  	_ =	swait.ge [sflag:s16], $0x2000  }
0x2d4: {  	[sflag:s16] =	ssyncset.done $0x0  }
0x2d5: {  	[sflag:s16] =	ssyncadd.s32 $0xFFFFE000  }
0x2d6: {  	[bflag:$0x0] =	sbarrier.arrive $0xFFFF  }
0x2d7: {  	s21 =	simm.s32 $0x1000;
	s20 =	rddreg [dreg:$0x4]  }
0x2d8: {  	[spmem:s20] =	stream.indirect.scatter.add.f32 [tilespmem:s12], [sflag:$0x3], $0x1, s21, s21, $0xb8;
	[tilespmem:$0x13040] =	vst v63  }
0x2d9: {  	_ =	swait.ge [sflag:s13], $0x1000  }
0x2da: {  	[sflag:s13] =	ssyncset.done $0x0  }
0x2db: {  	[sflag:s13] =	ssyncadd.s32 $0xFFFFF000  }
0x2dc: {  	[bflag:$0x0] =	sbarrier.arrive $0xFFFF  }
0x2dd: {  	s23 =	rddreg [dreg:$0x6]  }
0x2de: {  	s24 =	rddreg [dreg:$0x8];
	s21 =	sor.u32 $0x1C02, s23  }
0x2df: {  	[hbm:s24@s14], [sflag:s21] =	dma.strided [spmem:s19@s17], $0x80, s16, $0x10   }
0x2e0: {  	s19 =	sld [smem:$0x7CD];
	_ =	sdelay $0x2  }
0x2e1: {  	s20 =	rddreg [dreg:$0x9];
	s19 =	sshrl.u32 s19, $0x3  }
0x2e2: {  	[hbm:s20@s14], [sflag:s21] =	dma.strided [spmem:s19@s17], $0x80, s16, $0x10   }
0x2e3: {  	s19 =	sld [smem:$0x7CE];
	_ =	sdelay $0x2  }
0x2e4: {  	s20 =	rddreg [dreg:$0xa];
	s19 =	sshrl.u32 s19, $0x3  }
0x2e5: {  	[hbm:s20@s14], [sflag:s21] =	dma.strided [spmem:s19@s17], $0x80, s16, $0x10   }
0x2e6: {  	s19 =	sld [smem:$0x7CF];
	_ =	sdelay $0x2  }
0x2e7: {  	s20 =	rddreg [dreg:$0xb];
	s19 =	sshrl.u32 s19, $0x3  }
0x2e8: {  	[hbm:s20@s14], [sflag:s21] =	dma.strided [spmem:s19@s17], $0x80, s16, $0x10   }
0x2e9: {  	s19 =	sld [smem:$0x7D0];
	_ =	sdelay $0x2  }
0x2ea: {  	s20 =	rddreg [dreg:$0xc];
	s19 =	sshrl.u32 s19, $0x3  }
0x2eb: {  	[hbm:s20@s14], [sflag:s21] =	dma.strided [spmem:s19@s17], $0x80, s16, $0x10   }
0x2ec: {  	s19 =	sld [smem:$0x7D1];
	_ =	sdelay $0x2  }
0x2ed: {  	s20 =	rddreg [dreg:$0xd];
	s19 =	sshrl.u32 s19, $0x3  }
0x2ee: {  	[hbm:s20@s14], [sflag:s21] =	dma.strided [spmem:s19@s17], $0x80, s16, $0x10   }
0x2ef: {  	s19 =	sld [smem:$0x7D2];
	_ =	sdelay $0x2  }
0x2f0: {  	s20 =	rddreg [dreg:$0xe];
	s19 =	sshrl.u32 s19, $0x3  }
0x2f1: {  	[hbm:s20@s14], [sflag:s21] =	dma.strided [spmem:s19@s17], $0x80, s16, $0x10   }
0x2f2: {  	s19 =	sld [smem:$0x7D3];
	_ =	sdelay $0x2  }
0x2f3: {  	s20 =	rddreg [dreg:$0xf];
	s19 =	sshrl.u32 s19, $0x3  }
0x2f4: {  	[hbm:s20@s14], [sflag:s21] =	dma.strided [spmem:s19@s17], $0x80, s16, $0x10   }
0x2f5: {  	s19 =	sld [smem:$0x7D4];
	_ =	sdelay $0x2  }
0x2f6: {  	s20 =	rddreg [dreg:$0x10];
	s19 =	sshrl.u32 s19, $0x3  }
0x2f7: {  	[hbm:s20@s14], [sflag:s21] =	dma.strided [spmem:s19@s17], $0x80, s16, $0x10   }
0x2f8: {  	s19 =	sld [smem:$0x7D5];
	_ =	sdelay $0x2  }
0x2f9: {  	s20 =	rddreg [dreg:$0x11];
	s19 =	sshrl.u32 s19, $0x3  }
0x2fa: {  	[hbm:s20@s14], [sflag:s21] =	dma.strided [spmem:s19@s17], $0x80, s16, $0x10   }
0x2fb: {  	s19 =	sld [smem:$0x7D6];
	_ =	sdelay $0x2  }
0x2fc: {  	s20 =	rddreg [dreg:$0x12];
	s19 =	sshrl.u32 s19, $0x3  }
0x2fd: {  	[hbm:s20@s14], [sflag:s21] =	dma.strided [spmem:s19@s17], $0x80, s16, $0x10   }
0x2fe: {  	s19 =	sld [smem:$0x7D7];
	_ =	sdelay $0x2  }
0x2ff: {  	s20 =	rddreg [dreg:$0x13];
	s19 =	sshrl.u32 s19, $0x3  }
0x300: {  	[hbm:s20@s14], [sflag:s21] =	dma.strided [spmem:s19@s17], $0x80, s16, $0x10   }
0x301: {  	s19 =	sld [smem:$0x7D8];
	_ =	sdelay $0x2  }
0x302: {  	s20 =	rddreg [dreg:$0x14];
	s19 =	sshrl.u32 s19, $0x3  }
0x303: {  	[hbm:s20@s14], [sflag:s21] =	dma.strided [spmem:s19@s17], $0x80, s16, $0x10   }
0x304: {  	s19 =	sld [smem:$0x7D9];
	_ =	sdelay $0x2  }
0x305: {  	s20 =	rddreg [dreg:$0x16];
	s19 =	sshrl.u32 s19, $0x3  }
0x306: {  	[hbm:s20@s14], [sflag:s21] =	dma.strided [spmem:s19@s17], $0x80, s16, $0x10   }
0x307: {  	s19 =	sld [smem:$0x7DA];
	_ =	sdelay $0x2  }
0x308: {  	s20 =	rddreg [dreg:$0x17];
	s19 =	sshrl.u32 s19, $0x3  }
0x309: {  	[hbm:s20@s14], [sflag:s21] =	dma.strided [spmem:s19@s17], $0x80, s16, $0x10   }
0x30a: {  	s19 =	sld [smem:$0x7DB];
	_ =	sdelay $0x2  }
0x30b: {  	s20 =	rddreg [dreg:$0x18];
	s19 =	sshrl.u32 s19, $0x3  }
0x30c: {  	[hbm:s20@s14], [sflag:s21] =	dma.strided [spmem:s19@s17], $0x80, s16, $0x10   }
0x30d: {  	s19 =	sld [smem:$0x7DC];
	_ =	sdelay $0x2  }
0x30e: {  	s20 =	rddreg [dreg:$0x19];
	s19 =	sshrl.u32 s19, $0x3  }
0x30f: {  	[hbm:s20@s14], [sflag:s21] =	dma.strided [spmem:s19@s17], $0x80, s16, $0x10   }
0x310: {  	s19 =	sld [smem:$0x7DD];
	_ =	sdelay $0x2  }
0x311: {  	s20 =	rddreg [dreg:$0x1a];
	s19 =	sshrl.u32 s19, $0x3  }
0x312: {  	[hbm:s20@s14], [sflag:s21] =	dma.strided [spmem:s19@s17], $0x80, s16, $0x10   }
0x313: {  	s19 =	sld [smem:$0x7DE];
	_ =	sdelay $0x2  }
0x314: {  	s20 =	rddreg [dreg:$0x1b];
	s19 =	sshrl.u32 s19, $0x3  }
0x315: {  	[hbm:s20@s14], [sflag:s21] =	dma.strided [spmem:s19@s17], $0x80, s16, $0x10   }
0x316: {  	s19 =	sld [smem:$0x7DF];
	_ =	sdelay $0x2  }
0x317: {  	s20 =	rddreg [dreg:$0x1c];
	s19 =	sshrl.u32 s19, $0x3  }
0x318: {  	[hbm:s20@s14], [sflag:s21] =	dma.strided [spmem:s19@s17], $0x80, s16, $0x10   }
0x319: {  	s19 =	sld [smem:$0x7E0];
	_ =	sdelay $0x2  }
0x31a: {  	s20 =	rddreg [dreg:$0x1d];
	s19 =	sshrl.u32 s19, $0x3  }
0x31b: {  	[hbm:s20@s14], [sflag:s21] =	dma.strided [spmem:s19@s17], $0x80, s16, $0x10   }
0x31c: {  	s19 =	sld [smem:$0x7E1];
	_ =	sdelay $0x2  }
0x31d: {  	s20 =	rddreg [dreg:$0x1e];
	s19 =	sshrl.u32 s19, $0x3  }
0x31e: {  	[hbm:s20@s14], [sflag:s21] =	dma.strided [spmem:s19@s17], $0x80, s16, $0x10   }
0x31f: {  	s19 =	sld [smem:$0x7E2];
	_ =	sdelay $0x2  }
0x320: {  	s20 =	rddreg [dreg:$0x1f];
	s19 =	sshrl.u32 s19, $0x3  }
0x321: {  	[hbm:s20@s14], [sflag:s21] =	dma.strided [spmem:s19@s17], $0x80, s16, $0x10   }
0x322: {  	s19 =	sld [smem:$0x7E3]  }
0x323: {  	s20 =	sld [smem:$0x75E];
	_ =	sdelay $0x1  }
0x324: {  	s19 =	sshrl.u32 s19, $0x3  }
0x325: {  	[hbm:s20@s14], [sflag:s21] =	dma.strided [spmem:s19@s17], $0x80, s16, $0x10   }
0x326: {  	s19 =	sld [smem:$0x7E4]  }
0x327: {  	s20 =	sld [smem:$0x75F];
	_ =	sdelay $0x1  }
0x328: {  	s19 =	sshrl.u32 s19, $0x3  }
0x329: {  	[hbm:s20@s14], [sflag:s21] =	dma.strided [spmem:s19@s17], $0x80, s16, $0x10   }
0x32a: {  	s19 =	sld [smem:$0x7E5]  }
0x32b: {  	s20 =	sld [smem:$0x760];
	_ =	sdelay $0x1  }
0x32c: {  	s19 =	sshrl.u32 s19, $0x3  }
0x32d: {  	[hbm:s20@s14], [sflag:s21] =	dma.strided [spmem:s19@s17], $0x80, s16, $0x10   }
0x32e: {  	s19 =	sld [smem:$0x7E6]  }
0x32f: {  	s20 =	sld [smem:$0x761];
	_ =	sdelay $0x1  }
0x330: {  	s19 =	sshrl.u32 s19, $0x3  }
0x331: {  	[hbm:s20@s14], [sflag:s21] =	dma.strided [spmem:s19@s17], $0x80, s16, $0x10   }
0x332: {  	s19 =	sld [smem:$0x7E7]  }
0x333: {  	s20 =	sld [smem:$0x762];
	_ =	sdelay $0x1  }
0x334: {  	s19 =	sshrl.u32 s19, $0x3  }
0x335: {  	[hbm:s20@s14], [sflag:s21] =	dma.strided [spmem:s19@s17], $0x80, s16, $0x10   }
0x336: {  	s19 =	sld [smem:$0x7E8]  }
0x337: {  	s20 =	sld [smem:$0x763];
	_ =	sdelay $0x1  }
0x338: {  	s19 =	sshrl.u32 s19, $0x3  }
0x339: {  	[hbm:s20@s14], [sflag:s21] =	dma.strided [spmem:s19@s17], $0x80, s16, $0x10   }
0x33a: {  	s19 =	sld [smem:$0x7E9]  }
0x33b: {  	s20 =	sld [smem:$0x764];
	_ =	sdelay $0x1  }
0x33c: {  	s19 =	sshrl.u32 s19, $0x3  }
0x33d: {  	[hbm:s20@s14], [sflag:s21] =	dma.strided [spmem:s19@s17], $0x80, s16, $0x10   }
0x33e: {  	s19 =	sld [smem:$0x7EA]  }
0x33f: {  	s20 =	sld [smem:$0x765];
	_ =	sdelay $0x1  }
0x340: {  	s19 =	sshrl.u32 s19, $0x3  }
0x341: {  	[hbm:s20@s14], [sflag:s21] =	dma.strided [spmem:s19@s17], $0x80, s16, $0x10   }
0x342: {  	s19 =	sld [smem:$0x7EB]  }
0x343: {  	s20 =	sld [smem:$0x766];
	_ =	sdelay $0x1  }
0x344: {  	s19 =	sshrl.u32 s19, $0x3  }
0x345: {  	[hbm:s20@s14], [sflag:s21] =	dma.strided [spmem:s19@s17], $0x80, s16, $0x10   }
0x346: {  	s19 =	sld [smem:$0x7EC]  }
0x347: {  	s20 =	sld [smem:$0x767];
	_ =	sdelay $0x1  }
0x348: {  	s19 =	sshrl.u32 s19, $0x3  }
0x349: {  	[hbm:s20@s14], [sflag:s21] =	dma.strided [spmem:s19@s17], $0x80, s16, $0x10   }
0x34a: {  	s19 =	sld [smem:$0x7ED]  }
0x34b: {  	s20 =	sld [smem:$0x768];
	_ =	sdelay $0x1  }
0x34c: {  	s19 =	sshrl.u32 s19, $0x3  }
0x34d: {  	[hbm:s20@s14], [sflag:s21] =	dma.strided [spmem:s19@s17], $0x80, s16, $0x10   }
0x34e: {  	s19 =	sld [smem:$0x7EE]  }
0x34f: {  	s20 =	sld [smem:$0x769];
	_ =	sdelay $0x1  }
0x350: {  	s19 =	sshrl.u32 s19, $0x3  }
0x351: {  	[hbm:s20@s14], [sflag:s21] =	dma.strided [spmem:s19@s17], $0x80, s16, $0x10   }
0x352: {  	s19 =	sld [smem:$0x7EF]  }
0x353: {  	s20 =	sld [smem:$0x76A];
	_ =	sdelay $0x1  }
0x354: {  	s19 =	sshrl.u32 s19, $0x3  }
0x355: {  	[hbm:s20@s14], [sflag:s21] =	dma.strided [spmem:s19@s17], $0x80, s16, $0x10   }
0x356: {  	s19 =	sld [smem:$0x7F0]  }
0x357: {  	s20 =	sld [smem:$0x76B];
	_ =	sdelay $0x1  }
0x358: {  	s19 =	sshrl.u32 s19, $0x3  }
0x359: {  	[hbm:s20@s14], [sflag:s21] =	dma.strided [spmem:s19@s17], $0x80, s16, $0x10   }
0x35a: {  	s19 =	sld [smem:$0x7F1]  }
0x35b: {  	s20 =	sld [smem:$0x76C];
	_ =	sdelay $0x1  }
0x35c: {  	s19 =	sshrl.u32 s19, $0x3  }
0x35d: {  	[hbm:s20@s14], [sflag:s21] =	dma.strided [spmem:s19@s17], $0x80, s16, $0x10   }
0x35e: {  	s19 =	sld [smem:$0x7F2]  }
0x35f: {  	s20 =	sld [smem:$0x76D];
	_ =	sdelay $0x1  }
0x360: {  	s19 =	sshrl.u32 s19, $0x3  }
0x361: {  	[hbm:s20@s14], [sflag:s21] =	dma.strided [spmem:s19@s17], $0x80, s16, $0x10   }
0x362: {  	s19 =	sld [smem:$0x7F3]  }
0x363: {  	s20 =	sld [smem:$0x76E];
	_ =	sdelay $0x1  }
0x364: {  	s19 =	sshrl.u32 s19, $0x3  }
0x365: {  	[hbm:s20@s14], [sflag:s21] =	dma.strided [spmem:s19@s17], $0x80, s16, $0x10   }
0x366: {  	s19 =	sld [smem:$0x7F4]  }
0x367: {  	s20 =	sld [smem:$0x76F];
	_ =	sdelay $0x1  }
0x368: {  	s19 =	sshrl.u32 s19, $0x3  }
0x369: {  	[hbm:s20@s14], [sflag:s21] =	dma.strided [spmem:s19@s17], $0x80, s16, $0x10   }
0x36a: {  	s19 =	sld [smem:$0x7F5]  }
0x36b: {  	s20 =	sld [smem:$0x770];
	_ =	sdelay $0x1  }
0x36c: {  	s19 =	sshrl.u32 s19, $0x3  }
0x36d: {  	[hbm:s20@s14], [sflag:s21] =	dma.strided [spmem:s19@s17], $0x80, s16, $0x10   }
0x36e: {  	s19 =	sld [smem:$0x7F6]  }
0x36f: {  	s20 =	sld [smem:$0x771];
	_ =	sdelay $0x1  }
0x370: {  	s19 =	sshrl.u32 s19, $0x3  }
0x371: {  	[hbm:s20@s14], [sflag:s21] =	dma.strided [spmem:s19@s17], $0x80, s16, $0x10   }
0x372: {  	s19 =	sld [smem:$0x7F7]  }
0x373: {  	s20 =	sld [smem:$0x772];
	_ =	sdelay $0x1  }
0x374: {  	s19 =	sshrl.u32 s19, $0x3  }
0x375: {  	[hbm:s20@s14], [sflag:s21] =	dma.strided [spmem:s19@s17], $0x80, s16, $0x10   }
0x376: {  	s19 =	sld [smem:$0x7F8]  }
0x377: {  	s20 =	sld [smem:$0x773];
	_ =	sdelay $0x1  }
0x378: {  	s19 =	sshrl.u32 s19, $0x3  }
0x379: {  	[hbm:s20@s14], [sflag:s21] =	dma.strided [spmem:s19@s17], $0x80, s16, $0x10   }
0x37a: {  	s19 =	sld [smem:$0x7F9]  }
0x37b: {  	s20 =	sld [smem:$0x774];
	_ =	sdelay $0x1  }
0x37c: {  	s19 =	sshrl.u32 s19, $0x3  }
0x37d: {  	[hbm:s20@s14], [sflag:s21] =	dma.strided [spmem:s19@s17], $0x80, s16, $0x10   }
0x37e: {  	s19 =	sld [smem:$0x7FA]  }
0x37f: {  	s20 =	sld [smem:$0x775];
	_ =	sdelay $0x1  }
0x380: {  	s19 =	sshrl.u32 s19, $0x3  }
0x381: {  	[hbm:s20@s14], [sflag:s21] =	dma.strided [spmem:s19@s17], $0x80, s16, $0x10   }
0x382: {  	s19 =	sld [smem:$0x7FB]  }
0x383: {  	s20 =	sld [smem:$0x776];
	_ =	sdelay $0x1  }
0x384: {  	s19 =	sshrl.u32 s19, $0x3  }
0x385: {  	[hbm:s20@s14], [sflag:s21] =	dma.strided [spmem:s19@s17], $0x80, s16, $0x10   }
0x386: {  	s19 =	sld [smem:$0x7FC]  }
0x387: {  	s20 =	sld [smem:$0x777];
	_ =	sdelay $0x1  }
0x388: {  	s19 =	sshrl.u32 s19, $0x3  }
0x389: {  	[hbm:s20@s14], [sflag:s21] =	dma.strided [spmem:s19@s17], $0x80, s16, $0x10   }
0x38a: {  	s20 =	sld [smem:$0x778];
	_ =	sdelay $0x1  }
0x38b: {  	s22 =	sshrl.u32 s25, $0x3  }
0x38c: {  	[hbm:s20@s14], [sflag:s21] =	dma.strided [spmem:s22@s17], $0x80, s16, $0x10   }
0x38d: {  	s20 =	sld [smem:$0x779];
	_ =	sdelay $0x1  }
0x38e: {  	s23 =	sshrl.u32 s26, $0x3  }
0x38f: {  	[hbm:s20@s14], [sflag:s21] =	dma.strided [spmem:s23@s17], $0x80, s16, $0x10   }
0x390: {  	s20 =	sld [smem:$0x77A];
	_ =	sdelay $0x1  }
0x391: {  	s24 =	sshrl.u32 s28, $0x3  }
0x392: {  	[hbm:s20@s14], [sflag:s21] =	dma.strided [spmem:s24@s17], $0x80, s16, $0x10   }
0x393: {  	s20 =	sld [smem:$0x77B];
	_ =	sdelay $0x1  }
0x394: {  	s22 =	sshrl.u32 s7, $0x3  }
0x395: {  	[hbm:s20@s14], [sflag:s21] =	dma.strided [spmem:s22@s17], $0x80, s16, $0x10   }
0x396: {  	s20 =	sld [smem:$0x77C];
	_ =	sdelay $0x1  }
0x397: {  	s23 =	sshrl.u32 s30, $0x3  }
0x398: {  	[hbm:s20@s14], [sflag:s21] =	dma.strided [spmem:s23@s17], $0x80, s16, $0x10   }
0x399: {  	s20 =	sld [smem:$0x77D];
	_ =	sdelay $0x1  }
0x39a: {  	s24 =	sshrl.u32 s1, $0x3  }
0x39b: {  	[hbm:s20@s14], [sflag:s21] =	dma.strided [spmem:s24@s17], $0x80, s16, $0x10   }
0x39c: {  	s20 =	sld [smem:$0x77E];
	_ =	sdelay $0x1  }
0x39d: {  	s22 =	sshrl.u32 s5, $0x3  }
0x39e: {  	[hbm:s20@s14], [sflag:s21] =	dma.strided [spmem:s22@s17], $0x80, s16, $0x10   }
0x39f: {  	s20 =	sld [smem:$0x77F];
	_ =	sdelay $0x1  }
0x3a0: {  	s23 =	sshrl.u32 s29, $0x3  }
0x3a1: {  	[hbm:s20@s14], [sflag:s21] =	dma.strided [spmem:s23@s17], $0x80, s16, $0x10   }
0x3a2: {  	s20 =	sld [smem:$0x780];
	_ =	sdelay $0x1  }
0x3a3: {  	s24 =	sshrl.u32 s31, $0x3  }
0x3a4: {  	[hbm:s20@s14], [sflag:s21] =	dma.strided [spmem:s24@s17], $0x80, s16, $0x10   }
0x3a5: {  	s20 =	sld [smem:$0x781];
	_ =	sdelay $0x1  }
0x3a6: {  	s22 =	sshrl.u32 s0, $0x3  }
0x3a7: {  	[hbm:s20@s14], [sflag:s21] =	dma.strided [spmem:s22@s17], $0x80, s16, $0x10   }
0x3a8: {  	s20 =	sld [smem:$0x782];
	_ =	sdelay $0x1  }
0x3a9: {  	s23 =	sshrl.u32 s8, $0x3  }
0x3aa: {  	[hbm:s20@s14], [sflag:s21] =	dma.strided [spmem:s23@s17], $0x80, s16, $0x10   }
0x3ab: {  	s20 =	sld [smem:$0x783];
	_ =	sdelay $0x1  }
0x3ac: {  	s24 =	sshrl.u32 s9, $0x3  }
0x3ad: {  	[hbm:s20@s14], [sflag:s21] =	dma.strided [spmem:s24@s17], $0x80, s16, $0x10   }
0x3ae: {  	s20 =	sld [smem:$0x784];
	_ =	sdelay $0x1  }
0x3af: {  	s22 =	sshrl.u32 s6, $0x3  }
0x3b0: {  	[hbm:s20@s14], [sflag:s21] =	dma.strided [spmem:s22@s17], $0x80, s16, $0x10   }
0x3b1: {  	s20 =	sld [smem:$0x785];
	_ =	sdelay $0x1  }
0x3b2: {  	s23 =	sshrl.u32 s10, $0x3  }
0x3b3: {  	[hbm:s20@s14], [sflag:s21] =	dma.strided [spmem:s23@s17], $0x80, s16, $0x10   }
0x3b4: {  	s20 =	sld [smem:$0x786];
	_ =	sdelay $0x1  }
0x3b5: {  	s24 =	sshrl.u32 s11, $0x3  }
0x3b6: {  	[hbm:s20@s14], [sflag:s21] =	dma.strided [spmem:s24@s17], $0x80, s16, $0x10   }
0x3b7: {  	_ =	swait.ge [sflag:s18], $0x80  }
0x3b8: {  	[sflag:s18] =	ssyncset.done $0x0  }
0x3b9: {  	[sflag:s18] =	ssyncadd.s32 $0xFFFFFF80  }
0x3ba: {  	_ =	swait.ge [sflag:s18], $0x80  }
0x3bb: {  	[sflag:s18] =	ssyncset.done $0x0  }
0x3bc: {  	[sflag:s18] =	ssyncadd.s32 $0xFFFFFF80  }
0x3bd: {  	_ =	swait.ge [sflag:s18], $0x80  }
0x3be: {  	[sflag:s18] =	ssyncset.done $0x0  }
0x3bf: {  	[sflag:s18] =	ssyncadd.s32 $0xFFFFFF80  }
0x3c0: {  	_ =	swait.ge [sflag:s18], $0x80  }
0x3c1: {  	[sflag:s18] =	ssyncset.done $0x0  }
0x3c2: {  	[sflag:s18] =	ssyncadd.s32 $0xFFFFFF80  }
0x3c3: {  	_ =	swait.ge [sflag:s18], $0x80  }
0x3c4: {  	[sflag:s18] =	ssyncset.done $0x0  }
0x3c5: {  	[sflag:s18] =	ssyncadd.s32 $0xFFFFFF80  }
0x3c6: {  	_ =	swait.ge [sflag:s18], $0x80  }
0x3c7: {  	[sflag:s18] =	ssyncset.done $0x0  }
0x3c8: {  	[sflag:s18] =	ssyncadd.s32 $0xFFFFFF80  }
0x3c9: {  	_ =	swait.ge [sflag:s18], $0x80  }
0x3ca: {  	[sflag:s18] =	ssyncset.done $0x0  }
0x3cb: {  	[sflag:s18] =	ssyncadd.s32 $0xFFFFFF80  }
0x3cc: {  	_ =	swait.ge [sflag:s18], $0x80  }
0x3cd: {  	[sflag:s18] =	ssyncset.done $0x0  }
0x3ce: {  	[sflag:s18] =	ssyncadd.s32 $0xFFFFFF80  }
0x3cf: {  	_ =	swait.ge [sflag:s18], $0x80  }
0x3d0: {  	[sflag:s18] =	ssyncset.done $0x0  }
0x3d1: {  	[sflag:s18] =	ssyncadd.s32 $0xFFFFFF80  }
0x3d2: {  	_ =	swait.ge [sflag:s18], $0x80  }
0x3d3: {  	[sflag:s18] =	ssyncset.done $0x0  }
0x3d4: {  	[sflag:s18] =	ssyncadd.s32 $0xFFFFFF80  }
0x3d5: {  	_ =	swait.ge [sflag:s18], $0x80  }
0x3d6: {  	[sflag:s18] =	ssyncset.done $0x0  }
0x3d7: {  	[sflag:s18] =	ssyncadd.s32 $0xFFFFFF80  }
0x3d8: {  	_ =	swait.ge [sflag:s18], $0x80  }
0x3d9: {  	[sflag:s18] =	ssyncset.done $0x0  }
0x3da: {  	[sflag:s18] =	ssyncadd.s32 $0xFFFFFF80  }
0x3db: {  	_ =	swait.ge [sflag:s18], $0x80  }
0x3dc: {  	[sflag:s18] =	ssyncset.done $0x0  }
0x3dd: {  	[sflag:s18] =	ssyncadd.s32 $0xFFFFFF80  }
0x3de: {  	_ =	swait.ge [sflag:s18], $0x80  }
0x3df: {  	[sflag:s18] =	ssyncset.done $0x0  }
0x3e0: {  	[sflag:s18] =	ssyncadd.s32 $0xFFFFFF80  }
0x3e1: {  	_ =	swait.ge [sflag:s18], $0x80  }
0x3e2: {  	[sflag:s18] =	ssyncset.done $0x0  }
0x3e3: {  	[sflag:s18] =	ssyncadd.s32 $0xFFFFFF80  }
0x3e4: {  	_ =	swait.ge [sflag:s18], $0x80  }
0x3e5: {  	[sflag:s18] =	ssyncset.done $0x0  }
0x3e6: {  	[sflag:s18] =	ssyncadd.s32 $0xFFFFFF80  }
0x3e7: {  	_ =	swait.ge [sflag:s18], $0x80  }
0x3e8: {  	[sflag:s18] =	ssyncset.done $0x0  }
0x3e9: {  	[sflag:s18] =	ssyncadd.s32 $0xFFFFFF80  }
0x3ea: {  	_ =	swait.ge [sflag:s18], $0x80  }
0x3eb: {  	[sflag:s18] =	ssyncset.done $0x0  }
0x3ec: {  	[sflag:s18] =	ssyncadd.s32 $0xFFFFFF80  }
0x3ed: {  	_ =	swait.ge [sflag:s18], $0x80  }
0x3ee: {  	[sflag:s18] =	ssyncset.done $0x0  }
0x3ef: {  	[sflag:s18] =	ssyncadd.s32 $0xFFFFFF80  }
0x3f0: {  	_ =	swait.ge [sflag:s18], $0x80  }
0x3f1: {  	[sflag:s18] =	ssyncset.done $0x0  }
0x3f2: {  	[sflag:s18] =	ssyncadd.s32 $0xFFFFFF80  }
0x3f3: {  	_ =	swait.ge [sflag:s18], $0x80  }
0x3f4: {  	[sflag:s18] =	ssyncset.done $0x0  }
0x3f5: {  	[sflag:s18] =	ssyncadd.s32 $0xFFFFFF80  }
0x3f6: {  	_ =	swait.ge [sflag:s18], $0x80  }
0x3f7: {  	[sflag:s18] =	ssyncset.done $0x0  }
0x3f8: {  	[sflag:s18] =	ssyncadd.s32 $0xFFFFFF80  }
0x3f9: {  	_ =	swait.ge [sflag:s18], $0x80  }
0x3fa: {  	[sflag:s18] =	ssyncset.done $0x0  }
0x3fb: {  	[sflag:s18] =	ssyncadd.s32 $0xFFFFFF80  }
0x3fc: {  	_ =	swait.ge [sflag:s18], $0x80  }
0x3fd: {  	[sflag:s18] =	ssyncset.done $0x0  }
0x3fe: {  	[sflag:s18] =	ssyncadd.s32 $0xFFFFFF80  }
0x3ff: {  	_ =	swait.ge [sflag:s18], $0x80  }
0x400: {  	[sflag:s18] =	ssyncset.done $0x0  }
0x401: {  	[sflag:s18] =	ssyncadd.s32 $0xFFFFFF80  }
0x402: {  	_ =	swait.ge [sflag:s18], $0x80  }
0x403: {  	[sflag:s18] =	ssyncset.done $0x0  }
0x404: {  	[sflag:s18] =	ssyncadd.s32 $0xFFFFFF80  }
0x405: {  	_ =	swait.ge [sflag:s18], $0x80  }
0x406: {  	[sflag:s18] =	ssyncset.done $0x0  }
0x407: {  	[sflag:s18] =	ssyncadd.s32 $0xFFFFFF80  }
0x408: {  	_ =	swait.ge [sflag:s18], $0x80  }
0x409: {  	[sflag:s18] =	ssyncset.done $0x0  }
0x40a: {  	[sflag:s18] =	ssyncadd.s32 $0xFFFFFF80  }
0x40b: {  	_ =	swait.ge [sflag:s18], $0x80  }
0x40c: {  	[sflag:s18] =	ssyncset.done $0x0  }
0x40d: {  	[sflag:s18] =	ssyncadd.s32 $0xFFFFFF80  }
0x40e: {  	_ =	swait.ge [sflag:s18], $0x80  }
0x40f: {  	[sflag:s18] =	ssyncset.done $0x0  }
0x410: {  	[sflag:s18] =	ssyncadd.s32 $0xFFFFFF80  }
0x411: {  	_ =	swait.ge [sflag:s18], $0x80  }
0x412: {  	[sflag:s18] =	ssyncset.done $0x0  }
0x413: {  	[sflag:s18] =	ssyncadd.s32 $0xFFFFFF80  }
0x414: {  	_ =	swait.ge [sflag:s18], $0x80  }
0x415: {  	[sflag:s18] =	ssyncset.done $0x0  }
0x416: {  	[sflag:s18] =	ssyncadd.s32 $0xFFFFFF80  }
0x417: {  	_ =	swait.ge [sflag:s18], $0x80  }
0x418: {  	[sflag:s18] =	ssyncset.done $0x0  }
0x419: {  	[sflag:s18] =	ssyncadd.s32 $0xFFFFFF80  }
0x41a: {  	_ =	swait.ge [sflag:s18], $0x80  }
0x41b: {  	[sflag:s18] =	ssyncset.done $0x0  }
0x41c: {  	[sflag:s18] =	ssyncadd.s32 $0xFFFFFF80  }
0x41d: {  	_ =	swait.ge [sflag:s18], $0x80  }
0x41e: {  	[sflag:s18] =	ssyncset.done $0x0  }
0x41f: {  	[sflag:s18] =	ssyncadd.s32 $0xFFFFFF80  }
0x420: {  	_ =	swait.ge [sflag:s18], $0x80  }
0x421: {  	[sflag:s18] =	ssyncset.done $0x0  }
0x422: {  	[sflag:s18] =	ssyncadd.s32 $0xFFFFFF80  }
0x423: {  	_ =	swait.ge [sflag:s18], $0x80  }
0x424: {  	[sflag:s18] =	ssyncset.done $0x0  }
0x425: {  	[sflag:s18] =	ssyncadd.s32 $0xFFFFFF80  }
0x426: {  	_ =	swait.ge [sflag:s18], $0x80  }
0x427: {  	[sflag:s18] =	ssyncset.done $0x0  }
0x428: {  	[sflag:s18] =	ssyncadd.s32 $0xFFFFFF80  }
0x429: {  	_ =	swait.ge [sflag:s18], $0x80  }
0x42a: {  	[sflag:s18] =	ssyncset.done $0x0  }
0x42b: {  	[sflag:s18] =	ssyncadd.s32 $0xFFFFFF80  }
0x42c: {  	_ =	swait.ge [sflag:s18], $0x80  }
0x42d: {  	[sflag:s18] =	ssyncset.done $0x0  }
0x42e: {  	[sflag:s18] =	ssyncadd.s32 $0xFFFFFF80  }
0x42f: {  	_ =	swait.ge [sflag:s18], $0x80  }
0x430: {  	[sflag:s18] =	ssyncset.done $0x0  }
0x431: {  	[sflag:s18] =	ssyncadd.s32 $0xFFFFFF80  }
0x432: {  	_ =	swait.ge [sflag:s18], $0x80  }
0x433: {  	[sflag:s18] =	ssyncset.done $0x0  }
0x434: {  	[sflag:s18] =	ssyncadd.s32 $0xFFFFFF80  }
0x435: {  	_ =	swait.ge [sflag:s18], $0x80  }
0x436: {  	[sflag:s18] =	ssyncset.done $0x0  }
0x437: {  	[sflag:s18] =	ssyncadd.s32 $0xFFFFFF80  }
0x438: {  	_ =	swait.ge [sflag:s18], $0x80  }
0x439: {  	[sflag:s18] =	ssyncset.done $0x0  }
0x43a: {  	[sflag:s18] =	ssyncadd.s32 $0xFFFFFF80  }
0x43b: {  	_ =	swait.ge [sflag:s18], $0x80  }
0x43c: {  	[sflag:s18] =	ssyncset.done $0x0  }
0x43d: {  	[sflag:s18] =	ssyncadd.s32 $0xFFFFFF80  }
0x43e: {  	_ =	swait.ge [sflag:s18], $0x80  }
0x43f: {  	[sflag:s18] =	ssyncset.done $0x0  }
0x440: {  	[sflag:s18] =	ssyncadd.s32 $0xFFFFFF80  }
0x441: {  	_ =	swait.ge [sflag:s18], $0x80  }
0x442: {  	[sflag:s18] =	ssyncset.done $0x0  }
0x443: {  	[sflag:s18] =	ssyncadd.s32 $0xFFFFFF80  }
0x444: {  	_ =	swait.ge [sflag:s18], $0x80  }
0x445: {  	[sflag:s18] =	ssyncset.done $0x0  }
0x446: {  	[sflag:s18] =	ssyncadd.s32 $0xFFFFFF80  }
0x447: {  	_ =	swait.ge [sflag:s18], $0x80  }
0x448: {  	[sflag:s18] =	ssyncset.done $0x0  }
0x449: {  	[sflag:s18] =	ssyncadd.s32 $0xFFFFFF80  }
0x44a: {  	_ =	swait.ge [sflag:s18], $0x80  }
0x44b: {  	[sflag:s18] =	ssyncset.done $0x0  }
0x44c: {  	[sflag:s18] =	ssyncadd.s32 $0xFFFFFF80  }
0x44d: {  	_ =	swait.ge [sflag:s18], $0x80  }
0x44e: {  	[sflag:s18] =	ssyncset.done $0x0  }
0x44f: {  	[sflag:s18] =	ssyncadd.s32 $0xFFFFFF80  }
0x450: {  	_ =	swait.ge [sflag:s18], $0x80  }
0x451: {  	[sflag:s18] =	ssyncset.done $0x0  }
0x452: {  	[sflag:s18] =	ssyncadd.s32 $0xFFFFFF80  }
0x453: {  	_ =	swait.ge [sflag:s18], $0x80  }
0x454: {  	[sflag:s18] =	ssyncset.done $0x0  }
0x455: {  	[sflag:s18] =	ssyncadd.s32 $0xFFFFFF80  }
0x456: {  	_ =	swait.ge [sflag:s18], $0x80  }
0x457: {  	[sflag:s18] =	ssyncset.done $0x0  }
0x458: {  	[sflag:s18] =	ssyncadd.s32 $0xFFFFFF80  }
0x459: {  	_ =	swait.ge [sflag:s18], $0x80  }
0x45a: {  	[sflag:s18] =	ssyncset.done $0x0  }
0x45b: {  	[sflag:s18] =	ssyncadd.s32 $0xFFFFFF80  }
0x45c: {  	_ =	swait.ge [sflag:s18], $0x80  }
0x45d: {  	[sflag:s18] =	ssyncset.done $0x0  }
0x45e: {  	[sflag:s18] =	ssyncadd.s32 $0xFFFFFF80  }
0x45f: {  	_ =	swait.ge [sflag:s18], $0x80  }
0x460: {  	[sflag:s18] =	ssyncset.done $0x0  }
0x461: {  	[sflag:s18] =	ssyncadd.s32 $0xFFFFFF80  }
0x462: {  	_ =	swait.ge [sflag:s18], $0x80  }
0x463: {  	[sflag:s18] =	ssyncset.done $0x0  }
0x464: {  	[sflag:s18] =	ssyncadd.s32 $0xFFFFFF80  }
0x465: {  	_ =	swait.ge [sflag:s18], $0x80  }
0x466: {  	[sflag:s18] =	ssyncset.done $0x0  }
0x467: {  	[sflag:s18] =	ssyncadd.s32 $0xFFFFFF80  }
0x468: {  	_ =	swait.ge [sflag:s18], $0x80  }
0x469: {  	[sflag:s18] =	ssyncset.done $0x0  }
0x46a: {  	[sflag:s18] =	ssyncadd.s32 $0xFFFFFF80  }
0x46b: {  	_ =	swait.ge [sflag:s18], $0x80  }
0x46c: {  	[sflag:s18] =	ssyncset.done $0x0  }
0x46d: {  	[sflag:s18] =	ssyncadd.s32 $0xFFFFFF80  }
0x46e: {  	_ =	swait.ge [sflag:s18], $0x80  }
0x46f: {  	[sflag:s18] =	ssyncset.done $0x0  }
0x470: {  	[sflag:s18] =	ssyncadd.s32 $0xFFFFFF80  }
0x471: {  	_ =	swait.ge [sflag:s18], $0x80  }
.Ltmp7:
0x472: {  	[sflag:s18] =	ssyncset.done $0x0;
	(pc) =	sbr.rel @!p2 .LBB2_10-.Ltmp7, $4  }
.Ltmp8:
0x473: {  	[sflag:s18] =	ssyncadd.s32 $0xFFFFFF80;
	(pc) =	sbr.rel @p2 .LBB2_9-.Ltmp8, $4  }
0x474: {  	_ =	swait.ge [sflag:s18], $0x80  }
0x475: {  	[sflag:s18] =	ssyncset.done $0x0  }
0x476: {  	s19 =	sld [smem:$0x7C8];
	[sflag:s18] =	ssyncadd.s32 $0xFFFFFF80  }
0x477: {  	_ = 	snop  }
.LBB2_11:
0x478: {  	_ =	sfence.sel $0x180000  }
0x479: {  	[bflag:$0x0] =	sbarrier.arrive $0xFFFF  }
0x47a: {  	_ =	strace $0x90000047  }
0x47b: {  	[bflag:$0x2] =	sbarrier.arrive $0xFFFF  }
0x47c: {  	s0 =	rddreg [dreg:$0x5]  }
0x47d: {  	s0 =	sadd.s32 @!p1 $0x100000, s0  }
0x47e: {  	[sflag:s0] =	ssyncadd.tile.s32 @!p1 $0x1;
	_ =	shalt  }
.Lfunc_end2:
_tile_overlayer_lowered:
.L_overlay_start_2:
0x47f: {  	(tag) =	ssettag $0x2  }
0x480: {  	s0 =	rddreg [dreg:$0x0];
	s2 =	stileid.u32  }
0x481: {  	s1 =	rddreg [dreg:$0x1];
	p0 =	sne.s32 s2, $0x0  }
0x482: {  	s3 =	rddreg [dreg:$0x2];
	[bflag:$0x3] =	sbarrier.arrive $0xFFFF;
	s2 =	simm.s32 @!p0 $0x1C03  }
0x483: {  	[timem:s3], [sflag:s2] =	dma.local @!p0 [hbm:s0], s1  }
0x484: {  	s0 =	simm.s32 @!p0 $0x3  }
0x485: {  	_ =	swait.ge @!p0 [sflag:s0], s1  }
0x486: {  	s1 =	ssub.s32 @!p0 $0x0, s1;
	[sflag:s0] =	ssyncset.done @!p0 $0x0  }
0x487: {  	[sflag:s0] =	ssyncadd.s32 @!p0 s1  }
0x488: {  	[bflag:$0x3] =	sbarrier.arrive $0xFFFF  }
0x489: {  	_ =	shalt  }

</sc_bundles>
